<compile_context>
chip_gen: v7x
topology: tpu7x:2x2x1
jax: 0.10.2.dev20260603
libtpu: 0.0.44.dev20260713+nightly
codegen_flags: <defaults>
</compile_context>

<pallas_src>
import functools

import jax
import jax.numpy as jnp
from jax import lax
from jax.experimental import pallas as pl
from jax.experimental.pallas import tpu as pltpu
from jax.experimental.pallas import tpu_sc as plsc

N_NODES = 10000
N_PAD = 10240
D = 256
DH = 128
E_CHUNK = 128
E_PAD = 172032
N_TILES = 16
ROWS_PER_TILE = N_PAD // N_TILES
AGG_CHUNKS = E_PAD // (N_TILES * E_CHUNK)
DEG_CHUNKS = E_PAD // (2 * N_TILES * E_CHUNK)
DUMMY_ROW = N_NODES + 1
BM = 256
GRID = N_PAD // BM


@functools.cache
def _mesh():
    return plsc.VectorSubcoreMesh(
        core_axis_name="c", subcore_axis_name="s", num_cores=2, num_subcores=16)



DEG_GRP = 7
DEG_NGRP = DEG_CHUNKS // DEG_GRP


def _deg_body(rowg, ones_hbm, zeros_hbm, deg_out, acc, ones_v, ibuf):
    c = lax.axis_index("c")
    s = lax.axis_index("s")
    r0 = s * ROWS_PER_TILE
    g_base = (c * N_TILES + s) * DEG_NGRP

    def scoped(si0, si1, ss0, ss1):
        sis = (si0, si1)
        sss = (ss0, ss1)
        pltpu.async_copy(rowg.at[g_base], ibuf.at[pl.ds(0, 8)], si0)
        pltpu.sync_copy(zeros_hbm, acc.at[pl.ds(r0, ROWS_PER_TILE)])
        pltpu.sync_copy(ones_hbm, ones_v)
        plsc.subcore_barrier()
        for g in range(DEG_NGRP):
            h = g % 2
            pltpu.make_async_copy(
                rowg.at[g_base + g], ibuf.at[pl.ds(h * 8, 8)], sis[h]).wait()
            if g >= 1:
                for _ in range(DEG_GRP):
                    pltpu.make_async_copy(
                        ones_v, acc.at[pl.ds(0, E_CHUNK)], sss[1 - h]).wait()
            if g + 1 < DEG_NGRP:
                pltpu.async_copy(
                    rowg.at[g_base + g + 1],
                    ibuf.at[pl.ds((1 - h) * 8, 8)], sis[1 - h])
            for r in range(DEG_GRP):
                pltpu.async_copy(
                    ones_v, acc.at[ibuf.at[h * 8 + r]], sss[h], add=True)
        for _ in range(DEG_GRP):
            pltpu.make_async_copy(
                ones_v, acc.at[pl.ds(0, E_CHUNK)],
                sss[(DEG_NGRP - 1) % 2]).wait()
        plsc.subcore_barrier()
        pltpu.sync_copy(acc.at[pl.ds(r0, ROWS_PER_TILE)],
                        deg_out.at[c, pl.ds(r0, ROWS_PER_TILE)])

    pl.run_scoped(scoped,
                  pltpu.SemaphoreType.DMA, pltpu.SemaphoreType.DMA,
                  pltpu.SemaphoreType.DMA, pltpu.SemaphoreType.DMA)


def _deg_call(rowg, ones_dh, zeros_dh):
    f = pl.kernel(
        _deg_body,
        out_type=jax.ShapeDtypeStruct((2, N_PAD, DH), jnp.float32),
        mesh=_mesh(),
        scratch_types=[
            pltpu.VMEM_SHARED((N_PAD, DH), jnp.float32),
            pltpu.VMEM((E_CHUNK, DH), jnp.float32),
            pltpu.VMEM((16, E_CHUNK), jnp.int32),
        ],
    )
    return f(rowg, ones_dh, zeros_dh)



G = 2
A_CHUNK = 128
A_CHUNKS = E_PAD // (N_TILES * A_CHUNK)
N_GROUPS = A_CHUNKS // G
ACC_ROWS = 10112
ACC_PER_TILE = ACC_ROWS // N_TILES
IDX_BLK = 8


def _agg_body(sup2, idx5, zeros_hbm, agg_out,
              acc, rows_v, ibuf,
              sg0, sg1, ss0, ss1, si0, si1):
    c = lax.axis_index("c")
    s = lax.axis_index("s")
    r0 = s * ACC_PER_TILE
    sg_base = s * N_GROUPS
    pltpu.async_copy(idx5.at[c, sg_base], ibuf.at[pl.ds(0, IDX_BLK)], si0)
    pltpu.sync_copy(zeros_hbm, acc.at[pl.ds(r0, ACC_PER_TILE)])
    plsc.subcore_barrier()
    sgs = (sg0, sg1)
    sss = (ss0, ss1)
    sis = (si0, si1)

    def one_group(g, half):
        ib = half * IDX_BLK
        pltpu.make_async_copy(
            idx5.at[c, sg_base + g], ibuf.at[pl.ds(ib, IDX_BLK)],
            sis[half]).wait()
        gdescs = []
        for k in range(G):
            @pl.when(g > 0)
            def _(k=k):
                pltpu.make_async_copy(
                    rows_v.at[k], acc.at[pl.ds(0, A_CHUNK)], sss[k]).wait()
            gdescs.append(pltpu.async_copy(
                sup2.at[ibuf.at[ib + k]], rows_v.at[k], sgs[k]))
        @pl.when(g + 1 < N_GROUPS)
        def _():
            pltpu.async_copy(
                idx5.at[c, sg_base + g + 1],
                ibuf.at[pl.ds((1 - half) * IDX_BLK, IDX_BLK)], sis[1 - half])
        for k in range(G):
            gdescs[k].wait()
            pltpu.async_copy(
                rows_v.at[k], acc.at[ibuf.at[ib + G + k]], sss[k], add=True)

    def super_iter(gg, carry):
        one_group(2 * gg, 0)
        one_group(2 * gg + 1, 1)
        return carry

    lax.fori_loop(0, N_GROUPS // 2, super_iter, 0)
    for k in range(G):
        pltpu.make_async_copy(
            rows_v.at[k], acc.at[pl.ds(0, A_CHUNK)], sss[k]).wait()
    plsc.subcore_barrier()
    pltpu.sync_copy(acc.at[pl.ds(r0, ACC_PER_TILE)],
                    agg_out.at[c, pl.ds(r0, ACC_PER_TILE)])


def _agg_call(sup2, idx5, zeros_dh):
    f = pl.kernel(
        _agg_body,
        out_type=jax.ShapeDtypeStruct((2, N_PAD, DH), jnp.float32),
        mesh=_mesh(),
        scratch_types=[
            pltpu.VMEM_SHARED((ACC_ROWS, DH), jnp.float32),
            pltpu.VMEM((G, A_CHUNK, DH), jnp.float32),
            pltpu.VMEM((2 * IDX_BLK, A_CHUNK), jnp.int32),
            pltpu.SemaphoreType.DMA,
            pltpu.SemaphoreType.DMA,
            pltpu.SemaphoreType.DMA,
            pltpu.SemaphoreType.DMA,
            pltpu.SemaphoreType.DMA,
            pltpu.SemaphoreType.DMA,
        ],
    )
    return f(sup2, idx5, zeros_dh)



def _dinv_block(deg_ref):
    deg = deg_ref[0, :, 0:1] + deg_ref[1, :, 0:1]
    return jnp.where(deg > 0.0, lax.rsqrt(jnp.maximum(deg, 1.0)), 0.0)


def _mm1_body(x_ref, w_ref, deg_ref, sup_ref):
    dinv = _dinv_block(deg_ref)
    sup = jnp.dot(x_ref[...], w_ref[...], preferred_element_type=jnp.float32)
    sup = sup * dinv
    sup_ref[0] = sup[:, :DH]
    sup_ref[1] = sup[:, DH:]


def _mm2_body(x_ref, agg_ref, deg_ref, w_ref, xn_ref, sup_ref):
    dinv = _dinv_block(deg_ref)
    agg = jnp.concatenate([agg_ref[0], agg_ref[1]], axis=1)
    xn = x_ref[...] + jnp.maximum(agg * dinv, 0.0)
    xn_ref[...] = xn
    sup = jnp.dot(xn, w_ref[...], preferred_element_type=jnp.float32)
    sup = sup * dinv
    sup_ref[0] = sup[:, :DH]
    sup_ref[1] = sup[:, DH:]


def _mm3_body(x_ref, agg_ref, deg_ref, w_ref, sup_ref):
    dinv = _dinv_block(deg_ref)
    agg = jnp.concatenate([agg_ref[0], agg_ref[1]], axis=1)
    xn = x_ref[...] + jnp.maximum(agg * dinv, 0.0)
    sup = jnp.dot(xn, w_ref[...], preferred_element_type=jnp.float32)
    sup = sup * dinv
    sup_ref[0] = sup[:, :DH]
    sup_ref[1] = sup[:, DH:]


def _fin_body(agg_ref, deg_ref, out_ref):
    dinv = _dinv_block(deg_ref)
    out_ref[...] = jnp.concatenate([agg_ref[0], agg_ref[1]], axis=1) * dinv


_row_spec = pl.BlockSpec((BM, D), lambda i: (i, 0))
_half2_spec = pl.BlockSpec((2, BM, DH), lambda i: (0, i, 0))
_deg_spec = pl.BlockSpec((2, BM, 1), lambda i: (0, i, 0))
_w_spec = pl.BlockSpec((D, D), lambda i: (0, 0))

_half2_out = jax.ShapeDtypeStruct((2, N_PAD, DH), jnp.float32)
_row_out = jax.ShapeDtypeStruct((N_PAD, D), jnp.float32)

_mm1 = pl.pallas_call(
    _mm1_body,
    grid=(GRID,),
    in_specs=[_row_spec, _w_spec, _deg_spec],
    out_specs=_half2_spec,
    out_shape=_half2_out,
)

_mm2 = pl.pallas_call(
    _mm2_body,
    grid=(GRID,),
    in_specs=[_row_spec, _half2_spec, _deg_spec, _w_spec],
    out_specs=[_row_spec, _half2_spec],
    out_shape=[_row_out, _half2_out],
)

_mm3 = pl.pallas_call(
    _mm3_body,
    grid=(GRID,),
    in_specs=[_row_spec, _half2_spec, _deg_spec, _w_spec],
    out_specs=_half2_spec,
    out_shape=_half2_out,
)

_fin = pl.pallas_call(
    _fin_body,
    grid=(GRID,),
    in_specs=[_half2_spec, _deg_spec],
    out_specs=_row_spec,
    out_shape=_row_out,
)


def kernel(x, edge_index, W1, W2, W3):
    x = x.astype(jnp.float32)
    xp = jnp.pad(x, ((0, N_PAD - N_NODES), (0, 0)))
    loop = jnp.arange(N_NODES, dtype=jnp.int32)
    n_fill = E_PAD - (edge_index.shape[1] + N_NODES)
    rowp = jnp.concatenate(
        [edge_index[0], loop, jnp.full((n_fill,), DUMMY_ROW, jnp.int32)])
    colp = jnp.concatenate(
        [edge_index[1], loop, jnp.zeros((n_fill,), jnp.int32)])
    n_grp = E_PAD // (G * A_CHUNK)
    col3 = jnp.stack([colp, colp + N_PAD]).reshape(2, n_grp, G, A_CHUNK)
    row3 = jnp.broadcast_to(
        rowp.reshape(n_grp, G, A_CHUNK), (2, n_grp, G, A_CHUNK))
    zpad = jnp.zeros((2, n_grp, IDX_BLK - 2 * G, A_CHUNK), jnp.int32)
    idx5 = jnp.concatenate([col3, row3, zpad], axis=2)
    ones_dh = jnp.ones((E_CHUNK, DH), jnp.float32)
    zeros_deg = jnp.zeros((ROWS_PER_TILE, DH), jnp.float32)
    zeros_dh = jnp.zeros((ACC_PER_TILE, DH), jnp.float32)

    rowg = jnp.pad(rowp.reshape(2 * N_TILES * DEG_NGRP, DEG_GRP, E_CHUNK),
                   ((0, 0), (0, 8 - DEG_GRP), (0, 0)))
    deg = _deg_call(rowg, ones_dh, zeros_deg)[:, :, :1]
    sup = _mm1(xp, W1, deg).reshape(2 * N_PAD, DH)
    agg = _agg_call(sup, idx5, zeros_dh)
    x1, sup = _mm2(xp, agg, deg, W2)
    agg = _agg_call(sup.reshape(2 * N_PAD, DH), idx5, zeros_dh)
    sup = _mm3(x1, agg, deg, W3)
    agg = _agg_call(sup.reshape(2 * N_PAD, DH), idx5, zeros_dh)
    logits = _fin(agg, deg)
    return logits[:N_NODES]

# --- scband reference (transcript-rebuilt; emitter-appended) ---
"""Pipeline reference for scband-res-gcn-39058432590070 (READ-ONLY COPY).

The authoritative reference and input builder live on the scoring server;
editing this copy changes nothing except your own understanding.
"""

import jax, jax.numpy as jnp
import numpy as np

N_NODES = 10000
N_EDGES = 160000
D = 256


def _xavier(key, fan_in, fan_out):
    limit = float(np.sqrt(6.0 / (fan_in + fan_out)))
    return jax.random.uniform(key, (fan_in, fan_out), minval=-limit, maxval=limit, dtype=jnp.float32)


def setup_inputs(seed: int = 0) -> dict:
    key = jax.random.key(seed)
    k1, k2, k3, k4, k5 = jax.random.split(key, 5)
    x = jax.random.normal(k1, (N_NODES, D), dtype=jnp.float32)
    edge_index = jax.random.randint(k2, (2, N_EDGES), 0, N_NODES, dtype=jnp.int32)
    W1 = _xavier(k3, D, D)
    W2 = _xavier(k4, D, D)
    W3 = _xavier(k5, D, D)
    return {"x": x, "edge_index": edge_index, "W1": W1, "W2": W2, "W3": W3}


def _norm_adj(edge_index, num_nodes):
    # add self loops then symmetric normalization D^-1/2 (A+I) D^-1/2
    row = edge_index[0]
    col = edge_index[1]
    loop = jnp.arange(num_nodes, dtype=row.dtype)
    row = jnp.concatenate([row, loop])
    col = jnp.concatenate([col, loop])
    vals = jnp.ones(row.shape[0], dtype=jnp.float32)
    deg = jax.ops.segment_sum(vals, row, num_segments=num_nodes)
    dinv_sqrt = jnp.where(deg > 0, 1.0 / jnp.sqrt(deg), 0.0)
    norm_vals = dinv_sqrt[row] * vals * dinv_sqrt[col]
    return row, col, norm_vals


def _gcn_layer(x, W, row, col, norm_vals, num_nodes):
    support = x @ W
    msgs = norm_vals[:, None] * jnp.take(support, col, axis=0)
    return jax.ops.segment_sum(msgs, row, num_segments=num_nodes)


def reference(x, edge_index, W1, W2, W3):
    num_nodes = x.shape[0]
    row, col, nv = _norm_adj(edge_index, num_nodes)
    # residual layers with relu (all but last)
    for W in (W1, W2):
        x_new = jax.nn.relu(_gcn_layer(x, W, row, col, nv, num_nodes))
        x = x + x_new
    # final layer, no relu, no residual (dropout p=0 / eval mode is identity)
    logits = _gcn_layer(x, W3, row, col, nv, num_nodes)
    return logits

if __name__ == "__main__":
    import jax
    _d = setup_inputs()
    print(jax.jit(kernel)(*tuple(_d.values())))

</pallas_src>

<mosaic_0001>
#map = affine_map<(d0, d1) -> (0, 0, 0)>
#map1 = affine_map<(d0, d1) -> (0, 0)>
module attributes {stable_mosaic.version = 14 : i64} {
  func.func @_deg_body(%arg0: i32, %arg1: i32, %arg2: memref<192x8x128xi32, #tpu.memory_space<hbm>>, %arg3: memref<128x128xf32, #tpu.memory_space<hbm>>, %arg4: memref<640x128xf32, #tpu.memory_space<hbm>>, %arg5: memref<2x10240x128xf32, #tpu.memory_space<hbm>>, %arg6: memref<10240x128xf32, #tpu.memory_space<vmem_shared>>, %arg7: memref<128x128xf32, #tpu.memory_space<vmem>>, %arg8: memref<16x128xi32, #tpu.memory_space<vmem>>) attributes {dimension_semantics = [#tpu.dimension_semantics<core_parallel>, #tpu.dimension_semantics<subcore_parallel>], iteration_bounds = array<i64: 2, 16>, scalar_prefetch = 0 : i64, scratch_operands = 3 : i64, tpu.core_type = #tpu.core_type<sc_vector_subcore>, window_params = [{transform_indices = #map}, {transform_indices = #map1}, {transform_indices = #map1}, {transform_indices = #map}]} {
    %mul3A = arith.constant 640 : i32
    %mul3A_0 = arith.muli %arg1, %mul3A : i32
    %mul3A_1 = arith.constant 16 : i32
    %mul3A_2 = arith.muli %arg0, %mul3A_1 : i32
    %add3A = arith.addi %mul3A_2, %arg1 : i32
    %mul3A_3 = arith.constant 6 : i32
    %mul3A_4 = arith.muli %add3A, %mul3A_3 : i32
    "tpu.region"() ({
      %run_scoped3A = tpu.sem_alloc : memref<!tpu.dma_semaphore, #tpu.memory_space<semaphore_mem>>
      %run_scoped3A_5 = tpu.sem_alloc : memref<!tpu.dma_semaphore, #tpu.memory_space<semaphore_mem>>
      %run_scoped3A_6 = tpu.sem_alloc : memref<!tpu.dma_semaphore, #tpu.memory_space<semaphore_mem>>
      %run_scoped3A_7 = tpu.sem_alloc : memref<!tpu.dma_semaphore, #tpu.memory_space<semaphore_mem>>
      %dma_start3A = arith.constant 0 : i32
      %dma_start3A_8 = arith.constant 0 : i32
      %dma_start3A_9 = tpu.memref_slice %arg8[%dma_start3A, %dma_start3A_8] : memref<16x128xi32, #tpu.memory_space<vmem>> -> memref<8x128xi32, #tpu.memory_space<vmem>>
      %dma_start3A_10 = arith.constant 0 : i32
      %dma_start3A_11 = arith.constant 0 : i32
      %dma_start3A_12 = tpu.memref_slice %arg2[%mul3A_4, %dma_start3A_10, %dma_start3A_11] : memref<192x8x128xi32, #tpu.memory_space<hbm>> -> memref<1x8x128xi32, #tpu.memory_space<hbm>>
      %dma_start3A_13 = tpu.memref_squeeze %dma_start3A_12 : memref<1x8x128xi32, #tpu.memory_space<hbm>> -> memref<8x128xi32, #tpu.memory_space<hbm>>
      %dma_start3A_14 = arith.constant 0 : i32
      %dma_start3A_15 = arith.constant 0 : i32
      %dma_start3A_16 = tpu.memref_slice %arg8[%dma_start3A_14, %dma_start3A_15] : memref<16x128xi32, #tpu.memory_space<vmem>> -> memref<8x128xi32, #tpu.memory_space<vmem>>
      %dma_start3A_17 = arith.constant 0 : i32
      %dma_start3A_18 = arith.constant 0 : i32
      %dma_start3A_19 = tpu.memref_slice %arg2[%mul3A_4, %dma_start3A_17, %dma_start3A_18] : memref<192x8x128xi32, #tpu.memory_space<hbm>> -> memref<1x8x128xi32, #tpu.memory_space<hbm>>
      %dma_start3A_20 = tpu.memref_squeeze %dma_start3A_19 : memref<1x8x128xi32, #tpu.memory_space<hbm>> -> memref<8x128xi32, #tpu.memory_space<hbm>>
      tpu.enqueue_dma source(%dma_start3A_20 : memref<8x128xi32, #tpu.memory_space<hbm>>) target(%dma_start3A_16 : memref<8x128xi32, #tpu.memory_space<vmem>>) target_semaphore(%run_scoped3A : memref<!tpu.dma_semaphore, #tpu.memory_space<semaphore_mem>>)
      "tpu.region"() ({
        %run_scoped3A_753 = tpu.sem_alloc : memref<!tpu.dma_semaphore, #tpu.memory_space<semaphore_mem>>
        %dma_start3A_754 = arith.constant 0 : i32
        %dma_start3A_755 = tpu.memref_slice %arg6[%mul3A_0, %dma_start3A_754] : memref<10240x128xf32, #tpu.memory_space<vmem_shared>> -> memref<640x128xf32, #tpu.memory_space<vmem_shared>>
        tpu.enqueue_dma source(%arg4 : memref<640x128xf32, #tpu.memory_space<hbm>>) target(%dma_start3A_755 : memref<640x128xf32, #tpu.memory_space<vmem_shared>>) target_semaphore(%run_scoped3A_753 : memref<!tpu.dma_semaphore, #tpu.memory_space<semaphore_mem>>)
        %dma_wait3A_756 = arith.constant 0 : i32
        %dma_wait3A_757 = tpu.memref_slice %arg6[%mul3A_0, %dma_wait3A_756] : memref<10240x128xf32, #tpu.memory_space<vmem_shared>> -> memref<640x128xf32, #tpu.memory_space<vmem_shared>>
        tpu.wait_dma2 semaphore(%run_scoped3A_753 : memref<!tpu.dma_semaphore, #tpu.memory_space<semaphore_mem>>) src(%arg4 : memref<640x128xf32, #tpu.memory_space<hbm>>) dst(%dma_wait3A_757 : memref<640x128xf32, #tpu.memory_space<vmem_shared>>)
        tpu.yield
      }) : () -> ()
      "tpu.region"() ({
        %run_scoped3A_753 = tpu.sem_alloc : memref<!tpu.dma_semaphore, #tpu.memory_space<semaphore_mem>>
        tpu.enqueue_dma source(%arg3 : memref<128x128xf32, #tpu.memory_space<hbm>>) target(%arg7 : memref<128x128xf32, #tpu.memory_space<vmem>>) target_semaphore(%run_scoped3A_753 : memref<!tpu.dma_semaphore, #tpu.memory_space<semaphore_mem>>)
        tpu.wait_dma2 semaphore(%run_scoped3A_753 : memref<!tpu.dma_semaphore, #tpu.memory_space<semaphore_mem>>) src(%arg3 : memref<128x128xf32, #tpu.memory_space<hbm>>) dst(%arg7 : memref<128x128xf32, #tpu.memory_space<vmem>>)
        tpu.yield
      }) : () -> ()
      %barrier3A = arith.constant 0 : index
      tpu.barrier barrier_id(%barrier3A)
      %add3A_21 = arith.constant 0 : i32
      %add3A_22 = arith.addi %mul3A_4, %add3A_21 : i32
      %dma_wait3A = arith.constant 0 : i32
      %dma_wait3A_23 = arith.constant 0 : i32
      %dma_wait3A_24 = tpu.memref_slice %arg8[%dma_wait3A, %dma_wait3A_23] : memref<16x128xi32, #tpu.memory_space<vmem>> -> memref<8x128xi32, #tpu.memory_space<vmem>>
      %dma_wait3A_25 = arith.constant 0 : i32
      %dma_wait3A_26 = arith.constant 0 : i32
      %dma_wait3A_27 = tpu.memref_slice %arg2[%add3A_22, %dma_wait3A_25, %dma_wait3A_26] : memref<192x8x128xi32, #tpu.memory_space<hbm>> -> memref<1x8x128xi32, #tpu.memory_space<hbm>>
      %dma_wait3A_28 = tpu.memref_squeeze %dma_wait3A_27 : memref<1x8x128xi32, #tpu.memory_space<hbm>> -> memref<8x128xi32, #tpu.memory_space<hbm>>
      %dma_wait3A_29 = arith.constant 0 : i32
      %dma_wait3A_30 = arith.constant 0 : i32
      %dma_wait3A_31 = tpu.memref_slice %arg8[%dma_wait3A_29, %dma_wait3A_30] : memref<16x128xi32, #tpu.memory_space<vmem>> -> memref<8x128xi32, #tpu.memory_space<vmem>>
      %dma_wait3A_32 = arith.constant 0 : i32
      %dma_wait3A_33 = arith.constant 0 : i32
      %dma_wait3A_34 = tpu.memref_slice %arg2[%add3A_22, %dma_wait3A_32, %dma_wait3A_33] : memref<192x8x128xi32, #tpu.memory_space<hbm>> -> memref<1x8x128xi32, #tpu.memory_space<hbm>>
      %dma_wait3A_35 = tpu.memref_squeeze %dma_wait3A_34 : memref<1x8x128xi32, #tpu.memory_space<hbm>> -> memref<8x128xi32, #tpu.memory_space<hbm>>
      tpu.wait_dma2 semaphore(%run_scoped3A : memref<!tpu.dma_semaphore, #tpu.memory_space<semaphore_mem>>) src(%dma_wait3A_35 : memref<8x128xi32, #tpu.memory_space<hbm>>) dst(%dma_wait3A_31 : memref<8x128xi32, #tpu.memory_space<vmem>>)
      %add3A_36 = arith.constant 0 : i32
      %add3A_37 = arith.addi %mul3A_4, %add3A_36 : i32
      %add3A_38 = arith.constant 1 : i32
      %add3A_39 = arith.addi %add3A_37, %add3A_38 : i32
      %dma_start3A_40 = arith.constant 8 : i32
      %dma_start3A_41 = arith.constant 0 : i32
      %dma_start3A_42 = tpu.memref_slice %arg8[%dma_start3A_40, %dma_start3A_41] : memref<16x128xi32, #tpu.memory_space<vmem>> -> memref<8x128xi32, #tpu.memory_space<vmem>>
      %dma_start3A_43 = arith.constant 0 : i32
      %dma_start3A_44 = arith.constant 0 : i32
      %dma_start3A_45 = tpu.memref_slice %arg2[%add3A_39, %dma_start3A_43, %dma_start3A_44] : memref<192x8x128xi32, #tpu.memory_space<hbm>> -> memref<1x8x128xi32, #tpu.memory_space<hbm>>
      %dma_start3A_46 = tpu.memref_squeeze %dma_start3A_45 : memref<1x8x128xi32, #tpu.memory_space<hbm>> -> memref<8x128xi32, #tpu.memory_space<hbm>>
      %dma_start3A_47 = arith.constant 8 : i32
      %dma_start3A_48 = arith.constant 0 : i32
      %dma_start3A_49 = tpu.memref_slice %arg8[%dma_start3A_47, %dma_start3A_48] : memref<16x128xi32, #tpu.memory_space<vmem>> -> memref<8x128xi32, #tpu.memory_space<vmem>>
      %dma_start3A_50 = arith.constant 0 : i32
      %dma_start3A_51 = arith.constant 0 : i32
      %dma_start3A_52 = tpu.memref_slice %arg2[%add3A_39, %dma_start3A_50, %dma_start3A_51] : memref<192x8x128xi32, #tpu.memory_space<hbm>> -> memref<1x8x128xi32, #tpu.memory_space<hbm>>
      %dma_start3A_53 = tpu.memref_squeeze %dma_start3A_52 : memref<1x8x128xi32, #tpu.memory_space<hbm>> -> memref<8x128xi32, #tpu.memory_space<hbm>>
      tpu.enqueue_dma source(%dma_start3A_53 : memref<8x128xi32, #tpu.memory_space<hbm>>) target(%dma_start3A_49 : memref<8x128xi32, #tpu.memory_space<vmem>>) target_semaphore(%run_scoped3A_5 : memref<!tpu.dma_semaphore, #tpu.memory_space<semaphore_mem>>)
      %dma_start3A_54 = arith.constant 0 : i32
      %dma_start3A_55 = arith.constant 0 : i32
      %dma_start3A_56 = tpu.memref_slice %arg8[%dma_start3A_54, %dma_start3A_55] : memref<16x128xi32, #tpu.memory_space<vmem>> -> memref<1x128xi32, #tpu.memory_space<vmem>>
      %dma_start3A_57 = tpu.memref_squeeze %dma_start3A_56 : memref<1x128xi32, #tpu.memory_space<vmem>> -> memref<128xi32, #tpu.memory_space<vmem>>
      %dma_start3A_58 = arith.constant 0 : i32
      %dma_start3A_59 = arith.constant 0 : i32
      %dma_start3A_60 = tpu.memref_slice %arg6[%dma_start3A_58, %dma_start3A_59] : memref<10240x128xf32, #tpu.memory_space<vmem_shared>> -> memref<10240x128xf32, #tpu.memory_space<vmem_shared>>
      tpu.enqueue_indirect_dma source(%arg7 : memref<128x128xf32, #tpu.memory_space<vmem>>) target(%dma_start3A_60 : memref<10240x128xf32, #tpu.memory_space<vmem_shared>>) offsets(%dma_start3A_57 : memref<128xi32, #tpu.memory_space<vmem>>) semaphore(%run_scoped3A_6 : memref<!tpu.dma_semaphore, #tpu.memory_space<semaphore_mem>>) {add = true}
      %dma_start3A_61 = arith.constant 1 : i32
      %dma_start3A_62 = arith.constant 0 : i32
      %dma_start3A_63 = tpu.memref_slice %arg8[%dma_start3A_61, %dma_start3A_62] : memref<16x128xi32, #tpu.memory_space<vmem>> -> memref<1x128xi32, #tpu.memory_space<vmem>>
      %dma_start3A_64 = tpu.memref_squeeze %dma_start3A_63 : memref<1x128xi32, #tpu.memory_space<vmem>> -> memref<128xi32, #tpu.memory_space<vmem>>
      %dma_start3A_65 = arith.constant 0 : i32
      %dma_start3A_66 = arith.constant 0 : i32
      %dma_start3A_67 = tpu.memref_slice %arg6[%dma_start3A_65, %dma_start3A_66] : memref<10240x128xf32, #tpu.memory_space<vmem_shared>> -> memref<10240x128xf32, #tpu.memory_space<vmem_shared>>
      tpu.enqueue_indirect_dma source(%arg7 : memref<128x128xf32, #tpu.memory_space<vmem>>) target(%dma_start3A_67 : memref<10240x128xf32, #tpu.memory_space<vmem_shared>>) offsets(%dma_start3A_64 : memref<128xi32, #tpu.memory_space<vmem>>) semaphore(%run_scoped3A_6 : memref<!tpu.dma_semaphore, #tpu.memory_space<semaphore_mem>>) {add = true}
      %dma_start3A_68 = arith.constant 2 : i32
      %dma_start3A_69 = arith.constant 0 : i32
      %dma_start3A_70 = tpu.memref_slice %arg8[%dma_start3A_68, %dma_start3A_69] : memref<16x128xi32, #tpu.memory_space<vmem>> -> memref<1x128xi32, #tpu.memory_space<vmem>>
      %dma_start3A_71 = tpu.memref_squeeze %dma_start3A_70 : memref<1x128xi32, #tpu.memory_space<vmem>> -> memref<128xi32, #tpu.memory_space<vmem>>
      %dma_start3A_72 = arith.constant 0 : i32
      %dma_start3A_73 = arith.constant 0 : i32
      %dma_start3A_74 = tpu.memref_slice %arg6[%dma_start3A_72, %dma_start3A_73] : memref<10240x128xf32, #tpu.memory_space<vmem_shared>> -> memref<10240x128xf32, #tpu.memory_space<vmem_shared>>
      tpu.enqueue_indirect_dma source(%arg7 : memref<128x128xf32, #tpu.memory_space<vmem>>) target(%dma_start3A_74 : memref<10240x128xf32, #tpu.memory_space<vmem_shared>>) offsets(%dma_start3A_71 : memref<128xi32, #tpu.memory_space<vmem>>) semaphore(%run_scoped3A_6 : memref<!tpu.dma_semaphore, #tpu.memory_space<semaphore_mem>>) {add = true}
      %dma_start3A_75 = arith.constant 3 : i32
      %dma_start3A_76 = arith.constant 0 : i32
      %dma_start3A_77 = tpu.memref_slice %arg8[%dma_start3A_75, %dma_start3A_76] : memref<16x128xi32, #tpu.memory_space<vmem>> -> memref<1x128xi32, #tpu.memory_space<vmem>>
      %dma_start3A_78 = tpu.memref_squeeze %dma_start3A_77 : memref<1x128xi32, #tpu.memory_space<vmem>> -> memref<128xi32, #tpu.memory_space<vmem>>
      %dma_start3A_79 = arith.constant 0 : i32
      %dma_start3A_80 = arith.constant 0 : i32
      %dma_start3A_81 = tpu.memref_slice %arg6[%dma_start3A_79, %dma_start3A_80] : memref<10240x128xf32, #tpu.memory_space<vmem_shared>> -> memref<10240x128xf32, #tpu.memory_space<vmem_shared>>
      tpu.enqueue_indirect_dma source(%arg7 : memref<128x128xf32, #tpu.memory_space<vmem>>) target(%dma_start3A_81 : memref<10240x128xf32, #tpu.memory_space<vmem_shared>>) offsets(%dma_start3A_78 : memref<128xi32, #tpu.memory_space<vmem>>) semaphore(%run_scoped3A_6 : memref<!tpu.dma_semaphore, #tpu.memory_space<semaphore_mem>>) {add = true}
      %dma_start3A_82 = arith.constant 4 : i32
      %dma_start3A_83 = arith.constant 0 : i32
      %dma_start3A_84 = tpu.memref_slice %arg8[%dma_start3A_82, %dma_start3A_83] : memref<16x128xi32, #tpu.memory_space<vmem>> -> memref<1x128xi32, #tpu.memory_space<vmem>>
      %dma_start3A_85 = tpu.memref_squeeze %dma_start3A_84 : memref<1x128xi32, #tpu.memory_space<vmem>> -> memref<128xi32, #tpu.memory_space<vmem>>
      %dma_start3A_86 = arith.constant 0 : i32
      %dma_start3A_87 = arith.constant 0 : i32
      %dma_start3A_88 = tpu.memref_slice %arg6[%dma_start3A_86, %dma_start3A_87] : memref<10240x128xf32, #tpu.memory_space<vmem_shared>> -> memref<10240x128xf32, #tpu.memory_space<vmem_shared>>
      tpu.enqueue_indirect_dma source(%arg7 : memref<128x128xf32, #tpu.memory_space<vmem>>) target(%dma_start3A_88 : memref<10240x128xf32, #tpu.memory_space<vmem_shared>>) offsets(%dma_start3A_85 : memref<128xi32, #tpu.memory_space<vmem>>) semaphore(%run_scoped3A_6 : memref<!tpu.dma_semaphore, #tpu.memory_space<semaphore_mem>>) {add = true}
      %dma_start3A_89 = arith.constant 5 : i32
      %dma_start3A_90 = arith.constant 0 : i32
      %dma_start3A_91 = tpu.memref_slice %arg8[%dma_start3A_89, %dma_start3A_90] : memref<16x128xi32, #tpu.memory_space<vmem>> -> memref<1x128xi32, #tpu.memory_space<vmem>>
      %dma_start3A_92 = tpu.memref_squeeze %dma_start3A_91 : memref<1x128xi32, #tpu.memory_space<vmem>> -> memref<128xi32, #tpu.memory_space<vmem>>
      %dma_start3A_93 = arith.constant 0 : i32
      %dma_start3A_94 = arith.constant 0 : i32
      %dma_start3A_95 = tpu.memref_slice %arg6[%dma_start3A_93, %dma_start3A_94] : memref<10240x128xf32, #tpu.memory_space<vmem_shared>> -> memref<10240x128xf32, #tpu.memory_space<vmem_shared>>
      tpu.enqueue_indirect_dma source(%arg7 : memref<128x128xf32, #tpu.memory_space<vmem>>) target(%dma_start3A_95 : memref<10240x128xf32, #tpu.memory_space<vmem_shared>>) offsets(%dma_start3A_92 : memref<128xi32, #tpu.memory_space<vmem>>) semaphore(%run_scoped3A_6 : memref<!tpu.dma_semaphore, #tpu.memory_space<semaphore_mem>>) {add = true}
      %dma_start3A_96 = arith.constant 6 : i32
      %dma_start3A_97 = arith.constant 0 : i32
      %dma_start3A_98 = tpu.memref_slice %arg8[%dma_start3A_96, %dma_start3A_97] : memref<16x128xi32, #tpu.memory_space<vmem>> -> memref<1x128xi32, #tpu.memory_space<vmem>>
      %dma_start3A_99 = tpu.memref_squeeze %dma_start3A_98 : memref<1x128xi32, #tpu.memory_space<vmem>> -> memref<128xi32, #tpu.memory_space<vmem>>
      %dma_start3A_100 = arith.constant 0 : i32
      %dma_start3A_101 = arith.constant 0 : i32
      %dma_start3A_102 = tpu.memref_slice %arg6[%dma_start3A_100, %dma_start3A_101] : memref<10240x128xf32, #tpu.memory_space<vmem_shared>> -> memref<10240x128xf32, #tpu.memory_space<vmem_shared>>
      tpu.enqueue_indirect_dma source(%arg7 : memref<128x128xf32, #tpu.memory_space<vmem>>) target(%dma_start3A_102 : memref<10240x128xf32, #tpu.memory_space<vmem_shared>>) offsets(%dma_start3A_99 : memref<128xi32, #tpu.memory_space<vmem>>) semaphore(%run_scoped3A_6 : memref<!tpu.dma_semaphore, #tpu.memory_space<semaphore_mem>>) {add = true}
      %add3A_103 = arith.constant 1 : i32
      %add3A_104 = arith.addi %mul3A_4, %add3A_103 : i32
      %dma_wait3A_105 = arith.constant 8 : i32
      %dma_wait3A_106 = arith.constant 0 : i32
      %dma_wait3A_107 = tpu.memref_slice %arg8[%dma_wait3A_105, %dma_wait3A_106] : memref<16x128xi32, #tpu.memory_space<vmem>> -> memref<8x128xi32, #tpu.memory_space<vmem>>
      %dma_wait3A_108 = arith.constant 0 : i32
      %dma_wait3A_109 = arith.constant 0 : i32
      %dma_wait3A_110 = tpu.memref_slice %arg2[%add3A_104, %dma_wait3A_108, %dma_wait3A_109] : memref<192x8x128xi32, #tpu.memory_space<hbm>> -> memref<1x8x128xi32, #tpu.memory_space<hbm>>
      %dma_wait3A_111 = tpu.memref_squeeze %dma_wait3A_110 : memref<1x8x128xi32, #tpu.memory_space<hbm>> -> memref<8x128xi32, #tpu.memory_space<hbm>>
      %dma_wait3A_112 = arith.constant 8 : i32
      %dma_wait3A_113 = arith.constant 0 : i32
      %dma_wait3A_114 = tpu.memref_slice %arg8[%dma_wait3A_112, %dma_wait3A_113] : memref<16x128xi32, #tpu.memory_space<vmem>> -> memref<8x128xi32, #tpu.memory_space<vmem>>
      %dma_wait3A_115 = arith.constant 0 : i32
      %dma_wait3A_116 = arith.constant 0 : i32
      %dma_wait3A_117 = tpu.memref_slice %arg2[%add3A_104, %dma_wait3A_115, %dma_wait3A_116] : memref<192x8x128xi32, #tpu.memory_space<hbm>> -> memref<1x8x128xi32, #tpu.memory_space<hbm>>
      %dma_wait3A_118 = tpu.memref_squeeze %dma_wait3A_117 : memref<1x8x128xi32, #tpu.memory_space<hbm>> -> memref<8x128xi32, #tpu.memory_space<hbm>>
      tpu.wait_dma2 semaphore(%run_scoped3A_5 : memref<!tpu.dma_semaphore, #tpu.memory_space<semaphore_mem>>) src(%dma_wait3A_118 : memref<8x128xi32, #tpu.memory_space<hbm>>) dst(%dma_wait3A_114 : memref<8x128xi32, #tpu.memory_space<vmem>>)
      %dma_wait3A_119 = arith.constant 0 : i32
      %dma_wait3A_120 = arith.constant 0 : i32
      %dma_wait3A_121 = tpu.memref_slice %arg6[%dma_wait3A_119, %dma_wait3A_120] : memref<10240x128xf32, #tpu.memory_space<vmem_shared>> -> memref<128x128xf32, #tpu.memory_space<vmem_shared>>
      %dma_wait3A_122 = arith.constant 0 : i32
      %dma_wait3A_123 = arith.constant 0 : i32
      %dma_wait3A_124 = tpu.memref_slice %arg6[%dma_wait3A_122, %dma_wait3A_123] : memref<10240x128xf32, #tpu.memory_space<vmem_shared>> -> memref<128x128xf32, #tpu.memory_space<vmem_shared>>
      tpu.wait_dma2 semaphore(%run_scoped3A_6 : memref<!tpu.dma_semaphore, #tpu.memory_space<semaphore_mem>>) src(%arg7 : memref<128x128xf32, #tpu.memory_space<vmem>>) dst(%dma_wait3A_124 : memref<128x128xf32, #tpu.memory_space<vmem_shared>>)
      %dma_wait3A_125 = arith.constant 0 : i32
      %dma_wait3A_126 = arith.constant 0 : i32
      %dma_wait3A_127 = tpu.memref_slice %arg6[%dma_wait3A_125, %dma_wait3A_126] : memref<10240x128xf32, #tpu.memory_space<vmem_shared>> -> memref<128x128xf32, #tpu.memory_space<vmem_shared>>
      %dma_wait3A_128 = arith.constant 0 : i32
      %dma_wait3A_129 = arith.constant 0 : i32
      %dma_wait3A_130 = tpu.memref_slice %arg6[%dma_wait3A_128, %dma_wait3A_129] : memref<10240x128xf32, #tpu.memory_space<vmem_shared>> -> memref<128x128xf32, #tpu.memory_space<vmem_shared>>
      tpu.wait_dma2 semaphore(%run_scoped3A_6 : memref<!tpu.dma_semaphore, #tpu.memory_space<semaphore_mem>>) src(%arg7 : memref<128x128xf32, #tpu.memory_space<vmem>>) dst(%dma_wait3A_130 : memref<128x128xf32, #tpu.memory_space<vmem_shared>>)
      %dma_wait3A_131 = arith.constant 0 : i32
      %dma_wait3A_132 = arith.constant 0 : i32
      %dma_wait3A_133 = tpu.memref_slice %arg6[%dma_wait3A_131, %dma_wait3A_132] : memref<10240x128xf32, #tpu.memory_space<vmem_shared>> -> memref<128x128xf32, #tpu.memory_space<vmem_shared>>
      %dma_wait3A_134 = arith.constant 0 : i32
      %dma_wait3A_135 = arith.constant 0 : i32
      %dma_wait3A_136 = tpu.memref_slice %arg6[%dma_wait3A_134, %dma_wait3A_135] : memref<10240x128xf32, #tpu.memory_space<vmem_shared>> -> memref<128x128xf32, #tpu.memory_space<vmem_shared>>
      tpu.wait_dma2 semaphore(%run_scoped3A_6 : memref<!tpu.dma_semaphore, #tpu.memory_space<semaphore_mem>>) src(%arg7 : memref<128x128xf32, #tpu.memory_space<vmem>>) dst(%dma_wait3A_136 : memref<128x128xf32, #tpu.memory_space<vmem_shared>>)
      %dma_wait3A_137 = arith.constant 0 : i32
      %dma_wait3A_138 = arith.constant 0 : i32
      %dma_wait3A_139 = tpu.memref_slice %arg6[%dma_wait3A_137, %dma_wait3A_138] : memref<10240x128xf32, #tpu.memory_space<vmem_shared>> -> memref<128x128xf32, #tpu.memory_space<vmem_shared>>
      %dma_wait3A_140 = arith.constant 0 : i32
      %dma_wait3A_141 = arith.constant 0 : i32
      %dma_wait3A_142 = tpu.memref_slice %arg6[%dma_wait3A_140, %dma_wait3A_141] : memref<10240x128xf32, #tpu.memory_space<vmem_shared>> -> memref<128x128xf32, #tpu.memory_space<vmem_shared>>
      tpu.wait_dma2 semaphore(%run_scoped3A_6 : memref<!tpu.dma_semaphore, #tpu.memory_space<semaphore_mem>>) src(%arg7 : memref<128x128xf32, #tpu.memory_space<vmem>>) dst(%dma_wait3A_142 : memref<128x128xf32, #tpu.memory_space<vmem_shared>>)
      %dma_wait3A_143 = arith.constant 0 : i32
      %dma_wait3A_144 = arith.constant 0 : i32
      %dma_wait3A_145 = tpu.memref_slice %arg6[%dma_wait3A_143, %dma_wait3A_144] : memref<10240x128xf32, #tpu.memory_space<vmem_shared>> -> memref<128x128xf32, #tpu.memory_space<vmem_shared>>
      %dma_wait3A_146 = arith.constant 0 : i32
      %dma_wait3A_147 = arith.constant 0 : i32
      %dma_wait3A_148 = tpu.memref_slice %arg6[%dma_wait3A_146, %dma_wait3A_147] : memref<10240x128xf32, #tpu.memory_space<vmem_shared>> -> memref<128x128xf32, #tpu.memory_space<vmem_shared>>
      tpu.wait_dma2 semaphore(%run_scoped3A_6 : memref<!tpu.dma_semaphore, #tpu.memory_space<semaphore_mem>>) src(%arg7 : memref<128x128xf32, #tpu.memory_space<vmem>>) dst(%dma_wait3A_148 : memref<128x128xf32, #tpu.memory_space<vmem_shared>>)
      %dma_wait3A_149 = arith.constant 0 : i32
      %dma_wait3A_150 = arith.constant 0 : i32
      %dma_wait3A_151 = tpu.memref_slice %arg6[%dma_wait3A_149, %dma_wait3A_150] : memref<10240x128xf32, #tpu.memory_space<vmem_shared>> -> memref<128x128xf32, #tpu.memory_space<vmem_shared>>
      %dma_wait3A_152 = arith.constant 0 : i32
      %dma_wait3A_153 = arith.constant 0 : i32
      %dma_wait3A_154 = tpu.memref_slice %arg6[%dma_wait3A_152, %dma_wait3A_153] : memref<10240x128xf32, #tpu.memory_space<vmem_shared>> -> memref<128x128xf32, #tpu.memory_space<vmem_shared>>
      tpu.wait_dma2 semaphore(%run_scoped3A_6 : memref<!tpu.dma_semaphore, #tpu.memory_space<semaphore_mem>>) src(%arg7 : memref<128x128xf32, #tpu.memory_space<vmem>>) dst(%dma_wait3A_154 : memref<128x128xf32, #tpu.memory_space<vmem_shared>>)
      %dma_wait3A_155 = arith.constant 0 : i32
      %dma_wait3A_156 = arith.constant 0 : i32
      %dma_wait3A_157 = tpu.memref_slice %arg6[%dma_wait3A_155, %dma_wait3A_156] : memref<10240x128xf32, #tpu.memory_space<vmem_shared>> -> memref<128x128xf32, #tpu.memory_space<vmem_shared>>
      %dma_wait3A_158 = arith.constant 0 : i32
      %dma_wait3A_159 = arith.constant 0 : i32
      %dma_wait3A_160 = tpu.memref_slice %arg6[%dma_wait3A_158, %dma_wait3A_159] : memref<10240x128xf32, #tpu.memory_space<vmem_shared>> -> memref<128x128xf32, #tpu.memory_space<vmem_shared>>
      tpu.wait_dma2 semaphore(%run_scoped3A_6 : memref<!tpu.dma_semaphore, #tpu.memory_space<semaphore_mem>>) src(%arg7 : memref<128x128xf32, #tpu.memory_space<vmem>>) dst(%dma_wait3A_160 : memref<128x128xf32, #tpu.memory_space<vmem_shared>>)
      %add3A_161 = arith.constant 1 : i32
      %add3A_162 = arith.addi %mul3A_4, %add3A_161 : i32
      %add3A_163 = arith.constant 1 : i32
      %add3A_164 = arith.addi %add3A_162, %add3A_163 : i32
      %dma_start3A_165 = arith.constant 0 : i32
      %dma_start3A_166 = arith.constant 0 : i32
      %dma_start3A_167 = tpu.memref_slice %arg8[%dma_start3A_165, %dma_start3A_166] : memref<16x128xi32, #tpu.memory_space<vmem>> -> memref<8x128xi32, #tpu.memory_space<vmem>>
      %dma_start3A_168 = arith.constant 0 : i32
      %dma_start3A_169 = arith.constant 0 : i32
      %dma_start3A_170 = tpu.memref_slice %arg2[%add3A_164, %dma_start3A_168, %dma_start3A_169] : memref<192x8x128xi32, #tpu.memory_space<hbm>> -> memref<1x8x128xi32, #tpu.memory_space<hbm>>
      %dma_start3A_171 = tpu.memref_squeeze %dma_start3A_170 : memref<1x8x128xi32, #tpu.memory_space<hbm>> -> memref<8x128xi32, #tpu.memory_space<hbm>>
      %dma_start3A_172 = arith.constant 0 : i32
      %dma_start3A_173 = arith.constant 0 : i32
      %dma_start3A_174 = tpu.memref_slice %arg8[%dma_start3A_172, %dma_start3A_173] : memref<16x128xi32, #tpu.memory_space<vmem>> -> memref<8x128xi32, #tpu.memory_space<vmem>>
      %dma_start3A_175 = arith.constant 0 : i32
      %dma_start3A_176 = arith.constant 0 : i32
      %dma_start3A_177 = tpu.memref_slice %arg2[%add3A_164, %dma_start3A_175, %dma_start3A_176] : memref<192x8x128xi32, #tpu.memory_space<hbm>> -> memref<1x8x128xi32, #tpu.memory_space<hbm>>
      %dma_start3A_178 = tpu.memref_squeeze %dma_start3A_177 : memref<1x8x128xi32, #tpu.memory_space<hbm>> -> memref<8x128xi32, #tpu.memory_space<hbm>>
      tpu.enqueue_dma source(%dma_start3A_178 : memref<8x128xi32, #tpu.memory_space<hbm>>) target(%dma_start3A_174 : memref<8x128xi32, #tpu.memory_space<vmem>>) target_semaphore(%run_scoped3A : memref<!tpu.dma_semaphore, #tpu.memory_space<semaphore_mem>>)
      %dma_start3A_179 = arith.constant 8 : i32
      %dma_start3A_180 = arith.constant 0 : i32
      %dma_start3A_181 = tpu.memref_slice %arg8[%dma_start3A_179, %dma_start3A_180] : memref<16x128xi32, #tpu.memory_space<vmem>> -> memref<1x128xi32, #tpu.memory_space<vmem>>
      %dma_start3A_182 = tpu.memref_squeeze %dma_start3A_181 : memref<1x128xi32, #tpu.memory_space<vmem>> -> memref<128xi32, #tpu.memory_space<vmem>>
      %dma_start3A_183 = arith.constant 0 : i32
      %dma_start3A_184 = arith.constant 0 : i32
      %dma_start3A_185 = tpu.memref_slice %arg6[%dma_start3A_183, %dma_start3A_184] : memref<10240x128xf32, #tpu.memory_space<vmem_shared>> -> memref<10240x128xf32, #tpu.memory_space<vmem_shared>>
      tpu.enqueue_indirect_dma source(%arg7 : memref<128x128xf32, #tpu.memory_space<vmem>>) target(%dma_start3A_185 : memref<10240x128xf32, #tpu.memory_space<vmem_shared>>) offsets(%dma_start3A_182 : memref<128xi32, #tpu.memory_space<vmem>>) semaphore(%run_scoped3A_7 : memref<!tpu.dma_semaphore, #tpu.memory_space<semaphore_mem>>) {add = true}
      %dma_start3A_186 = arith.constant 9 : i32
      %dma_start3A_187 = arith.constant 0 : i32
      %dma_start3A_188 = tpu.memref_slice %arg8[%dma_start3A_186, %dma_start3A_187] : memref<16x128xi32, #tpu.memory_space<vmem>> -> memref<1x128xi32, #tpu.memory_space<vmem>>
      %dma_start3A_189 = tpu.memref_squeeze %dma_start3A_188 : memref<1x128xi32, #tpu.memory_space<vmem>> -> memref<128xi32, #tpu.memory_space<vmem>>
      %dma_start3A_190 = arith.constant 0 : i32
      %dma_start3A_191 = arith.constant 0 : i32
      %dma_start3A_192 = tpu.memref_slice %arg6[%dma_start3A_190, %dma_start3A_191] : memref<10240x128xf32, #tpu.memory_space<vmem_shared>> -> memref<10240x128xf32, #tpu.memory_space<vmem_shared>>
      tpu.enqueue_indirect_dma source(%arg7 : memref<128x128xf32, #tpu.memory_space<vmem>>) target(%dma_start3A_192 : memref<10240x128xf32, #tpu.memory_space<vmem_shared>>) offsets(%dma_start3A_189 : memref<128xi32, #tpu.memory_space<vmem>>) semaphore(%run_scoped3A_7 : memref<!tpu.dma_semaphore, #tpu.memory_space<semaphore_mem>>) {add = true}
      %dma_start3A_193 = arith.constant 10 : i32
      %dma_start3A_194 = arith.constant 0 : i32
      %dma_start3A_195 = tpu.memref_slice %arg8[%dma_start3A_193, %dma_start3A_194] : memref<16x128xi32, #tpu.memory_space<vmem>> -> memref<1x128xi32, #tpu.memory_space<vmem>>
      %dma_start3A_196 = tpu.memref_squeeze %dma_start3A_195 : memref<1x128xi32, #tpu.memory_space<vmem>> -> memref<128xi32, #tpu.memory_space<vmem>>
      %dma_start3A_197 = arith.constant 0 : i32
      %dma_start3A_198 = arith.constant 0 : i32
      %dma_start3A_199 = tpu.memref_slice %arg6[%dma_start3A_197, %dma_start3A_198] : memref<10240x128xf32, #tpu.memory_space<vmem_shared>> -> memref<10240x128xf32, #tpu.memory_space<vmem_shared>>
      tpu.enqueue_indirect_dma source(%arg7 : memref<128x128xf32, #tpu.memory_space<vmem>>) target(%dma_start3A_199 : memref<10240x128xf32, #tpu.memory_space<vmem_shared>>) offsets(%dma_start3A_196 : memref<128xi32, #tpu.memory_space<vmem>>) semaphore(%run_scoped3A_7 : memref<!tpu.dma_semaphore, #tpu.memory_space<semaphore_mem>>) {add = true}
      %dma_start3A_200 = arith.constant 11 : i32
      %dma_start3A_201 = arith.constant 0 : i32
      %dma_start3A_202 = tpu.memref_slice %arg8[%dma_start3A_200, %dma_start3A_201] : memref<16x128xi32, #tpu.memory_space<vmem>> -> memref<1x128xi32, #tpu.memory_space<vmem>>
      %dma_start3A_203 = tpu.memref_squeeze %dma_start3A_202 : memref<1x128xi32, #tpu.memory_space<vmem>> -> memref<128xi32, #tpu.memory_space<vmem>>
      %dma_start3A_204 = arith.constant 0 : i32
      %dma_start3A_205 = arith.constant 0 : i32
      %dma_start3A_206 = tpu.memref_slice %arg6[%dma_start3A_204, %dma_start3A_205] : memref<10240x128xf32, #tpu.memory_space<vmem_shared>> -> memref<10240x128xf32, #tpu.memory_space<vmem_shared>>
      tpu.enqueue_indirect_dma source(%arg7 : memref<128x128xf32, #tpu.memory_space<vmem>>) target(%dma_start3A_206 : memref<10240x128xf32, #tpu.memory_space<vmem_shared>>) offsets(%dma_start3A_203 : memref<128xi32, #tpu.memory_space<vmem>>) semaphore(%run_scoped3A_7 : memref<!tpu.dma_semaphore, #tpu.memory_space<semaphore_mem>>) {add = true}
      %dma_start3A_207 = arith.constant 12 : i32
      %dma_start3A_208 = arith.constant 0 : i32
      %dma_start3A_209 = tpu.memref_slice %arg8[%dma_start3A_207, %dma_start3A_208] : memref<16x128xi32, #tpu.memory_space<vmem>> -> memref<1x128xi32, #tpu.memory_space<vmem>>
      %dma_start3A_210 = tpu.memref_squeeze %dma_start3A_209 : memref<1x128xi32, #tpu.memory_space<vmem>> -> memref<128xi32, #tpu.memory_space<vmem>>
      %dma_start3A_211 = arith.constant 0 : i32
      %dma_start3A_212 = arith.constant 0 : i32
      %dma_start3A_213 = tpu.memref_slice %arg6[%dma_start3A_211, %dma_start3A_212] : memref<10240x128xf32, #tpu.memory_space<vmem_shared>> -> memref<10240x128xf32, #tpu.memory_space<vmem_shared>>
      tpu.enqueue_indirect_dma source(%arg7 : memref<128x128xf32, #tpu.memory_space<vmem>>) target(%dma_start3A_213 : memref<10240x128xf32, #tpu.memory_space<vmem_shared>>) offsets(%dma_start3A_210 : memref<128xi32, #tpu.memory_space<vmem>>) semaphore(%run_scoped3A_7 : memref<!tpu.dma_semaphore, #tpu.memory_space<semaphore_mem>>) {add = true}
      %dma_start3A_214 = arith.constant 13 : i32
      %dma_start3A_215 = arith.constant 0 : i32
      %dma_start3A_216 = tpu.memref_slice %arg8[%dma_start3A_214, %dma_start3A_215] : memref<16x128xi32, #tpu.memory_space<vmem>> -> memref<1x128xi32, #tpu.memory_space<vmem>>
      %dma_start3A_217 = tpu.memref_squeeze %dma_start3A_216 : memref<1x128xi32, #tpu.memory_space<vmem>> -> memref<128xi32, #tpu.memory_space<vmem>>
      %dma_start3A_218 = arith.constant 0 : i32
      %dma_start3A_219 = arith.constant 0 : i32
      %dma_start3A_220 = tpu.memref_slice %arg6[%dma_start3A_218, %dma_start3A_219] : memref<10240x128xf32, #tpu.memory_space<vmem_shared>> -> memref<10240x128xf32, #tpu.memory_space<vmem_shared>>
      tpu.enqueue_indirect_dma source(%arg7 : memref<128x128xf32, #tpu.memory_space<vmem>>) target(%dma_start3A_220 : memref<10240x128xf32, #tpu.memory_space<vmem_shared>>) offsets(%dma_start3A_217 : memref<128xi32, #tpu.memory_space<vmem>>) semaphore(%run_scoped3A_7 : memref<!tpu.dma_semaphore, #tpu.memory_space<semaphore_mem>>) {add = true}
      %dma_start3A_221 = arith.constant 14 : i32
      %dma_start3A_222 = arith.constant 0 : i32
      %dma_start3A_223 = tpu.memref_slice %arg8[%dma_start3A_221, %dma_start3A_222] : memref<16x128xi32, #tpu.memory_space<vmem>> -> memref<1x128xi32, #tpu.memory_space<vmem>>
      %dma_start3A_224 = tpu.memref_squeeze %dma_start3A_223 : memref<1x128xi32, #tpu.memory_space<vmem>> -> memref<128xi32, #tpu.memory_space<vmem>>
      %dma_start3A_225 = arith.constant 0 : i32
      %dma_start3A_226 = arith.constant 0 : i32
      %dma_start3A_227 = tpu.memref_slice %arg6[%dma_start3A_225, %dma_start3A_226] : memref<10240x128xf32, #tpu.memory_space<vmem_shared>> -> memref<10240x128xf32, #tpu.memory_space<vmem_shared>>
      tpu.enqueue_indirect_dma source(%arg7 : memref<128x128xf32, #tpu.memory_space<vmem>>) target(%dma_start3A_227 : memref<10240x128xf32, #tpu.memory_space<vmem_shared>>) offsets(%dma_start3A_224 : memref<128xi32, #tpu.memory_space<vmem>>) semaphore(%run_scoped3A_7 : memref<!tpu.dma_semaphore, #tpu.memory_space<semaphore_mem>>) {add = true}
      %add3A_228 = arith.constant 2 : i32
      %add3A_229 = arith.addi %mul3A_4, %add3A_228 : i32
      %dma_wait3A_230 = arith.constant 0 : i32
      %dma_wait3A_231 = arith.constant 0 : i32
      %dma_wait3A_232 = tpu.memref_slice %arg8[%dma_wait3A_230, %dma_wait3A_231] : memref<16x128xi32, #tpu.memory_space<vmem>> -> memref<8x128xi32, #tpu.memory_space<vmem>>
      %dma_wait3A_233 = arith.constant 0 : i32
      %dma_wait3A_234 = arith.constant 0 : i32
      %dma_wait3A_235 = tpu.memref_slice %arg2[%add3A_229, %dma_wait3A_233, %dma_wait3A_234] : memref<192x8x128xi32, #tpu.memory_space<hbm>> -> memref<1x8x128xi32, #tpu.memory_space<hbm>>
      %dma_wait3A_236 = tpu.memref_squeeze %dma_wait3A_235 : memref<1x8x128xi32, #tpu.memory_space<hbm>> -> memref<8x128xi32, #tpu.memory_space<hbm>>
      %dma_wait3A_237 = arith.constant 0 : i32
      %dma_wait3A_238 = arith.constant 0 : i32
      %dma_wait3A_239 = tpu.memref_slice %arg8[%dma_wait3A_237, %dma_wait3A_238] : memref<16x128xi32, #tpu.memory_space<vmem>> -> memref<8x128xi32, #tpu.memory_space<vmem>>
      %dma_wait3A_240 = arith.constant 0 : i32
      %dma_wait3A_241 = arith.constant 0 : i32
      %dma_wait3A_242 = tpu.memref_slice %arg2[%add3A_229, %dma_wait3A_240, %dma_wait3A_241] : memref<192x8x128xi32, #tpu.memory_space<hbm>> -> memref<1x8x128xi32, #tpu.memory_space<hbm>>
      %dma_wait3A_243 = tpu.memref_squeeze %dma_wait3A_242 : memref<1x8x128xi32, #tpu.memory_space<hbm>> -> memref<8x128xi32, #tpu.memory_space<hbm>>
      tpu.wait_dma2 semaphore(%run_scoped3A : memref<!tpu.dma_semaphore, #tpu.memory_space<semaphore_mem>>) src(%dma_wait3A_243 : memref<8x128xi32, #tpu.memory_space<hbm>>) dst(%dma_wait3A_239 : memref<8x128xi32, #tpu.memory_space<vmem>>)
      %dma_wait3A_244 = arith.constant 0 : i32
      %dma_wait3A_245 = arith.constant 0 : i32
      %dma_wait3A_246 = tpu.memref_slice %arg6[%dma_wait3A_244, %dma_wait3A_245] : memref<10240x128xf32, #tpu.memory_space<vmem_shared>> -> memref<128x128xf32, #tpu.memory_space<vmem_shared>>
      %dma_wait3A_247 = arith.constant 0 : i32
      %dma_wait3A_248 = arith.constant 0 : i32
      %dma_wait3A_249 = tpu.memref_slice %arg6[%dma_wait3A_247, %dma_wait3A_248] : memref<10240x128xf32, #tpu.memory_space<vmem_shared>> -> memref<128x128xf32, #tpu.memory_space<vmem_shared>>
      tpu.wait_dma2 semaphore(%run_scoped3A_7 : memref<!tpu.dma_semaphore, #tpu.memory_space<semaphore_mem>>) src(%arg7 : memref<128x128xf32, #tpu.memory_space<vmem>>) dst(%dma_wait3A_249 : memref<128x128xf32, #tpu.memory_space<vmem_shared>>)
      %dma_wait3A_250 = arith.constant 0 : i32
      %dma_wait3A_251 = arith.constant 0 : i32
      %dma_wait3A_252 = tpu.memref_slice %arg6[%dma_wait3A_250, %dma_wait3A_251] : memref<10240x128xf32, #tpu.memory_space<vmem_shared>> -> memref<128x128xf32, #tpu.memory_space<vmem_shared>>
      %dma_wait3A_253 = arith.constant 0 : i32
      %dma_wait3A_254 = arith.constant 0 : i32
      %dma_wait3A_255 = tpu.memref_slice %arg6[%dma_wait3A_253, %dma_wait3A_254] : memref<10240x128xf32, #tpu.memory_space<vmem_shared>> -> memref<128x128xf32, #tpu.memory_space<vmem_shared>>
      tpu.wait_dma2 semaphore(%run_scoped3A_7 : memref<!tpu.dma_semaphore, #tpu.memory_space<semaphore_mem>>) src(%arg7 : memref<128x128xf32, #tpu.memory_space<vmem>>) dst(%dma_wait3A_255 : memref<128x128xf32, #tpu.memory_space<vmem_shared>>)
      %dma_wait3A_256 = arith.constant 0 : i32
      %dma_wait3A_257 = arith.constant 0 : i32
      %dma_wait3A_258 = tpu.memref_slice %arg6[%dma_wait3A_256, %dma_wait3A_257] : memref<10240x128xf32, #tpu.memory_space<vmem_shared>> -> memref<128x128xf32, #tpu.memory_space<vmem_shared>>
      %dma_wait3A_259 = arith.constant 0 : i32
      %dma_wait3A_260 = arith.constant 0 : i32
      %dma_wait3A_261 = tpu.memref_slice %arg6[%dma_wait3A_259, %dma_wait3A_260] : memref<10240x128xf32, #tpu.memory_space<vmem_shared>> -> memref<128x128xf32, #tpu.memory_space<vmem_shared>>
      tpu.wait_dma2 semaphore(%run_scoped3A_7 : memref<!tpu.dma_semaphore, #tpu.memory_space<semaphore_mem>>) src(%arg7 : memref<128x128xf32, #tpu.memory_space<vmem>>) dst(%dma_wait3A_261 : memref<128x128xf32, #tpu.memory_space<vmem_shared>>)
      %dma_wait3A_262 = arith.constant 0 : i32
      %dma_wait3A_263 = arith.constant 0 : i32
      %dma_wait3A_264 = tpu.memref_slice %arg6[%dma_wait3A_262, %dma_wait3A_263] : memref<10240x128xf32, #tpu.memory_space<vmem_shared>> -> memref<128x128xf32, #tpu.memory_space<vmem_shared>>
      %dma_wait3A_265 = arith.constant 0 : i32
      %dma_wait3A_266 = arith.constant 0 : i32
      %dma_wait3A_267 = tpu.memref_slice %arg6[%dma_wait3A_265, %dma_wait3A_266] : memref<10240x128xf32, #tpu.memory_space<vmem_shared>> -> memref<128x128xf32, #tpu.memory_space<vmem_shared>>
      tpu.wait_dma2 semaphore(%run_scoped3A_7 : memref<!tpu.dma_semaphore, #tpu.memory_space<semaphore_mem>>) src(%arg7 : memref<128x128xf32, #tpu.memory_space<vmem>>) dst(%dma_wait3A_267 : memref<128x128xf32, #tpu.memory_space<vmem_shared>>)
      %dma_wait3A_268 = arith.constant 0 : i32
      %dma_wait3A_269 = arith.constant 0 : i32
      %dma_wait3A_270 = tpu.memref_slice %arg6[%dma_wait3A_268, %dma_wait3A_269] : memref<10240x128xf32, #tpu.memory_space<vmem_shared>> -> memref<128x128xf32, #tpu.memory_space<vmem_shared>>
      %dma_wait3A_271 = arith.constant 0 : i32
      %dma_wait3A_272 = arith.constant 0 : i32
      %dma_wait3A_273 = tpu.memref_slice %arg6[%dma_wait3A_271, %dma_wait3A_272] : memref<10240x128xf32, #tpu.memory_space<vmem_shared>> -> memref<128x128xf32, #tpu.memory_space<vmem_shared>>
      tpu.wait_dma2 semaphore(%run_scoped3A_7 : memref<!tpu.dma_semaphore, #tpu.memory_space<semaphore_mem>>) src(%arg7 : memref<128x128xf32, #tpu.memory_space<vmem>>) dst(%dma_wait3A_273 : memref<128x128xf32, #tpu.memory_space<vmem_shared>>)
      %dma_wait3A_274 = arith.constant 0 : i32
      %dma_wait3A_275 = arith.constant 0 : i32
      %dma_wait3A_276 = tpu.memref_slice %arg6[%dma_wait3A_274, %dma_wait3A_275] : memref<10240x128xf32, #tpu.memory_space<vmem_shared>> -> memref<128x128xf32, #tpu.memory_space<vmem_shared>>
      %dma_wait3A_277 = arith.constant 0 : i32
      %dma_wait3A_278 = arith.constant 0 : i32
      %dma_wait3A_279 = tpu.memref_slice %arg6[%dma_wait3A_277, %dma_wait3A_278] : memref<10240x128xf32, #tpu.memory_space<vmem_shared>> -> memref<128x128xf32, #tpu.memory_space<vmem_shared>>
      tpu.wait_dma2 semaphore(%run_scoped3A_7 : memref<!tpu.dma_semaphore, #tpu.memory_space<semaphore_mem>>) src(%arg7 : memref<128x128xf32, #tpu.memory_space<vmem>>) dst(%dma_wait3A_279 : memref<128x128xf32, #tpu.memory_space<vmem_shared>>)
      %dma_wait3A_280 = arith.constant 0 : i32
      %dma_wait3A_281 = arith.constant 0 : i32
      %dma_wait3A_282 = tpu.memref_slice %arg6[%dma_wait3A_280, %dma_wait3A_281] : memref<10240x128xf32, #tpu.memory_space<vmem_shared>> -> memref<128x128xf32, #tpu.memory_space<vmem_shared>>
      %dma_wait3A_283 = arith.constant 0 : i32
      %dma_wait3A_284 = arith.constant 0 : i32
      %dma_wait3A_285 = tpu.memref_slice %arg6[%dma_wait3A_283, %dma_wait3A_284] : memref<10240x128xf32, #tpu.memory_space<vmem_shared>> -> memref<128x128xf32, #tpu.memory_space<vmem_shared>>
      tpu.wait_dma2 semaphore(%run_scoped3A_7 : memref<!tpu.dma_semaphore, #tpu.memory_space<semaphore_mem>>) src(%arg7 : memref<128x128xf32, #tpu.memory_space<vmem>>) dst(%dma_wait3A_285 : memref<128x128xf32, #tpu.memory_space<vmem_shared>>)
      %add3A_286 = arith.constant 2 : i32
      %add3A_287 = arith.addi %mul3A_4, %add3A_286 : i32
      %add3A_288 = arith.constant 1 : i32
      %add3A_289 = arith.addi %add3A_287, %add3A_288 : i32
      %dma_start3A_290 = arith.constant 8 : i32
      %dma_start3A_291 = arith.constant 0 : i32
      %dma_start3A_292 = tpu.memref_slice %arg8[%dma_start3A_290, %dma_start3A_291] : memref<16x128xi32, #tpu.memory_space<vmem>> -> memref<8x128xi32, #tpu.memory_space<vmem>>
      %dma_start3A_293 = arith.constant 0 : i32
      %dma_start3A_294 = arith.constant 0 : i32
      %dma_start3A_295 = tpu.memref_slice %arg2[%add3A_289, %dma_start3A_293, %dma_start3A_294] : memref<192x8x128xi32, #tpu.memory_space<hbm>> -> memref<1x8x128xi32, #tpu.memory_space<hbm>>
      %dma_start3A_296 = tpu.memref_squeeze %dma_start3A_295 : memref<1x8x128xi32, #tpu.memory_space<hbm>> -> memref<8x128xi32, #tpu.memory_space<hbm>>
      %dma_start3A_297 = arith.constant 8 : i32
      %dma_start3A_298 = arith.constant 0 : i32
      %dma_start3A_299 = tpu.memref_slice %arg8[%dma_start3A_297, %dma_start3A_298] : memref<16x128xi32, #tpu.memory_space<vmem>> -> memref<8x128xi32, #tpu.memory_space<vmem>>
      %dma_start3A_300 = arith.constant 0 : i32
      %dma_start3A_301 = arith.constant 0 : i32
      %dma_start3A_302 = tpu.memref_slice %arg2[%add3A_289, %dma_start3A_300, %dma_start3A_301] : memref<192x8x128xi32, #tpu.memory_space<hbm>> -> memref<1x8x128xi32, #tpu.memory_space<hbm>>
      %dma_start3A_303 = tpu.memref_squeeze %dma_start3A_302 : memref<1x8x128xi32, #tpu.memory_space<hbm>> -> memref<8x128xi32, #tpu.memory_space<hbm>>
      tpu.enqueue_dma source(%dma_start3A_303 : memref<8x128xi32, #tpu.memory_space<hbm>>) target(%dma_start3A_299 : memref<8x128xi32, #tpu.memory_space<vmem>>) target_semaphore(%run_scoped3A_5 : memref<!tpu.dma_semaphore, #tpu.memory_space<semaphore_mem>>)
      %dma_start3A_304 = arith.constant 0 : i32
      %dma_start3A_305 = arith.constant 0 : i32
      %dma_start3A_306 = tpu.memref_slice %arg8[%dma_start3A_304, %dma_start3A_305] : memref<16x128xi32, #tpu.memory_space<vmem>> -> memref<1x128xi32, #tpu.memory_space<vmem>>
      %dma_start3A_307 = tpu.memref_squeeze %dma_start3A_306 : memref<1x128xi32, #tpu.memory_space<vmem>> -> memref<128xi32, #tpu.memory_space<vmem>>
      %dma_start3A_308 = arith.constant 0 : i32
      %dma_start3A_309 = arith.constant 0 : i32
      %dma_start3A_310 = tpu.memref_slice %arg6[%dma_start3A_308, %dma_start3A_309] : memref<10240x128xf32, #tpu.memory_space<vmem_shared>> -> memref<10240x128xf32, #tpu.memory_space<vmem_shared>>
      tpu.enqueue_indirect_dma source(%arg7 : memref<128x128xf32, #tpu.memory_space<vmem>>) target(%dma_start3A_310 : memref<10240x128xf32, #tpu.memory_space<vmem_shared>>) offsets(%dma_start3A_307 : memref<128xi32, #tpu.memory_space<vmem>>) semaphore(%run_scoped3A_6 : memref<!tpu.dma_semaphore, #tpu.memory_space<semaphore_mem>>) {add = true}
      %dma_start3A_311 = arith.constant 1 : i32
      %dma_start3A_312 = arith.constant 0 : i32
      %dma_start3A_313 = tpu.memref_slice %arg8[%dma_start3A_311, %dma_start3A_312] : memref<16x128xi32, #tpu.memory_space<vmem>> -> memref<1x128xi32, #tpu.memory_space<vmem>>
      %dma_start3A_314 = tpu.memref_squeeze %dma_start3A_313 : memref<1x128xi32, #tpu.memory_space<vmem>> -> memref<128xi32, #tpu.memory_space<vmem>>
      %dma_start3A_315 = arith.constant 0 : i32
      %dma_start3A_316 = arith.constant 0 : i32
      %dma_start3A_317 = tpu.memref_slice %arg6[%dma_start3A_315, %dma_start3A_316] : memref<10240x128xf32, #tpu.memory_space<vmem_shared>> -> memref<10240x128xf32, #tpu.memory_space<vmem_shared>>
      tpu.enqueue_indirect_dma source(%arg7 : memref<128x128xf32, #tpu.memory_space<vmem>>) target(%dma_start3A_317 : memref<10240x128xf32, #tpu.memory_space<vmem_shared>>) offsets(%dma_start3A_314 : memref<128xi32, #tpu.memory_space<vmem>>) semaphore(%run_scoped3A_6 : memref<!tpu.dma_semaphore, #tpu.memory_space<semaphore_mem>>) {add = true}
      %dma_start3A_318 = arith.constant 2 : i32
      %dma_start3A_319 = arith.constant 0 : i32
      %dma_start3A_320 = tpu.memref_slice %arg8[%dma_start3A_318, %dma_start3A_319] : memref<16x128xi32, #tpu.memory_space<vmem>> -> memref<1x128xi32, #tpu.memory_space<vmem>>
      %dma_start3A_321 = tpu.memref_squeeze %dma_start3A_320 : memref<1x128xi32, #tpu.memory_space<vmem>> -> memref<128xi32, #tpu.memory_space<vmem>>
      %dma_start3A_322 = arith.constant 0 : i32
      %dma_start3A_323 = arith.constant 0 : i32
      %dma_start3A_324 = tpu.memref_slice %arg6[%dma_start3A_322, %dma_start3A_323] : memref<10240x128xf32, #tpu.memory_space<vmem_shared>> -> memref<10240x128xf32, #tpu.memory_space<vmem_shared>>
      tpu.enqueue_indirect_dma source(%arg7 : memref<128x128xf32, #tpu.memory_space<vmem>>) target(%dma_start3A_324 : memref<10240x128xf32, #tpu.memory_space<vmem_shared>>) offsets(%dma_start3A_321 : memref<128xi32, #tpu.memory_space<vmem>>) semaphore(%run_scoped3A_6 : memref<!tpu.dma_semaphore, #tpu.memory_space<semaphore_mem>>) {add = true}
      %dma_start3A_325 = arith.constant 3 : i32
      %dma_start3A_326 = arith.constant 0 : i32
      %dma_start3A_327 = tpu.memref_slice %arg8[%dma_start3A_325, %dma_start3A_326] : memref<16x128xi32, #tpu.memory_space<vmem>> -> memref<1x128xi32, #tpu.memory_space<vmem>>
      %dma_start3A_328 = tpu.memref_squeeze %dma_start3A_327 : memref<1x128xi32, #tpu.memory_space<vmem>> -> memref<128xi32, #tpu.memory_space<vmem>>
      %dma_start3A_329 = arith.constant 0 : i32
      %dma_start3A_330 = arith.constant 0 : i32
      %dma_start3A_331 = tpu.memref_slice %arg6[%dma_start3A_329, %dma_start3A_330] : memref<10240x128xf32, #tpu.memory_space<vmem_shared>> -> memref<10240x128xf32, #tpu.memory_space<vmem_shared>>
      tpu.enqueue_indirect_dma source(%arg7 : memref<128x128xf32, #tpu.memory_space<vmem>>) target(%dma_start3A_331 : memref<10240x128xf32, #tpu.memory_space<vmem_shared>>) offsets(%dma_start3A_328 : memref<128xi32, #tpu.memory_space<vmem>>) semaphore(%run_scoped3A_6 : memref<!tpu.dma_semaphore, #tpu.memory_space<semaphore_mem>>) {add = true}
      %dma_start3A_332 = arith.constant 4 : i32
      %dma_start3A_333 = arith.constant 0 : i32
      %dma_start3A_334 = tpu.memref_slice %arg8[%dma_start3A_332, %dma_start3A_333] : memref<16x128xi32, #tpu.memory_space<vmem>> -> memref<1x128xi32, #tpu.memory_space<vmem>>
      %dma_start3A_335 = tpu.memref_squeeze %dma_start3A_334 : memref<1x128xi32, #tpu.memory_space<vmem>> -> memref<128xi32, #tpu.memory_space<vmem>>
      %dma_start3A_336 = arith.constant 0 : i32
      %dma_start3A_337 = arith.constant 0 : i32
      %dma_start3A_338 = tpu.memref_slice %arg6[%dma_start3A_336, %dma_start3A_337] : memref<10240x128xf32, #tpu.memory_space<vmem_shared>> -> memref<10240x128xf32, #tpu.memory_space<vmem_shared>>
      tpu.enqueue_indirect_dma source(%arg7 : memref<128x128xf32, #tpu.memory_space<vmem>>) target(%dma_start3A_338 : memref<10240x128xf32, #tpu.memory_space<vmem_shared>>) offsets(%dma_start3A_335 : memref<128xi32, #tpu.memory_space<vmem>>) semaphore(%run_scoped3A_6 : memref<!tpu.dma_semaphore, #tpu.memory_space<semaphore_mem>>) {add = true}
      %dma_start3A_339 = arith.constant 5 : i32
      %dma_start3A_340 = arith.constant 0 : i32
      %dma_start3A_341 = tpu.memref_slice %arg8[%dma_start3A_339, %dma_start3A_340] : memref<16x128xi32, #tpu.memory_space<vmem>> -> memref<1x128xi32, #tpu.memory_space<vmem>>
      %dma_start3A_342 = tpu.memref_squeeze %dma_start3A_341 : memref<1x128xi32, #tpu.memory_space<vmem>> -> memref<128xi32, #tpu.memory_space<vmem>>
      %dma_start3A_343 = arith.constant 0 : i32
      %dma_start3A_344 = arith.constant 0 : i32
      %dma_start3A_345 = tpu.memref_slice %arg6[%dma_start3A_343, %dma_start3A_344] : memref<10240x128xf32, #tpu.memory_space<vmem_shared>> -> memref<10240x128xf32, #tpu.memory_space<vmem_shared>>
      tpu.enqueue_indirect_dma source(%arg7 : memref<128x128xf32, #tpu.memory_space<vmem>>) target(%dma_start3A_345 : memref<10240x128xf32, #tpu.memory_space<vmem_shared>>) offsets(%dma_start3A_342 : memref<128xi32, #tpu.memory_space<vmem>>) semaphore(%run_scoped3A_6 : memref<!tpu.dma_semaphore, #tpu.memory_space<semaphore_mem>>) {add = true}
      %dma_start3A_346 = arith.constant 6 : i32
      %dma_start3A_347 = arith.constant 0 : i32
      %dma_start3A_348 = tpu.memref_slice %arg8[%dma_start3A_346, %dma_start3A_347] : memref<16x128xi32, #tpu.memory_space<vmem>> -> memref<1x128xi32, #tpu.memory_space<vmem>>
      %dma_start3A_349 = tpu.memref_squeeze %dma_start3A_348 : memref<1x128xi32, #tpu.memory_space<vmem>> -> memref<128xi32, #tpu.memory_space<vmem>>
      %dma_start3A_350 = arith.constant 0 : i32
      %dma_start3A_351 = arith.constant 0 : i32
      %dma_start3A_352 = tpu.memref_slice %arg6[%dma_start3A_350, %dma_start3A_351] : memref<10240x128xf32, #tpu.memory_space<vmem_shared>> -> memref<10240x128xf32, #tpu.memory_space<vmem_shared>>
      tpu.enqueue_indirect_dma source(%arg7 : memref<128x128xf32, #tpu.memory_space<vmem>>) target(%dma_start3A_352 : memref<10240x128xf32, #tpu.memory_space<vmem_shared>>) offsets(%dma_start3A_349 : memref<128xi32, #tpu.memory_space<vmem>>) semaphore(%run_scoped3A_6 : memref<!tpu.dma_semaphore, #tpu.memory_space<semaphore_mem>>) {add = true}
      %add3A_353 = arith.constant 3 : i32
      %add3A_354 = arith.addi %mul3A_4, %add3A_353 : i32
      %dma_wait3A_355 = arith.constant 8 : i32
      %dma_wait3A_356 = arith.constant 0 : i32
      %dma_wait3A_357 = tpu.memref_slice %arg8[%dma_wait3A_355, %dma_wait3A_356] : memref<16x128xi32, #tpu.memory_space<vmem>> -> memref<8x128xi32, #tpu.memory_space<vmem>>
      %dma_wait3A_358 = arith.constant 0 : i32
      %dma_wait3A_359 = arith.constant 0 : i32
      %dma_wait3A_360 = tpu.memref_slice %arg2[%add3A_354, %dma_wait3A_358, %dma_wait3A_359] : memref<192x8x128xi32, #tpu.memory_space<hbm>> -> memref<1x8x128xi32, #tpu.memory_space<hbm>>
      %dma_wait3A_361 = tpu.memref_squeeze %dma_wait3A_360 : memref<1x8x128xi32, #tpu.memory_space<hbm>> -> memref<8x128xi32, #tpu.memory_space<hbm>>
      %dma_wait3A_362 = arith.constant 8 : i32
      %dma_wait3A_363 = arith.constant 0 : i32
      %dma_wait3A_364 = tpu.memref_slice %arg8[%dma_wait3A_362, %dma_wait3A_363] : memref<16x128xi32, #tpu.memory_space<vmem>> -> memref<8x128xi32, #tpu.memory_space<vmem>>
      %dma_wait3A_365 = arith.constant 0 : i32
      %dma_wait3A_366 = arith.constant 0 : i32
      %dma_wait3A_367 = tpu.memref_slice %arg2[%add3A_354, %dma_wait3A_365, %dma_wait3A_366] : memref<192x8x128xi32, #tpu.memory_space<hbm>> -> memref<1x8x128xi32, #tpu.memory_space<hbm>>
      %dma_wait3A_368 = tpu.memref_squeeze %dma_wait3A_367 : memref<1x8x128xi32, #tpu.memory_space<hbm>> -> memref<8x128xi32, #tpu.memory_space<hbm>>
      tpu.wait_dma2 semaphore(%run_scoped3A_5 : memref<!tpu.dma_semaphore, #tpu.memory_space<semaphore_mem>>) src(%dma_wait3A_368 : memref<8x128xi32, #tpu.memory_space<hbm>>) dst(%dma_wait3A_364 : memref<8x128xi32, #tpu.memory_space<vmem>>)
      %dma_wait3A_369 = arith.constant 0 : i32
      %dma_wait3A_370 = arith.constant 0 : i32
      %dma_wait3A_371 = tpu.memref_slice %arg6[%dma_wait3A_369, %dma_wait3A_370] : memref<10240x128xf32, #tpu.memory_space<vmem_shared>> -> memref<128x128xf32, #tpu.memory_space<vmem_shared>>
      %dma_wait3A_372 = arith.constant 0 : i32
      %dma_wait3A_373 = arith.constant 0 : i32
      %dma_wait3A_374 = tpu.memref_slice %arg6[%dma_wait3A_372, %dma_wait3A_373] : memref<10240x128xf32, #tpu.memory_space<vmem_shared>> -> memref<128x128xf32, #tpu.memory_space<vmem_shared>>
      tpu.wait_dma2 semaphore(%run_scoped3A_6 : memref<!tpu.dma_semaphore, #tpu.memory_space<semaphore_mem>>) src(%arg7 : memref<128x128xf32, #tpu.memory_space<vmem>>) dst(%dma_wait3A_374 : memref<128x128xf32, #tpu.memory_space<vmem_shared>>)
      %dma_wait3A_375 = arith.constant 0 : i32
      %dma_wait3A_376 = arith.constant 0 : i32
      %dma_wait3A_377 = tpu.memref_slice %arg6[%dma_wait3A_375, %dma_wait3A_376] : memref<10240x128xf32, #tpu.memory_space<vmem_shared>> -> memref<128x128xf32, #tpu.memory_space<vmem_shared>>
      %dma_wait3A_378 = arith.constant 0 : i32
      %dma_wait3A_379 = arith.constant 0 : i32
      %dma_wait3A_380 = tpu.memref_slice %arg6[%dma_wait3A_378, %dma_wait3A_379] : memref<10240x128xf32, #tpu.memory_space<vmem_shared>> -> memref<128x128xf32, #tpu.memory_space<vmem_shared>>
      tpu.wait_dma2 semaphore(%run_scoped3A_6 : memref<!tpu.dma_semaphore, #tpu.memory_space<semaphore_mem>>) src(%arg7 : memref<128x128xf32, #tpu.memory_space<vmem>>) dst(%dma_wait3A_380 : memref<128x128xf32, #tpu.memory_space<vmem_shared>>)
      %dma_wait3A_381 = arith.constant 0 : i32
      %dma_wait3A_382 = arith.constant 0 : i32
      %dma_wait3A_383 = tpu.memref_slice %arg6[%dma_wait3A_381, %dma_wait3A_382] : memref<10240x128xf32, #tpu.memory_space<vmem_shared>> -> memref<128x128xf32, #tpu.memory_space<vmem_shared>>
      %dma_wait3A_384 = arith.constant 0 : i32
      %dma_wait3A_385 = arith.constant 0 : i32
      %dma_wait3A_386 = tpu.memref_slice %arg6[%dma_wait3A_384, %dma_wait3A_385] : memref<10240x128xf32, #tpu.memory_space<vmem_shared>> -> memref<128x128xf32, #tpu.memory_space<vmem_shared>>
      tpu.wait_dma2 semaphore(%run_scoped3A_6 : memref<!tpu.dma_semaphore, #tpu.memory_space<semaphore_mem>>) src(%arg7 : memref<128x128xf32, #tpu.memory_space<vmem>>) dst(%dma_wait3A_386 : memref<128x128xf32, #tpu.memory_space<vmem_shared>>)
      %dma_wait3A_387 = arith.constant 0 : i32
      %dma_wait3A_388 = arith.constant 0 : i32
      %dma_wait3A_389 = tpu.memref_slice %arg6[%dma_wait3A_387, %dma_wait3A_388] : memref<10240x128xf32, #tpu.memory_space<vmem_shared>> -> memref<128x128xf32, #tpu.memory_space<vmem_shared>>
      %dma_wait3A_390 = arith.constant 0 : i32
      %dma_wait3A_391 = arith.constant 0 : i32
      %dma_wait3A_392 = tpu.memref_slice %arg6[%dma_wait3A_390, %dma_wait3A_391] : memref<10240x128xf32, #tpu.memory_space<vmem_shared>> -> memref<128x128xf32, #tpu.memory_space<vmem_shared>>
      tpu.wait_dma2 semaphore(%run_scoped3A_6 : memref<!tpu.dma_semaphore, #tpu.memory_space<semaphore_mem>>) src(%arg7 : memref<128x128xf32, #tpu.memory_space<vmem>>) dst(%dma_wait3A_392 : memref<128x128xf32, #tpu.memory_space<vmem_shared>>)
      %dma_wait3A_393 = arith.constant 0 : i32
      %dma_wait3A_394 = arith.constant 0 : i32
      %dma_wait3A_395 = tpu.memref_slice %arg6[%dma_wait3A_393, %dma_wait3A_394] : memref<10240x128xf32, #tpu.memory_space<vmem_shared>> -> memref<128x128xf32, #tpu.memory_space<vmem_shared>>
      %dma_wait3A_396 = arith.constant 0 : i32
      %dma_wait3A_397 = arith.constant 0 : i32
      %dma_wait3A_398 = tpu.memref_slice %arg6[%dma_wait3A_396, %dma_wait3A_397] : memref<10240x128xf32, #tpu.memory_space<vmem_shared>> -> memref<128x128xf32, #tpu.memory_space<vmem_shared>>
      tpu.wait_dma2 semaphore(%run_scoped3A_6 : memref<!tpu.dma_semaphore, #tpu.memory_space<semaphore_mem>>) src(%arg7 : memref<128x128xf32, #tpu.memory_space<vmem>>) dst(%dma_wait3A_398 : memref<128x128xf32, #tpu.memory_space<vmem_shared>>)
      %dma_wait3A_399 = arith.constant 0 : i32
      %dma_wait3A_400 = arith.constant 0 : i32
      %dma_wait3A_401 = tpu.memref_slice %arg6[%dma_wait3A_399, %dma_wait3A_400] : memref<10240x128xf32, #tpu.memory_space<vmem_shared>> -> memref<128x128xf32, #tpu.memory_space<vmem_shared>>
      %dma_wait3A_402 = arith.constant 0 : i32
      %dma_wait3A_403 = arith.constant 0 : i32
      %dma_wait3A_404 = tpu.memref_slice %arg6[%dma_wait3A_402, %dma_wait3A_403] : memref<10240x128xf32, #tpu.memory_space<vmem_shared>> -> memref<128x128xf32, #tpu.memory_space<vmem_shared>>
      tpu.wait_dma2 semaphore(%run_scoped3A_6 : memref<!tpu.dma_semaphore, #tpu.memory_space<semaphore_mem>>) src(%arg7 : memref<128x128xf32, #tpu.memory_space<vmem>>) dst(%dma_wait3A_404 : memref<128x128xf32, #tpu.memory_space<vmem_shared>>)
      %dma_wait3A_405 = arith.constant 0 : i32
      %dma_wait3A_406 = arith.constant 0 : i32
      %dma_wait3A_407 = tpu.memref_slice %arg6[%dma_wait3A_405, %dma_wait3A_406] : memref<10240x128xf32, #tpu.memory_space<vmem_shared>> -> memref<128x128xf32, #tpu.memory_space<vmem_shared>>
      %dma_wait3A_408 = arith.constant 0 : i32
      %dma_wait3A_409 = arith.constant 0 : i32
      %dma_wait3A_410 = tpu.memref_slice %arg6[%dma_wait3A_408, %dma_wait3A_409] : memref<10240x128xf32, #tpu.memory_space<vmem_shared>> -> memref<128x128xf32, #tpu.memory_space<vmem_shared>>
      tpu.wait_dma2 semaphore(%run_scoped3A_6 : memref<!tpu.dma_semaphore, #tpu.memory_space<semaphore_mem>>) src(%arg7 : memref<128x128xf32, #tpu.memory_space<vmem>>) dst(%dma_wait3A_410 : memref<128x128xf32, #tpu.memory_space<vmem_shared>>)
      %add3A_411 = arith.constant 3 : i32
      %add3A_412 = arith.addi %mul3A_4, %add3A_411 : i32
      %add3A_413 = arith.constant 1 : i32
      %add3A_414 = arith.addi %add3A_412, %add3A_413 : i32
      %dma_start3A_415 = arith.constant 0 : i32
      %dma_start3A_416 = arith.constant 0 : i32
      %dma_start3A_417 = tpu.memref_slice %arg8[%dma_start3A_415, %dma_start3A_416] : memref<16x128xi32, #tpu.memory_space<vmem>> -> memref<8x128xi32, #tpu.memory_space<vmem>>
      %dma_start3A_418 = arith.constant 0 : i32
      %dma_start3A_419 = arith.constant 0 : i32
      %dma_start3A_420 = tpu.memref_slice %arg2[%add3A_414, %dma_start3A_418, %dma_start3A_419] : memref<192x8x128xi32, #tpu.memory_space<hbm>> -> memref<1x8x128xi32, #tpu.memory_space<hbm>>
      %dma_start3A_421 = tpu.memref_squeeze %dma_start3A_420 : memref<1x8x128xi32, #tpu.memory_space<hbm>> -> memref<8x128xi32, #tpu.memory_space<hbm>>
      %dma_start3A_422 = arith.constant 0 : i32
      %dma_start3A_423 = arith.constant 0 : i32
      %dma_start3A_424 = tpu.memref_slice %arg8[%dma_start3A_422, %dma_start3A_423] : memref<16x128xi32, #tpu.memory_space<vmem>> -> memref<8x128xi32, #tpu.memory_space<vmem>>
      %dma_start3A_425 = arith.constant 0 : i32
      %dma_start3A_426 = arith.constant 0 : i32
      %dma_start3A_427 = tpu.memref_slice %arg2[%add3A_414, %dma_start3A_425, %dma_start3A_426] : memref<192x8x128xi32, #tpu.memory_space<hbm>> -> memref<1x8x128xi32, #tpu.memory_space<hbm>>
      %dma_start3A_428 = tpu.memref_squeeze %dma_start3A_427 : memref<1x8x128xi32, #tpu.memory_space<hbm>> -> memref<8x128xi32, #tpu.memory_space<hbm>>
      tpu.enqueue_dma source(%dma_start3A_428 : memref<8x128xi32, #tpu.memory_space<hbm>>) target(%dma_start3A_424 : memref<8x128xi32, #tpu.memory_space<vmem>>) target_semaphore(%run_scoped3A : memref<!tpu.dma_semaphore, #tpu.memory_space<semaphore_mem>>)
      %dma_start3A_429 = arith.constant 8 : i32
      %dma_start3A_430 = arith.constant 0 : i32
      %dma_start3A_431 = tpu.memref_slice %arg8[%dma_start3A_429, %dma_start3A_430] : memref<16x128xi32, #tpu.memory_space<vmem>> -> memref<1x128xi32, #tpu.memory_space<vmem>>
      %dma_start3A_432 = tpu.memref_squeeze %dma_start3A_431 : memref<1x128xi32, #tpu.memory_space<vmem>> -> memref<128xi32, #tpu.memory_space<vmem>>
      %dma_start3A_433 = arith.constant 0 : i32
      %dma_start3A_434 = arith.constant 0 : i32
      %dma_start3A_435 = tpu.memref_slice %arg6[%dma_start3A_433, %dma_start3A_434] : memref<10240x128xf32, #tpu.memory_space<vmem_shared>> -> memref<10240x128xf32, #tpu.memory_space<vmem_shared>>
      tpu.enqueue_indirect_dma source(%arg7 : memref<128x128xf32, #tpu.memory_space<vmem>>) target(%dma_start3A_435 : memref<10240x128xf32, #tpu.memory_space<vmem_shared>>) offsets(%dma_start3A_432 : memref<128xi32, #tpu.memory_space<vmem>>) semaphore(%run_scoped3A_7 : memref<!tpu.dma_semaphore, #tpu.memory_space<semaphore_mem>>) {add = true}
      %dma_start3A_436 = arith.constant 9 : i32
      %dma_start3A_437 = arith.constant 0 : i32
      %dma_start3A_438 = tpu.memref_slice %arg8[%dma_start3A_436, %dma_start3A_437] : memref<16x128xi32, #tpu.memory_space<vmem>> -> memref<1x128xi32, #tpu.memory_space<vmem>>
      %dma_start3A_439 = tpu.memref_squeeze %dma_start3A_438 : memref<1x128xi32, #tpu.memory_space<vmem>> -> memref<128xi32, #tpu.memory_space<vmem>>
      %dma_start3A_440 = arith.constant 0 : i32
      %dma_start3A_441 = arith.constant 0 : i32
      %dma_start3A_442 = tpu.memref_slice %arg6[%dma_start3A_440, %dma_start3A_441] : memref<10240x128xf32, #tpu.memory_space<vmem_shared>> -> memref<10240x128xf32, #tpu.memory_space<vmem_shared>>
      tpu.enqueue_indirect_dma source(%arg7 : memref<128x128xf32, #tpu.memory_space<vmem>>) target(%dma_start3A_442 : memref<10240x128xf32, #tpu.memory_space<vmem_shared>>) offsets(%dma_start3A_439 : memref<128xi32, #tpu.memory_space<vmem>>) semaphore(%run_scoped3A_7 : memref<!tpu.dma_semaphore, #tpu.memory_space<semaphore_mem>>) {add = true}
      %dma_start3A_443 = arith.constant 10 : i32
      %dma_start3A_444 = arith.constant 0 : i32
      %dma_start3A_445 = tpu.memref_slice %arg8[%dma_start3A_443, %dma_start3A_444] : memref<16x128xi32, #tpu.memory_space<vmem>> -> memref<1x128xi32, #tpu.memory_space<vmem>>
      %dma_start3A_446 = tpu.memref_squeeze %dma_start3A_445 : memref<1x128xi32, #tpu.memory_space<vmem>> -> memref<128xi32, #tpu.memory_space<vmem>>
      %dma_start3A_447 = arith.constant 0 : i32
      %dma_start3A_448 = arith.constant 0 : i32
      %dma_start3A_449 = tpu.memref_slice %arg6[%dma_start3A_447, %dma_start3A_448] : memref<10240x128xf32, #tpu.memory_space<vmem_shared>> -> memref<10240x128xf32, #tpu.memory_space<vmem_shared>>
      tpu.enqueue_indirect_dma source(%arg7 : memref<128x128xf32, #tpu.memory_space<vmem>>) target(%dma_start3A_449 : memref<10240x128xf32, #tpu.memory_space<vmem_shared>>) offsets(%dma_start3A_446 : memref<128xi32, #tpu.memory_space<vmem>>) semaphore(%run_scoped3A_7 : memref<!tpu.dma_semaphore, #tpu.memory_space<semaphore_mem>>) {add = true}
      %dma_start3A_450 = arith.constant 11 : i32
      %dma_start3A_451 = arith.constant 0 : i32
      %dma_start3A_452 = tpu.memref_slice %arg8[%dma_start3A_450, %dma_start3A_451] : memref<16x128xi32, #tpu.memory_space<vmem>> -> memref<1x128xi32, #tpu.memory_space<vmem>>
      %dma_start3A_453 = tpu.memref_squeeze %dma_start3A_452 : memref<1x128xi32, #tpu.memory_space<vmem>> -> memref<128xi32, #tpu.memory_space<vmem>>
      %dma_start3A_454 = arith.constant 0 : i32
      %dma_start3A_455 = arith.constant 0 : i32
      %dma_start3A_456 = tpu.memref_slice %arg6[%dma_start3A_454, %dma_start3A_455] : memref<10240x128xf32, #tpu.memory_space<vmem_shared>> -> memref<10240x128xf32, #tpu.memory_space<vmem_shared>>
      tpu.enqueue_indirect_dma source(%arg7 : memref<128x128xf32, #tpu.memory_space<vmem>>) target(%dma_start3A_456 : memref<10240x128xf32, #tpu.memory_space<vmem_shared>>) offsets(%dma_start3A_453 : memref<128xi32, #tpu.memory_space<vmem>>) semaphore(%run_scoped3A_7 : memref<!tpu.dma_semaphore, #tpu.memory_space<semaphore_mem>>) {add = true}
      %dma_start3A_457 = arith.constant 12 : i32
      %dma_start3A_458 = arith.constant 0 : i32
      %dma_start3A_459 = tpu.memref_slice %arg8[%dma_start3A_457, %dma_start3A_458] : memref<16x128xi32, #tpu.memory_space<vmem>> -> memref<1x128xi32, #tpu.memory_space<vmem>>
      %dma_start3A_460 = tpu.memref_squeeze %dma_start3A_459 : memref<1x128xi32, #tpu.memory_space<vmem>> -> memref<128xi32, #tpu.memory_space<vmem>>
      %dma_start3A_461 = arith.constant 0 : i32
      %dma_start3A_462 = arith.constant 0 : i32
      %dma_start3A_463 = tpu.memref_slice %arg6[%dma_start3A_461, %dma_start3A_462] : memref<10240x128xf32, #tpu.memory_space<vmem_shared>> -> memref<10240x128xf32, #tpu.memory_space<vmem_shared>>
      tpu.enqueue_indirect_dma source(%arg7 : memref<128x128xf32, #tpu.memory_space<vmem>>) target(%dma_start3A_463 : memref<10240x128xf32, #tpu.memory_space<vmem_shared>>) offsets(%dma_start3A_460 : memref<128xi32, #tpu.memory_space<vmem>>) semaphore(%run_scoped3A_7 : memref<!tpu.dma_semaphore, #tpu.memory_space<semaphore_mem>>) {add = true}
      %dma_start3A_464 = arith.constant 13 : i32
      %dma_start3A_465 = arith.constant 0 : i32
      %dma_start3A_466 = tpu.memref_slice %arg8[%dma_start3A_464, %dma_start3A_465] : memref<16x128xi32, #tpu.memory_space<vmem>> -> memref<1x128xi32, #tpu.memory_space<vmem>>
      %dma_start3A_467 = tpu.memref_squeeze %dma_start3A_466 : memref<1x128xi32, #tpu.memory_space<vmem>> -> memref<128xi32, #tpu.memory_space<vmem>>
      %dma_start3A_468 = arith.constant 0 : i32
      %dma_start3A_469 = arith.constant 0 : i32
      %dma_start3A_470 = tpu.memref_slice %arg6[%dma_start3A_468, %dma_start3A_469] : memref<10240x128xf32, #tpu.memory_space<vmem_shared>> -> memref<10240x128xf32, #tpu.memory_space<vmem_shared>>
      tpu.enqueue_indirect_dma source(%arg7 : memref<128x128xf32, #tpu.memory_space<vmem>>) target(%dma_start3A_470 : memref<10240x128xf32, #tpu.memory_space<vmem_shared>>) offsets(%dma_start3A_467 : memref<128xi32, #tpu.memory_space<vmem>>) semaphore(%run_scoped3A_7 : memref<!tpu.dma_semaphore, #tpu.memory_space<semaphore_mem>>) {add = true}
      %dma_start3A_471 = arith.constant 14 : i32
      %dma_start3A_472 = arith.constant 0 : i32
      %dma_start3A_473 = tpu.memref_slice %arg8[%dma_start3A_471, %dma_start3A_472] : memref<16x128xi32, #tpu.memory_space<vmem>> -> memref<1x128xi32, #tpu.memory_space<vmem>>
      %dma_start3A_474 = tpu.memref_squeeze %dma_start3A_473 : memref<1x128xi32, #tpu.memory_space<vmem>> -> memref<128xi32, #tpu.memory_space<vmem>>
      %dma_start3A_475 = arith.constant 0 : i32
      %dma_start3A_476 = arith.constant 0 : i32
      %dma_start3A_477 = tpu.memref_slice %arg6[%dma_start3A_475, %dma_start3A_476] : memref<10240x128xf32, #tpu.memory_space<vmem_shared>> -> memref<10240x128xf32, #tpu.memory_space<vmem_shared>>
      tpu.enqueue_indirect_dma source(%arg7 : memref<128x128xf32, #tpu.memory_space<vmem>>) target(%dma_start3A_477 : memref<10240x128xf32, #tpu.memory_space<vmem_shared>>) offsets(%dma_start3A_474 : memref<128xi32, #tpu.memory_space<vmem>>) semaphore(%run_scoped3A_7 : memref<!tpu.dma_semaphore, #tpu.memory_space<semaphore_mem>>) {add = true}
      %add3A_478 = arith.constant 4 : i32
      %add3A_479 = arith.addi %mul3A_4, %add3A_478 : i32
      %dma_wait3A_480 = arith.constant 0 : i32
      %dma_wait3A_481 = arith.constant 0 : i32
      %dma_wait3A_482 = tpu.memref_slice %arg8[%dma_wait3A_480, %dma_wait3A_481] : memref<16x128xi32, #tpu.memory_space<vmem>> -> memref<8x128xi32, #tpu.memory_space<vmem>>
      %dma_wait3A_483 = arith.constant 0 : i32
      %dma_wait3A_484 = arith.constant 0 : i32
      %dma_wait3A_485 = tpu.memref_slice %arg2[%add3A_479, %dma_wait3A_483, %dma_wait3A_484] : memref<192x8x128xi32, #tpu.memory_space<hbm>> -> memref<1x8x128xi32, #tpu.memory_space<hbm>>
      %dma_wait3A_486 = tpu.memref_squeeze %dma_wait3A_485 : memref<1x8x128xi32, #tpu.memory_space<hbm>> -> memref<8x128xi32, #tpu.memory_space<hbm>>
      %dma_wait3A_487 = arith.constant 0 : i32
      %dma_wait3A_488 = arith.constant 0 : i32
      %dma_wait3A_489 = tpu.memref_slice %arg8[%dma_wait3A_487, %dma_wait3A_488] : memref<16x128xi32, #tpu.memory_space<vmem>> -> memref<8x128xi32, #tpu.memory_space<vmem>>
      %dma_wait3A_490 = arith.constant 0 : i32
      %dma_wait3A_491 = arith.constant 0 : i32
      %dma_wait3A_492 = tpu.memref_slice %arg2[%add3A_479, %dma_wait3A_490, %dma_wait3A_491] : memref<192x8x128xi32, #tpu.memory_space<hbm>> -> memref<1x8x128xi32, #tpu.memory_space<hbm>>
      %dma_wait3A_493 = tpu.memref_squeeze %dma_wait3A_492 : memref<1x8x128xi32, #tpu.memory_space<hbm>> -> memref<8x128xi32, #tpu.memory_space<hbm>>
      tpu.wait_dma2 semaphore(%run_scoped3A : memref<!tpu.dma_semaphore, #tpu.memory_space<semaphore_mem>>) src(%dma_wait3A_493 : memref<8x128xi32, #tpu.memory_space<hbm>>) dst(%dma_wait3A_489 : memref<8x128xi32, #tpu.memory_space<vmem>>)
      %dma_wait3A_494 = arith.constant 0 : i32
      %dma_wait3A_495 = arith.constant 0 : i32
      %dma_wait3A_496 = tpu.memref_slice %arg6[%dma_wait3A_494, %dma_wait3A_495] : memref<10240x128xf32, #tpu.memory_space<vmem_shared>> -> memref<128x128xf32, #tpu.memory_space<vmem_shared>>
      %dma_wait3A_497 = arith.constant 0 : i32
      %dma_wait3A_498 = arith.constant 0 : i32
      %dma_wait3A_499 = tpu.memref_slice %arg6[%dma_wait3A_497, %dma_wait3A_498] : memref<10240x128xf32, #tpu.memory_space<vmem_shared>> -> memref<128x128xf32, #tpu.memory_space<vmem_shared>>
      tpu.wait_dma2 semaphore(%run_scoped3A_7 : memref<!tpu.dma_semaphore, #tpu.memory_space<semaphore_mem>>) src(%arg7 : memref<128x128xf32, #tpu.memory_space<vmem>>) dst(%dma_wait3A_499 : memref<128x128xf32, #tpu.memory_space<vmem_shared>>)
      %dma_wait3A_500 = arith.constant 0 : i32
      %dma_wait3A_501 = arith.constant 0 : i32
      %dma_wait3A_502 = tpu.memref_slice %arg6[%dma_wait3A_500, %dma_wait3A_501] : memref<10240x128xf32, #tpu.memory_space<vmem_shared>> -> memref<128x128xf32, #tpu.memory_space<vmem_shared>>
      %dma_wait3A_503 = arith.constant 0 : i32
      %dma_wait3A_504 = arith.constant 0 : i32
      %dma_wait3A_505 = tpu.memref_slice %arg6[%dma_wait3A_503, %dma_wait3A_504] : memref<10240x128xf32, #tpu.memory_space<vmem_shared>> -> memref<128x128xf32, #tpu.memory_space<vmem_shared>>
      tpu.wait_dma2 semaphore(%run_scoped3A_7 : memref<!tpu.dma_semaphore, #tpu.memory_space<semaphore_mem>>) src(%arg7 : memref<128x128xf32, #tpu.memory_space<vmem>>) dst(%dma_wait3A_505 : memref<128x128xf32, #tpu.memory_space<vmem_shared>>)
      %dma_wait3A_506 = arith.constant 0 : i32
      %dma_wait3A_507 = arith.constant 0 : i32
      %dma_wait3A_508 = tpu.memref_slice %arg6[%dma_wait3A_506, %dma_wait3A_507] : memref<10240x128xf32, #tpu.memory_space<vmem_shared>> -> memref<128x128xf32, #tpu.memory_space<vmem_shared>>
      %dma_wait3A_509 = arith.constant 0 : i32
      %dma_wait3A_510 = arith.constant 0 : i32
      %dma_wait3A_511 = tpu.memref_slice %arg6[%dma_wait3A_509, %dma_wait3A_510] : memref<10240x128xf32, #tpu.memory_space<vmem_shared>> -> memref<128x128xf32, #tpu.memory_space<vmem_shared>>
      tpu.wait_dma2 semaphore(%run_scoped3A_7 : memref<!tpu.dma_semaphore, #tpu.memory_space<semaphore_mem>>) src(%arg7 : memref<128x128xf32, #tpu.memory_space<vmem>>) dst(%dma_wait3A_511 : memref<128x128xf32, #tpu.memory_space<vmem_shared>>)
      %dma_wait3A_512 = arith.constant 0 : i32
      %dma_wait3A_513 = arith.constant 0 : i32
      %dma_wait3A_514 = tpu.memref_slice %arg6[%dma_wait3A_512, %dma_wait3A_513] : memref<10240x128xf32, #tpu.memory_space<vmem_shared>> -> memref<128x128xf32, #tpu.memory_space<vmem_shared>>
      %dma_wait3A_515 = arith.constant 0 : i32
      %dma_wait3A_516 = arith.constant 0 : i32
      %dma_wait3A_517 = tpu.memref_slice %arg6[%dma_wait3A_515, %dma_wait3A_516] : memref<10240x128xf32, #tpu.memory_space<vmem_shared>> -> memref<128x128xf32, #tpu.memory_space<vmem_shared>>
      tpu.wait_dma2 semaphore(%run_scoped3A_7 : memref<!tpu.dma_semaphore, #tpu.memory_space<semaphore_mem>>) src(%arg7 : memref<128x128xf32, #tpu.memory_space<vmem>>) dst(%dma_wait3A_517 : memref<128x128xf32, #tpu.memory_space<vmem_shared>>)
      %dma_wait3A_518 = arith.constant 0 : i32
      %dma_wait3A_519 = arith.constant 0 : i32
      %dma_wait3A_520 = tpu.memref_slice %arg6[%dma_wait3A_518, %dma_wait3A_519] : memref<10240x128xf32, #tpu.memory_space<vmem_shared>> -> memref<128x128xf32, #tpu.memory_space<vmem_shared>>
      %dma_wait3A_521 = arith.constant 0 : i32
      %dma_wait3A_522 = arith.constant 0 : i32
      %dma_wait3A_523 = tpu.memref_slice %arg6[%dma_wait3A_521, %dma_wait3A_522] : memref<10240x128xf32, #tpu.memory_space<vmem_shared>> -> memref<128x128xf32, #tpu.memory_space<vmem_shared>>
      tpu.wait_dma2 semaphore(%run_scoped3A_7 : memref<!tpu.dma_semaphore, #tpu.memory_space<semaphore_mem>>) src(%arg7 : memref<128x128xf32, #tpu.memory_space<vmem>>) dst(%dma_wait3A_523 : memref<128x128xf32, #tpu.memory_space<vmem_shared>>)
      %dma_wait3A_524 = arith.constant 0 : i32
      %dma_wait3A_525 = arith.constant 0 : i32
      %dma_wait3A_526 = tpu.memref_slice %arg6[%dma_wait3A_524, %dma_wait3A_525] : memref<10240x128xf32, #tpu.memory_space<vmem_shared>> -> memref<128x128xf32, #tpu.memory_space<vmem_shared>>
      %dma_wait3A_527 = arith.constant 0 : i32
      %dma_wait3A_528 = arith.constant 0 : i32
      %dma_wait3A_529 = tpu.memref_slice %arg6[%dma_wait3A_527, %dma_wait3A_528] : memref<10240x128xf32, #tpu.memory_space<vmem_shared>> -> memref<128x128xf32, #tpu.memory_space<vmem_shared>>
      tpu.wait_dma2 semaphore(%run_scoped3A_7 : memref<!tpu.dma_semaphore, #tpu.memory_space<semaphore_mem>>) src(%arg7 : memref<128x128xf32, #tpu.memory_space<vmem>>) dst(%dma_wait3A_529 : memref<128x128xf32, #tpu.memory_space<vmem_shared>>)
      %dma_wait3A_530 = arith.constant 0 : i32
      %dma_wait3A_531 = arith.constant 0 : i32
      %dma_wait3A_532 = tpu.memref_slice %arg6[%dma_wait3A_530, %dma_wait3A_531] : memref<10240x128xf32, #tpu.memory_space<vmem_shared>> -> memref<128x128xf32, #tpu.memory_space<vmem_shared>>
      %dma_wait3A_533 = arith.constant 0 : i32
      %dma_wait3A_534 = arith.constant 0 : i32
      %dma_wait3A_535 = tpu.memref_slice %arg6[%dma_wait3A_533, %dma_wait3A_534] : memref<10240x128xf32, #tpu.memory_space<vmem_shared>> -> memref<128x128xf32, #tpu.memory_space<vmem_shared>>
      tpu.wait_dma2 semaphore(%run_scoped3A_7 : memref<!tpu.dma_semaphore, #tpu.memory_space<semaphore_mem>>) src(%arg7 : memref<128x128xf32, #tpu.memory_space<vmem>>) dst(%dma_wait3A_535 : memref<128x128xf32, #tpu.memory_space<vmem_shared>>)
      %add3A_536 = arith.constant 4 : i32
      %add3A_537 = arith.addi %mul3A_4, %add3A_536 : i32
      %add3A_538 = arith.constant 1 : i32
      %add3A_539 = arith.addi %add3A_537, %add3A_538 : i32
      %dma_start3A_540 = arith.constant 8 : i32
      %dma_start3A_541 = arith.constant 0 : i32
      %dma_start3A_542 = tpu.memref_slice %arg8[%dma_start3A_540, %dma_start3A_541] : memref<16x128xi32, #tpu.memory_space<vmem>> -> memref<8x128xi32, #tpu.memory_space<vmem>>
      %dma_start3A_543 = arith.constant 0 : i32
      %dma_start3A_544 = arith.constant 0 : i32
      %dma_start3A_545 = tpu.memref_slice %arg2[%add3A_539, %dma_start3A_543, %dma_start3A_544] : memref<192x8x128xi32, #tpu.memory_space<hbm>> -> memref<1x8x128xi32, #tpu.memory_space<hbm>>
      %dma_start3A_546 = tpu.memref_squeeze %dma_start3A_545 : memref<1x8x128xi32, #tpu.memory_space<hbm>> -> memref<8x128xi32, #tpu.memory_space<hbm>>
      %dma_start3A_547 = arith.constant 8 : i32
      %dma_start3A_548 = arith.constant 0 : i32
      %dma_start3A_549 = tpu.memref_slice %arg8[%dma_start3A_547, %dma_start3A_548] : memref<16x128xi32, #tpu.memory_space<vmem>> -> memref<8x128xi32, #tpu.memory_space<vmem>>
      %dma_start3A_550 = arith.constant 0 : i32
      %dma_start3A_551 = arith.constant 0 : i32
      %dma_start3A_552 = tpu.memref_slice %arg2[%add3A_539, %dma_start3A_550, %dma_start3A_551] : memref<192x8x128xi32, #tpu.memory_space<hbm>> -> memref<1x8x128xi32, #tpu.memory_space<hbm>>
      %dma_start3A_553 = tpu.memref_squeeze %dma_start3A_552 : memref<1x8x128xi32, #tpu.memory_space<hbm>> -> memref<8x128xi32, #tpu.memory_space<hbm>>
      tpu.enqueue_dma source(%dma_start3A_553 : memref<8x128xi32, #tpu.memory_space<hbm>>) target(%dma_start3A_549 : memref<8x128xi32, #tpu.memory_space<vmem>>) target_semaphore(%run_scoped3A_5 : memref<!tpu.dma_semaphore, #tpu.memory_space<semaphore_mem>>)
      %dma_start3A_554 = arith.constant 0 : i32
      %dma_start3A_555 = arith.constant 0 : i32
      %dma_start3A_556 = tpu.memref_slice %arg8[%dma_start3A_554, %dma_start3A_555] : memref<16x128xi32, #tpu.memory_space<vmem>> -> memref<1x128xi32, #tpu.memory_space<vmem>>
      %dma_start3A_557 = tpu.memref_squeeze %dma_start3A_556 : memref<1x128xi32, #tpu.memory_space<vmem>> -> memref<128xi32, #tpu.memory_space<vmem>>
      %dma_start3A_558 = arith.constant 0 : i32
      %dma_start3A_559 = arith.constant 0 : i32
      %dma_start3A_560 = tpu.memref_slice %arg6[%dma_start3A_558, %dma_start3A_559] : memref<10240x128xf32, #tpu.memory_space<vmem_shared>> -> memref<10240x128xf32, #tpu.memory_space<vmem_shared>>
      tpu.enqueue_indirect_dma source(%arg7 : memref<128x128xf32, #tpu.memory_space<vmem>>) target(%dma_start3A_560 : memref<10240x128xf32, #tpu.memory_space<vmem_shared>>) offsets(%dma_start3A_557 : memref<128xi32, #tpu.memory_space<vmem>>) semaphore(%run_scoped3A_6 : memref<!tpu.dma_semaphore, #tpu.memory_space<semaphore_mem>>) {add = true}
      %dma_start3A_561 = arith.constant 1 : i32
      %dma_start3A_562 = arith.constant 0 : i32
      %dma_start3A_563 = tpu.memref_slice %arg8[%dma_start3A_561, %dma_start3A_562] : memref<16x128xi32, #tpu.memory_space<vmem>> -> memref<1x128xi32, #tpu.memory_space<vmem>>
      %dma_start3A_564 = tpu.memref_squeeze %dma_start3A_563 : memref<1x128xi32, #tpu.memory_space<vmem>> -> memref<128xi32, #tpu.memory_space<vmem>>
      %dma_start3A_565 = arith.constant 0 : i32
      %dma_start3A_566 = arith.constant 0 : i32
      %dma_start3A_567 = tpu.memref_slice %arg6[%dma_start3A_565, %dma_start3A_566] : memref<10240x128xf32, #tpu.memory_space<vmem_shared>> -> memref<10240x128xf32, #tpu.memory_space<vmem_shared>>
      tpu.enqueue_indirect_dma source(%arg7 : memref<128x128xf32, #tpu.memory_space<vmem>>) target(%dma_start3A_567 : memref<10240x128xf32, #tpu.memory_space<vmem_shared>>) offsets(%dma_start3A_564 : memref<128xi32, #tpu.memory_space<vmem>>) semaphore(%run_scoped3A_6 : memref<!tpu.dma_semaphore, #tpu.memory_space<semaphore_mem>>) {add = true}
      %dma_start3A_568 = arith.constant 2 : i32
      %dma_start3A_569 = arith.constant 0 : i32
      %dma_start3A_570 = tpu.memref_slice %arg8[%dma_start3A_568, %dma_start3A_569] : memref<16x128xi32, #tpu.memory_space<vmem>> -> memref<1x128xi32, #tpu.memory_space<vmem>>
      %dma_start3A_571 = tpu.memref_squeeze %dma_start3A_570 : memref<1x128xi32, #tpu.memory_space<vmem>> -> memref<128xi32, #tpu.memory_space<vmem>>
      %dma_start3A_572 = arith.constant 0 : i32
      %dma_start3A_573 = arith.constant 0 : i32
      %dma_start3A_574 = tpu.memref_slice %arg6[%dma_start3A_572, %dma_start3A_573] : memref<10240x128xf32, #tpu.memory_space<vmem_shared>> -> memref<10240x128xf32, #tpu.memory_space<vmem_shared>>
      tpu.enqueue_indirect_dma source(%arg7 : memref<128x128xf32, #tpu.memory_space<vmem>>) target(%dma_start3A_574 : memref<10240x128xf32, #tpu.memory_space<vmem_shared>>) offsets(%dma_start3A_571 : memref<128xi32, #tpu.memory_space<vmem>>) semaphore(%run_scoped3A_6 : memref<!tpu.dma_semaphore, #tpu.memory_space<semaphore_mem>>) {add = true}
      %dma_start3A_575 = arith.constant 3 : i32
      %dma_start3A_576 = arith.constant 0 : i32
      %dma_start3A_577 = tpu.memref_slice %arg8[%dma_start3A_575, %dma_start3A_576] : memref<16x128xi32, #tpu.memory_space<vmem>> -> memref<1x128xi32, #tpu.memory_space<vmem>>
      %dma_start3A_578 = tpu.memref_squeeze %dma_start3A_577 : memref<1x128xi32, #tpu.memory_space<vmem>> -> memref<128xi32, #tpu.memory_space<vmem>>
      %dma_start3A_579 = arith.constant 0 : i32
      %dma_start3A_580 = arith.constant 0 : i32
      %dma_start3A_581 = tpu.memref_slice %arg6[%dma_start3A_579, %dma_start3A_580] : memref<10240x128xf32, #tpu.memory_space<vmem_shared>> -> memref<10240x128xf32, #tpu.memory_space<vmem_shared>>
      tpu.enqueue_indirect_dma source(%arg7 : memref<128x128xf32, #tpu.memory_space<vmem>>) target(%dma_start3A_581 : memref<10240x128xf32, #tpu.memory_space<vmem_shared>>) offsets(%dma_start3A_578 : memref<128xi32, #tpu.memory_space<vmem>>) semaphore(%run_scoped3A_6 : memref<!tpu.dma_semaphore, #tpu.memory_space<semaphore_mem>>) {add = true}
      %dma_start3A_582 = arith.constant 4 : i32
      %dma_start3A_583 = arith.constant 0 : i32
      %dma_start3A_584 = tpu.memref_slice %arg8[%dma_start3A_582, %dma_start3A_583] : memref<16x128xi32, #tpu.memory_space<vmem>> -> memref<1x128xi32, #tpu.memory_space<vmem>>
      %dma_start3A_585 = tpu.memref_squeeze %dma_start3A_584 : memref<1x128xi32, #tpu.memory_space<vmem>> -> memref<128xi32, #tpu.memory_space<vmem>>
      %dma_start3A_586 = arith.constant 0 : i32
      %dma_start3A_587 = arith.constant 0 : i32
      %dma_start3A_588 = tpu.memref_slice %arg6[%dma_start3A_586, %dma_start3A_587] : memref<10240x128xf32, #tpu.memory_space<vmem_shared>> -> memref<10240x128xf32, #tpu.memory_space<vmem_shared>>
      tpu.enqueue_indirect_dma source(%arg7 : memref<128x128xf32, #tpu.memory_space<vmem>>) target(%dma_start3A_588 : memref<10240x128xf32, #tpu.memory_space<vmem_shared>>) offsets(%dma_start3A_585 : memref<128xi32, #tpu.memory_space<vmem>>) semaphore(%run_scoped3A_6 : memref<!tpu.dma_semaphore, #tpu.memory_space<semaphore_mem>>) {add = true}
      %dma_start3A_589 = arith.constant 5 : i32
      %dma_start3A_590 = arith.constant 0 : i32
      %dma_start3A_591 = tpu.memref_slice %arg8[%dma_start3A_589, %dma_start3A_590] : memref<16x128xi32, #tpu.memory_space<vmem>> -> memref<1x128xi32, #tpu.memory_space<vmem>>
      %dma_start3A_592 = tpu.memref_squeeze %dma_start3A_591 : memref<1x128xi32, #tpu.memory_space<vmem>> -> memref<128xi32, #tpu.memory_space<vmem>>
      %dma_start3A_593 = arith.constant 0 : i32
      %dma_start3A_594 = arith.constant 0 : i32
      %dma_start3A_595 = tpu.memref_slice %arg6[%dma_start3A_593, %dma_start3A_594] : memref<10240x128xf32, #tpu.memory_space<vmem_shared>> -> memref<10240x128xf32, #tpu.memory_space<vmem_shared>>
      tpu.enqueue_indirect_dma source(%arg7 : memref<128x128xf32, #tpu.memory_space<vmem>>) target(%dma_start3A_595 : memref<10240x128xf32, #tpu.memory_space<vmem_shared>>) offsets(%dma_start3A_592 : memref<128xi32, #tpu.memory_space<vmem>>) semaphore(%run_scoped3A_6 : memref<!tpu.dma_semaphore, #tpu.memory_space<semaphore_mem>>) {add = true}
      %dma_start3A_596 = arith.constant 6 : i32
      %dma_start3A_597 = arith.constant 0 : i32
      %dma_start3A_598 = tpu.memref_slice %arg8[%dma_start3A_596, %dma_start3A_597] : memref<16x128xi32, #tpu.memory_space<vmem>> -> memref<1x128xi32, #tpu.memory_space<vmem>>
      %dma_start3A_599 = tpu.memref_squeeze %dma_start3A_598 : memref<1x128xi32, #tpu.memory_space<vmem>> -> memref<128xi32, #tpu.memory_space<vmem>>
      %dma_start3A_600 = arith.constant 0 : i32
      %dma_start3A_601 = arith.constant 0 : i32
      %dma_start3A_602 = tpu.memref_slice %arg6[%dma_start3A_600, %dma_start3A_601] : memref<10240x128xf32, #tpu.memory_space<vmem_shared>> -> memref<10240x128xf32, #tpu.memory_space<vmem_shared>>
      tpu.enqueue_indirect_dma source(%arg7 : memref<128x128xf32, #tpu.memory_space<vmem>>) target(%dma_start3A_602 : memref<10240x128xf32, #tpu.memory_space<vmem_shared>>) offsets(%dma_start3A_599 : memref<128xi32, #tpu.memory_space<vmem>>) semaphore(%run_scoped3A_6 : memref<!tpu.dma_semaphore, #tpu.memory_space<semaphore_mem>>) {add = true}
      %add3A_603 = arith.constant 5 : i32
      %add3A_604 = arith.addi %mul3A_4, %add3A_603 : i32
      %dma_wait3A_605 = arith.constant 8 : i32
      %dma_wait3A_606 = arith.constant 0 : i32
      %dma_wait3A_607 = tpu.memref_slice %arg8[%dma_wait3A_605, %dma_wait3A_606] : memref<16x128xi32, #tpu.memory_space<vmem>> -> memref<8x128xi32, #tpu.memory_space<vmem>>
      %dma_wait3A_608 = arith.constant 0 : i32
      %dma_wait3A_609 = arith.constant 0 : i32
      %dma_wait3A_610 = tpu.memref_slice %arg2[%add3A_604, %dma_wait3A_608, %dma_wait3A_609] : memref<192x8x128xi32, #tpu.memory_space<hbm>> -> memref<1x8x128xi32, #tpu.memory_space<hbm>>
      %dma_wait3A_611 = tpu.memref_squeeze %dma_wait3A_610 : memref<1x8x128xi32, #tpu.memory_space<hbm>> -> memref<8x128xi32, #tpu.memory_space<hbm>>
      %dma_wait3A_612 = arith.constant 8 : i32
      %dma_wait3A_613 = arith.constant 0 : i32
      %dma_wait3A_614 = tpu.memref_slice %arg8[%dma_wait3A_612, %dma_wait3A_613] : memref<16x128xi32, #tpu.memory_space<vmem>> -> memref<8x128xi32, #tpu.memory_space<vmem>>
      %dma_wait3A_615 = arith.constant 0 : i32
      %dma_wait3A_616 = arith.constant 0 : i32
      %dma_wait3A_617 = tpu.memref_slice %arg2[%add3A_604, %dma_wait3A_615, %dma_wait3A_616] : memref<192x8x128xi32, #tpu.memory_space<hbm>> -> memref<1x8x128xi32, #tpu.memory_space<hbm>>
      %dma_wait3A_618 = tpu.memref_squeeze %dma_wait3A_617 : memref<1x8x128xi32, #tpu.memory_space<hbm>> -> memref<8x128xi32, #tpu.memory_space<hbm>>
      tpu.wait_dma2 semaphore(%run_scoped3A_5 : memref<!tpu.dma_semaphore, #tpu.memory_space<semaphore_mem>>) src(%dma_wait3A_618 : memref<8x128xi32, #tpu.memory_space<hbm>>) dst(%dma_wait3A_614 : memref<8x128xi32, #tpu.memory_space<vmem>>)
      %dma_wait3A_619 = arith.constant 0 : i32
      %dma_wait3A_620 = arith.constant 0 : i32
      %dma_wait3A_621 = tpu.memref_slice %arg6[%dma_wait3A_619, %dma_wait3A_620] : memref<10240x128xf32, #tpu.memory_space<vmem_shared>> -> memref<128x128xf32, #tpu.memory_space<vmem_shared>>
      %dma_wait3A_622 = arith.constant 0 : i32
      %dma_wait3A_623 = arith.constant 0 : i32
      %dma_wait3A_624 = tpu.memref_slice %arg6[%dma_wait3A_622, %dma_wait3A_623] : memref<10240x128xf32, #tpu.memory_space<vmem_shared>> -> memref<128x128xf32, #tpu.memory_space<vmem_shared>>
      tpu.wait_dma2 semaphore(%run_scoped3A_6 : memref<!tpu.dma_semaphore, #tpu.memory_space<semaphore_mem>>) src(%arg7 : memref<128x128xf32, #tpu.memory_space<vmem>>) dst(%dma_wait3A_624 : memref<128x128xf32, #tpu.memory_space<vmem_shared>>)
      %dma_wait3A_625 = arith.constant 0 : i32
      %dma_wait3A_626 = arith.constant 0 : i32
      %dma_wait3A_627 = tpu.memref_slice %arg6[%dma_wait3A_625, %dma_wait3A_626] : memref<10240x128xf32, #tpu.memory_space<vmem_shared>> -> memref<128x128xf32, #tpu.memory_space<vmem_shared>>
      %dma_wait3A_628 = arith.constant 0 : i32
      %dma_wait3A_629 = arith.constant 0 : i32
      %dma_wait3A_630 = tpu.memref_slice %arg6[%dma_wait3A_628, %dma_wait3A_629] : memref<10240x128xf32, #tpu.memory_space<vmem_shared>> -> memref<128x128xf32, #tpu.memory_space<vmem_shared>>
      tpu.wait_dma2 semaphore(%run_scoped3A_6 : memref<!tpu.dma_semaphore, #tpu.memory_space<semaphore_mem>>) src(%arg7 : memref<128x128xf32, #tpu.memory_space<vmem>>) dst(%dma_wait3A_630 : memref<128x128xf32, #tpu.memory_space<vmem_shared>>)
      %dma_wait3A_631 = arith.constant 0 : i32
      %dma_wait3A_632 = arith.constant 0 : i32
      %dma_wait3A_633 = tpu.memref_slice %arg6[%dma_wait3A_631, %dma_wait3A_632] : memref<10240x128xf32, #tpu.memory_space<vmem_shared>> -> memref<128x128xf32, #tpu.memory_space<vmem_shared>>
      %dma_wait3A_634 = arith.constant 0 : i32
      %dma_wait3A_635 = arith.constant 0 : i32
      %dma_wait3A_636 = tpu.memref_slice %arg6[%dma_wait3A_634, %dma_wait3A_635] : memref<10240x128xf32, #tpu.memory_space<vmem_shared>> -> memref<128x128xf32, #tpu.memory_space<vmem_shared>>
      tpu.wait_dma2 semaphore(%run_scoped3A_6 : memref<!tpu.dma_semaphore, #tpu.memory_space<semaphore_mem>>) src(%arg7 : memref<128x128xf32, #tpu.memory_space<vmem>>) dst(%dma_wait3A_636 : memref<128x128xf32, #tpu.memory_space<vmem_shared>>)
      %dma_wait3A_637 = arith.constant 0 : i32
      %dma_wait3A_638 = arith.constant 0 : i32
      %dma_wait3A_639 = tpu.memref_slice %arg6[%dma_wait3A_637, %dma_wait3A_638] : memref<10240x128xf32, #tpu.memory_space<vmem_shared>> -> memref<128x128xf32, #tpu.memory_space<vmem_shared>>
      %dma_wait3A_640 = arith.constant 0 : i32
      %dma_wait3A_641 = arith.constant 0 : i32
      %dma_wait3A_642 = tpu.memref_slice %arg6[%dma_wait3A_640, %dma_wait3A_641] : memref<10240x128xf32, #tpu.memory_space<vmem_shared>> -> memref<128x128xf32, #tpu.memory_space<vmem_shared>>
      tpu.wait_dma2 semaphore(%run_scoped3A_6 : memref<!tpu.dma_semaphore, #tpu.memory_space<semaphore_mem>>) src(%arg7 : memref<128x128xf32, #tpu.memory_space<vmem>>) dst(%dma_wait3A_642 : memref<128x128xf32, #tpu.memory_space<vmem_shared>>)
      %dma_wait3A_643 = arith.constant 0 : i32
      %dma_wait3A_644 = arith.constant 0 : i32
      %dma_wait3A_645 = tpu.memref_slice %arg6[%dma_wait3A_643, %dma_wait3A_644] : memref<10240x128xf32, #tpu.memory_space<vmem_shared>> -> memref<128x128xf32, #tpu.memory_space<vmem_shared>>
      %dma_wait3A_646 = arith.constant 0 : i32
      %dma_wait3A_647 = arith.constant 0 : i32
      %dma_wait3A_648 = tpu.memref_slice %arg6[%dma_wait3A_646, %dma_wait3A_647] : memref<10240x128xf32, #tpu.memory_space<vmem_shared>> -> memref<128x128xf32, #tpu.memory_space<vmem_shared>>
      tpu.wait_dma2 semaphore(%run_scoped3A_6 : memref<!tpu.dma_semaphore, #tpu.memory_space<semaphore_mem>>) src(%arg7 : memref<128x128xf32, #tpu.memory_space<vmem>>) dst(%dma_wait3A_648 : memref<128x128xf32, #tpu.memory_space<vmem_shared>>)
      %dma_wait3A_649 = arith.constant 0 : i32
      %dma_wait3A_650 = arith.constant 0 : i32
      %dma_wait3A_651 = tpu.memref_slice %arg6[%dma_wait3A_649, %dma_wait3A_650] : memref<10240x128xf32, #tpu.memory_space<vmem_shared>> -> memref<128x128xf32, #tpu.memory_space<vmem_shared>>
      %dma_wait3A_652 = arith.constant 0 : i32
      %dma_wait3A_653 = arith.constant 0 : i32
      %dma_wait3A_654 = tpu.memref_slice %arg6[%dma_wait3A_652, %dma_wait3A_653] : memref<10240x128xf32, #tpu.memory_space<vmem_shared>> -> memref<128x128xf32, #tpu.memory_space<vmem_shared>>
      tpu.wait_dma2 semaphore(%run_scoped3A_6 : memref<!tpu.dma_semaphore, #tpu.memory_space<semaphore_mem>>) src(%arg7 : memref<128x128xf32, #tpu.memory_space<vmem>>) dst(%dma_wait3A_654 : memref<128x128xf32, #tpu.memory_space<vmem_shared>>)
      %dma_wait3A_655 = arith.constant 0 : i32
      %dma_wait3A_656 = arith.constant 0 : i32
      %dma_wait3A_657 = tpu.memref_slice %arg6[%dma_wait3A_655, %dma_wait3A_656] : memref<10240x128xf32, #tpu.memory_space<vmem_shared>> -> memref<128x128xf32, #tpu.memory_space<vmem_shared>>
      %dma_wait3A_658 = arith.constant 0 : i32
      %dma_wait3A_659 = arith.constant 0 : i32
      %dma_wait3A_660 = tpu.memref_slice %arg6[%dma_wait3A_658, %dma_wait3A_659] : memref<10240x128xf32, #tpu.memory_space<vmem_shared>> -> memref<128x128xf32, #tpu.memory_space<vmem_shared>>
      tpu.wait_dma2 semaphore(%run_scoped3A_6 : memref<!tpu.dma_semaphore, #tpu.memory_space<semaphore_mem>>) src(%arg7 : memref<128x128xf32, #tpu.memory_space<vmem>>) dst(%dma_wait3A_660 : memref<128x128xf32, #tpu.memory_space<vmem_shared>>)
      %dma_start3A_661 = arith.constant 8 : i32
      %dma_start3A_662 = arith.constant 0 : i32
      %dma_start3A_663 = tpu.memref_slice %arg8[%dma_start3A_661, %dma_start3A_662] : memref<16x128xi32, #tpu.memory_space<vmem>> -> memref<1x128xi32, #tpu.memory_space<vmem>>
      %dma_start3A_664 = tpu.memref_squeeze %dma_start3A_663 : memref<1x128xi32, #tpu.memory_space<vmem>> -> memref<128xi32, #tpu.memory_space<vmem>>
      %dma_start3A_665 = arith.constant 0 : i32
      %dma_start3A_666 = arith.constant 0 : i32
      %dma_start3A_667 = tpu.memref_slice %arg6[%dma_start3A_665, %dma_start3A_666] : memref<10240x128xf32, #tpu.memory_space<vmem_shared>> -> memref<10240x128xf32, #tpu.memory_space<vmem_shared>>
      tpu.enqueue_indirect_dma source(%arg7 : memref<128x128xf32, #tpu.memory_space<vmem>>) target(%dma_start3A_667 : memref<10240x128xf32, #tpu.memory_space<vmem_shared>>) offsets(%dma_start3A_664 : memref<128xi32, #tpu.memory_space<vmem>>) semaphore(%run_scoped3A_7 : memref<!tpu.dma_semaphore, #tpu.memory_space<semaphore_mem>>) {add = true}
      %dma_start3A_668 = arith.constant 9 : i32
      %dma_start3A_669 = arith.constant 0 : i32
      %dma_start3A_670 = tpu.memref_slice %arg8[%dma_start3A_668, %dma_start3A_669] : memref<16x128xi32, #tpu.memory_space<vmem>> -> memref<1x128xi32, #tpu.memory_space<vmem>>
      %dma_start3A_671 = tpu.memref_squeeze %dma_start3A_670 : memref<1x128xi32, #tpu.memory_space<vmem>> -> memref<128xi32, #tpu.memory_space<vmem>>
      %dma_start3A_672 = arith.constant 0 : i32
      %dma_start3A_673 = arith.constant 0 : i32
      %dma_start3A_674 = tpu.memref_slice %arg6[%dma_start3A_672, %dma_start3A_673] : memref<10240x128xf32, #tpu.memory_space<vmem_shared>> -> memref<10240x128xf32, #tpu.memory_space<vmem_shared>>
      tpu.enqueue_indirect_dma source(%arg7 : memref<128x128xf32, #tpu.memory_space<vmem>>) target(%dma_start3A_674 : memref<10240x128xf32, #tpu.memory_space<vmem_shared>>) offsets(%dma_start3A_671 : memref<128xi32, #tpu.memory_space<vmem>>) semaphore(%run_scoped3A_7 : memref<!tpu.dma_semaphore, #tpu.memory_space<semaphore_mem>>) {add = true}
      %dma_start3A_675 = arith.constant 10 : i32
      %dma_start3A_676 = arith.constant 0 : i32
      %dma_start3A_677 = tpu.memref_slice %arg8[%dma_start3A_675, %dma_start3A_676] : memref<16x128xi32, #tpu.memory_space<vmem>> -> memref<1x128xi32, #tpu.memory_space<vmem>>
      %dma_start3A_678 = tpu.memref_squeeze %dma_start3A_677 : memref<1x128xi32, #tpu.memory_space<vmem>> -> memref<128xi32, #tpu.memory_space<vmem>>
      %dma_start3A_679 = arith.constant 0 : i32
      %dma_start3A_680 = arith.constant 0 : i32
      %dma_start3A_681 = tpu.memref_slice %arg6[%dma_start3A_679, %dma_start3A_680] : memref<10240x128xf32, #tpu.memory_space<vmem_shared>> -> memref<10240x128xf32, #tpu.memory_space<vmem_shared>>
      tpu.enqueue_indirect_dma source(%arg7 : memref<128x128xf32, #tpu.memory_space<vmem>>) target(%dma_start3A_681 : memref<10240x128xf32, #tpu.memory_space<vmem_shared>>) offsets(%dma_start3A_678 : memref<128xi32, #tpu.memory_space<vmem>>) semaphore(%run_scoped3A_7 : memref<!tpu.dma_semaphore, #tpu.memory_space<semaphore_mem>>) {add = true}
      %dma_start3A_682 = arith.constant 11 : i32
      %dma_start3A_683 = arith.constant 0 : i32
      %dma_start3A_684 = tpu.memref_slice %arg8[%dma_start3A_682, %dma_start3A_683] : memref<16x128xi32, #tpu.memory_space<vmem>> -> memref<1x128xi32, #tpu.memory_space<vmem>>
      %dma_start3A_685 = tpu.memref_squeeze %dma_start3A_684 : memref<1x128xi32, #tpu.memory_space<vmem>> -> memref<128xi32, #tpu.memory_space<vmem>>
      %dma_start3A_686 = arith.constant 0 : i32
      %dma_start3A_687 = arith.constant 0 : i32
      %dma_start3A_688 = tpu.memref_slice %arg6[%dma_start3A_686, %dma_start3A_687] : memref<10240x128xf32, #tpu.memory_space<vmem_shared>> -> memref<10240x128xf32, #tpu.memory_space<vmem_shared>>
      tpu.enqueue_indirect_dma source(%arg7 : memref<128x128xf32, #tpu.memory_space<vmem>>) target(%dma_start3A_688 : memref<10240x128xf32, #tpu.memory_space<vmem_shared>>) offsets(%dma_start3A_685 : memref<128xi32, #tpu.memory_space<vmem>>) semaphore(%run_scoped3A_7 : memref<!tpu.dma_semaphore, #tpu.memory_space<semaphore_mem>>) {add = true}
      %dma_start3A_689 = arith.constant 12 : i32
      %dma_start3A_690 = arith.constant 0 : i32
      %dma_start3A_691 = tpu.memref_slice %arg8[%dma_start3A_689, %dma_start3A_690] : memref<16x128xi32, #tpu.memory_space<vmem>> -> memref<1x128xi32, #tpu.memory_space<vmem>>
      %dma_start3A_692 = tpu.memref_squeeze %dma_start3A_691 : memref<1x128xi32, #tpu.memory_space<vmem>> -> memref<128xi32, #tpu.memory_space<vmem>>
      %dma_start3A_693 = arith.constant 0 : i32
      %dma_start3A_694 = arith.constant 0 : i32
      %dma_start3A_695 = tpu.memref_slice %arg6[%dma_start3A_693, %dma_start3A_694] : memref<10240x128xf32, #tpu.memory_space<vmem_shared>> -> memref<10240x128xf32, #tpu.memory_space<vmem_shared>>
      tpu.enqueue_indirect_dma source(%arg7 : memref<128x128xf32, #tpu.memory_space<vmem>>) target(%dma_start3A_695 : memref<10240x128xf32, #tpu.memory_space<vmem_shared>>) offsets(%dma_start3A_692 : memref<128xi32, #tpu.memory_space<vmem>>) semaphore(%run_scoped3A_7 : memref<!tpu.dma_semaphore, #tpu.memory_space<semaphore_mem>>) {add = true}
      %dma_start3A_696 = arith.constant 13 : i32
      %dma_start3A_697 = arith.constant 0 : i32
      %dma_start3A_698 = tpu.memref_slice %arg8[%dma_start3A_696, %dma_start3A_697] : memref<16x128xi32, #tpu.memory_space<vmem>> -> memref<1x128xi32, #tpu.memory_space<vmem>>
      %dma_start3A_699 = tpu.memref_squeeze %dma_start3A_698 : memref<1x128xi32, #tpu.memory_space<vmem>> -> memref<128xi32, #tpu.memory_space<vmem>>
      %dma_start3A_700 = arith.constant 0 : i32
      %dma_start3A_701 = arith.constant 0 : i32
      %dma_start3A_702 = tpu.memref_slice %arg6[%dma_start3A_700, %dma_start3A_701] : memref<10240x128xf32, #tpu.memory_space<vmem_shared>> -> memref<10240x128xf32, #tpu.memory_space<vmem_shared>>
      tpu.enqueue_indirect_dma source(%arg7 : memref<128x128xf32, #tpu.memory_space<vmem>>) target(%dma_start3A_702 : memref<10240x128xf32, #tpu.memory_space<vmem_shared>>) offsets(%dma_start3A_699 : memref<128xi32, #tpu.memory_space<vmem>>) semaphore(%run_scoped3A_7 : memref<!tpu.dma_semaphore, #tpu.memory_space<semaphore_mem>>) {add = true}
      %dma_start3A_703 = arith.constant 14 : i32
      %dma_start3A_704 = arith.constant 0 : i32
      %dma_start3A_705 = tpu.memref_slice %arg8[%dma_start3A_703, %dma_start3A_704] : memref<16x128xi32, #tpu.memory_space<vmem>> -> memref<1x128xi32, #tpu.memory_space<vmem>>
      %dma_start3A_706 = tpu.memref_squeeze %dma_start3A_705 : memref<1x128xi32, #tpu.memory_space<vmem>> -> memref<128xi32, #tpu.memory_space<vmem>>
      %dma_start3A_707 = arith.constant 0 : i32
      %dma_start3A_708 = arith.constant 0 : i32
      %dma_start3A_709 = tpu.memref_slice %arg6[%dma_start3A_707, %dma_start3A_708] : memref<10240x128xf32, #tpu.memory_space<vmem_shared>> -> memref<10240x128xf32, #tpu.memory_space<vmem_shared>>
      tpu.enqueue_indirect_dma source(%arg7 : memref<128x128xf32, #tpu.memory_space<vmem>>) target(%dma_start3A_709 : memref<10240x128xf32, #tpu.memory_space<vmem_shared>>) offsets(%dma_start3A_706 : memref<128xi32, #tpu.memory_space<vmem>>) semaphore(%run_scoped3A_7 : memref<!tpu.dma_semaphore, #tpu.memory_space<semaphore_mem>>) {add = true}
      %dma_wait3A_710 = arith.constant 0 : i32
      %dma_wait3A_711 = arith.constant 0 : i32
      %dma_wait3A_712 = tpu.memref_slice %arg6[%dma_wait3A_710, %dma_wait3A_711] : memref<10240x128xf32, #tpu.memory_space<vmem_shared>> -> memref<128x128xf32, #tpu.memory_space<vmem_shared>>
      %dma_wait3A_713 = arith.constant 0 : i32
      %dma_wait3A_714 = arith.constant 0 : i32
      %dma_wait3A_715 = tpu.memref_slice %arg6[%dma_wait3A_713, %dma_wait3A_714] : memref<10240x128xf32, #tpu.memory_space<vmem_shared>> -> memref<128x128xf32, #tpu.memory_space<vmem_shared>>
      tpu.wait_dma2 semaphore(%run_scoped3A_7 : memref<!tpu.dma_semaphore, #tpu.memory_space<semaphore_mem>>) src(%arg7 : memref<128x128xf32, #tpu.memory_space<vmem>>) dst(%dma_wait3A_715 : memref<128x128xf32, #tpu.memory_space<vmem_shared>>)
      %dma_wait3A_716 = arith.constant 0 : i32
      %dma_wait3A_717 = arith.constant 0 : i32
      %dma_wait3A_718 = tpu.memref_slice %arg6[%dma_wait3A_716, %dma_wait3A_717] : memref<10240x128xf32, #tpu.memory_space<vmem_shared>> -> memref<128x128xf32, #tpu.memory_space<vmem_shared>>
      %dma_wait3A_719 = arith.constant 0 : i32
      %dma_wait3A_720 = arith.constant 0 : i32
      %dma_wait3A_721 = tpu.memref_slice %arg6[%dma_wait3A_719, %dma_wait3A_720] : memref<10240x128xf32, #tpu.memory_space<vmem_shared>> -> memref<128x128xf32, #tpu.memory_space<vmem_shared>>
      tpu.wait_dma2 semaphore(%run_scoped3A_7 : memref<!tpu.dma_semaphore, #tpu.memory_space<semaphore_mem>>) src(%arg7 : memref<128x128xf32, #tpu.memory_space<vmem>>) dst(%dma_wait3A_721 : memref<128x128xf32, #tpu.memory_space<vmem_shared>>)
      %dma_wait3A_722 = arith.constant 0 : i32
      %dma_wait3A_723 = arith.constant 0 : i32
      %dma_wait3A_724 = tpu.memref_slice %arg6[%dma_wait3A_722, %dma_wait3A_723] : memref<10240x128xf32, #tpu.memory_space<vmem_shared>> -> memref<128x128xf32, #tpu.memory_space<vmem_shared>>
      %dma_wait3A_725 = arith.constant 0 : i32
      %dma_wait3A_726 = arith.constant 0 : i32
      %dma_wait3A_727 = tpu.memref_slice %arg6[%dma_wait3A_725, %dma_wait3A_726] : memref<10240x128xf32, #tpu.memory_space<vmem_shared>> -> memref<128x128xf32, #tpu.memory_space<vmem_shared>>
      tpu.wait_dma2 semaphore(%run_scoped3A_7 : memref<!tpu.dma_semaphore, #tpu.memory_space<semaphore_mem>>) src(%arg7 : memref<128x128xf32, #tpu.memory_space<vmem>>) dst(%dma_wait3A_727 : memref<128x128xf32, #tpu.memory_space<vmem_shared>>)
      %dma_wait3A_728 = arith.constant 0 : i32
      %dma_wait3A_729 = arith.constant 0 : i32
      %dma_wait3A_730 = tpu.memref_slice %arg6[%dma_wait3A_728, %dma_wait3A_729] : memref<10240x128xf32, #tpu.memory_space<vmem_shared>> -> memref<128x128xf32, #tpu.memory_space<vmem_shared>>
      %dma_wait3A_731 = arith.constant 0 : i32
      %dma_wait3A_732 = arith.constant 0 : i32
      %dma_wait3A_733 = tpu.memref_slice %arg6[%dma_wait3A_731, %dma_wait3A_732] : memref<10240x128xf32, #tpu.memory_space<vmem_shared>> -> memref<128x128xf32, #tpu.memory_space<vmem_shared>>
      tpu.wait_dma2 semaphore(%run_scoped3A_7 : memref<!tpu.dma_semaphore, #tpu.memory_space<semaphore_mem>>) src(%arg7 : memref<128x128xf32, #tpu.memory_space<vmem>>) dst(%dma_wait3A_733 : memref<128x128xf32, #tpu.memory_space<vmem_shared>>)
      %dma_wait3A_734 = arith.constant 0 : i32
      %dma_wait3A_735 = arith.constant 0 : i32
      %dma_wait3A_736 = tpu.memref_slice %arg6[%dma_wait3A_734, %dma_wait3A_735] : memref<10240x128xf32, #tpu.memory_space<vmem_shared>> -> memref<128x128xf32, #tpu.memory_space<vmem_shared>>
      %dma_wait3A_737 = arith.constant 0 : i32
      %dma_wait3A_738 = arith.constant 0 : i32
      %dma_wait3A_739 = tpu.memref_slice %arg6[%dma_wait3A_737, %dma_wait3A_738] : memref<10240x128xf32, #tpu.memory_space<vmem_shared>> -> memref<128x128xf32, #tpu.memory_space<vmem_shared>>
      tpu.wait_dma2 semaphore(%run_scoped3A_7 : memref<!tpu.dma_semaphore, #tpu.memory_space<semaphore_mem>>) src(%arg7 : memref<128x128xf32, #tpu.memory_space<vmem>>) dst(%dma_wait3A_739 : memref<128x128xf32, #tpu.memory_space<vmem_shared>>)
      %dma_wait3A_740 = arith.constant 0 : i32
      %dma_wait3A_741 = arith.constant 0 : i32
      %dma_wait3A_742 = tpu.memref_slice %arg6[%dma_wait3A_740, %dma_wait3A_741] : memref<10240x128xf32, #tpu.memory_space<vmem_shared>> -> memref<128x128xf32, #tpu.memory_space<vmem_shared>>
      %dma_wait3A_743 = arith.constant 0 : i32
      %dma_wait3A_744 = arith.constant 0 : i32
      %dma_wait3A_745 = tpu.memref_slice %arg6[%dma_wait3A_743, %dma_wait3A_744] : memref<10240x128xf32, #tpu.memory_space<vmem_shared>> -> memref<128x128xf32, #tpu.memory_space<vmem_shared>>
      tpu.wait_dma2 semaphore(%run_scoped3A_7 : memref<!tpu.dma_semaphore, #tpu.memory_space<semaphore_mem>>) src(%arg7 : memref<128x128xf32, #tpu.memory_space<vmem>>) dst(%dma_wait3A_745 : memref<128x128xf32, #tpu.memory_space<vmem_shared>>)
      %dma_wait3A_746 = arith.constant 0 : i32
      %dma_wait3A_747 = arith.constant 0 : i32
      %dma_wait3A_748 = tpu.memref_slice %arg6[%dma_wait3A_746, %dma_wait3A_747] : memref<10240x128xf32, #tpu.memory_space<vmem_shared>> -> memref<128x128xf32, #tpu.memory_space<vmem_shared>>
      %dma_wait3A_749 = arith.constant 0 : i32
      %dma_wait3A_750 = arith.constant 0 : i32
      %dma_wait3A_751 = tpu.memref_slice %arg6[%dma_wait3A_749, %dma_wait3A_750] : memref<10240x128xf32, #tpu.memory_space<vmem_shared>> -> memref<128x128xf32, #tpu.memory_space<vmem_shared>>
      tpu.wait_dma2 semaphore(%run_scoped3A_7 : memref<!tpu.dma_semaphore, #tpu.memory_space<semaphore_mem>>) src(%arg7 : memref<128x128xf32, #tpu.memory_space<vmem>>) dst(%dma_wait3A_751 : memref<128x128xf32, #tpu.memory_space<vmem_shared>>)
      %barrier3A_752 = arith.constant 0 : index
      tpu.barrier barrier_id(%barrier3A_752)
      "tpu.region"() ({
        %run_scoped3A_753 = tpu.sem_alloc : memref<!tpu.dma_semaphore, #tpu.memory_space<semaphore_mem>>
        %dma_start3A_754 = arith.constant 0 : i32
        %dma_start3A_755 = tpu.memref_slice %arg5[%arg0, %mul3A_0, %dma_start3A_754] : memref<2x10240x128xf32, #tpu.memory_space<hbm>> -> memref<1x640x128xf32, #tpu.memory_space<hbm>>
        %dma_start3A_756 = tpu.memref_squeeze %dma_start3A_755 : memref<1x640x128xf32, #tpu.memory_space<hbm>> -> memref<640x128xf32, #tpu.memory_space<hbm>>
        %dma_start3A_757 = arith.constant 0 : i32
        %dma_start3A_758 = tpu.memref_slice %arg6[%mul3A_0, %dma_start3A_757] : memref<10240x128xf32, #tpu.memory_space<vmem_shared>> -> memref<640x128xf32, #tpu.memory_space<vmem_shared>>
        tpu.enqueue_dma source(%dma_start3A_758 : memref<640x128xf32, #tpu.memory_space<vmem_shared>>) target(%dma_start3A_756 : memref<640x128xf32, #tpu.memory_space<hbm>>) target_semaphore(%run_scoped3A_753 : memref<!tpu.dma_semaphore, #tpu.memory_space<semaphore_mem>>)
        %dma_wait3A_759 = arith.constant 0 : i32
        %dma_wait3A_760 = tpu.memref_slice %arg5[%arg0, %mul3A_0, %dma_wait3A_759] : memref<2x10240x128xf32, #tpu.memory_space<hbm>> -> memref<1x640x128xf32, #tpu.memory_space<hbm>>
        %dma_wait3A_761 = tpu.memref_squeeze %dma_wait3A_760 : memref<1x640x128xf32, #tpu.memory_space<hbm>> -> memref<640x128xf32, #tpu.memory_space<hbm>>
        %dma_wait3A_762 = arith.constant 0 : i32
        %dma_wait3A_763 = tpu.memref_slice %arg6[%mul3A_0, %dma_wait3A_762] : memref<10240x128xf32, #tpu.memory_space<vmem_shared>> -> memref<640x128xf32, #tpu.memory_space<vmem_shared>>
        tpu.wait_dma2 semaphore(%run_scoped3A_753 : memref<!tpu.dma_semaphore, #tpu.memory_space<semaphore_mem>>) src(%dma_wait3A_763 : memref<640x128xf32, #tpu.memory_space<vmem_shared>>) dst(%dma_wait3A_761 : memref<640x128xf32, #tpu.memory_space<hbm>>)
        tpu.yield
      }) : () -> ()
      tpu.yield
    }) : () -> ()
    return
  }
}

#map = affine_map<(d0, d1) -> (0, 0)>
#map1 = affine_map<(d0, d1) -> (0, 0, 0, 0)>
#map2 = affine_map<(d0, d1) -> (0, 0, 0)>
module attributes {stable_mosaic.version = 14 : i64} {
  func.func @_agg_body(%arg0: i32, %arg1: i32, %arg2: memref<20480x128xf32, #tpu.memory_space<hbm>>, %arg3: memref<2x672x8x128xi32, #tpu.memory_space<hbm>>, %arg4: memref<632x128xf32, #tpu.memory_space<hbm>>, %arg5: memref<2x10240x128xf32, #tpu.memory_space<hbm>>, %arg6: memref<10112x128xf32, #tpu.memory_space<vmem_shared>>, %arg7: memref<2x128x128xf32, #tpu.memory_space<vmem>>, %arg8: memref<16x128xi32, #tpu.memory_space<vmem>>, %arg9: memref<!tpu.dma_semaphore, #tpu.memory_space<semaphore_mem>>, %arg10: memref<!tpu.dma_semaphore, #tpu.memory_space<semaphore_mem>>, %arg11: memref<!tpu.dma_semaphore, #tpu.memory_space<semaphore_mem>>, %arg12: memref<!tpu.dma_semaphore, #tpu.memory_space<semaphore_mem>>, %arg13: memref<!tpu.dma_semaphore, #tpu.memory_space<semaphore_mem>>, %arg14: memref<!tpu.dma_semaphore, #tpu.memory_space<semaphore_mem>>) attributes {dimension_semantics = [#tpu.dimension_semantics<core_parallel>, #tpu.dimension_semantics<subcore_parallel>], iteration_bounds = array<i64: 2, 16>, scalar_prefetch = 0 : i64, scratch_operands = 9 : i64, tpu.core_type = #tpu.core_type<sc_vector_subcore>, window_params = [{transform_indices = #map}, {transform_indices = #map1}, {transform_indices = #map}, {transform_indices = #map2}]} {
    %mul3A = arith.constant 632 : i32
    %mul3A_0 = arith.muli %arg1, %mul3A : i32
    %mul3A_1 = arith.constant 42 : i32
    %mul3A_2 = arith.muli %arg1, %mul3A_1 : i32
    %dma_start3A = arith.constant 0 : i32
    %dma_start3A_3 = arith.constant 0 : i32
    %dma_start3A_4 = tpu.memref_slice %arg8[%dma_start3A, %dma_start3A_3] : memref<16x128xi32, #tpu.memory_space<vmem>> -> memref<8x128xi32, #tpu.memory_space<vmem>>
    %dma_start3A_5 = arith.constant 0 : i32
    %dma_start3A_6 = arith.constant 0 : i32
    %dma_start3A_7 = tpu.memref_slice %arg3[%arg0, %mul3A_2, %dma_start3A_5, %dma_start3A_6] : memref<2x672x8x128xi32, #tpu.memory_space<hbm>> -> memref<1x1x8x128xi32, #tpu.memory_space<hbm>>
    %dma_start3A_8 = tpu.memref_squeeze %dma_start3A_7 : memref<1x1x8x128xi32, #tpu.memory_space<hbm>> -> memref<8x128xi32, #tpu.memory_space<hbm>>
    %dma_start3A_9 = arith.constant 0 : i32
    %dma_start3A_10 = arith.constant 0 : i32
    %dma_start3A_11 = tpu.memref_slice %arg8[%dma_start3A_9, %dma_start3A_10] : memref<16x128xi32, #tpu.memory_space<vmem>> -> memref<8x128xi32, #tpu.memory_space<vmem>>
    %dma_start3A_12 = arith.constant 0 : i32
    %dma_start3A_13 = arith.constant 0 : i32
    %dma_start3A_14 = tpu.memref_slice %arg3[%arg0, %mul3A_2, %dma_start3A_12, %dma_start3A_13] : memref<2x672x8x128xi32, #tpu.memory_space<hbm>> -> memref<1x1x8x128xi32, #tpu.memory_space<hbm>>
    %dma_start3A_15 = tpu.memref_squeeze %dma_start3A_14 : memref<1x1x8x128xi32, #tpu.memory_space<hbm>> -> memref<8x128xi32, #tpu.memory_space<hbm>>
    tpu.enqueue_dma source(%dma_start3A_15 : memref<8x128xi32, #tpu.memory_space<hbm>>) target(%dma_start3A_11 : memref<8x128xi32, #tpu.memory_space<vmem>>) target_semaphore(%arg13 : memref<!tpu.dma_semaphore, #tpu.memory_space<semaphore_mem>>)
    "tpu.region"() ({
      %run_scoped3A = tpu.sem_alloc : memref<!tpu.dma_semaphore, #tpu.memory_space<semaphore_mem>>
      %dma_start3A_51 = arith.constant 0 : i32
      %dma_start3A_52 = tpu.memref_slice %arg6[%mul3A_0, %dma_start3A_51] : memref<10112x128xf32, #tpu.memory_space<vmem_shared>> -> memref<632x128xf32, #tpu.memory_space<vmem_shared>>
      tpu.enqueue_dma source(%arg4 : memref<632x128xf32, #tpu.memory_space<hbm>>) target(%dma_start3A_52 : memref<632x128xf32, #tpu.memory_space<vmem_shared>>) target_semaphore(%run_scoped3A : memref<!tpu.dma_semaphore, #tpu.memory_space<semaphore_mem>>)
      %dma_wait3A_53 = arith.constant 0 : i32
      %dma_wait3A_54 = tpu.memref_slice %arg6[%mul3A_0, %dma_wait3A_53] : memref<10112x128xf32, #tpu.memory_space<vmem_shared>> -> memref<632x128xf32, #tpu.memory_space<vmem_shared>>
      tpu.wait_dma2 semaphore(%run_scoped3A : memref<!tpu.dma_semaphore, #tpu.memory_space<semaphore_mem>>) src(%arg4 : memref<632x128xf32, #tpu.memory_space<hbm>>) dst(%dma_wait3A_54 : memref<632x128xf32, #tpu.memory_space<vmem_shared>>)
      tpu.yield
    }) : () -> ()
    %barrier3A = arith.constant 0 : index
    tpu.barrier barrier_id(%barrier3A)
    %scan3A = arith.constant 0 : i32
    %scan3A_16 = arith.constant 0 : i32
    %scan3A_17 = arith.constant 21 : i32
    %scan3A_18 = arith.addi %scan3A_16, %scan3A_17 : i32
    %scan3A_19 = arith.constant 1 : i32
    scf.for %scan3A_51 = %scan3A_16 to %scan3A_18 step %scan3A_19  : i32 {
      %mul3A_52 = arith.constant 2 : i32
      %mul3A_53 = arith.muli %mul3A_52, %scan3A_51 : i32
      %add3A = arith.addi %mul3A_2, %mul3A_53 : i32
      %dma_wait3A_54 = arith.constant 0 : i32
      %dma_wait3A_55 = arith.constant 0 : i32
      %dma_wait3A_56 = tpu.memref_slice %arg8[%dma_wait3A_54, %dma_wait3A_55] : memref<16x128xi32, #tpu.memory_space<vmem>> -> memref<8x128xi32, #tpu.memory_space<vmem>>
      %dma_wait3A_57 = arith.constant 0 : i32
      %dma_wait3A_58 = arith.constant 0 : i32
      %dma_wait3A_59 = tpu.memref_slice %arg3[%arg0, %add3A, %dma_wait3A_57, %dma_wait3A_58] : memref<2x672x8x128xi32, #tpu.memory_space<hbm>> -> memref<1x1x8x128xi32, #tpu.memory_space<hbm>>
      %dma_wait3A_60 = tpu.memref_squeeze %dma_wait3A_59 : memref<1x1x8x128xi32, #tpu.memory_space<hbm>> -> memref<8x128xi32, #tpu.memory_space<hbm>>
      %dma_wait3A_61 = arith.constant 0 : i32
      %dma_wait3A_62 = arith.constant 0 : i32
      %dma_wait3A_63 = tpu.memref_slice %arg8[%dma_wait3A_61, %dma_wait3A_62] : memref<16x128xi32, #tpu.memory_space<vmem>> -> memref<8x128xi32, #tpu.memory_space<vmem>>
      %dma_wait3A_64 = arith.constant 0 : i32
      %dma_wait3A_65 = arith.constant 0 : i32
      %dma_wait3A_66 = tpu.memref_slice %arg3[%arg0, %add3A, %dma_wait3A_64, %dma_wait3A_65] : memref<2x672x8x128xi32, #tpu.memory_space<hbm>> -> memref<1x1x8x128xi32, #tpu.memory_space<hbm>>
      %dma_wait3A_67 = tpu.memref_squeeze %dma_wait3A_66 : memref<1x1x8x128xi32, #tpu.memory_space<hbm>> -> memref<8x128xi32, #tpu.memory_space<hbm>>
      tpu.wait_dma2 semaphore(%arg13 : memref<!tpu.dma_semaphore, #tpu.memory_space<semaphore_mem>>) src(%dma_wait3A_67 : memref<8x128xi32, #tpu.memory_space<hbm>>) dst(%dma_wait3A_63 : memref<8x128xi32, #tpu.memory_space<vmem>>)
      %gt3A = arith.constant 0 : i32
      %gt3A_68 = arith.cmpi sgt, %mul3A_53, %gt3A : i32
      %convert_element_type3A = arith.extui %gt3A_68 : i1 to i32
      %cond3A = arith.constant 0 : i32
      %cond3A_69 = arith.cmpi ne, %convert_element_type3A, %cond3A : i32
      scf.if %cond3A_69 {
        %dma_wait3A_261 = arith.constant 0 : i32
        %dma_wait3A_262 = arith.constant 0 : i32
        %dma_wait3A_263 = arith.constant 0 : i32
        %dma_wait3A_264 = tpu.memref_slice %arg7[%dma_wait3A_261, %dma_wait3A_262, %dma_wait3A_263] : memref<2x128x128xf32, #tpu.memory_space<vmem>> -> memref<1x128x128xf32, #tpu.memory_space<vmem>>
        %dma_wait3A_265 = tpu.memref_squeeze %dma_wait3A_264 : memref<1x128x128xf32, #tpu.memory_space<vmem>> -> memref<128x128xf32, #tpu.memory_space<vmem>>
        %dma_wait3A_266 = arith.constant 0 : i32
        %dma_wait3A_267 = arith.constant 0 : i32
        %dma_wait3A_268 = tpu.memref_slice %arg6[%dma_wait3A_266, %dma_wait3A_267] : memref<10112x128xf32, #tpu.memory_space<vmem_shared>> -> memref<128x128xf32, #tpu.memory_space<vmem_shared>>
        %dma_wait3A_269 = arith.constant 0 : i32
        %dma_wait3A_270 = arith.constant 0 : i32
        %dma_wait3A_271 = tpu.memref_slice %arg6[%dma_wait3A_269, %dma_wait3A_270] : memref<10112x128xf32, #tpu.memory_space<vmem_shared>> -> memref<128x128xf32, #tpu.memory_space<vmem_shared>>
        %dma_wait3A_272 = arith.constant 0 : i32
        %dma_wait3A_273 = arith.constant 0 : i32
        %dma_wait3A_274 = tpu.memref_slice %arg7[%dma_wait3A_261, %dma_wait3A_272, %dma_wait3A_273] : memref<2x128x128xf32, #tpu.memory_space<vmem>> -> memref<1x128x128xf32, #tpu.memory_space<vmem>>
        %dma_wait3A_275 = tpu.memref_squeeze %dma_wait3A_274 : memref<1x128x128xf32, #tpu.memory_space<vmem>> -> memref<128x128xf32, #tpu.memory_space<vmem>>
        tpu.wait_dma2 semaphore(%arg11 : memref<!tpu.dma_semaphore, #tpu.memory_space<semaphore_mem>>) src(%dma_wait3A_275 : memref<128x128xf32, #tpu.memory_space<vmem>>) dst(%dma_wait3A_271 : memref<128x128xf32, #tpu.memory_space<vmem_shared>>)
      } else {
      }
      %dma_start3A_70 = arith.constant 0 : i32
      %dma_start3A_71 = arith.constant 0 : i32
      %dma_start3A_72 = arith.constant 0 : i32
      %dma_start3A_73 = arith.constant 0 : i32
      %dma_start3A_74 = tpu.memref_slice %arg7[%dma_start3A_71, %dma_start3A_72, %dma_start3A_73] : memref<2x128x128xf32, #tpu.memory_space<vmem>> -> memref<1x128x128xf32, #tpu.memory_space<vmem>>
      %dma_start3A_75 = tpu.memref_squeeze %dma_start3A_74 : memref<1x128x128xf32, #tpu.memory_space<vmem>> -> memref<128x128xf32, #tpu.memory_space<vmem>>
      %dma_start3A_76 = arith.constant 0 : i32
      %dma_start3A_77 = tpu.memref_slice %arg8[%dma_start3A_70, %dma_start3A_76] : memref<16x128xi32, #tpu.memory_space<vmem>> -> memref<1x128xi32, #tpu.memory_space<vmem>>
      %dma_start3A_78 = tpu.memref_squeeze %dma_start3A_77 : memref<1x128xi32, #tpu.memory_space<vmem>> -> memref<128xi32, #tpu.memory_space<vmem>>
      %dma_start3A_79 = arith.constant 0 : i32
      %dma_start3A_80 = arith.constant 0 : i32
      %dma_start3A_81 = tpu.memref_slice %arg2[%dma_start3A_79, %dma_start3A_80] : memref<20480x128xf32, #tpu.memory_space<hbm>> -> memref<20480x128xf32, #tpu.memory_space<hbm>>
      tpu.enqueue_indirect_dma source(%dma_start3A_81 : memref<20480x128xf32, #tpu.memory_space<hbm>>) target(%dma_start3A_75 : memref<128x128xf32, #tpu.memory_space<vmem>>) offsets(%dma_start3A_78 : memref<128xi32, #tpu.memory_space<vmem>>) semaphore(%arg9 : memref<!tpu.dma_semaphore, #tpu.memory_space<semaphore_mem>>)
      %gt3A_82 = arith.constant 0 : i32
      %gt3A_83 = arith.cmpi sgt, %mul3A_53, %gt3A_82 : i32
      %convert_element_type3A_84 = arith.extui %gt3A_83 : i1 to i32
      %cond3A_85 = arith.constant 0 : i32
      %cond3A_86 = arith.cmpi ne, %convert_element_type3A_84, %cond3A_85 : i32
      scf.if %cond3A_86 {
        %dma_wait3A_261 = arith.constant 1 : i32
        %dma_wait3A_262 = arith.constant 0 : i32
        %dma_wait3A_263 = arith.constant 0 : i32
        %dma_wait3A_264 = tpu.memref_slice %arg7[%dma_wait3A_261, %dma_wait3A_262, %dma_wait3A_263] : memref<2x128x128xf32, #tpu.memory_space<vmem>> -> memref<1x128x128xf32, #tpu.memory_space<vmem>>
        %dma_wait3A_265 = tpu.memref_squeeze %dma_wait3A_264 : memref<1x128x128xf32, #tpu.memory_space<vmem>> -> memref<128x128xf32, #tpu.memory_space<vmem>>
        %dma_wait3A_266 = arith.constant 0 : i32
        %dma_wait3A_267 = arith.constant 0 : i32
        %dma_wait3A_268 = tpu.memref_slice %arg6[%dma_wait3A_266, %dma_wait3A_267] : memref<10112x128xf32, #tpu.memory_space<vmem_shared>> -> memref<128x128xf32, #tpu.memory_space<vmem_shared>>
        %dma_wait3A_269 = arith.constant 0 : i32
        %dma_wait3A_270 = arith.constant 0 : i32
        %dma_wait3A_271 = tpu.memref_slice %arg6[%dma_wait3A_269, %dma_wait3A_270] : memref<10112x128xf32, #tpu.memory_space<vmem_shared>> -> memref<128x128xf32, #tpu.memory_space<vmem_shared>>
        %dma_wait3A_272 = arith.constant 0 : i32
        %dma_wait3A_273 = arith.constant 0 : i32
        %dma_wait3A_274 = tpu.memref_slice %arg7[%dma_wait3A_261, %dma_wait3A_272, %dma_wait3A_273] : memref<2x128x128xf32, #tpu.memory_space<vmem>> -> memref<1x128x128xf32, #tpu.memory_space<vmem>>
        %dma_wait3A_275 = tpu.memref_squeeze %dma_wait3A_274 : memref<1x128x128xf32, #tpu.memory_space<vmem>> -> memref<128x128xf32, #tpu.memory_space<vmem>>
        tpu.wait_dma2 semaphore(%arg12 : memref<!tpu.dma_semaphore, #tpu.memory_space<semaphore_mem>>) src(%dma_wait3A_275 : memref<128x128xf32, #tpu.memory_space<vmem>>) dst(%dma_wait3A_271 : memref<128x128xf32, #tpu.memory_space<vmem_shared>>)
      } else {
      }
      %dma_start3A_87 = arith.constant 1 : i32
      %dma_start3A_88 = arith.constant 1 : i32
      %dma_start3A_89 = arith.constant 0 : i32
      %dma_start3A_90 = arith.constant 0 : i32
      %dma_start3A_91 = tpu.memref_slice %arg7[%dma_start3A_88, %dma_start3A_89, %dma_start3A_90] : memref<2x128x128xf32, #tpu.memory_space<vmem>> -> memref<1x128x128xf32, #tpu.memory_space<vmem>>
      %dma_start3A_92 = tpu.memref_squeeze %dma_start3A_91 : memref<1x128x128xf32, #tpu.memory_space<vmem>> -> memref<128x128xf32, #tpu.memory_space<vmem>>
      %dma_start3A_93 = arith.constant 0 : i32
      %dma_start3A_94 = tpu.memref_slice %arg8[%dma_start3A_87, %dma_start3A_93] : memref<16x128xi32, #tpu.memory_space<vmem>> -> memref<1x128xi32, #tpu.memory_space<vmem>>
      %dma_start3A_95 = tpu.memref_squeeze %dma_start3A_94 : memref<1x128xi32, #tpu.memory_space<vmem>> -> memref<128xi32, #tpu.memory_space<vmem>>
      %dma_start3A_96 = arith.constant 0 : i32
      %dma_start3A_97 = arith.constant 0 : i32
      %dma_start3A_98 = tpu.memref_slice %arg2[%dma_start3A_96, %dma_start3A_97] : memref<20480x128xf32, #tpu.memory_space<hbm>> -> memref<20480x128xf32, #tpu.memory_space<hbm>>
      tpu.enqueue_indirect_dma source(%dma_start3A_98 : memref<20480x128xf32, #tpu.memory_space<hbm>>) target(%dma_start3A_92 : memref<128x128xf32, #tpu.memory_space<vmem>>) offsets(%dma_start3A_95 : memref<128xi32, #tpu.memory_space<vmem>>) semaphore(%arg10 : memref<!tpu.dma_semaphore, #tpu.memory_space<semaphore_mem>>)
      %add3A_99 = arith.constant 1 : i32
      %add3A_100 = arith.addi %mul3A_53, %add3A_99 : i32
      %lt3A = arith.constant 42 : i32
      %lt3A_101 = arith.cmpi slt, %add3A_100, %lt3A : i32
      %convert_element_type3A_102 = arith.extui %lt3A_101 : i1 to i32
      %cond3A_103 = arith.constant 0 : i32
      %cond3A_104 = arith.cmpi ne, %convert_element_type3A_102, %cond3A_103 : i32
      scf.if %cond3A_104 {
        %add3A_261 = arith.addi %mul3A_2, %mul3A_53 : i32
        %add3A_262 = arith.constant 1 : i32
        %add3A_263 = arith.addi %add3A_261, %add3A_262 : i32
        %dma_start3A_264 = arith.constant 8 : i32
        %dma_start3A_265 = arith.constant 0 : i32
        %dma_start3A_266 = tpu.memref_slice %arg8[%dma_start3A_264, %dma_start3A_265] : memref<16x128xi32, #tpu.memory_space<vmem>> -> memref<8x128xi32, #tpu.memory_space<vmem>>
        %dma_start3A_267 = arith.constant 0 : i32
        %dma_start3A_268 = arith.constant 0 : i32
        %dma_start3A_269 = tpu.memref_slice %arg3[%arg0, %add3A_263, %dma_start3A_267, %dma_start3A_268] : memref<2x672x8x128xi32, #tpu.memory_space<hbm>> -> memref<1x1x8x128xi32, #tpu.memory_space<hbm>>
        %dma_start3A_270 = tpu.memref_squeeze %dma_start3A_269 : memref<1x1x8x128xi32, #tpu.memory_space<hbm>> -> memref<8x128xi32, #tpu.memory_space<hbm>>
        %dma_start3A_271 = arith.constant 8 : i32
        %dma_start3A_272 = arith.constant 0 : i32
        %dma_start3A_273 = tpu.memref_slice %arg8[%dma_start3A_271, %dma_start3A_272] : memref<16x128xi32, #tpu.memory_space<vmem>> -> memref<8x128xi32, #tpu.memory_space<vmem>>
        %dma_start3A_274 = arith.constant 0 : i32
        %dma_start3A_275 = arith.constant 0 : i32
        %dma_start3A_276 = tpu.memref_slice %arg3[%arg0, %add3A_263, %dma_start3A_274, %dma_start3A_275] : memref<2x672x8x128xi32, #tpu.memory_space<hbm>> -> memref<1x1x8x128xi32, #tpu.memory_space<hbm>>
        %dma_start3A_277 = tpu.memref_squeeze %dma_start3A_276 : memref<1x1x8x128xi32, #tpu.memory_space<hbm>> -> memref<8x128xi32, #tpu.memory_space<hbm>>
        tpu.enqueue_dma source(%dma_start3A_277 : memref<8x128xi32, #tpu.memory_space<hbm>>) target(%dma_start3A_273 : memref<8x128xi32, #tpu.memory_space<vmem>>) target_semaphore(%arg14 : memref<!tpu.dma_semaphore, #tpu.memory_space<semaphore_mem>>)
      } else {
      }
      %dma_wait3A_105 = arith.constant 0 : i32
      %dma_wait3A_106 = arith.constant 0 : i32
      %dma_wait3A_107 = arith.constant 0 : i32
      %dma_wait3A_108 = arith.constant 0 : i32
      %dma_wait3A_109 = tpu.memref_slice %arg7[%dma_wait3A_106, %dma_wait3A_107, %dma_wait3A_108] : memref<2x128x128xf32, #tpu.memory_space<vmem>> -> memref<1x128x128xf32, #tpu.memory_space<vmem>>
      %dma_wait3A_110 = tpu.memref_squeeze %dma_wait3A_109 : memref<1x128x128xf32, #tpu.memory_space<vmem>> -> memref<128x128xf32, #tpu.memory_space<vmem>>
      %dma_wait3A_111 = arith.constant 0 : i32
      %dma_wait3A_112 = tpu.memref_slice %arg8[%dma_wait3A_105, %dma_wait3A_111] : memref<16x128xi32, #tpu.memory_space<vmem>> -> memref<1x128xi32, #tpu.memory_space<vmem>>
      %dma_wait3A_113 = tpu.memref_squeeze %dma_wait3A_112 : memref<1x128xi32, #tpu.memory_space<vmem>> -> memref<128xi32, #tpu.memory_space<vmem>>
      %dma_wait3A_114 = arith.constant 0 : i32
      %dma_wait3A_115 = arith.constant 0 : i32
      %dma_wait3A_116 = tpu.memref_slice %arg2[%dma_wait3A_114, %dma_wait3A_115] : memref<20480x128xf32, #tpu.memory_space<hbm>> -> memref<20480x128xf32, #tpu.memory_space<hbm>>
      tpu.wait_indirect_dma semaphore(%arg9 : memref<!tpu.dma_semaphore, #tpu.memory_space<semaphore_mem>>) src(%dma_wait3A_116 : memref<20480x128xf32, #tpu.memory_space<hbm>>) dst(%dma_wait3A_110 : memref<128x128xf32, #tpu.memory_space<vmem>>)
      %dma_start3A_117 = arith.constant 0 : i32
      %dma_start3A_118 = arith.constant 2 : i32
      %dma_start3A_119 = arith.constant 0 : i32
      %dma_start3A_120 = arith.constant 0 : i32
      %dma_start3A_121 = tpu.memref_slice %arg7[%dma_start3A_117, %dma_start3A_119, %dma_start3A_120] : memref<2x128x128xf32, #tpu.memory_space<vmem>> -> memref<1x128x128xf32, #tpu.memory_space<vmem>>
      %dma_start3A_122 = tpu.memref_squeeze %dma_start3A_121 : memref<1x128x128xf32, #tpu.memory_space<vmem>> -> memref<128x128xf32, #tpu.memory_space<vmem>>
      %dma_start3A_123 = arith.constant 0 : i32
      %dma_start3A_124 = tpu.memref_slice %arg8[%dma_start3A_118, %dma_start3A_123] : memref<16x128xi32, #tpu.memory_space<vmem>> -> memref<1x128xi32, #tpu.memory_space<vmem>>
      %dma_start3A_125 = tpu.memref_squeeze %dma_start3A_124 : memref<1x128xi32, #tpu.memory_space<vmem>> -> memref<128xi32, #tpu.memory_space<vmem>>
      %dma_start3A_126 = arith.constant 0 : i32
      %dma_start3A_127 = arith.constant 0 : i32
      %dma_start3A_128 = tpu.memref_slice %arg6[%dma_start3A_126, %dma_start3A_127] : memref<10112x128xf32, #tpu.memory_space<vmem_shared>> -> memref<10112x128xf32, #tpu.memory_space<vmem_shared>>
      tpu.enqueue_indirect_dma source(%dma_start3A_122 : memref<128x128xf32, #tpu.memory_space<vmem>>) target(%dma_start3A_128 : memref<10112x128xf32, #tpu.memory_space<vmem_shared>>) offsets(%dma_start3A_125 : memref<128xi32, #tpu.memory_space<vmem>>) semaphore(%arg11 : memref<!tpu.dma_semaphore, #tpu.memory_space<semaphore_mem>>) {add = true}
      %dma_wait3A_129 = arith.constant 1 : i32
      %dma_wait3A_130 = arith.constant 1 : i32
      %dma_wait3A_131 = arith.constant 0 : i32
      %dma_wait3A_132 = arith.constant 0 : i32
      %dma_wait3A_133 = tpu.memref_slice %arg7[%dma_wait3A_130, %dma_wait3A_131, %dma_wait3A_132] : memref<2x128x128xf32, #tpu.memory_space<vmem>> -> memref<1x128x128xf32, #tpu.memory_space<vmem>>
      %dma_wait3A_134 = tpu.memref_squeeze %dma_wait3A_133 : memref<1x128x128xf32, #tpu.memory_space<vmem>> -> memref<128x128xf32, #tpu.memory_space<vmem>>
      %dma_wait3A_135 = arith.constant 0 : i32
      %dma_wait3A_136 = tpu.memref_slice %arg8[%dma_wait3A_129, %dma_wait3A_135] : memref<16x128xi32, #tpu.memory_space<vmem>> -> memref<1x128xi32, #tpu.memory_space<vmem>>
      %dma_wait3A_137 = tpu.memref_squeeze %dma_wait3A_136 : memref<1x128xi32, #tpu.memory_space<vmem>> -> memref<128xi32, #tpu.memory_space<vmem>>
      %dma_wait3A_138 = arith.constant 0 : i32
      %dma_wait3A_139 = arith.constant 0 : i32
      %dma_wait3A_140 = tpu.memref_slice %arg2[%dma_wait3A_138, %dma_wait3A_139] : memref<20480x128xf32, #tpu.memory_space<hbm>> -> memref<20480x128xf32, #tpu.memory_space<hbm>>
      tpu.wait_indirect_dma semaphore(%arg10 : memref<!tpu.dma_semaphore, #tpu.memory_space<semaphore_mem>>) src(%dma_wait3A_140 : memref<20480x128xf32, #tpu.memory_space<hbm>>) dst(%dma_wait3A_134 : memref<128x128xf32, #tpu.memory_space<vmem>>)
      %dma_start3A_141 = arith.constant 1 : i32
      %dma_start3A_142 = arith.constant 3 : i32
      %dma_start3A_143 = arith.constant 0 : i32
      %dma_start3A_144 = arith.constant 0 : i32
      %dma_start3A_145 = tpu.memref_slice %arg7[%dma_start3A_141, %dma_start3A_143, %dma_start3A_144] : memref<2x128x128xf32, #tpu.memory_space<vmem>> -> memref<1x128x128xf32, #tpu.memory_space<vmem>>
      %dma_start3A_146 = tpu.memref_squeeze %dma_start3A_145 : memref<1x128x128xf32, #tpu.memory_space<vmem>> -> memref<128x128xf32, #tpu.memory_space<vmem>>
      %dma_start3A_147 = arith.constant 0 : i32
      %dma_start3A_148 = tpu.memref_slice %arg8[%dma_start3A_142, %dma_start3A_147] : memref<16x128xi32, #tpu.memory_space<vmem>> -> memref<1x128xi32, #tpu.memory_space<vmem>>
      %dma_start3A_149 = tpu.memref_squeeze %dma_start3A_148 : memref<1x128xi32, #tpu.memory_space<vmem>> -> memref<128xi32, #tpu.memory_space<vmem>>
      %dma_start3A_150 = arith.constant 0 : i32
      %dma_start3A_151 = arith.constant 0 : i32
      %dma_start3A_152 = tpu.memref_slice %arg6[%dma_start3A_150, %dma_start3A_151] : memref<10112x128xf32, #tpu.memory_space<vmem_shared>> -> memref<10112x128xf32, #tpu.memory_space<vmem_shared>>
      tpu.enqueue_indirect_dma source(%dma_start3A_146 : memref<128x128xf32, #tpu.memory_space<vmem>>) target(%dma_start3A_152 : memref<10112x128xf32, #tpu.memory_space<vmem_shared>>) offsets(%dma_start3A_149 : memref<128xi32, #tpu.memory_space<vmem>>) semaphore(%arg12 : memref<!tpu.dma_semaphore, #tpu.memory_space<semaphore_mem>>) {add = true}
      %mul3A_153 = arith.constant 2 : i32
      %mul3A_154 = arith.muli %mul3A_153, %scan3A_51 : i32
      %add3A_155 = arith.constant 1 : i32
      %add3A_156 = arith.addi %mul3A_154, %add3A_155 : i32
      %add3A_157 = arith.addi %mul3A_2, %add3A_156 : i32
      %dma_wait3A_158 = arith.constant 8 : i32
      %dma_wait3A_159 = arith.constant 0 : i32
      %dma_wait3A_160 = tpu.memref_slice %arg8[%dma_wait3A_158, %dma_wait3A_159] : memref<16x128xi32, #tpu.memory_space<vmem>> -> memref<8x128xi32, #tpu.memory_space<vmem>>
      %dma_wait3A_161 = arith.constant 0 : i32
      %dma_wait3A_162 = arith.constant 0 : i32
      %dma_wait3A_163 = tpu.memref_slice %arg3[%arg0, %add3A_157, %dma_wait3A_161, %dma_wait3A_162] : memref<2x672x8x128xi32, #tpu.memory_space<hbm>> -> memref<1x1x8x128xi32, #tpu.memory_space<hbm>>
      %dma_wait3A_164 = tpu.memref_squeeze %dma_wait3A_163 : memref<1x1x8x128xi32, #tpu.memory_space<hbm>> -> memref<8x128xi32, #tpu.memory_space<hbm>>
      %dma_wait3A_165 = arith.constant 8 : i32
      %dma_wait3A_166 = arith.constant 0 : i32
      %dma_wait3A_167 = tpu.memref_slice %arg8[%dma_wait3A_165, %dma_wait3A_166] : memref<16x128xi32, #tpu.memory_space<vmem>> -> memref<8x128xi32, #tpu.memory_space<vmem>>
      %dma_wait3A_168 = arith.constant 0 : i32
      %dma_wait3A_169 = arith.constant 0 : i32
      %dma_wait3A_170 = tpu.memref_slice %arg3[%arg0, %add3A_157, %dma_wait3A_168, %dma_wait3A_169] : memref<2x672x8x128xi32, #tpu.memory_space<hbm>> -> memref<1x1x8x128xi32, #tpu.memory_space<hbm>>
      %dma_wait3A_171 = tpu.memref_squeeze %dma_wait3A_170 : memref<1x1x8x128xi32, #tpu.memory_space<hbm>> -> memref<8x128xi32, #tpu.memory_space<hbm>>
      tpu.wait_dma2 semaphore(%arg14 : memref<!tpu.dma_semaphore, #tpu.memory_space<semaphore_mem>>) src(%dma_wait3A_171 : memref<8x128xi32, #tpu.memory_space<hbm>>) dst(%dma_wait3A_167 : memref<8x128xi32, #tpu.memory_space<vmem>>)
      %gt3A_172 = arith.constant 0 : i32
      %gt3A_173 = arith.cmpi sgt, %add3A_156, %gt3A_172 : i32
      %convert_element_type3A_174 = arith.extui %gt3A_173 : i1 to i32
      %cond3A_175 = arith.constant 0 : i32
      %cond3A_176 = arith.cmpi ne, %convert_element_type3A_174, %cond3A_175 : i32
      scf.if %cond3A_176 {
        %dma_wait3A_261 = arith.constant 0 : i32
        %dma_wait3A_262 = arith.constant 0 : i32
        %dma_wait3A_263 = arith.constant 0 : i32
        %dma_wait3A_264 = tpu.memref_slice %arg7[%dma_wait3A_261, %dma_wait3A_262, %dma_wait3A_263] : memref<2x128x128xf32, #tpu.memory_space<vmem>> -> memref<1x128x128xf32, #tpu.memory_space<vmem>>
        %dma_wait3A_265 = tpu.memref_squeeze %dma_wait3A_264 : memref<1x128x128xf32, #tpu.memory_space<vmem>> -> memref<128x128xf32, #tpu.memory_space<vmem>>
        %dma_wait3A_266 = arith.constant 0 : i32
        %dma_wait3A_267 = arith.constant 0 : i32
        %dma_wait3A_268 = tpu.memref_slice %arg6[%dma_wait3A_266, %dma_wait3A_267] : memref<10112x128xf32, #tpu.memory_space<vmem_shared>> -> memref<128x128xf32, #tpu.memory_space<vmem_shared>>
        %dma_wait3A_269 = arith.constant 0 : i32
        %dma_wait3A_270 = arith.constant 0 : i32
        %dma_wait3A_271 = tpu.memref_slice %arg6[%dma_wait3A_269, %dma_wait3A_270] : memref<10112x128xf32, #tpu.memory_space<vmem_shared>> -> memref<128x128xf32, #tpu.memory_space<vmem_shared>>
        %dma_wait3A_272 = arith.constant 0 : i32
        %dma_wait3A_273 = arith.constant 0 : i32
        %dma_wait3A_274 = tpu.memref_slice %arg7[%dma_wait3A_261, %dma_wait3A_272, %dma_wait3A_273] : memref<2x128x128xf32, #tpu.memory_space<vmem>> -> memref<1x128x128xf32, #tpu.memory_space<vmem>>
        %dma_wait3A_275 = tpu.memref_squeeze %dma_wait3A_274 : memref<1x128x128xf32, #tpu.memory_space<vmem>> -> memref<128x128xf32, #tpu.memory_space<vmem>>
        tpu.wait_dma2 semaphore(%arg11 : memref<!tpu.dma_semaphore, #tpu.memory_space<semaphore_mem>>) src(%dma_wait3A_275 : memref<128x128xf32, #tpu.memory_space<vmem>>) dst(%dma_wait3A_271 : memref<128x128xf32, #tpu.memory_space<vmem_shared>>)
      } else {
      }
      %dma_start3A_177 = arith.constant 8 : i32
      %dma_start3A_178 = arith.constant 0 : i32
      %dma_start3A_179 = arith.constant 0 : i32
      %dma_start3A_180 = arith.constant 0 : i32
      %dma_start3A_181 = tpu.memref_slice %arg7[%dma_start3A_178, %dma_start3A_179, %dma_start3A_180] : memref<2x128x128xf32, #tpu.memory_space<vmem>> -> memref<1x128x128xf32, #tpu.memory_space<vmem>>
      %dma_start3A_182 = tpu.memref_squeeze %dma_start3A_181 : memref<1x128x128xf32, #tpu.memory_space<vmem>> -> memref<128x128xf32, #tpu.memory_space<vmem>>
      %dma_start3A_183 = arith.constant 0 : i32
      %dma_start3A_184 = tpu.memref_slice %arg8[%dma_start3A_177, %dma_start3A_183] : memref<16x128xi32, #tpu.memory_space<vmem>> -> memref<1x128xi32, #tpu.memory_space<vmem>>
      %dma_start3A_185 = tpu.memref_squeeze %dma_start3A_184 : memref<1x128xi32, #tpu.memory_space<vmem>> -> memref<128xi32, #tpu.memory_space<vmem>>
      %dma_start3A_186 = arith.constant 0 : i32
      %dma_start3A_187 = arith.constant 0 : i32
      %dma_start3A_188 = tpu.memref_slice %arg2[%dma_start3A_186, %dma_start3A_187] : memref<20480x128xf32, #tpu.memory_space<hbm>> -> memref<20480x128xf32, #tpu.memory_space<hbm>>
      tpu.enqueue_indirect_dma source(%dma_start3A_188 : memref<20480x128xf32, #tpu.memory_space<hbm>>) target(%dma_start3A_182 : memref<128x128xf32, #tpu.memory_space<vmem>>) offsets(%dma_start3A_185 : memref<128xi32, #tpu.memory_space<vmem>>) semaphore(%arg9 : memref<!tpu.dma_semaphore, #tpu.memory_space<semaphore_mem>>)
      %gt3A_189 = arith.constant 0 : i32
      %gt3A_190 = arith.cmpi sgt, %add3A_156, %gt3A_189 : i32
      %convert_element_type3A_191 = arith.extui %gt3A_190 : i1 to i32
      %cond3A_192 = arith.constant 0 : i32
      %cond3A_193 = arith.cmpi ne, %convert_element_type3A_191, %cond3A_192 : i32
      scf.if %cond3A_193 {
        %dma_wait3A_261 = arith.constant 1 : i32
        %dma_wait3A_262 = arith.constant 0 : i32
        %dma_wait3A_263 = arith.constant 0 : i32
        %dma_wait3A_264 = tpu.memref_slice %arg7[%dma_wait3A_261, %dma_wait3A_262, %dma_wait3A_263] : memref<2x128x128xf32, #tpu.memory_space<vmem>> -> memref<1x128x128xf32, #tpu.memory_space<vmem>>
        %dma_wait3A_265 = tpu.memref_squeeze %dma_wait3A_264 : memref<1x128x128xf32, #tpu.memory_space<vmem>> -> memref<128x128xf32, #tpu.memory_space<vmem>>
        %dma_wait3A_266 = arith.constant 0 : i32
        %dma_wait3A_267 = arith.constant 0 : i32
        %dma_wait3A_268 = tpu.memref_slice %arg6[%dma_wait3A_266, %dma_wait3A_267] : memref<10112x128xf32, #tpu.memory_space<vmem_shared>> -> memref<128x128xf32, #tpu.memory_space<vmem_shared>>
        %dma_wait3A_269 = arith.constant 0 : i32
        %dma_wait3A_270 = arith.constant 0 : i32
        %dma_wait3A_271 = tpu.memref_slice %arg6[%dma_wait3A_269, %dma_wait3A_270] : memref<10112x128xf32, #tpu.memory_space<vmem_shared>> -> memref<128x128xf32, #tpu.memory_space<vmem_shared>>
        %dma_wait3A_272 = arith.constant 0 : i32
        %dma_wait3A_273 = arith.constant 0 : i32
        %dma_wait3A_274 = tpu.memref_slice %arg7[%dma_wait3A_261, %dma_wait3A_272, %dma_wait3A_273] : memref<2x128x128xf32, #tpu.memory_space<vmem>> -> memref<1x128x128xf32, #tpu.memory_space<vmem>>
        %dma_wait3A_275 = tpu.memref_squeeze %dma_wait3A_274 : memref<1x128x128xf32, #tpu.memory_space<vmem>> -> memref<128x128xf32, #tpu.memory_space<vmem>>
        tpu.wait_dma2 semaphore(%arg12 : memref<!tpu.dma_semaphore, #tpu.memory_space<semaphore_mem>>) src(%dma_wait3A_275 : memref<128x128xf32, #tpu.memory_space<vmem>>) dst(%dma_wait3A_271 : memref<128x128xf32, #tpu.memory_space<vmem_shared>>)
      } else {
      }
      %dma_start3A_194 = arith.constant 9 : i32
      %dma_start3A_195 = arith.constant 1 : i32
      %dma_start3A_196 = arith.constant 0 : i32
      %dma_start3A_197 = arith.constant 0 : i32
      %dma_start3A_198 = tpu.memref_slice %arg7[%dma_start3A_195, %dma_start3A_196, %dma_start3A_197] : memref<2x128x128xf32, #tpu.memory_space<vmem>> -> memref<1x128x128xf32, #tpu.memory_space<vmem>>
      %dma_start3A_199 = tpu.memref_squeeze %dma_start3A_198 : memref<1x128x128xf32, #tpu.memory_space<vmem>> -> memref<128x128xf32, #tpu.memory_space<vmem>>
      %dma_start3A_200 = arith.constant 0 : i32
      %dma_start3A_201 = tpu.memref_slice %arg8[%dma_start3A_194, %dma_start3A_200] : memref<16x128xi32, #tpu.memory_space<vmem>> -> memref<1x128xi32, #tpu.memory_space<vmem>>
      %dma_start3A_202 = tpu.memref_squeeze %dma_start3A_201 : memref<1x128xi32, #tpu.memory_space<vmem>> -> memref<128xi32, #tpu.memory_space<vmem>>
      %dma_start3A_203 = arith.constant 0 : i32
      %dma_start3A_204 = arith.constant 0 : i32
      %dma_start3A_205 = tpu.memref_slice %arg2[%dma_start3A_203, %dma_start3A_204] : memref<20480x128xf32, #tpu.memory_space<hbm>> -> memref<20480x128xf32, #tpu.memory_space<hbm>>
      tpu.enqueue_indirect_dma source(%dma_start3A_205 : memref<20480x128xf32, #tpu.memory_space<hbm>>) target(%dma_start3A_199 : memref<128x128xf32, #tpu.memory_space<vmem>>) offsets(%dma_start3A_202 : memref<128xi32, #tpu.memory_space<vmem>>) semaphore(%arg10 : memref<!tpu.dma_semaphore, #tpu.memory_space<semaphore_mem>>)
      %add3A_206 = arith.constant 1 : i32
      %add3A_207 = arith.addi %add3A_156, %add3A_206 : i32
      %lt3A_208 = arith.constant 42 : i32
      %lt3A_209 = arith.cmpi slt, %add3A_207, %lt3A_208 : i32
      %convert_element_type3A_210 = arith.extui %lt3A_209 : i1 to i32
      %cond3A_211 = arith.constant 0 : i32
      %cond3A_212 = arith.cmpi ne, %convert_element_type3A_210, %cond3A_211 : i32
      scf.if %cond3A_212 {
        %add3A_261 = arith.addi %mul3A_2, %add3A_156 : i32
        %add3A_262 = arith.constant 1 : i32
        %add3A_263 = arith.addi %add3A_261, %add3A_262 : i32
        %dma_start3A_264 = arith.constant 0 : i32
        %dma_start3A_265 = arith.constant 0 : i32
        %dma_start3A_266 = tpu.memref_slice %arg8[%dma_start3A_264, %dma_start3A_265] : memref<16x128xi32, #tpu.memory_space<vmem>> -> memref<8x128xi32, #tpu.memory_space<vmem>>
        %dma_start3A_267 = arith.constant 0 : i32
        %dma_start3A_268 = arith.constant 0 : i32
        %dma_start3A_269 = tpu.memref_slice %arg3[%arg0, %add3A_263, %dma_start3A_267, %dma_start3A_268] : memref<2x672x8x128xi32, #tpu.memory_space<hbm>> -> memref<1x1x8x128xi32, #tpu.memory_space<hbm>>
        %dma_start3A_270 = tpu.memref_squeeze %dma_start3A_269 : memref<1x1x8x128xi32, #tpu.memory_space<hbm>> -> memref<8x128xi32, #tpu.memory_space<hbm>>
        %dma_start3A_271 = arith.constant 0 : i32
        %dma_start3A_272 = arith.constant 0 : i32
        %dma_start3A_273 = tpu.memref_slice %arg8[%dma_start3A_271, %dma_start3A_272] : memref<16x128xi32, #tpu.memory_space<vmem>> -> memref<8x128xi32, #tpu.memory_space<vmem>>
        %dma_start3A_274 = arith.constant 0 : i32
        %dma_start3A_275 = arith.constant 0 : i32
        %dma_start3A_276 = tpu.memref_slice %arg3[%arg0, %add3A_263, %dma_start3A_274, %dma_start3A_275] : memref<2x672x8x128xi32, #tpu.memory_space<hbm>> -> memref<1x1x8x128xi32, #tpu.memory_space<hbm>>
        %dma_start3A_277 = tpu.memref_squeeze %dma_start3A_276 : memref<1x1x8x128xi32, #tpu.memory_space<hbm>> -> memref<8x128xi32, #tpu.memory_space<hbm>>
        tpu.enqueue_dma source(%dma_start3A_277 : memref<8x128xi32, #tpu.memory_space<hbm>>) target(%dma_start3A_273 : memref<8x128xi32, #tpu.memory_space<vmem>>) target_semaphore(%arg13 : memref<!tpu.dma_semaphore, #tpu.memory_space<semaphore_mem>>)
      } else {
      }
      %dma_wait3A_213 = arith.constant 8 : i32
      %dma_wait3A_214 = arith.constant 0 : i32
      %dma_wait3A_215 = arith.constant 0 : i32
      %dma_wait3A_216 = arith.constant 0 : i32
      %dma_wait3A_217 = tpu.memref_slice %arg7[%dma_wait3A_214, %dma_wait3A_215, %dma_wait3A_216] : memref<2x128x128xf32, #tpu.memory_space<vmem>> -> memref<1x128x128xf32, #tpu.memory_space<vmem>>
      %dma_wait3A_218 = tpu.memref_squeeze %dma_wait3A_217 : memref<1x128x128xf32, #tpu.memory_space<vmem>> -> memref<128x128xf32, #tpu.memory_space<vmem>>
      %dma_wait3A_219 = arith.constant 0 : i32
      %dma_wait3A_220 = tpu.memref_slice %arg8[%dma_wait3A_213, %dma_wait3A_219] : memref<16x128xi32, #tpu.memory_space<vmem>> -> memref<1x128xi32, #tpu.memory_space<vmem>>
      %dma_wait3A_221 = tpu.memref_squeeze %dma_wait3A_220 : memref<1x128xi32, #tpu.memory_space<vmem>> -> memref<128xi32, #tpu.memory_space<vmem>>
      %dma_wait3A_222 = arith.constant 0 : i32
      %dma_wait3A_223 = arith.constant 0 : i32
      %dma_wait3A_224 = tpu.memref_slice %arg2[%dma_wait3A_222, %dma_wait3A_223] : memref<20480x128xf32, #tpu.memory_space<hbm>> -> memref<20480x128xf32, #tpu.memory_space<hbm>>
      tpu.wait_indirect_dma semaphore(%arg9 : memref<!tpu.dma_semaphore, #tpu.memory_space<semaphore_mem>>) src(%dma_wait3A_224 : memref<20480x128xf32, #tpu.memory_space<hbm>>) dst(%dma_wait3A_218 : memref<128x128xf32, #tpu.memory_space<vmem>>)
      %dma_start3A_225 = arith.constant 0 : i32
      %dma_start3A_226 = arith.constant 10 : i32
      %dma_start3A_227 = arith.constant 0 : i32
      %dma_start3A_228 = arith.constant 0 : i32
      %dma_start3A_229 = tpu.memref_slice %arg7[%dma_start3A_225, %dma_start3A_227, %dma_start3A_228] : memref<2x128x128xf32, #tpu.memory_space<vmem>> -> memref<1x128x128xf32, #tpu.memory_space<vmem>>
      %dma_start3A_230 = tpu.memref_squeeze %dma_start3A_229 : memref<1x128x128xf32, #tpu.memory_space<vmem>> -> memref<128x128xf32, #tpu.memory_space<vmem>>
      %dma_start3A_231 = arith.constant 0 : i32
      %dma_start3A_232 = tpu.memref_slice %arg8[%dma_start3A_226, %dma_start3A_231] : memref<16x128xi32, #tpu.memory_space<vmem>> -> memref<1x128xi32, #tpu.memory_space<vmem>>
      %dma_start3A_233 = tpu.memref_squeeze %dma_start3A_232 : memref<1x128xi32, #tpu.memory_space<vmem>> -> memref<128xi32, #tpu.memory_space<vmem>>
      %dma_start3A_234 = arith.constant 0 : i32
      %dma_start3A_235 = arith.constant 0 : i32
      %dma_start3A_236 = tpu.memref_slice %arg6[%dma_start3A_234, %dma_start3A_235] : memref<10112x128xf32, #tpu.memory_space<vmem_shared>> -> memref<10112x128xf32, #tpu.memory_space<vmem_shared>>
      tpu.enqueue_indirect_dma source(%dma_start3A_230 : memref<128x128xf32, #tpu.memory_space<vmem>>) target(%dma_start3A_236 : memref<10112x128xf32, #tpu.memory_space<vmem_shared>>) offsets(%dma_start3A_233 : memref<128xi32, #tpu.memory_space<vmem>>) semaphore(%arg11 : memref<!tpu.dma_semaphore, #tpu.memory_space<semaphore_mem>>) {add = true}
      %dma_wait3A_237 = arith.constant 9 : i32
      %dma_wait3A_238 = arith.constant 1 : i32
      %dma_wait3A_239 = arith.constant 0 : i32
      %dma_wait3A_240 = arith.constant 0 : i32
      %dma_wait3A_241 = tpu.memref_slice %arg7[%dma_wait3A_238, %dma_wait3A_239, %dma_wait3A_240] : memref<2x128x128xf32, #tpu.memory_space<vmem>> -> memref<1x128x128xf32, #tpu.memory_space<vmem>>
      %dma_wait3A_242 = tpu.memref_squeeze %dma_wait3A_241 : memref<1x128x128xf32, #tpu.memory_space<vmem>> -> memref<128x128xf32, #tpu.memory_space<vmem>>
      %dma_wait3A_243 = arith.constant 0 : i32
      %dma_wait3A_244 = tpu.memref_slice %arg8[%dma_wait3A_237, %dma_wait3A_243] : memref<16x128xi32, #tpu.memory_space<vmem>> -> memref<1x128xi32, #tpu.memory_space<vmem>>
      %dma_wait3A_245 = tpu.memref_squeeze %dma_wait3A_244 : memref<1x128xi32, #tpu.memory_space<vmem>> -> memref<128xi32, #tpu.memory_space<vmem>>
      %dma_wait3A_246 = arith.constant 0 : i32
      %dma_wait3A_247 = arith.constant 0 : i32
      %dma_wait3A_248 = tpu.memref_slice %arg2[%dma_wait3A_246, %dma_wait3A_247] : memref<20480x128xf32, #tpu.memory_space<hbm>> -> memref<20480x128xf32, #tpu.memory_space<hbm>>
      tpu.wait_indirect_dma semaphore(%arg10 : memref<!tpu.dma_semaphore, #tpu.memory_space<semaphore_mem>>) src(%dma_wait3A_248 : memref<20480x128xf32, #tpu.memory_space<hbm>>) dst(%dma_wait3A_242 : memref<128x128xf32, #tpu.memory_space<vmem>>)
      %dma_start3A_249 = arith.constant 1 : i32
      %dma_start3A_250 = arith.constant 11 : i32
      %dma_start3A_251 = arith.constant 0 : i32
      %dma_start3A_252 = arith.constant 0 : i32
      %dma_start3A_253 = tpu.memref_slice %arg7[%dma_start3A_249, %dma_start3A_251, %dma_start3A_252] : memref<2x128x128xf32, #tpu.memory_space<vmem>> -> memref<1x128x128xf32, #tpu.memory_space<vmem>>
      %dma_start3A_254 = tpu.memref_squeeze %dma_start3A_253 : memref<1x128x128xf32, #tpu.memory_space<vmem>> -> memref<128x128xf32, #tpu.memory_space<vmem>>
      %dma_start3A_255 = arith.constant 0 : i32
      %dma_start3A_256 = tpu.memref_slice %arg8[%dma_start3A_250, %dma_start3A_255] : memref<16x128xi32, #tpu.memory_space<vmem>> -> memref<1x128xi32, #tpu.memory_space<vmem>>
      %dma_start3A_257 = tpu.memref_squeeze %dma_start3A_256 : memref<1x128xi32, #tpu.memory_space<vmem>> -> memref<128xi32, #tpu.memory_space<vmem>>
      %dma_start3A_258 = arith.constant 0 : i32
      %dma_start3A_259 = arith.constant 0 : i32
      %dma_start3A_260 = tpu.memref_slice %arg6[%dma_start3A_258, %dma_start3A_259] : memref<10112x128xf32, #tpu.memory_space<vmem_shared>> -> memref<10112x128xf32, #tpu.memory_space<vmem_shared>>
      tpu.enqueue_indirect_dma source(%dma_start3A_254 : memref<128x128xf32, #tpu.memory_space<vmem>>) target(%dma_start3A_260 : memref<10112x128xf32, #tpu.memory_space<vmem_shared>>) offsets(%dma_start3A_257 : memref<128xi32, #tpu.memory_space<vmem>>) semaphore(%arg12 : memref<!tpu.dma_semaphore, #tpu.memory_space<semaphore_mem>>) {add = true}
    }
    %scan3A_20 = arith.constant 21 : i32
    %dma_wait3A = arith.constant 0 : i32
    %dma_wait3A_21 = arith.constant 0 : i32
    %dma_wait3A_22 = arith.constant 0 : i32
    %dma_wait3A_23 = tpu.memref_slice %arg7[%dma_wait3A, %dma_wait3A_21, %dma_wait3A_22] : memref<2x128x128xf32, #tpu.memory_space<vmem>> -> memref<1x128x128xf32, #tpu.memory_space<vmem>>
    %dma_wait3A_24 = tpu.memref_squeeze %dma_wait3A_23 : memref<1x128x128xf32, #tpu.memory_space<vmem>> -> memref<128x128xf32, #tpu.memory_space<vmem>>
    %dma_wait3A_25 = arith.constant 0 : i32
    %dma_wait3A_26 = arith.constant 0 : i32
    %dma_wait3A_27 = tpu.memref_slice %arg6[%dma_wait3A_25, %dma_wait3A_26] : memref<10112x128xf32, #tpu.memory_space<vmem_shared>> -> memref<128x128xf32, #tpu.memory_space<vmem_shared>>
    %dma_wait3A_28 = arith.constant 0 : i32
    %dma_wait3A_29 = arith.constant 0 : i32
    %dma_wait3A_30 = tpu.memref_slice %arg6[%dma_wait3A_28, %dma_wait3A_29] : memref<10112x128xf32, #tpu.memory_space<vmem_shared>> -> memref<128x128xf32, #tpu.memory_space<vmem_shared>>
    %dma_wait3A_31 = arith.constant 0 : i32
    %dma_wait3A_32 = arith.constant 0 : i32
    %dma_wait3A_33 = tpu.memref_slice %arg7[%dma_wait3A, %dma_wait3A_31, %dma_wait3A_32] : memref<2x128x128xf32, #tpu.memory_space<vmem>> -> memref<1x128x128xf32, #tpu.memory_space<vmem>>
    %dma_wait3A_34 = tpu.memref_squeeze %dma_wait3A_33 : memref<1x128x128xf32, #tpu.memory_space<vmem>> -> memref<128x128xf32, #tpu.memory_space<vmem>>
    tpu.wait_dma2 semaphore(%arg11 : memref<!tpu.dma_semaphore, #tpu.memory_space<semaphore_mem>>) src(%dma_wait3A_34 : memref<128x128xf32, #tpu.memory_space<vmem>>) dst(%dma_wait3A_30 : memref<128x128xf32, #tpu.memory_space<vmem_shared>>)
    %dma_wait3A_35 = arith.constant 1 : i32
    %dma_wait3A_36 = arith.constant 0 : i32
    %dma_wait3A_37 = arith.constant 0 : i32
    %dma_wait3A_38 = tpu.memref_slice %arg7[%dma_wait3A_35, %dma_wait3A_36, %dma_wait3A_37] : memref<2x128x128xf32, #tpu.memory_space<vmem>> -> memref<1x128x128xf32, #tpu.memory_space<vmem>>
    %dma_wait3A_39 = tpu.memref_squeeze %dma_wait3A_38 : memref<1x128x128xf32, #tpu.memory_space<vmem>> -> memref<128x128xf32, #tpu.memory_space<vmem>>
    %dma_wait3A_40 = arith.constant 0 : i32
    %dma_wait3A_41 = arith.constant 0 : i32
    %dma_wait3A_42 = tpu.memref_slice %arg6[%dma_wait3A_40, %dma_wait3A_41] : memref<10112x128xf32, #tpu.memory_space<vmem_shared>> -> memref<128x128xf32, #tpu.memory_space<vmem_shared>>
    %dma_wait3A_43 = arith.constant 0 : i32
    %dma_wait3A_44 = arith.constant 0 : i32
    %dma_wait3A_45 = tpu.memref_slice %arg6[%dma_wait3A_43, %dma_wait3A_44] : memref<10112x128xf32, #tpu.memory_space<vmem_shared>> -> memref<128x128xf32, #tpu.memory_space<vmem_shared>>
    %dma_wait3A_46 = arith.constant 0 : i32
    %dma_wait3A_47 = arith.constant 0 : i32
    %dma_wait3A_48 = tpu.memref_slice %arg7[%dma_wait3A_35, %dma_wait3A_46, %dma_wait3A_47] : memref<2x128x128xf32, #tpu.memory_space<vmem>> -> memref<1x128x128xf32, #tpu.memory_space<vmem>>
    %dma_wait3A_49 = tpu.memref_squeeze %dma_wait3A_48 : memref<1x128x128xf32, #tpu.memory_space<vmem>> -> memref<128x128xf32, #tpu.memory_space<vmem>>
    tpu.wait_dma2 semaphore(%arg12 : memref<!tpu.dma_semaphore, #tpu.memory_space<semaphore_mem>>) src(%dma_wait3A_49 : memref<128x128xf32, #tpu.memory_space<vmem>>) dst(%dma_wait3A_45 : memref<128x128xf32, #tpu.memory_space<vmem_shared>>)
    %barrier3A_50 = arith.constant 0 : index
    tpu.barrier barrier_id(%barrier3A_50)
    "tpu.region"() ({
      %run_scoped3A = tpu.sem_alloc : memref<!tpu.dma_semaphore, #tpu.memory_space<semaphore_mem>>
      %dma_start3A_51 = arith.constant 0 : i32
      %dma_start3A_52 = tpu.memref_slice %arg5[%arg0, %mul3A_0, %dma_start3A_51] : memref<2x10240x128xf32, #tpu.memory_space<hbm>> -> memref<1x632x128xf32, #tpu.memory_space<hbm>>
      %dma_start3A_53 = tpu.memref_squeeze %dma_start3A_52 : memref<1x632x128xf32, #tpu.memory_space<hbm>> -> memref<632x128xf32, #tpu.memory_space<hbm>>
      %dma_start3A_54 = arith.constant 0 : i32
      %dma_start3A_55 = tpu.memref_slice %arg6[%mul3A_0, %dma_start3A_54] : memref<10112x128xf32, #tpu.memory_space<vmem_shared>> -> memref<632x128xf32, #tpu.memory_space<vmem_shared>>
      tpu.enqueue_dma source(%dma_start3A_55 : memref<632x128xf32, #tpu.memory_space<vmem_shared>>) target(%dma_start3A_53 : memref<632x128xf32, #tpu.memory_space<hbm>>) target_semaphore(%run_scoped3A : memref<!tpu.dma_semaphore, #tpu.memory_space<semaphore_mem>>)
      %dma_wait3A_56 = arith.constant 0 : i32
      %dma_wait3A_57 = tpu.memref_slice %arg5[%arg0, %mul3A_0, %dma_wait3A_56] : memref<2x10240x128xf32, #tpu.memory_space<hbm>> -> memref<1x632x128xf32, #tpu.memory_space<hbm>>
      %dma_wait3A_58 = tpu.memref_squeeze %dma_wait3A_57 : memref<1x632x128xf32, #tpu.memory_space<hbm>> -> memref<632x128xf32, #tpu.memory_space<hbm>>
      %dma_wait3A_59 = arith.constant 0 : i32
      %dma_wait3A_60 = tpu.memref_slice %arg6[%mul3A_0, %dma_wait3A_59] : memref<10112x128xf32, #tpu.memory_space<vmem_shared>> -> memref<632x128xf32, #tpu.memory_space<vmem_shared>>
      tpu.wait_dma2 semaphore(%run_scoped3A : memref<!tpu.dma_semaphore, #tpu.memory_space<semaphore_mem>>) src(%dma_wait3A_60 : memref<632x128xf32, #tpu.memory_space<vmem_shared>>) dst(%dma_wait3A_58 : memref<632x128xf32, #tpu.memory_space<hbm>>)
      tpu.yield
    }) : () -> ()
    return
  }
}

#map = affine_map<(d0, d1) -> (0, 0)>
#map1 = affine_map<(d0, d1) -> (0, 0, 0, 0)>
#map2 = affine_map<(d0, d1) -> (0, 0, 0)>
module attributes {stable_mosaic.version = 14 : i64} {
  func.func @_agg_body(%arg0: i32, %arg1: i32, %arg2: memref<20480x128xf32, #tpu.memory_space<hbm>>, %arg3: memref<2x672x8x128xi32, #tpu.memory_space<hbm>>, %arg4: memref<632x128xf32, #tpu.memory_space<hbm>>, %arg5: memref<2x10240x128xf32, #tpu.memory_space<hbm>>, %arg6: memref<10112x128xf32, #tpu.memory_space<vmem_shared>>, %arg7: memref<2x128x128xf32, #tpu.memory_space<vmem>>, %arg8: memref<16x128xi32, #tpu.memory_space<vmem>>, %arg9: memref<!tpu.dma_semaphore, #tpu.memory_space<semaphore_mem>>, %arg10: memref<!tpu.dma_semaphore, #tpu.memory_space<semaphore_mem>>, %arg11: memref<!tpu.dma_semaphore, #tpu.memory_space<semaphore_mem>>, %arg12: memref<!tpu.dma_semaphore, #tpu.memory_space<semaphore_mem>>, %arg13: memref<!tpu.dma_semaphore, #tpu.memory_space<semaphore_mem>>, %arg14: memref<!tpu.dma_semaphore, #tpu.memory_space<semaphore_mem>>) attributes {dimension_semantics = [#tpu.dimension_semantics<core_parallel>, #tpu.dimension_semantics<subcore_parallel>], iteration_bounds = array<i64: 2, 16>, scalar_prefetch = 0 : i64, scratch_operands = 9 : i64, tpu.core_type = #tpu.core_type<sc_vector_subcore>, window_params = [{transform_indices = #map}, {transform_indices = #map1}, {transform_indices = #map}, {transform_indices = #map2}]} {
    %mul3A = arith.constant 632 : i32
    %mul3A_0 = arith.muli %arg1, %mul3A : i32
    %mul3A_1 = arith.constant 42 : i32
    %mul3A_2 = arith.muli %arg1, %mul3A_1 : i32
    %dma_start3A = arith.constant 0 : i32
    %dma_start3A_3 = arith.constant 0 : i32
    %dma_start3A_4 = tpu.memref_slice %arg8[%dma_start3A, %dma_start3A_3] : memref<16x128xi32, #tpu.memory_space<vmem>> -> memref<8x128xi32, #tpu.memory_space<vmem>>
    %dma_start3A_5 = arith.constant 0 : i32
    %dma_start3A_6 = arith.constant 0 : i32
    %dma_start3A_7 = tpu.memref_slice %arg3[%arg0, %mul3A_2, %dma_start3A_5, %dma_start3A_6] : memref<2x672x8x128xi32, #tpu.memory_space<hbm>> -> memref<1x1x8x128xi32, #tpu.memory_space<hbm>>
    %dma_start3A_8 = tpu.memref_squeeze %dma_start3A_7 : memref<1x1x8x128xi32, #tpu.memory_space<hbm>> -> memref<8x128xi32, #tpu.memory_space<hbm>>
    %dma_start3A_9 = arith.constant 0 : i32
    %dma_start3A_10 = arith.constant 0 : i32
    %dma_start3A_11 = tpu.memref_slice %arg8[%dma_start3A_9, %dma_start3A_10] : memref<16x128xi32, #tpu.memory_space<vmem>> -> memref<8x128xi32, #tpu.memory_space<vmem>>
    %dma_start3A_12 = arith.constant 0 : i32
    %dma_start3A_13 = arith.constant 0 : i32
    %dma_start3A_14 = tpu.memref_slice %arg3[%arg0, %mul3A_2, %dma_start3A_12, %dma_start3A_13] : memref<2x672x8x128xi32, #tpu.memory_space<hbm>> -> memref<1x1x8x128xi32, #tpu.memory_space<hbm>>
    %dma_start3A_15 = tpu.memref_squeeze %dma_start3A_14 : memref<1x1x8x128xi32, #tpu.memory_space<hbm>> -> memref<8x128xi32, #tpu.memory_space<hbm>>
    tpu.enqueue_dma source(%dma_start3A_15 : memref<8x128xi32, #tpu.memory_space<hbm>>) target(%dma_start3A_11 : memref<8x128xi32, #tpu.memory_space<vmem>>) target_semaphore(%arg13 : memref<!tpu.dma_semaphore, #tpu.memory_space<semaphore_mem>>)
    "tpu.region"() ({
      %run_scoped3A = tpu.sem_alloc : memref<!tpu.dma_semaphore, #tpu.memory_space<semaphore_mem>>
      %dma_start3A_51 = arith.constant 0 : i32
      %dma_start3A_52 = tpu.memref_slice %arg6[%mul3A_0, %dma_start3A_51] : memref<10112x128xf32, #tpu.memory_space<vmem_shared>> -> memref<632x128xf32, #tpu.memory_space<vmem_shared>>
      tpu.enqueue_dma source(%arg4 : memref<632x128xf32, #tpu.memory_space<hbm>>) target(%dma_start3A_52 : memref<632x128xf32, #tpu.memory_space<vmem_shared>>) target_semaphore(%run_scoped3A : memref<!tpu.dma_semaphore, #tpu.memory_space<semaphore_mem>>)
      %dma_wait3A_53 = arith.constant 0 : i32
      %dma_wait3A_54 = tpu.memref_slice %arg6[%mul3A_0, %dma_wait3A_53] : memref<10112x128xf32, #tpu.memory_space<vmem_shared>> -> memref<632x128xf32, #tpu.memory_space<vmem_shared>>
      tpu.wait_dma2 semaphore(%run_scoped3A : memref<!tpu.dma_semaphore, #tpu.memory_space<semaphore_mem>>) src(%arg4 : memref<632x128xf32, #tpu.memory_space<hbm>>) dst(%dma_wait3A_54 : memref<632x128xf32, #tpu.memory_space<vmem_shared>>)
      tpu.yield
    }) : () -> ()
    %barrier3A = arith.constant 0 : index
    tpu.barrier barrier_id(%barrier3A)
    %scan3A = arith.constant 0 : i32
    %scan3A_16 = arith.constant 0 : i32
    %scan3A_17 = arith.constant 21 : i32
    %scan3A_18 = arith.addi %scan3A_16, %scan3A_17 : i32
    %scan3A_19 = arith.constant 1 : i32
    scf.for %scan3A_51 = %scan3A_16 to %scan3A_18 step %scan3A_19  : i32 {
      %mul3A_52 = arith.constant 2 : i32
      %mul3A_53 = arith.muli %mul3A_52, %scan3A_51 : i32
      %add3A = arith.addi %mul3A_2, %mul3A_53 : i32
      %dma_wait3A_54 = arith.constant 0 : i32
      %dma_wait3A_55 = arith.constant 0 : i32
      %dma_wait3A_56 = tpu.memref_slice %arg8[%dma_wait3A_54, %dma_wait3A_55] : memref<16x128xi32, #tpu.memory_space<vmem>> -> memref<8x128xi32, #tpu.memory_space<vmem>>
      %dma_wait3A_57 = arith.constant 0 : i32
      %dma_wait3A_58 = arith.constant 0 : i32
      %dma_wait3A_59 = tpu.memref_slice %arg3[%arg0, %add3A, %dma_wait3A_57, %dma_wait3A_58] : memref<2x672x8x128xi32, #tpu.memory_space<hbm>> -> memref<1x1x8x128xi32, #tpu.memory_space<hbm>>
      %dma_wait3A_60 = tpu.memref_squeeze %dma_wait3A_59 : memref<1x1x8x128xi32, #tpu.memory_space<hbm>> -> memref<8x128xi32, #tpu.memory_space<hbm>>
      %dma_wait3A_61 = arith.constant 0 : i32
      %dma_wait3A_62 = arith.constant 0 : i32
      %dma_wait3A_63 = tpu.memref_slice %arg8[%dma_wait3A_61, %dma_wait3A_62] : memref<16x128xi32, #tpu.memory_space<vmem>> -> memref<8x128xi32, #tpu.memory_space<vmem>>
      %dma_wait3A_64 = arith.constant 0 : i32
      %dma_wait3A_65 = arith.constant 0 : i32
      %dma_wait3A_66 = tpu.memref_slice %arg3[%arg0, %add3A, %dma_wait3A_64, %dma_wait3A_65] : memref<2x672x8x128xi32, #tpu.memory_space<hbm>> -> memref<1x1x8x128xi32, #tpu.memory_space<hbm>>
      %dma_wait3A_67 = tpu.memref_squeeze %dma_wait3A_66 : memref<1x1x8x128xi32, #tpu.memory_space<hbm>> -> memref<8x128xi32, #tpu.memory_space<hbm>>
      tpu.wait_dma2 semaphore(%arg13 : memref<!tpu.dma_semaphore, #tpu.memory_space<semaphore_mem>>) src(%dma_wait3A_67 : memref<8x128xi32, #tpu.memory_space<hbm>>) dst(%dma_wait3A_63 : memref<8x128xi32, #tpu.memory_space<vmem>>)
      %gt3A = arith.constant 0 : i32
      %gt3A_68 = arith.cmpi sgt, %mul3A_53, %gt3A : i32
      %convert_element_type3A = arith.extui %gt3A_68 : i1 to i32
      %cond3A = arith.constant 0 : i32
      %cond3A_69 = arith.cmpi ne, %convert_element_type3A, %cond3A : i32
      scf.if %cond3A_69 {
        %dma_wait3A_261 = arith.constant 0 : i32
        %dma_wait3A_262 = arith.constant 0 : i32
        %dma_wait3A_263 = arith.constant 0 : i32
        %dma_wait3A_264 = tpu.memref_slice %arg7[%dma_wait3A_261, %dma_wait3A_262, %dma_wait3A_263] : memref<2x128x128xf32, #tpu.memory_space<vmem>> -> memref<1x128x128xf32, #tpu.memory_space<vmem>>
        %dma_wait3A_265 = tpu.memref_squeeze %dma_wait3A_264 : memref<1x128x128xf32, #tpu.memory_space<vmem>> -> memref<128x128xf32, #tpu.memory_space<vmem>>
        %dma_wait3A_266 = arith.constant 0 : i32
        %dma_wait3A_267 = arith.constant 0 : i32
        %dma_wait3A_268 = tpu.memref_slice %arg6[%dma_wait3A_266, %dma_wait3A_267] : memref<10112x128xf32, #tpu.memory_space<vmem_shared>> -> memref<128x128xf32, #tpu.memory_space<vmem_shared>>
        %dma_wait3A_269 = arith.constant 0 : i32
        %dma_wait3A_270 = arith.constant 0 : i32
        %dma_wait3A_271 = tpu.memref_slice %arg6[%dma_wait3A_269, %dma_wait3A_270] : memref<10112x128xf32, #tpu.memory_space<vmem_shared>> -> memref<128x128xf32, #tpu.memory_space<vmem_shared>>
        %dma_wait3A_272 = arith.constant 0 : i32
        %dma_wait3A_273 = arith.constant 0 : i32
        %dma_wait3A_274 = tpu.memref_slice %arg7[%dma_wait3A_261, %dma_wait3A_272, %dma_wait3A_273] : memref<2x128x128xf32, #tpu.memory_space<vmem>> -> memref<1x128x128xf32, #tpu.memory_space<vmem>>
        %dma_wait3A_275 = tpu.memref_squeeze %dma_wait3A_274 : memref<1x128x128xf32, #tpu.memory_space<vmem>> -> memref<128x128xf32, #tpu.memory_space<vmem>>
        tpu.wait_dma2 semaphore(%arg11 : memref<!tpu.dma_semaphore, #tpu.memory_space<semaphore_mem>>) src(%dma_wait3A_275 : memref<128x128xf32, #tpu.memory_space<vmem>>) dst(%dma_wait3A_271 : memref<128x128xf32, #tpu.memory_space<vmem_shared>>)
      } else {
      }
      %dma_start3A_70 = arith.constant 0 : i32
      %dma_start3A_71 = arith.constant 0 : i32
      %dma_start3A_72 = arith.constant 0 : i32
      %dma_start3A_73 = arith.constant 0 : i32
      %dma_start3A_74 = tpu.memref_slice %arg7[%dma_start3A_71, %dma_start3A_72, %dma_start3A_73] : memref<2x128x128xf32, #tpu.memory_space<vmem>> -> memref<1x128x128xf32, #tpu.memory_space<vmem>>
      %dma_start3A_75 = tpu.memref_squeeze %dma_start3A_74 : memref<1x128x128xf32, #tpu.memory_space<vmem>> -> memref<128x128xf32, #tpu.memory_space<vmem>>
      %dma_start3A_76 = arith.constant 0 : i32
      %dma_start3A_77 = tpu.memref_slice %arg8[%dma_start3A_70, %dma_start3A_76] : memref<16x128xi32, #tpu.memory_space<vmem>> -> memref<1x128xi32, #tpu.memory_space<vmem>>
      %dma_start3A_78 = tpu.memref_squeeze %dma_start3A_77 : memref<1x128xi32, #tpu.memory_space<vmem>> -> memref<128xi32, #tpu.memory_space<vmem>>
      %dma_start3A_79 = arith.constant 0 : i32
      %dma_start3A_80 = arith.constant 0 : i32
      %dma_start3A_81 = tpu.memref_slice %arg2[%dma_start3A_79, %dma_start3A_80] : memref<20480x128xf32, #tpu.memory_space<hbm>> -> memref<20480x128xf32, #tpu.memory_space<hbm>>
      tpu.enqueue_indirect_dma source(%dma_start3A_81 : memref<20480x128xf32, #tpu.memory_space<hbm>>) target(%dma_start3A_75 : memref<128x128xf32, #tpu.memory_space<vmem>>) offsets(%dma_start3A_78 : memref<128xi32, #tpu.memory_space<vmem>>) semaphore(%arg9 : memref<!tpu.dma_semaphore, #tpu.memory_space<semaphore_mem>>)
      %gt3A_82 = arith.constant 0 : i32
      %gt3A_83 = arith.cmpi sgt, %mul3A_53, %gt3A_82 : i32
      %convert_element_type3A_84 = arith.extui %gt3A_83 : i1 to i32
      %cond3A_85 = arith.constant 0 : i32
      %cond3A_86 = arith.cmpi ne, %convert_element_type3A_84, %cond3A_85 : i32
      scf.if %cond3A_86 {
        %dma_wait3A_261 = arith.constant 1 : i32
        %dma_wait3A_262 = arith.constant 0 : i32
        %dma_wait3A_263 = arith.constant 0 : i32
        %dma_wait3A_264 = tpu.memref_slice %arg7[%dma_wait3A_261, %dma_wait3A_262, %dma_wait3A_263] : memref<2x128x128xf32, #tpu.memory_space<vmem>> -> memref<1x128x128xf32, #tpu.memory_space<vmem>>
        %dma_wait3A_265 = tpu.memref_squeeze %dma_wait3A_264 : memref<1x128x128xf32, #tpu.memory_space<vmem>> -> memref<128x128xf32, #tpu.memory_space<vmem>>
        %dma_wait3A_266 = arith.constant 0 : i32
        %dma_wait3A_267 = arith.constant 0 : i32
        %dma_wait3A_268 = tpu.memref_slice %arg6[%dma_wait3A_266, %dma_wait3A_267] : memref<10112x128xf32, #tpu.memory_space<vmem_shared>> -> memref<128x128xf32, #tpu.memory_space<vmem_shared>>
        %dma_wait3A_269 = arith.constant 0 : i32
        %dma_wait3A_270 = arith.constant 0 : i32
        %dma_wait3A_271 = tpu.memref_slice %arg6[%dma_wait3A_269, %dma_wait3A_270] : memref<10112x128xf32, #tpu.memory_space<vmem_shared>> -> memref<128x128xf32, #tpu.memory_space<vmem_shared>>
        %dma_wait3A_272 = arith.constant 0 : i32
        %dma_wait3A_273 = arith.constant 0 : i32
        %dma_wait3A_274 = tpu.memref_slice %arg7[%dma_wait3A_261, %dma_wait3A_272, %dma_wait3A_273] : memref<2x128x128xf32, #tpu.memory_space<vmem>> -> memref<1x128x128xf32, #tpu.memory_space<vmem>>
        %dma_wait3A_275 = tpu.memref_squeeze %dma_wait3A_274 : memref<1x128x128xf32, #tpu.memory_space<vmem>> -> memref<128x128xf32, #tpu.memory_space<vmem>>
        tpu.wait_dma2 semaphore(%arg12 : memref<!tpu.dma_semaphore, #tpu.memory_space<semaphore_mem>>) src(%dma_wait3A_275 : memref<128x128xf32, #tpu.memory_space<vmem>>) dst(%dma_wait3A_271 : memref<128x128xf32, #tpu.memory_space<vmem_shared>>)
      } else {
      }
      %dma_start3A_87 = arith.constant 1 : i32
      %dma_start3A_88 = arith.constant 1 : i32
      %dma_start3A_89 = arith.constant 0 : i32
      %dma_start3A_90 = arith.constant 0 : i32
      %dma_start3A_91 = tpu.memref_slice %arg7[%dma_start3A_88, %dma_start3A_89, %dma_start3A_90] : memref<2x128x128xf32, #tpu.memory_space<vmem>> -> memref<1x128x128xf32, #tpu.memory_space<vmem>>
      %dma_start3A_92 = tpu.memref_squeeze %dma_start3A_91 : memref<1x128x128xf32, #tpu.memory_space<vmem>> -> memref<128x128xf32, #tpu.memory_space<vmem>>
      %dma_start3A_93 = arith.constant 0 : i32
      %dma_start3A_94 = tpu.memref_slice %arg8[%dma_start3A_87, %dma_start3A_93] : memref<16x128xi32, #tpu.memory_space<vmem>> -> memref<1x128xi32, #tpu.memory_space<vmem>>
      %dma_start3A_95 = tpu.memref_squeeze %dma_start3A_94 : memref<1x128xi32, #tpu.memory_space<vmem>> -> memref<128xi32, #tpu.memory_space<vmem>>
      %dma_start3A_96 = arith.constant 0 : i32
      %dma_start3A_97 = arith.constant 0 : i32
      %dma_start3A_98 = tpu.memref_slice %arg2[%dma_start3A_96, %dma_start3A_97] : memref<20480x128xf32, #tpu.memory_space<hbm>> -> memref<20480x128xf32, #tpu.memory_space<hbm>>
      tpu.enqueue_indirect_dma source(%dma_start3A_98 : memref<20480x128xf32, #tpu.memory_space<hbm>>) target(%dma_start3A_92 : memref<128x128xf32, #tpu.memory_space<vmem>>) offsets(%dma_start3A_95 : memref<128xi32, #tpu.memory_space<vmem>>) semaphore(%arg10 : memref<!tpu.dma_semaphore, #tpu.memory_space<semaphore_mem>>)
      %add3A_99 = arith.constant 1 : i32
      %add3A_100 = arith.addi %mul3A_53, %add3A_99 : i32
      %lt3A = arith.constant 42 : i32
      %lt3A_101 = arith.cmpi slt, %add3A_100, %lt3A : i32
      %convert_element_type3A_102 = arith.extui %lt3A_101 : i1 to i32
      %cond3A_103 = arith.constant 0 : i32
      %cond3A_104 = arith.cmpi ne, %convert_element_type3A_102, %cond3A_103 : i32
      scf.if %cond3A_104 {
        %add3A_261 = arith.addi %mul3A_2, %mul3A_53 : i32
        %add3A_262 = arith.constant 1 : i32
        %add3A_263 = arith.addi %add3A_261, %add3A_262 : i32
        %dma_start3A_264 = arith.constant 8 : i32
        %dma_start3A_265 = arith.constant 0 : i32
        %dma_start3A_266 = tpu.memref_slice %arg8[%dma_start3A_264, %dma_start3A_265] : memref<16x128xi32, #tpu.memory_space<vmem>> -> memref<8x128xi32, #tpu.memory_space<vmem>>
        %dma_start3A_267 = arith.constant 0 : i32
        %dma_start3A_268 = arith.constant 0 : i32
        %dma_start3A_269 = tpu.memref_slice %arg3[%arg0, %add3A_263, %dma_start3A_267, %dma_start3A_268] : memref<2x672x8x128xi32, #tpu.memory_space<hbm>> -> memref<1x1x8x128xi32, #tpu.memory_space<hbm>>
        %dma_start3A_270 = tpu.memref_squeeze %dma_start3A_269 : memref<1x1x8x128xi32, #tpu.memory_space<hbm>> -> memref<8x128xi32, #tpu.memory_space<hbm>>
        %dma_start3A_271 = arith.constant 8 : i32
        %dma_start3A_272 = arith.constant 0 : i32
        %dma_start3A_273 = tpu.memref_slice %arg8[%dma_start3A_271, %dma_start3A_272] : memref<16x128xi32, #tpu.memory_space<vmem>> -> memref<8x128xi32, #tpu.memory_space<vmem>>
        %dma_start3A_274 = arith.constant 0 : i32
        %dma_start3A_275 = arith.constant 0 : i32
        %dma_start3A_276 = tpu.memref_slice %arg3[%arg0, %add3A_263, %dma_start3A_274, %dma_start3A_275] : memref<2x672x8x128xi32, #tpu.memory_space<hbm>> -> memref<1x1x8x128xi32, #tpu.memory_space<hbm>>
        %dma_start3A_277 = tpu.memref_squeeze %dma_start3A_276 : memref<1x1x8x128xi32, #tpu.memory_space<hbm>> -> memref<8x128xi32, #tpu.memory_space<hbm>>
        tpu.enqueue_dma source(%dma_start3A_277 : memref<8x128xi32, #tpu.memory_space<hbm>>) target(%dma_start3A_273 : memref<8x128xi32, #tpu.memory_space<vmem>>) target_semaphore(%arg14 : memref<!tpu.dma_semaphore, #tpu.memory_space<semaphore_mem>>)
      } else {
      }
      %dma_wait3A_105 = arith.constant 0 : i32
      %dma_wait3A_106 = arith.constant 0 : i32
      %dma_wait3A_107 = arith.constant 0 : i32
      %dma_wait3A_108 = arith.constant 0 : i32
      %dma_wait3A_109 = tpu.memref_slice %arg7[%dma_wait3A_106, %dma_wait3A_107, %dma_wait3A_108] : memref<2x128x128xf32, #tpu.memory_space<vmem>> -> memref<1x128x128xf32, #tpu.memory_space<vmem>>
      %dma_wait3A_110 = tpu.memref_squeeze %dma_wait3A_109 : memref<1x128x128xf32, #tpu.memory_space<vmem>> -> memref<128x128xf32, #tpu.memory_space<vmem>>
      %dma_wait3A_111 = arith.constant 0 : i32
      %dma_wait3A_112 = tpu.memref_slice %arg8[%dma_wait3A_105, %dma_wait3A_111] : memref<16x128xi32, #tpu.memory_space<vmem>> -> memref<1x128xi32, #tpu.memory_space<vmem>>
      %dma_wait3A_113 = tpu.memref_squeeze %dma_wait3A_112 : memref<1x128xi32, #tpu.memory_space<vmem>> -> memref<128xi32, #tpu.memory_space<vmem>>
      %dma_wait3A_114 = arith.constant 0 : i32
      %dma_wait3A_115 = arith.constant 0 : i32
      %dma_wait3A_116 = tpu.memref_slice %arg2[%dma_wait3A_114, %dma_wait3A_115] : memref<20480x128xf32, #tpu.memory_space<hbm>> -> memref<20480x128xf32, #tpu.memory_space<hbm>>
      tpu.wait_indirect_dma semaphore(%arg9 : memref<!tpu.dma_semaphore, #tpu.memory_space<semaphore_mem>>) src(%dma_wait3A_116 : memref<20480x128xf32, #tpu.memory_space<hbm>>) dst(%dma_wait3A_110 : memref<128x128xf32, #tpu.memory_space<vmem>>)
      %dma_start3A_117 = arith.constant 0 : i32
      %dma_start3A_118 = arith.constant 2 : i32
      %dma_start3A_119 = arith.constant 0 : i32
      %dma_start3A_120 = arith.constant 0 : i32
      %dma_start3A_121 = tpu.memref_slice %arg7[%dma_start3A_117, %dma_start3A_119, %dma_start3A_120] : memref<2x128x128xf32, #tpu.memory_space<vmem>> -> memref<1x128x128xf32, #tpu.memory_space<vmem>>
      %dma_start3A_122 = tpu.memref_squeeze %dma_start3A_121 : memref<1x128x128xf32, #tpu.memory_space<vmem>> -> memref<128x128xf32, #tpu.memory_space<vmem>>
      %dma_start3A_123 = arith.constant 0 : i32
      %dma_start3A_124 = tpu.memref_slice %arg8[%dma_start3A_118, %dma_start3A_123] : memref<16x128xi32, #tpu.memory_space<vmem>> -> memref<1x128xi32, #tpu.memory_space<vmem>>
      %dma_start3A_125 = tpu.memref_squeeze %dma_start3A_124 : memref<1x128xi32, #tpu.memory_space<vmem>> -> memref<128xi32, #tpu.memory_space<vmem>>
      %dma_start3A_126 = arith.constant 0 : i32
      %dma_start3A_127 = arith.constant 0 : i32
      %dma_start3A_128 = tpu.memref_slice %arg6[%dma_start3A_126, %dma_start3A_127] : memref<10112x128xf32, #tpu.memory_space<vmem_shared>> -> memref<10112x128xf32, #tpu.memory_space<vmem_shared>>
      tpu.enqueue_indirect_dma source(%dma_start3A_122 : memref<128x128xf32, #tpu.memory_space<vmem>>) target(%dma_start3A_128 : memref<10112x128xf32, #tpu.memory_space<vmem_shared>>) offsets(%dma_start3A_125 : memref<128xi32, #tpu.memory_space<vmem>>) semaphore(%arg11 : memref<!tpu.dma_semaphore, #tpu.memory_space<semaphore_mem>>) {add = true}
      %dma_wait3A_129 = arith.constant 1 : i32
      %dma_wait3A_130 = arith.constant 1 : i32
      %dma_wait3A_131 = arith.constant 0 : i32
      %dma_wait3A_132 = arith.constant 0 : i32
      %dma_wait3A_133 = tpu.memref_slice %arg7[%dma_wait3A_130, %dma_wait3A_131, %dma_wait3A_132] : memref<2x128x128xf32, #tpu.memory_space<vmem>> -> memref<1x128x128xf32, #tpu.memory_space<vmem>>
      %dma_wait3A_134 = tpu.memref_squeeze %dma_wait3A_133 : memref<1x128x128xf32, #tpu.memory_space<vmem>> -> memref<128x128xf32, #tpu.memory_space<vmem>>
      %dma_wait3A_135 = arith.constant 0 : i32
      %dma_wait3A_136 = tpu.memref_slice %arg8[%dma_wait3A_129, %dma_wait3A_135] : memref<16x128xi32, #tpu.memory_space<vmem>> -> memref<1x128xi32, #tpu.memory_space<vmem>>
      %dma_wait3A_137 = tpu.memref_squeeze %dma_wait3A_136 : memref<1x128xi32, #tpu.memory_space<vmem>> -> memref<128xi32, #tpu.memory_space<vmem>>
      %dma_wait3A_138 = arith.constant 0 : i32
      %dma_wait3A_139 = arith.constant 0 : i32
      %dma_wait3A_140 = tpu.memref_slice %arg2[%dma_wait3A_138, %dma_wait3A_139] : memref<20480x128xf32, #tpu.memory_space<hbm>> -> memref<20480x128xf32, #tpu.memory_space<hbm>>
      tpu.wait_indirect_dma semaphore(%arg10 : memref<!tpu.dma_semaphore, #tpu.memory_space<semaphore_mem>>) src(%dma_wait3A_140 : memref<20480x128xf32, #tpu.memory_space<hbm>>) dst(%dma_wait3A_134 : memref<128x128xf32, #tpu.memory_space<vmem>>)
      %dma_start3A_141 = arith.constant 1 : i32
      %dma_start3A_142 = arith.constant 3 : i32
      %dma_start3A_143 = arith.constant 0 : i32
      %dma_start3A_144 = arith.constant 0 : i32
      %dma_start3A_145 = tpu.memref_slice %arg7[%dma_start3A_141, %dma_start3A_143, %dma_start3A_144] : memref<2x128x128xf32, #tpu.memory_space<vmem>> -> memref<1x128x128xf32, #tpu.memory_space<vmem>>
      %dma_start3A_146 = tpu.memref_squeeze %dma_start3A_145 : memref<1x128x128xf32, #tpu.memory_space<vmem>> -> memref<128x128xf32, #tpu.memory_space<vmem>>
      %dma_start3A_147 = arith.constant 0 : i32
      %dma_start3A_148 = tpu.memref_slice %arg8[%dma_start3A_142, %dma_start3A_147] : memref<16x128xi32, #tpu.memory_space<vmem>> -> memref<1x128xi32, #tpu.memory_space<vmem>>
      %dma_start3A_149 = tpu.memref_squeeze %dma_start3A_148 : memref<1x128xi32, #tpu.memory_space<vmem>> -> memref<128xi32, #tpu.memory_space<vmem>>
      %dma_start3A_150 = arith.constant 0 : i32
      %dma_start3A_151 = arith.constant 0 : i32
      %dma_start3A_152 = tpu.memref_slice %arg6[%dma_start3A_150, %dma_start3A_151] : memref<10112x128xf32, #tpu.memory_space<vmem_shared>> -> memref<10112x128xf32, #tpu.memory_space<vmem_shared>>
      tpu.enqueue_indirect_dma source(%dma_start3A_146 : memref<128x128xf32, #tpu.memory_space<vmem>>) target(%dma_start3A_152 : memref<10112x128xf32, #tpu.memory_space<vmem_shared>>) offsets(%dma_start3A_149 : memref<128xi32, #tpu.memory_space<vmem>>) semaphore(%arg12 : memref<!tpu.dma_semaphore, #tpu.memory_space<semaphore_mem>>) {add = true}
      %mul3A_153 = arith.constant 2 : i32
      %mul3A_154 = arith.muli %mul3A_153, %scan3A_51 : i32
      %add3A_155 = arith.constant 1 : i32
      %add3A_156 = arith.addi %mul3A_154, %add3A_155 : i32
      %add3A_157 = arith.addi %mul3A_2, %add3A_156 : i32
      %dma_wait3A_158 = arith.constant 8 : i32
      %dma_wait3A_159 = arith.constant 0 : i32
      %dma_wait3A_160 = tpu.memref_slice %arg8[%dma_wait3A_158, %dma_wait3A_159] : memref<16x128xi32, #tpu.memory_space<vmem>> -> memref<8x128xi32, #tpu.memory_space<vmem>>
      %dma_wait3A_161 = arith.constant 0 : i32
      %dma_wait3A_162 = arith.constant 0 : i32
      %dma_wait3A_163 = tpu.memref_slice %arg3[%arg0, %add3A_157, %dma_wait3A_161, %dma_wait3A_162] : memref<2x672x8x128xi32, #tpu.memory_space<hbm>> -> memref<1x1x8x128xi32, #tpu.memory_space<hbm>>
      %dma_wait3A_164 = tpu.memref_squeeze %dma_wait3A_163 : memref<1x1x8x128xi32, #tpu.memory_space<hbm>> -> memref<8x128xi32, #tpu.memory_space<hbm>>
      %dma_wait3A_165 = arith.constant 8 : i32
      %dma_wait3A_166 = arith.constant 0 : i32
      %dma_wait3A_167 = tpu.memref_slice %arg8[%dma_wait3A_165, %dma_wait3A_166] : memref<16x128xi32, #tpu.memory_space<vmem>> -> memref<8x128xi32, #tpu.memory_space<vmem>>
      %dma_wait3A_168 = arith.constant 0 : i32
      %dma_wait3A_169 = arith.constant 0 : i32
      %dma_wait3A_170 = tpu.memref_slice %arg3[%arg0, %add3A_157, %dma_wait3A_168, %dma_wait3A_169] : memref<2x672x8x128xi32, #tpu.memory_space<hbm>> -> memref<1x1x8x128xi32, #tpu.memory_space<hbm>>
      %dma_wait3A_171 = tpu.memref_squeeze %dma_wait3A_170 : memref<1x1x8x128xi32, #tpu.memory_space<hbm>> -> memref<8x128xi32, #tpu.memory_space<hbm>>
      tpu.wait_dma2 semaphore(%arg14 : memref<!tpu.dma_semaphore, #tpu.memory_space<semaphore_mem>>) src(%dma_wait3A_171 : memref<8x128xi32, #tpu.memory_space<hbm>>) dst(%dma_wait3A_167 : memref<8x128xi32, #tpu.memory_space<vmem>>)
      %gt3A_172 = arith.constant 0 : i32
      %gt3A_173 = arith.cmpi sgt, %add3A_156, %gt3A_172 : i32
      %convert_element_type3A_174 = arith.extui %gt3A_173 : i1 to i32
      %cond3A_175 = arith.constant 0 : i32
      %cond3A_176 = arith.cmpi ne, %convert_element_type3A_174, %cond3A_175 : i32
      scf.if %cond3A_176 {
        %dma_wait3A_261 = arith.constant 0 : i32
        %dma_wait3A_262 = arith.constant 0 : i32
        %dma_wait3A_263 = arith.constant 0 : i32
        %dma_wait3A_264 = tpu.memref_slice %arg7[%dma_wait3A_261, %dma_wait3A_262, %dma_wait3A_263] : memref<2x128x128xf32, #tpu.memory_space<vmem>> -> memref<1x128x128xf32, #tpu.memory_space<vmem>>
        %dma_wait3A_265 = tpu.memref_squeeze %dma_wait3A_264 : memref<1x128x128xf32, #tpu.memory_space<vmem>> -> memref<128x128xf32, #tpu.memory_space<vmem>>
        %dma_wait3A_266 = arith.constant 0 : i32
        %dma_wait3A_267 = arith.constant 0 : i32
        %dma_wait3A_268 = tpu.memref_slice %arg6[%dma_wait3A_266, %dma_wait3A_267] : memref<10112x128xf32, #tpu.memory_space<vmem_shared>> -> memref<128x128xf32, #tpu.memory_space<vmem_shared>>
        %dma_wait3A_269 = arith.constant 0 : i32
        %dma_wait3A_270 = arith.constant 0 : i32
        %dma_wait3A_271 = tpu.memref_slice %arg6[%dma_wait3A_269, %dma_wait3A_270] : memref<10112x128xf32, #tpu.memory_space<vmem_shared>> -> memref<128x128xf32, #tpu.memory_space<vmem_shared>>
        %dma_wait3A_272 = arith.constant 0 : i32
        %dma_wait3A_273 = arith.constant 0 : i32
        %dma_wait3A_274 = tpu.memref_slice %arg7[%dma_wait3A_261, %dma_wait3A_272, %dma_wait3A_273] : memref<2x128x128xf32, #tpu.memory_space<vmem>> -> memref<1x128x128xf32, #tpu.memory_space<vmem>>
        %dma_wait3A_275 = tpu.memref_squeeze %dma_wait3A_274 : memref<1x128x128xf32, #tpu.memory_space<vmem>> -> memref<128x128xf32, #tpu.memory_space<vmem>>
        tpu.wait_dma2 semaphore(%arg11 : memref<!tpu.dma_semaphore, #tpu.memory_space<semaphore_mem>>) src(%dma_wait3A_275 : memref<128x128xf32, #tpu.memory_space<vmem>>) dst(%dma_wait3A_271 : memref<128x128xf32, #tpu.memory_space<vmem_shared>>)
      } else {
      }
      %dma_start3A_177 = arith.constant 8 : i32
      %dma_start3A_178 = arith.constant 0 : i32
      %dma_start3A_179 = arith.constant 0 : i32
      %dma_start3A_180 = arith.constant 0 : i32
      %dma_start3A_181 = tpu.memref_slice %arg7[%dma_start3A_178, %dma_start3A_179, %dma_start3A_180] : memref<2x128x128xf32, #tpu.memory_space<vmem>> -> memref<1x128x128xf32, #tpu.memory_space<vmem>>
      %dma_start3A_182 = tpu.memref_squeeze %dma_start3A_181 : memref<1x128x128xf32, #tpu.memory_space<vmem>> -> memref<128x128xf32, #tpu.memory_space<vmem>>
      %dma_start3A_183 = arith.constant 0 : i32
      %dma_start3A_184 = tpu.memref_slice %arg8[%dma_start3A_177, %dma_start3A_183] : memref<16x128xi32, #tpu.memory_space<vmem>> -> memref<1x128xi32, #tpu.memory_space<vmem>>
      %dma_start3A_185 = tpu.memref_squeeze %dma_start3A_184 : memref<1x128xi32, #tpu.memory_space<vmem>> -> memref<128xi32, #tpu.memory_space<vmem>>
      %dma_start3A_186 = arith.constant 0 : i32
      %dma_start3A_187 = arith.constant 0 : i32
      %dma_start3A_188 = tpu.memref_slice %arg2[%dma_start3A_186, %dma_start3A_187] : memref<20480x128xf32, #tpu.memory_space<hbm>> -> memref<20480x128xf32, #tpu.memory_space<hbm>>
      tpu.enqueue_indirect_dma source(%dma_start3A_188 : memref<20480x128xf32, #tpu.memory_space<hbm>>) target(%dma_start3A_182 : memref<128x128xf32, #tpu.memory_space<vmem>>) offsets(%dma_start3A_185 : memref<128xi32, #tpu.memory_space<vmem>>) semaphore(%arg9 : memref<!tpu.dma_semaphore, #tpu.memory_space<semaphore_mem>>)
      %gt3A_189 = arith.constant 0 : i32
      %gt3A_190 = arith.cmpi sgt, %add3A_156, %gt3A_189 : i32
      %convert_element_type3A_191 = arith.extui %gt3A_190 : i1 to i32
      %cond3A_192 = arith.constant 0 : i32
      %cond3A_193 = arith.cmpi ne, %convert_element_type3A_191, %cond3A_192 : i32
      scf.if %cond3A_193 {
        %dma_wait3A_261 = arith.constant 1 : i32
        %dma_wait3A_262 = arith.constant 0 : i32
        %dma_wait3A_263 = arith.constant 0 : i32
        %dma_wait3A_264 = tpu.memref_slice %arg7[%dma_wait3A_261, %dma_wait3A_262, %dma_wait3A_263] : memref<2x128x128xf32, #tpu.memory_space<vmem>> -> memref<1x128x128xf32, #tpu.memory_space<vmem>>
        %dma_wait3A_265 = tpu.memref_squeeze %dma_wait3A_264 : memref<1x128x128xf32, #tpu.memory_space<vmem>> -> memref<128x128xf32, #tpu.memory_space<vmem>>
        %dma_wait3A_266 = arith.constant 0 : i32
        %dma_wait3A_267 = arith.constant 0 : i32
        %dma_wait3A_268 = tpu.memref_slice %arg6[%dma_wait3A_266, %dma_wait3A_267] : memref<10112x128xf32, #tpu.memory_space<vmem_shared>> -> memref<128x128xf32, #tpu.memory_space<vmem_shared>>
        %dma_wait3A_269 = arith.constant 0 : i32
        %dma_wait3A_270 = arith.constant 0 : i32
        %dma_wait3A_271 = tpu.memref_slice %arg6[%dma_wait3A_269, %dma_wait3A_270] : memref<10112x128xf32, #tpu.memory_space<vmem_shared>> -> memref<128x128xf32, #tpu.memory_space<vmem_shared>>
        %dma_wait3A_272 = arith.constant 0 : i32
        %dma_wait3A_273 = arith.constant 0 : i32
        %dma_wait3A_274 = tpu.memref_slice %arg7[%dma_wait3A_261, %dma_wait3A_272, %dma_wait3A_273] : memref<2x128x128xf32, #tpu.memory_space<vmem>> -> memref<1x128x128xf32, #tpu.memory_space<vmem>>
        %dma_wait3A_275 = tpu.memref_squeeze %dma_wait3A_274 : memref<1x128x128xf32, #tpu.memory_space<vmem>> -> memref<128x128xf32, #tpu.memory_space<vmem>>
        tpu.wait_dma2 semaphore(%arg12 : memref<!tpu.dma_semaphore, #tpu.memory_space<semaphore_mem>>) src(%dma_wait3A_275 : memref<128x128xf32, #tpu.memory_space<vmem>>) dst(%dma_wait3A_271 : memref<128x128xf32, #tpu.memory_space<vmem_shared>>)
      } else {
      }
      %dma_start3A_194 = arith.constant 9 : i32
      %dma_start3A_195 = arith.constant 1 : i32
      %dma_start3A_196 = arith.constant 0 : i32
      %dma_start3A_197 = arith.constant 0 : i32
      %dma_start3A_198 = tpu.memref_slice %arg7[%dma_start3A_195, %dma_start3A_196, %dma_start3A_197] : memref<2x128x128xf32, #tpu.memory_space<vmem>> -> memref<1x128x128xf32, #tpu.memory_space<vmem>>
      %dma_start3A_199 = tpu.memref_squeeze %dma_start3A_198 : memref<1x128x128xf32, #tpu.memory_space<vmem>> -> memref<128x128xf32, #tpu.memory_space<vmem>>
      %dma_start3A_200 = arith.constant 0 : i32
      %dma_start3A_201 = tpu.memref_slice %arg8[%dma_start3A_194, %dma_start3A_200] : memref<16x128xi32, #tpu.memory_space<vmem>> -> memref<1x128xi32, #tpu.memory_space<vmem>>
      %dma_start3A_202 = tpu.memref_squeeze %dma_start3A_201 : memref<1x128xi32, #tpu.memory_space<vmem>> -> memref<128xi32, #tpu.memory_space<vmem>>
      %dma_start3A_203 = arith.constant 0 : i32
      %dma_start3A_204 = arith.constant 0 : i32
      %dma_start3A_205 = tpu.memref_slice %arg2[%dma_start3A_203, %dma_start3A_204] : memref<20480x128xf32, #tpu.memory_space<hbm>> -> memref<20480x128xf32, #tpu.memory_space<hbm>>
      tpu.enqueue_indirect_dma source(%dma_start3A_205 : memref<20480x128xf32, #tpu.memory_space<hbm>>) target(%dma_start3A_199 : memref<128x128xf32, #tpu.memory_space<vmem>>) offsets(%dma_start3A_202 : memref<128xi32, #tpu.memory_space<vmem>>) semaphore(%arg10 : memref<!tpu.dma_semaphore, #tpu.memory_space<semaphore_mem>>)
      %add3A_206 = arith.constant 1 : i32
      %add3A_207 = arith.addi %add3A_156, %add3A_206 : i32
      %lt3A_208 = arith.constant 42 : i32
      %lt3A_209 = arith.cmpi slt, %add3A_207, %lt3A_208 : i32
      %convert_element_type3A_210 = arith.extui %lt3A_209 : i1 to i32
      %cond3A_211 = arith.constant 0 : i32
      %cond3A_212 = arith.cmpi ne, %convert_element_type3A_210, %cond3A_211 : i32
      scf.if %cond3A_212 {
        %add3A_261 = arith.addi %mul3A_2, %add3A_156 : i32
        %add3A_262 = arith.constant 1 : i32
        %add3A_263 = arith.addi %add3A_261, %add3A_262 : i32
        %dma_start3A_264 = arith.constant 0 : i32
        %dma_start3A_265 = arith.constant 0 : i32
        %dma_start3A_266 = tpu.memref_slice %arg8[%dma_start3A_264, %dma_start3A_265] : memref<16x128xi32, #tpu.memory_space<vmem>> -> memref<8x128xi32, #tpu.memory_space<vmem>>
        %dma_start3A_267 = arith.constant 0 : i32
        %dma_start3A_268 = arith.constant 0 : i32
        %dma_start3A_269 = tpu.memref_slice %arg3[%arg0, %add3A_263, %dma_start3A_267, %dma_start3A_268] : memref<2x672x8x128xi32, #tpu.memory_space<hbm>> -> memref<1x1x8x128xi32, #tpu.memory_space<hbm>>
        %dma_start3A_270 = tpu.memref_squeeze %dma_start3A_269 : memref<1x1x8x128xi32, #tpu.memory_space<hbm>> -> memref<8x128xi32, #tpu.memory_space<hbm>>
        %dma_start3A_271 = arith.constant 0 : i32
        %dma_start3A_272 = arith.constant 0 : i32
        %dma_start3A_273 = tpu.memref_slice %arg8[%dma_start3A_271, %dma_start3A_272] : memref<16x128xi32, #tpu.memory_space<vmem>> -> memref<8x128xi32, #tpu.memory_space<vmem>>
        %dma_start3A_274 = arith.constant 0 : i32
        %dma_start3A_275 = arith.constant 0 : i32
        %dma_start3A_276 = tpu.memref_slice %arg3[%arg0, %add3A_263, %dma_start3A_274, %dma_start3A_275] : memref<2x672x8x128xi32, #tpu.memory_space<hbm>> -> memref<1x1x8x128xi32, #tpu.memory_space<hbm>>
        %dma_start3A_277 = tpu.memref_squeeze %dma_start3A_276 : memref<1x1x8x128xi32, #tpu.memory_space<hbm>> -> memref<8x128xi32, #tpu.memory_space<hbm>>
        tpu.enqueue_dma source(%dma_start3A_277 : memref<8x128xi32, #tpu.memory_space<hbm>>) target(%dma_start3A_273 : memref<8x128xi32, #tpu.memory_space<vmem>>) target_semaphore(%arg13 : memref<!tpu.dma_semaphore, #tpu.memory_space<semaphore_mem>>)
      } else {
      }
      %dma_wait3A_213 = arith.constant 8 : i32
      %dma_wait3A_214 = arith.constant 0 : i32
      %dma_wait3A_215 = arith.constant 0 : i32
      %dma_wait3A_216 = arith.constant 0 : i32
      %dma_wait3A_217 = tpu.memref_slice %arg7[%dma_wait3A_214, %dma_wait3A_215, %dma_wait3A_216] : memref<2x128x128xf32, #tpu.memory_space<vmem>> -> memref<1x128x128xf32, #tpu.memory_space<vmem>>
      %dma_wait3A_218 = tpu.memref_squeeze %dma_wait3A_217 : memref<1x128x128xf32, #tpu.memory_space<vmem>> -> memref<128x128xf32, #tpu.memory_space<vmem>>
      %dma_wait3A_219 = arith.constant 0 : i32
      %dma_wait3A_220 = tpu.memref_slice %arg8[%dma_wait3A_213, %dma_wait3A_219] : memref<16x128xi32, #tpu.memory_space<vmem>> -> memref<1x128xi32, #tpu.memory_space<vmem>>
      %dma_wait3A_221 = tpu.memref_squeeze %dma_wait3A_220 : memref<1x128xi32, #tpu.memory_space<vmem>> -> memref<128xi32, #tpu.memory_space<vmem>>
      %dma_wait3A_222 = arith.constant 0 : i32
      %dma_wait3A_223 = arith.constant 0 : i32
      %dma_wait3A_224 = tpu.memref_slice %arg2[%dma_wait3A_222, %dma_wait3A_223] : memref<20480x128xf32, #tpu.memory_space<hbm>> -> memref<20480x128xf32, #tpu.memory_space<hbm>>
      tpu.wait_indirect_dma semaphore(%arg9 : memref<!tpu.dma_semaphore, #tpu.memory_space<semaphore_mem>>) src(%dma_wait3A_224 : memref<20480x128xf32, #tpu.memory_space<hbm>>) dst(%dma_wait3A_218 : memref<128x128xf32, #tpu.memory_space<vmem>>)
      %dma_start3A_225 = arith.constant 0 : i32
      %dma_start3A_226 = arith.constant 10 : i32
      %dma_start3A_227 = arith.constant 0 : i32
      %dma_start3A_228 = arith.constant 0 : i32
      %dma_start3A_229 = tpu.memref_slice %arg7[%dma_start3A_225, %dma_start3A_227, %dma_start3A_228] : memref<2x128x128xf32, #tpu.memory_space<vmem>> -> memref<1x128x128xf32, #tpu.memory_space<vmem>>
      %dma_start3A_230 = tpu.memref_squeeze %dma_start3A_229 : memref<1x128x128xf32, #tpu.memory_space<vmem>> -> memref<128x128xf32, #tpu.memory_space<vmem>>
      %dma_start3A_231 = arith.constant 0 : i32
      %dma_start3A_232 = tpu.memref_slice %arg8[%dma_start3A_226, %dma_start3A_231] : memref<16x128xi32, #tpu.memory_space<vmem>> -> memref<1x128xi32, #tpu.memory_space<vmem>>
      %dma_start3A_233 = tpu.memref_squeeze %dma_start3A_232 : memref<1x128xi32, #tpu.memory_space<vmem>> -> memref<128xi32, #tpu.memory_space<vmem>>
      %dma_start3A_234 = arith.constant 0 : i32
      %dma_start3A_235 = arith.constant 0 : i32
      %dma_start3A_236 = tpu.memref_slice %arg6[%dma_start3A_234, %dma_start3A_235] : memref<10112x128xf32, #tpu.memory_space<vmem_shared>> -> memref<10112x128xf32, #tpu.memory_space<vmem_shared>>
      tpu.enqueue_indirect_dma source(%dma_start3A_230 : memref<128x128xf32, #tpu.memory_space<vmem>>) target(%dma_start3A_236 : memref<10112x128xf32, #tpu.memory_space<vmem_shared>>) offsets(%dma_start3A_233 : memref<128xi32, #tpu.memory_space<vmem>>) semaphore(%arg11 : memref<!tpu.dma_semaphore, #tpu.memory_space<semaphore_mem>>) {add = true}
      %dma_wait3A_237 = arith.constant 9 : i32
      %dma_wait3A_238 = arith.constant 1 : i32
      %dma_wait3A_239 = arith.constant 0 : i32
      %dma_wait3A_240 = arith.constant 0 : i32
      %dma_wait3A_241 = tpu.memref_slice %arg7[%dma_wait3A_238, %dma_wait3A_239, %dma_wait3A_240] : memref<2x128x128xf32, #tpu.memory_space<vmem>> -> memref<1x128x128xf32, #tpu.memory_space<vmem>>
      %dma_wait3A_242 = tpu.memref_squeeze %dma_wait3A_241 : memref<1x128x128xf32, #tpu.memory_space<vmem>> -> memref<128x128xf32, #tpu.memory_space<vmem>>
      %dma_wait3A_243 = arith.constant 0 : i32
      %dma_wait3A_244 = tpu.memref_slice %arg8[%dma_wait3A_237, %dma_wait3A_243] : memref<16x128xi32, #tpu.memory_space<vmem>> -> memref<1x128xi32, #tpu.memory_space<vmem>>
      %dma_wait3A_245 = tpu.memref_squeeze %dma_wait3A_244 : memref<1x128xi32, #tpu.memory_space<vmem>> -> memref<128xi32, #tpu.memory_space<vmem>>
      %dma_wait3A_246 = arith.constant 0 : i32
      %dma_wait3A_247 = arith.constant 0 : i32
      %dma_wait3A_248 = tpu.memref_slice %arg2[%dma_wait3A_246, %dma_wait3A_247] : memref<20480x128xf32, #tpu.memory_space<hbm>> -> memref<20480x128xf32, #tpu.memory_space<hbm>>
      tpu.wait_indirect_dma semaphore(%arg10 : memref<!tpu.dma_semaphore, #tpu.memory_space<semaphore_mem>>) src(%dma_wait3A_248 : memref<20480x128xf32, #tpu.memory_space<hbm>>) dst(%dma_wait3A_242 : memref<128x128xf32, #tpu.memory_space<vmem>>)
      %dma_start3A_249 = arith.constant 1 : i32
      %dma_start3A_250 = arith.constant 11 : i32
      %dma_start3A_251 = arith.constant 0 : i32
      %dma_start3A_252 = arith.constant 0 : i32
      %dma_start3A_253 = tpu.memref_slice %arg7[%dma_start3A_249, %dma_start3A_251, %dma_start3A_252] : memref<2x128x128xf32, #tpu.memory_space<vmem>> -> memref<1x128x128xf32, #tpu.memory_space<vmem>>
      %dma_start3A_254 = tpu.memref_squeeze %dma_start3A_253 : memref<1x128x128xf32, #tpu.memory_space<vmem>> -> memref<128x128xf32, #tpu.memory_space<vmem>>
      %dma_start3A_255 = arith.constant 0 : i32
      %dma_start3A_256 = tpu.memref_slice %arg8[%dma_start3A_250, %dma_start3A_255] : memref<16x128xi32, #tpu.memory_space<vmem>> -> memref<1x128xi32, #tpu.memory_space<vmem>>
      %dma_start3A_257 = tpu.memref_squeeze %dma_start3A_256 : memref<1x128xi32, #tpu.memory_space<vmem>> -> memref<128xi32, #tpu.memory_space<vmem>>
      %dma_start3A_258 = arith.constant 0 : i32
      %dma_start3A_259 = arith.constant 0 : i32
      %dma_start3A_260 = tpu.memref_slice %arg6[%dma_start3A_258, %dma_start3A_259] : memref<10112x128xf32, #tpu.memory_space<vmem_shared>> -> memref<10112x128xf32, #tpu.memory_space<vmem_shared>>
      tpu.enqueue_indirect_dma source(%dma_start3A_254 : memref<128x128xf32, #tpu.memory_space<vmem>>) target(%dma_start3A_260 : memref<10112x128xf32, #tpu.memory_space<vmem_shared>>) offsets(%dma_start3A_257 : memref<128xi32, #tpu.memory_space<vmem>>) semaphore(%arg12 : memref<!tpu.dma_semaphore, #tpu.memory_space<semaphore_mem>>) {add = true}
    }
    %scan3A_20 = arith.constant 21 : i32
    %dma_wait3A = arith.constant 0 : i32
    %dma_wait3A_21 = arith.constant 0 : i32
    %dma_wait3A_22 = arith.constant 0 : i32
    %dma_wait3A_23 = tpu.memref_slice %arg7[%dma_wait3A, %dma_wait3A_21, %dma_wait3A_22] : memref<2x128x128xf32, #tpu.memory_space<vmem>> -> memref<1x128x128xf32, #tpu.memory_space<vmem>>
    %dma_wait3A_24 = tpu.memref_squeeze %dma_wait3A_23 : memref<1x128x128xf32, #tpu.memory_space<vmem>> -> memref<128x128xf32, #tpu.memory_space<vmem>>
    %dma_wait3A_25 = arith.constant 0 : i32
    %dma_wait3A_26 = arith.constant 0 : i32
    %dma_wait3A_27 = tpu.memref_slice %arg6[%dma_wait3A_25, %dma_wait3A_26] : memref<10112x128xf32, #tpu.memory_space<vmem_shared>> -> memref<128x128xf32, #tpu.memory_space<vmem_shared>>
    %dma_wait3A_28 = arith.constant 0 : i32
    %dma_wait3A_29 = arith.constant 0 : i32
    %dma_wait3A_30 = tpu.memref_slice %arg6[%dma_wait3A_28, %dma_wait3A_29] : memref<10112x128xf32, #tpu.memory_space<vmem_shared>> -> memref<128x128xf32, #tpu.memory_space<vmem_shared>>
    %dma_wait3A_31 = arith.constant 0 : i32
    %dma_wait3A_32 = arith.constant 0 : i32
    %dma_wait3A_33 = tpu.memref_slice %arg7[%dma_wait3A, %dma_wait3A_31, %dma_wait3A_32] : memref<2x128x128xf32, #tpu.memory_space<vmem>> -> memref<1x128x128xf32, #tpu.memory_space<vmem>>
    %dma_wait3A_34 = tpu.memref_squeeze %dma_wait3A_33 : memref<1x128x128xf32, #tpu.memory_space<vmem>> -> memref<128x128xf32, #tpu.memory_space<vmem>>
    tpu.wait_dma2 semaphore(%arg11 : memref<!tpu.dma_semaphore, #tpu.memory_space<semaphore_mem>>) src(%dma_wait3A_34 : memref<128x128xf32, #tpu.memory_space<vmem>>) dst(%dma_wait3A_30 : memref<128x128xf32, #tpu.memory_space<vmem_shared>>)
    %dma_wait3A_35 = arith.constant 1 : i32
    %dma_wait3A_36 = arith.constant 0 : i32
    %dma_wait3A_37 = arith.constant 0 : i32
    %dma_wait3A_38 = tpu.memref_slice %arg7[%dma_wait3A_35, %dma_wait3A_36, %dma_wait3A_37] : memref<2x128x128xf32, #tpu.memory_space<vmem>> -> memref<1x128x128xf32, #tpu.memory_space<vmem>>
    %dma_wait3A_39 = tpu.memref_squeeze %dma_wait3A_38 : memref<1x128x128xf32, #tpu.memory_space<vmem>> -> memref<128x128xf32, #tpu.memory_space<vmem>>
    %dma_wait3A_40 = arith.constant 0 : i32
    %dma_wait3A_41 = arith.constant 0 : i32
    %dma_wait3A_42 = tpu.memref_slice %arg6[%dma_wait3A_40, %dma_wait3A_41] : memref<10112x128xf32, #tpu.memory_space<vmem_shared>> -> memref<128x128xf32, #tpu.memory_space<vmem_shared>>
    %dma_wait3A_43 = arith.constant 0 : i32
    %dma_wait3A_44 = arith.constant 0 : i32
    %dma_wait3A_45 = tpu.memref_slice %arg6[%dma_wait3A_43, %dma_wait3A_44] : memref<10112x128xf32, #tpu.memory_space<vmem_shared>> -> memref<128x128xf32, #tpu.memory_space<vmem_shared>>
    %dma_wait3A_46 = arith.constant 0 : i32
    %dma_wait3A_47 = arith.constant 0 : i32
    %dma_wait3A_48 = tpu.memref_slice %arg7[%dma_wait3A_35, %dma_wait3A_46, %dma_wait3A_47] : memref<2x128x128xf32, #tpu.memory_space<vmem>> -> memref<1x128x128xf32, #tpu.memory_space<vmem>>
    %dma_wait3A_49 = tpu.memref_squeeze %dma_wait3A_48 : memref<1x128x128xf32, #tpu.memory_space<vmem>> -> memref<128x128xf32, #tpu.memory_space<vmem>>
    tpu.wait_dma2 semaphore(%arg12 : memref<!tpu.dma_semaphore, #tpu.memory_space<semaphore_mem>>) src(%dma_wait3A_49 : memref<128x128xf32, #tpu.memory_space<vmem>>) dst(%dma_wait3A_45 : memref<128x128xf32, #tpu.memory_space<vmem_shared>>)
    %barrier3A_50 = arith.constant 0 : index
    tpu.barrier barrier_id(%barrier3A_50)
    "tpu.region"() ({
      %run_scoped3A = tpu.sem_alloc : memref<!tpu.dma_semaphore, #tpu.memory_space<semaphore_mem>>
      %dma_start3A_51 = arith.constant 0 : i32
      %dma_start3A_52 = tpu.memref_slice %arg5[%arg0, %mul3A_0, %dma_start3A_51] : memref<2x10240x128xf32, #tpu.memory_space<hbm>> -> memref<1x632x128xf32, #tpu.memory_space<hbm>>
      %dma_start3A_53 = tpu.memref_squeeze %dma_start3A_52 : memref<1x632x128xf32, #tpu.memory_space<hbm>> -> memref<632x128xf32, #tpu.memory_space<hbm>>
      %dma_start3A_54 = arith.constant 0 : i32
      %dma_start3A_55 = tpu.memref_slice %arg6[%mul3A_0, %dma_start3A_54] : memref<10112x128xf32, #tpu.memory_space<vmem_shared>> -> memref<632x128xf32, #tpu.memory_space<vmem_shared>>
      tpu.enqueue_dma source(%dma_start3A_55 : memref<632x128xf32, #tpu.memory_space<vmem_shared>>) target(%dma_start3A_53 : memref<632x128xf32, #tpu.memory_space<hbm>>) target_semaphore(%run_scoped3A : memref<!tpu.dma_semaphore, #tpu.memory_space<semaphore_mem>>)
      %dma_wait3A_56 = arith.constant 0 : i32
      %dma_wait3A_57 = tpu.memref_slice %arg5[%arg0, %mul3A_0, %dma_wait3A_56] : memref<2x10240x128xf32, #tpu.memory_space<hbm>> -> memref<1x632x128xf32, #tpu.memory_space<hbm>>
      %dma_wait3A_58 = tpu.memref_squeeze %dma_wait3A_57 : memref<1x632x128xf32, #tpu.memory_space<hbm>> -> memref<632x128xf32, #tpu.memory_space<hbm>>
      %dma_wait3A_59 = arith.constant 0 : i32
      %dma_wait3A_60 = tpu.memref_slice %arg6[%mul3A_0, %dma_wait3A_59] : memref<10112x128xf32, #tpu.memory_space<vmem_shared>> -> memref<632x128xf32, #tpu.memory_space<vmem_shared>>
      tpu.wait_dma2 semaphore(%run_scoped3A : memref<!tpu.dma_semaphore, #tpu.memory_space<semaphore_mem>>) src(%dma_wait3A_60 : memref<632x128xf32, #tpu.memory_space<vmem_shared>>) dst(%dma_wait3A_58 : memref<632x128xf32, #tpu.memory_space<hbm>>)
      tpu.yield
    }) : () -> ()
    return
  }
}

#map = affine_map<(d0, d1) -> (0, 0)>
#map1 = affine_map<(d0, d1) -> (0, 0, 0, 0)>
#map2 = affine_map<(d0, d1) -> (0, 0, 0)>
module attributes {stable_mosaic.version = 14 : i64} {
  func.func @_agg_body(%arg0: i32, %arg1: i32, %arg2: memref<20480x128xf32, #tpu.memory_space<hbm>>, %arg3: memref<2x672x8x128xi32, #tpu.memory_space<hbm>>, %arg4: memref<632x128xf32, #tpu.memory_space<hbm>>, %arg5: memref<2x10240x128xf32, #tpu.memory_space<hbm>>, %arg6: memref<10112x128xf32, #tpu.memory_space<vmem_shared>>, %arg7: memref<2x128x128xf32, #tpu.memory_space<vmem>>, %arg8: memref<16x128xi32, #tpu.memory_space<vmem>>, %arg9: memref<!tpu.dma_semaphore, #tpu.memory_space<semaphore_mem>>, %arg10: memref<!tpu.dma_semaphore, #tpu.memory_space<semaphore_mem>>, %arg11: memref<!tpu.dma_semaphore, #tpu.memory_space<semaphore_mem>>, %arg12: memref<!tpu.dma_semaphore, #tpu.memory_space<semaphore_mem>>, %arg13: memref<!tpu.dma_semaphore, #tpu.memory_space<semaphore_mem>>, %arg14: memref<!tpu.dma_semaphore, #tpu.memory_space<semaphore_mem>>) attributes {dimension_semantics = [#tpu.dimension_semantics<core_parallel>, #tpu.dimension_semantics<subcore_parallel>], iteration_bounds = array<i64: 2, 16>, scalar_prefetch = 0 : i64, scratch_operands = 9 : i64, tpu.core_type = #tpu.core_type<sc_vector_subcore>, window_params = [{transform_indices = #map}, {transform_indices = #map1}, {transform_indices = #map}, {transform_indices = #map2}]} {
    %mul3A = arith.constant 632 : i32
    %mul3A_0 = arith.muli %arg1, %mul3A : i32
    %mul3A_1 = arith.constant 42 : i32
    %mul3A_2 = arith.muli %arg1, %mul3A_1 : i32
    %dma_start3A = arith.constant 0 : i32
    %dma_start3A_3 = arith.constant 0 : i32
    %dma_start3A_4 = tpu.memref_slice %arg8[%dma_start3A, %dma_start3A_3] : memref<16x128xi32, #tpu.memory_space<vmem>> -> memref<8x128xi32, #tpu.memory_space<vmem>>
    %dma_start3A_5 = arith.constant 0 : i32
    %dma_start3A_6 = arith.constant 0 : i32
    %dma_start3A_7 = tpu.memref_slice %arg3[%arg0, %mul3A_2, %dma_start3A_5, %dma_start3A_6] : memref<2x672x8x128xi32, #tpu.memory_space<hbm>> -> memref<1x1x8x128xi32, #tpu.memory_space<hbm>>
    %dma_start3A_8 = tpu.memref_squeeze %dma_start3A_7 : memref<1x1x8x128xi32, #tpu.memory_space<hbm>> -> memref<8x128xi32, #tpu.memory_space<hbm>>
    %dma_start3A_9 = arith.constant 0 : i32
    %dma_start3A_10 = arith.constant 0 : i32
    %dma_start3A_11 = tpu.memref_slice %arg8[%dma_start3A_9, %dma_start3A_10] : memref<16x128xi32, #tpu.memory_space<vmem>> -> memref<8x128xi32, #tpu.memory_space<vmem>>
    %dma_start3A_12 = arith.constant 0 : i32
    %dma_start3A_13 = arith.constant 0 : i32
    %dma_start3A_14 = tpu.memref_slice %arg3[%arg0, %mul3A_2, %dma_start3A_12, %dma_start3A_13] : memref<2x672x8x128xi32, #tpu.memory_space<hbm>> -> memref<1x1x8x128xi32, #tpu.memory_space<hbm>>
    %dma_start3A_15 = tpu.memref_squeeze %dma_start3A_14 : memref<1x1x8x128xi32, #tpu.memory_space<hbm>> -> memref<8x128xi32, #tpu.memory_space<hbm>>
    tpu.enqueue_dma source(%dma_start3A_15 : memref<8x128xi32, #tpu.memory_space<hbm>>) target(%dma_start3A_11 : memref<8x128xi32, #tpu.memory_space<vmem>>) target_semaphore(%arg13 : memref<!tpu.dma_semaphore, #tpu.memory_space<semaphore_mem>>)
    "tpu.region"() ({
      %run_scoped3A = tpu.sem_alloc : memref<!tpu.dma_semaphore, #tpu.memory_space<semaphore_mem>>
      %dma_start3A_51 = arith.constant 0 : i32
      %dma_start3A_52 = tpu.memref_slice %arg6[%mul3A_0, %dma_start3A_51] : memref<10112x128xf32, #tpu.memory_space<vmem_shared>> -> memref<632x128xf32, #tpu.memory_space<vmem_shared>>
      tpu.enqueue_dma source(%arg4 : memref<632x128xf32, #tpu.memory_space<hbm>>) target(%dma_start3A_52 : memref<632x128xf32, #tpu.memory_space<vmem_shared>>) target_semaphore(%run_scoped3A : memref<!tpu.dma_semaphore, #tpu.memory_space<semaphore_mem>>)
      %dma_wait3A_53 = arith.constant 0 : i32
      %dma_wait3A_54 = tpu.memref_slice %arg6[%mul3A_0, %dma_wait3A_53] : memref<10112x128xf32, #tpu.memory_space<vmem_shared>> -> memref<632x128xf32, #tpu.memory_space<vmem_shared>>
      tpu.wait_dma2 semaphore(%run_scoped3A : memref<!tpu.dma_semaphore, #tpu.memory_space<semaphore_mem>>) src(%arg4 : memref<632x128xf32, #tpu.memory_space<hbm>>) dst(%dma_wait3A_54 : memref<632x128xf32, #tpu.memory_space<vmem_shared>>)
      tpu.yield
    }) : () -> ()
    %barrier3A = arith.constant 0 : index
    tpu.barrier barrier_id(%barrier3A)
    %scan3A = arith.constant 0 : i32
    %scan3A_16 = arith.constant 0 : i32
    %scan3A_17 = arith.constant 21 : i32
    %scan3A_18 = arith.addi %scan3A_16, %scan3A_17 : i32
    %scan3A_19 = arith.constant 1 : i32
    scf.for %scan3A_51 = %scan3A_16 to %scan3A_18 step %scan3A_19  : i32 {
      %mul3A_52 = arith.constant 2 : i32
      %mul3A_53 = arith.muli %mul3A_52, %scan3A_51 : i32
      %add3A = arith.addi %mul3A_2, %mul3A_53 : i32
      %dma_wait3A_54 = arith.constant 0 : i32
      %dma_wait3A_55 = arith.constant 0 : i32
      %dma_wait3A_56 = tpu.memref_slice %arg8[%dma_wait3A_54, %dma_wait3A_55] : memref<16x128xi32, #tpu.memory_space<vmem>> -> memref<8x128xi32, #tpu.memory_space<vmem>>
      %dma_wait3A_57 = arith.constant 0 : i32
      %dma_wait3A_58 = arith.constant 0 : i32
      %dma_wait3A_59 = tpu.memref_slice %arg3[%arg0, %add3A, %dma_wait3A_57, %dma_wait3A_58] : memref<2x672x8x128xi32, #tpu.memory_space<hbm>> -> memref<1x1x8x128xi32, #tpu.memory_space<hbm>>
      %dma_wait3A_60 = tpu.memref_squeeze %dma_wait3A_59 : memref<1x1x8x128xi32, #tpu.memory_space<hbm>> -> memref<8x128xi32, #tpu.memory_space<hbm>>
      %dma_wait3A_61 = arith.constant 0 : i32
      %dma_wait3A_62 = arith.constant 0 : i32
      %dma_wait3A_63 = tpu.memref_slice %arg8[%dma_wait3A_61, %dma_wait3A_62] : memref<16x128xi32, #tpu.memory_space<vmem>> -> memref<8x128xi32, #tpu.memory_space<vmem>>
      %dma_wait3A_64 = arith.constant 0 : i32
      %dma_wait3A_65 = arith.constant 0 : i32
      %dma_wait3A_66 = tpu.memref_slice %arg3[%arg0, %add3A, %dma_wait3A_64, %dma_wait3A_65] : memref<2x672x8x128xi32, #tpu.memory_space<hbm>> -> memref<1x1x8x128xi32, #tpu.memory_space<hbm>>
      %dma_wait3A_67 = tpu.memref_squeeze %dma_wait3A_66 : memref<1x1x8x128xi32, #tpu.memory_space<hbm>> -> memref<8x128xi32, #tpu.memory_space<hbm>>
      tpu.wait_dma2 semaphore(%arg13 : memref<!tpu.dma_semaphore, #tpu.memory_space<semaphore_mem>>) src(%dma_wait3A_67 : memref<8x128xi32, #tpu.memory_space<hbm>>) dst(%dma_wait3A_63 : memref<8x128xi32, #tpu.memory_space<vmem>>)
      %gt3A = arith.constant 0 : i32
      %gt3A_68 = arith.cmpi sgt, %mul3A_53, %gt3A : i32
      %convert_element_type3A = arith.extui %gt3A_68 : i1 to i32
      %cond3A = arith.constant 0 : i32
      %cond3A_69 = arith.cmpi ne, %convert_element_type3A, %cond3A : i32
      scf.if %cond3A_69 {
        %dma_wait3A_261 = arith.constant 0 : i32
        %dma_wait3A_262 = arith.constant 0 : i32
        %dma_wait3A_263 = arith.constant 0 : i32
        %dma_wait3A_264 = tpu.memref_slice %arg7[%dma_wait3A_261, %dma_wait3A_262, %dma_wait3A_263] : memref<2x128x128xf32, #tpu.memory_space<vmem>> -> memref<1x128x128xf32, #tpu.memory_space<vmem>>
        %dma_wait3A_265 = tpu.memref_squeeze %dma_wait3A_264 : memref<1x128x128xf32, #tpu.memory_space<vmem>> -> memref<128x128xf32, #tpu.memory_space<vmem>>
        %dma_wait3A_266 = arith.constant 0 : i32
        %dma_wait3A_267 = arith.constant 0 : i32
        %dma_wait3A_268 = tpu.memref_slice %arg6[%dma_wait3A_266, %dma_wait3A_267] : memref<10112x128xf32, #tpu.memory_space<vmem_shared>> -> memref<128x128xf32, #tpu.memory_space<vmem_shared>>
        %dma_wait3A_269 = arith.constant 0 : i32
        %dma_wait3A_270 = arith.constant 0 : i32
        %dma_wait3A_271 = tpu.memref_slice %arg6[%dma_wait3A_269, %dma_wait3A_270] : memref<10112x128xf32, #tpu.memory_space<vmem_shared>> -> memref<128x128xf32, #tpu.memory_space<vmem_shared>>
        %dma_wait3A_272 = arith.constant 0 : i32
        %dma_wait3A_273 = arith.constant 0 : i32
        %dma_wait3A_274 = tpu.memref_slice %arg7[%dma_wait3A_261, %dma_wait3A_272, %dma_wait3A_273] : memref<2x128x128xf32, #tpu.memory_space<vmem>> -> memref<1x128x128xf32, #tpu.memory_space<vmem>>
        %dma_wait3A_275 = tpu.memref_squeeze %dma_wait3A_274 : memref<1x128x128xf32, #tpu.memory_space<vmem>> -> memref<128x128xf32, #tpu.memory_space<vmem>>
        tpu.wait_dma2 semaphore(%arg11 : memref<!tpu.dma_semaphore, #tpu.memory_space<semaphore_mem>>) src(%dma_wait3A_275 : memref<128x128xf32, #tpu.memory_space<vmem>>) dst(%dma_wait3A_271 : memref<128x128xf32, #tpu.memory_space<vmem_shared>>)
      } else {
      }
      %dma_start3A_70 = arith.constant 0 : i32
      %dma_start3A_71 = arith.constant 0 : i32
      %dma_start3A_72 = arith.constant 0 : i32
      %dma_start3A_73 = arith.constant 0 : i32
      %dma_start3A_74 = tpu.memref_slice %arg7[%dma_start3A_71, %dma_start3A_72, %dma_start3A_73] : memref<2x128x128xf32, #tpu.memory_space<vmem>> -> memref<1x128x128xf32, #tpu.memory_space<vmem>>
      %dma_start3A_75 = tpu.memref_squeeze %dma_start3A_74 : memref<1x128x128xf32, #tpu.memory_space<vmem>> -> memref<128x128xf32, #tpu.memory_space<vmem>>
      %dma_start3A_76 = arith.constant 0 : i32
      %dma_start3A_77 = tpu.memref_slice %arg8[%dma_start3A_70, %dma_start3A_76] : memref<16x128xi32, #tpu.memory_space<vmem>> -> memref<1x128xi32, #tpu.memory_space<vmem>>
      %dma_start3A_78 = tpu.memref_squeeze %dma_start3A_77 : memref<1x128xi32, #tpu.memory_space<vmem>> -> memref<128xi32, #tpu.memory_space<vmem>>
      %dma_start3A_79 = arith.constant 0 : i32
      %dma_start3A_80 = arith.constant 0 : i32
      %dma_start3A_81 = tpu.memref_slice %arg2[%dma_start3A_79, %dma_start3A_80] : memref<20480x128xf32, #tpu.memory_space<hbm>> -> memref<20480x128xf32, #tpu.memory_space<hbm>>
      tpu.enqueue_indirect_dma source(%dma_start3A_81 : memref<20480x128xf32, #tpu.memory_space<hbm>>) target(%dma_start3A_75 : memref<128x128xf32, #tpu.memory_space<vmem>>) offsets(%dma_start3A_78 : memref<128xi32, #tpu.memory_space<vmem>>) semaphore(%arg9 : memref<!tpu.dma_semaphore, #tpu.memory_space<semaphore_mem>>)
      %gt3A_82 = arith.constant 0 : i32
      %gt3A_83 = arith.cmpi sgt, %mul3A_53, %gt3A_82 : i32
      %convert_element_type3A_84 = arith.extui %gt3A_83 : i1 to i32
      %cond3A_85 = arith.constant 0 : i32
      %cond3A_86 = arith.cmpi ne, %convert_element_type3A_84, %cond3A_85 : i32
      scf.if %cond3A_86 {
        %dma_wait3A_261 = arith.constant 1 : i32
        %dma_wait3A_262 = arith.constant 0 : i32
        %dma_wait3A_263 = arith.constant 0 : i32
        %dma_wait3A_264 = tpu.memref_slice %arg7[%dma_wait3A_261, %dma_wait3A_262, %dma_wait3A_263] : memref<2x128x128xf32, #tpu.memory_space<vmem>> -> memref<1x128x128xf32, #tpu.memory_space<vmem>>
        %dma_wait3A_265 = tpu.memref_squeeze %dma_wait3A_264 : memref<1x128x128xf32, #tpu.memory_space<vmem>> -> memref<128x128xf32, #tpu.memory_space<vmem>>
        %dma_wait3A_266 = arith.constant 0 : i32
        %dma_wait3A_267 = arith.constant 0 : i32
        %dma_wait3A_268 = tpu.memref_slice %arg6[%dma_wait3A_266, %dma_wait3A_267] : memref<10112x128xf32, #tpu.memory_space<vmem_shared>> -> memref<128x128xf32, #tpu.memory_space<vmem_shared>>
        %dma_wait3A_269 = arith.constant 0 : i32
        %dma_wait3A_270 = arith.constant 0 : i32
        %dma_wait3A_271 = tpu.memref_slice %arg6[%dma_wait3A_269, %dma_wait3A_270] : memref<10112x128xf32, #tpu.memory_space<vmem_shared>> -> memref<128x128xf32, #tpu.memory_space<vmem_shared>>
        %dma_wait3A_272 = arith.constant 0 : i32
        %dma_wait3A_273 = arith.constant 0 : i32
        %dma_wait3A_274 = tpu.memref_slice %arg7[%dma_wait3A_261, %dma_wait3A_272, %dma_wait3A_273] : memref<2x128x128xf32, #tpu.memory_space<vmem>> -> memref<1x128x128xf32, #tpu.memory_space<vmem>>
        %dma_wait3A_275 = tpu.memref_squeeze %dma_wait3A_274 : memref<1x128x128xf32, #tpu.memory_space<vmem>> -> memref<128x128xf32, #tpu.memory_space<vmem>>
        tpu.wait_dma2 semaphore(%arg12 : memref<!tpu.dma_semaphore, #tpu.memory_space<semaphore_mem>>) src(%dma_wait3A_275 : memref<128x128xf32, #tpu.memory_space<vmem>>) dst(%dma_wait3A_271 : memref<128x128xf32, #tpu.memory_space<vmem_shared>>)
      } else {
      }
      %dma_start3A_87 = arith.constant 1 : i32
      %dma_start3A_88 = arith.constant 1 : i32
      %dma_start3A_89 = arith.constant 0 : i32
      %dma_start3A_90 = arith.constant 0 : i32
      %dma_start3A_91 = tpu.memref_slice %arg7[%dma_start3A_88, %dma_start3A_89, %dma_start3A_90] : memref<2x128x128xf32, #tpu.memory_space<vmem>> -> memref<1x128x128xf32, #tpu.memory_space<vmem>>
      %dma_start3A_92 = tpu.memref_squeeze %dma_start3A_91 : memref<1x128x128xf32, #tpu.memory_space<vmem>> -> memref<128x128xf32, #tpu.memory_space<vmem>>
      %dma_start3A_93 = arith.constant 0 : i32
      %dma_start3A_94 = tpu.memref_slice %arg8[%dma_start3A_87, %dma_start3A_93] : memref<16x128xi32, #tpu.memory_space<vmem>> -> memref<1x128xi32, #tpu.memory_space<vmem>>
      %dma_start3A_95 = tpu.memref_squeeze %dma_start3A_94 : memref<1x128xi32, #tpu.memory_space<vmem>> -> memref<128xi32, #tpu.memory_space<vmem>>
      %dma_start3A_96 = arith.constant 0 : i32
      %dma_start3A_97 = arith.constant 0 : i32
      %dma_start3A_98 = tpu.memref_slice %arg2[%dma_start3A_96, %dma_start3A_97] : memref<20480x128xf32, #tpu.memory_space<hbm>> -> memref<20480x128xf32, #tpu.memory_space<hbm>>
      tpu.enqueue_indirect_dma source(%dma_start3A_98 : memref<20480x128xf32, #tpu.memory_space<hbm>>) target(%dma_start3A_92 : memref<128x128xf32, #tpu.memory_space<vmem>>) offsets(%dma_start3A_95 : memref<128xi32, #tpu.memory_space<vmem>>) semaphore(%arg10 : memref<!tpu.dma_semaphore, #tpu.memory_space<semaphore_mem>>)
      %add3A_99 = arith.constant 1 : i32
      %add3A_100 = arith.addi %mul3A_53, %add3A_99 : i32
      %lt3A = arith.constant 42 : i32
      %lt3A_101 = arith.cmpi slt, %add3A_100, %lt3A : i32
      %convert_element_type3A_102 = arith.extui %lt3A_101 : i1 to i32
      %cond3A_103 = arith.constant 0 : i32
      %cond3A_104 = arith.cmpi ne, %convert_element_type3A_102, %cond3A_103 : i32
      scf.if %cond3A_104 {
        %add3A_261 = arith.addi %mul3A_2, %mul3A_53 : i32
        %add3A_262 = arith.constant 1 : i32
        %add3A_263 = arith.addi %add3A_261, %add3A_262 : i32
        %dma_start3A_264 = arith.constant 8 : i32
        %dma_start3A_265 = arith.constant 0 : i32
        %dma_start3A_266 = tpu.memref_slice %arg8[%dma_start3A_264, %dma_start3A_265] : memref<16x128xi32, #tpu.memory_space<vmem>> -> memref<8x128xi32, #tpu.memory_space<vmem>>
        %dma_start3A_267 = arith.constant 0 : i32
        %dma_start3A_268 = arith.constant 0 : i32
        %dma_start3A_269 = tpu.memref_slice %arg3[%arg0, %add3A_263, %dma_start3A_267, %dma_start3A_268] : memref<2x672x8x128xi32, #tpu.memory_space<hbm>> -> memref<1x1x8x128xi32, #tpu.memory_space<hbm>>
        %dma_start3A_270 = tpu.memref_squeeze %dma_start3A_269 : memref<1x1x8x128xi32, #tpu.memory_space<hbm>> -> memref<8x128xi32, #tpu.memory_space<hbm>>
        %dma_start3A_271 = arith.constant 8 : i32
        %dma_start3A_272 = arith.constant 0 : i32
        %dma_start3A_273 = tpu.memref_slice %arg8[%dma_start3A_271, %dma_start3A_272] : memref<16x128xi32, #tpu.memory_space<vmem>> -> memref<8x128xi32, #tpu.memory_space<vmem>>
        %dma_start3A_274 = arith.constant 0 : i32
        %dma_start3A_275 = arith.constant 0 : i32
        %dma_start3A_276 = tpu.memref_slice %arg3[%arg0, %add3A_263, %dma_start3A_274, %dma_start3A_275] : memref<2x672x8x128xi32, #tpu.memory_space<hbm>> -> memref<1x1x8x128xi32, #tpu.memory_space<hbm>>
        %dma_start3A_277 = tpu.memref_squeeze %dma_start3A_276 : memref<1x1x8x128xi32, #tpu.memory_space<hbm>> -> memref<8x128xi32, #tpu.memory_space<hbm>>
        tpu.enqueue_dma source(%dma_start3A_277 : memref<8x128xi32, #tpu.memory_space<hbm>>) target(%dma_start3A_273 : memref<8x128xi32, #tpu.memory_space<vmem>>) target_semaphore(%arg14 : memref<!tpu.dma_semaphore, #tpu.memory_space<semaphore_mem>>)
      } else {
      }
      %dma_wait3A_105 = arith.constant 0 : i32
      %dma_wait3A_106 = arith.constant 0 : i32
      %dma_wait3A_107 = arith.constant 0 : i32
      %dma_wait3A_108 = arith.constant 0 : i32
      %dma_wait3A_109 = tpu.memref_slice %arg7[%dma_wait3A_106, %dma_wait3A_107, %dma_wait3A_108] : memref<2x128x128xf32, #tpu.memory_space<vmem>> -> memref<1x128x128xf32, #tpu.memory_space<vmem>>
      %dma_wait3A_110 = tpu.memref_squeeze %dma_wait3A_109 : memref<1x128x128xf32, #tpu.memory_space<vmem>> -> memref<128x128xf32, #tpu.memory_space<vmem>>
      %dma_wait3A_111 = arith.constant 0 : i32
      %dma_wait3A_112 = tpu.memref_slice %arg8[%dma_wait3A_105, %dma_wait3A_111] : memref<16x128xi32, #tpu.memory_space<vmem>> -> memref<1x128xi32, #tpu.memory_space<vmem>>
      %dma_wait3A_113 = tpu.memref_squeeze %dma_wait3A_112 : memref<1x128xi32, #tpu.memory_space<vmem>> -> memref<128xi32, #tpu.memory_space<vmem>>
      %dma_wait3A_114 = arith.constant 0 : i32
      %dma_wait3A_115 = arith.constant 0 : i32
      %dma_wait3A_116 = tpu.memref_slice %arg2[%dma_wait3A_114, %dma_wait3A_115] : memref<20480x128xf32, #tpu.memory_space<hbm>> -> memref<20480x128xf32, #tpu.memory_space<hbm>>
      tpu.wait_indirect_dma semaphore(%arg9 : memref<!tpu.dma_semaphore, #tpu.memory_space<semaphore_mem>>) src(%dma_wait3A_116 : memref<20480x128xf32, #tpu.memory_space<hbm>>) dst(%dma_wait3A_110 : memref<128x128xf32, #tpu.memory_space<vmem>>)
      %dma_start3A_117 = arith.constant 0 : i32
      %dma_start3A_118 = arith.constant 2 : i32
      %dma_start3A_119 = arith.constant 0 : i32
      %dma_start3A_120 = arith.constant 0 : i32
      %dma_start3A_121 = tpu.memref_slice %arg7[%dma_start3A_117, %dma_start3A_119, %dma_start3A_120] : memref<2x128x128xf32, #tpu.memory_space<vmem>> -> memref<1x128x128xf32, #tpu.memory_space<vmem>>
      %dma_start3A_122 = tpu.memref_squeeze %dma_start3A_121 : memref<1x128x128xf32, #tpu.memory_space<vmem>> -> memref<128x128xf32, #tpu.memory_space<vmem>>
      %dma_start3A_123 = arith.constant 0 : i32
      %dma_start3A_124 = tpu.memref_slice %arg8[%dma_start3A_118, %dma_start3A_123] : memref<16x128xi32, #tpu.memory_space<vmem>> -> memref<1x128xi32, #tpu.memory_space<vmem>>
      %dma_start3A_125 = tpu.memref_squeeze %dma_start3A_124 : memref<1x128xi32, #tpu.memory_space<vmem>> -> memref<128xi32, #tpu.memory_space<vmem>>
      %dma_start3A_126 = arith.constant 0 : i32
      %dma_start3A_127 = arith.constant 0 : i32
      %dma_start3A_128 = tpu.memref_slice %arg6[%dma_start3A_126, %dma_start3A_127] : memref<10112x128xf32, #tpu.memory_space<vmem_shared>> -> memref<10112x128xf32, #tpu.memory_space<vmem_shared>>
      tpu.enqueue_indirect_dma source(%dma_start3A_122 : memref<128x128xf32, #tpu.memory_space<vmem>>) target(%dma_start3A_128 : memref<10112x128xf32, #tpu.memory_space<vmem_shared>>) offsets(%dma_start3A_125 : memref<128xi32, #tpu.memory_space<vmem>>) semaphore(%arg11 : memref<!tpu.dma_semaphore, #tpu.memory_space<semaphore_mem>>) {add = true}
      %dma_wait3A_129 = arith.constant 1 : i32
      %dma_wait3A_130 = arith.constant 1 : i32
      %dma_wait3A_131 = arith.constant 0 : i32
      %dma_wait3A_132 = arith.constant 0 : i32
      %dma_wait3A_133 = tpu.memref_slice %arg7[%dma_wait3A_130, %dma_wait3A_131, %dma_wait3A_132] : memref<2x128x128xf32, #tpu.memory_space<vmem>> -> memref<1x128x128xf32, #tpu.memory_space<vmem>>
      %dma_wait3A_134 = tpu.memref_squeeze %dma_wait3A_133 : memref<1x128x128xf32, #tpu.memory_space<vmem>> -> memref<128x128xf32, #tpu.memory_space<vmem>>
      %dma_wait3A_135 = arith.constant 0 : i32
      %dma_wait3A_136 = tpu.memref_slice %arg8[%dma_wait3A_129, %dma_wait3A_135] : memref<16x128xi32, #tpu.memory_space<vmem>> -> memref<1x128xi32, #tpu.memory_space<vmem>>
      %dma_wait3A_137 = tpu.memref_squeeze %dma_wait3A_136 : memref<1x128xi32, #tpu.memory_space<vmem>> -> memref<128xi32, #tpu.memory_space<vmem>>
      %dma_wait3A_138 = arith.constant 0 : i32
      %dma_wait3A_139 = arith.constant 0 : i32
      %dma_wait3A_140 = tpu.memref_slice %arg2[%dma_wait3A_138, %dma_wait3A_139] : memref<20480x128xf32, #tpu.memory_space<hbm>> -> memref<20480x128xf32, #tpu.memory_space<hbm>>
      tpu.wait_indirect_dma semaphore(%arg10 : memref<!tpu.dma_semaphore, #tpu.memory_space<semaphore_mem>>) src(%dma_wait3A_140 : memref<20480x128xf32, #tpu.memory_space<hbm>>) dst(%dma_wait3A_134 : memref<128x128xf32, #tpu.memory_space<vmem>>)
      %dma_start3A_141 = arith.constant 1 : i32
      %dma_start3A_142 = arith.constant 3 : i32
      %dma_start3A_143 = arith.constant 0 : i32
      %dma_start3A_144 = arith.constant 0 : i32
      %dma_start3A_145 = tpu.memref_slice %arg7[%dma_start3A_141, %dma_start3A_143, %dma_start3A_144] : memref<2x128x128xf32, #tpu.memory_space<vmem>> -> memref<1x128x128xf32, #tpu.memory_space<vmem>>
      %dma_start3A_146 = tpu.memref_squeeze %dma_start3A_145 : memref<1x128x128xf32, #tpu.memory_space<vmem>> -> memref<128x128xf32, #tpu.memory_space<vmem>>
      %dma_start3A_147 = arith.constant 0 : i32
      %dma_start3A_148 = tpu.memref_slice %arg8[%dma_start3A_142, %dma_start3A_147] : memref<16x128xi32, #tpu.memory_space<vmem>> -> memref<1x128xi32, #tpu.memory_space<vmem>>
      %dma_start3A_149 = tpu.memref_squeeze %dma_start3A_148 : memref<1x128xi32, #tpu.memory_space<vmem>> -> memref<128xi32, #tpu.memory_space<vmem>>
      %dma_start3A_150 = arith.constant 0 : i32
      %dma_start3A_151 = arith.constant 0 : i32
      %dma_start3A_152 = tpu.memref_slice %arg6[%dma_start3A_150, %dma_start3A_151] : memref<10112x128xf32, #tpu.memory_space<vmem_shared>> -> memref<10112x128xf32, #tpu.memory_space<vmem_shared>>
      tpu.enqueue_indirect_dma source(%dma_start3A_146 : memref<128x128xf32, #tpu.memory_space<vmem>>) target(%dma_start3A_152 : memref<10112x128xf32, #tpu.memory_space<vmem_shared>>) offsets(%dma_start3A_149 : memref<128xi32, #tpu.memory_space<vmem>>) semaphore(%arg12 : memref<!tpu.dma_semaphore, #tpu.memory_space<semaphore_mem>>) {add = true}
      %mul3A_153 = arith.constant 2 : i32
      %mul3A_154 = arith.muli %mul3A_153, %scan3A_51 : i32
      %add3A_155 = arith.constant 1 : i32
      %add3A_156 = arith.addi %mul3A_154, %add3A_155 : i32
      %add3A_157 = arith.addi %mul3A_2, %add3A_156 : i32
      %dma_wait3A_158 = arith.constant 8 : i32
      %dma_wait3A_159 = arith.constant 0 : i32
      %dma_wait3A_160 = tpu.memref_slice %arg8[%dma_wait3A_158, %dma_wait3A_159] : memref<16x128xi32, #tpu.memory_space<vmem>> -> memref<8x128xi32, #tpu.memory_space<vmem>>
      %dma_wait3A_161 = arith.constant 0 : i32
      %dma_wait3A_162 = arith.constant 0 : i32
      %dma_wait3A_163 = tpu.memref_slice %arg3[%arg0, %add3A_157, %dma_wait3A_161, %dma_wait3A_162] : memref<2x672x8x128xi32, #tpu.memory_space<hbm>> -> memref<1x1x8x128xi32, #tpu.memory_space<hbm>>
      %dma_wait3A_164 = tpu.memref_squeeze %dma_wait3A_163 : memref<1x1x8x128xi32, #tpu.memory_space<hbm>> -> memref<8x128xi32, #tpu.memory_space<hbm>>
      %dma_wait3A_165 = arith.constant 8 : i32
      %dma_wait3A_166 = arith.constant 0 : i32
      %dma_wait3A_167 = tpu.memref_slice %arg8[%dma_wait3A_165, %dma_wait3A_166] : memref<16x128xi32, #tpu.memory_space<vmem>> -> memref<8x128xi32, #tpu.memory_space<vmem>>
      %dma_wait3A_168 = arith.constant 0 : i32
      %dma_wait3A_169 = arith.constant 0 : i32
      %dma_wait3A_170 = tpu.memref_slice %arg3[%arg0, %add3A_157, %dma_wait3A_168, %dma_wait3A_169] : memref<2x672x8x128xi32, #tpu.memory_space<hbm>> -> memref<1x1x8x128xi32, #tpu.memory_space<hbm>>
      %dma_wait3A_171 = tpu.memref_squeeze %dma_wait3A_170 : memref<1x1x8x128xi32, #tpu.memory_space<hbm>> -> memref<8x128xi32, #tpu.memory_space<hbm>>
      tpu.wait_dma2 semaphore(%arg14 : memref<!tpu.dma_semaphore, #tpu.memory_space<semaphore_mem>>) src(%dma_wait3A_171 : memref<8x128xi32, #tpu.memory_space<hbm>>) dst(%dma_wait3A_167 : memref<8x128xi32, #tpu.memory_space<vmem>>)
      %gt3A_172 = arith.constant 0 : i32
      %gt3A_173 = arith.cmpi sgt, %add3A_156, %gt3A_172 : i32
      %convert_element_type3A_174 = arith.extui %gt3A_173 : i1 to i32
      %cond3A_175 = arith.constant 0 : i32
      %cond3A_176 = arith.cmpi ne, %convert_element_type3A_174, %cond3A_175 : i32
      scf.if %cond3A_176 {
        %dma_wait3A_261 = arith.constant 0 : i32
        %dma_wait3A_262 = arith.constant 0 : i32
        %dma_wait3A_263 = arith.constant 0 : i32
        %dma_wait3A_264 = tpu.memref_slice %arg7[%dma_wait3A_261, %dma_wait3A_262, %dma_wait3A_263] : memref<2x128x128xf32, #tpu.memory_space<vmem>> -> memref<1x128x128xf32, #tpu.memory_space<vmem>>
        %dma_wait3A_265 = tpu.memref_squeeze %dma_wait3A_264 : memref<1x128x128xf32, #tpu.memory_space<vmem>> -> memref<128x128xf32, #tpu.memory_space<vmem>>
        %dma_wait3A_266 = arith.constant 0 : i32
        %dma_wait3A_267 = arith.constant 0 : i32
        %dma_wait3A_268 = tpu.memref_slice %arg6[%dma_wait3A_266, %dma_wait3A_267] : memref<10112x128xf32, #tpu.memory_space<vmem_shared>> -> memref<128x128xf32, #tpu.memory_space<vmem_shared>>
        %dma_wait3A_269 = arith.constant 0 : i32
        %dma_wait3A_270 = arith.constant 0 : i32
        %dma_wait3A_271 = tpu.memref_slice %arg6[%dma_wait3A_269, %dma_wait3A_270] : memref<10112x128xf32, #tpu.memory_space<vmem_shared>> -> memref<128x128xf32, #tpu.memory_space<vmem_shared>>
        %dma_wait3A_272 = arith.constant 0 : i32
        %dma_wait3A_273 = arith.constant 0 : i32
        %dma_wait3A_274 = tpu.memref_slice %arg7[%dma_wait3A_261, %dma_wait3A_272, %dma_wait3A_273] : memref<2x128x128xf32, #tpu.memory_space<vmem>> -> memref<1x128x128xf32, #tpu.memory_space<vmem>>
        %dma_wait3A_275 = tpu.memref_squeeze %dma_wait3A_274 : memref<1x128x128xf32, #tpu.memory_space<vmem>> -> memref<128x128xf32, #tpu.memory_space<vmem>>
        tpu.wait_dma2 semaphore(%arg11 : memref<!tpu.dma_semaphore, #tpu.memory_space<semaphore_mem>>) src(%dma_wait3A_275 : memref<128x128xf32, #tpu.memory_space<vmem>>) dst(%dma_wait3A_271 : memref<128x128xf32, #tpu.memory_space<vmem_shared>>)
      } else {
      }
      %dma_start3A_177 = arith.constant 8 : i32
      %dma_start3A_178 = arith.constant 0 : i32
      %dma_start3A_179 = arith.constant 0 : i32
      %dma_start3A_180 = arith.constant 0 : i32
      %dma_start3A_181 = tpu.memref_slice %arg7[%dma_start3A_178, %dma_start3A_179, %dma_start3A_180] : memref<2x128x128xf32, #tpu.memory_space<vmem>> -> memref<1x128x128xf32, #tpu.memory_space<vmem>>
      %dma_start3A_182 = tpu.memref_squeeze %dma_start3A_181 : memref<1x128x128xf32, #tpu.memory_space<vmem>> -> memref<128x128xf32, #tpu.memory_space<vmem>>
      %dma_start3A_183 = arith.constant 0 : i32
      %dma_start3A_184 = tpu.memref_slice %arg8[%dma_start3A_177, %dma_start3A_183] : memref<16x128xi32, #tpu.memory_space<vmem>> -> memref<1x128xi32, #tpu.memory_space<vmem>>
      %dma_start3A_185 = tpu.memref_squeeze %dma_start3A_184 : memref<1x128xi32, #tpu.memory_space<vmem>> -> memref<128xi32, #tpu.memory_space<vmem>>
      %dma_start3A_186 = arith.constant 0 : i32
      %dma_start3A_187 = arith.constant 0 : i32
      %dma_start3A_188 = tpu.memref_slice %arg2[%dma_start3A_186, %dma_start3A_187] : memref<20480x128xf32, #tpu.memory_space<hbm>> -> memref<20480x128xf32, #tpu.memory_space<hbm>>
      tpu.enqueue_indirect_dma source(%dma_start3A_188 : memref<20480x128xf32, #tpu.memory_space<hbm>>) target(%dma_start3A_182 : memref<128x128xf32, #tpu.memory_space<vmem>>) offsets(%dma_start3A_185 : memref<128xi32, #tpu.memory_space<vmem>>) semaphore(%arg9 : memref<!tpu.dma_semaphore, #tpu.memory_space<semaphore_mem>>)
      %gt3A_189 = arith.constant 0 : i32
      %gt3A_190 = arith.cmpi sgt, %add3A_156, %gt3A_189 : i32
      %convert_element_type3A_191 = arith.extui %gt3A_190 : i1 to i32
      %cond3A_192 = arith.constant 0 : i32
      %cond3A_193 = arith.cmpi ne, %convert_element_type3A_191, %cond3A_192 : i32
      scf.if %cond3A_193 {
        %dma_wait3A_261 = arith.constant 1 : i32
        %dma_wait3A_262 = arith.constant 0 : i32
        %dma_wait3A_263 = arith.constant 0 : i32
        %dma_wait3A_264 = tpu.memref_slice %arg7[%dma_wait3A_261, %dma_wait3A_262, %dma_wait3A_263] : memref<2x128x128xf32, #tpu.memory_space<vmem>> -> memref<1x128x128xf32, #tpu.memory_space<vmem>>
        %dma_wait3A_265 = tpu.memref_squeeze %dma_wait3A_264 : memref<1x128x128xf32, #tpu.memory_space<vmem>> -> memref<128x128xf32, #tpu.memory_space<vmem>>
        %dma_wait3A_266 = arith.constant 0 : i32
        %dma_wait3A_267 = arith.constant 0 : i32
        %dma_wait3A_268 = tpu.memref_slice %arg6[%dma_wait3A_266, %dma_wait3A_267] : memref<10112x128xf32, #tpu.memory_space<vmem_shared>> -> memref<128x128xf32, #tpu.memory_space<vmem_shared>>
        %dma_wait3A_269 = arith.constant 0 : i32
        %dma_wait3A_270 = arith.constant 0 : i32
        %dma_wait3A_271 = tpu.memref_slice %arg6[%dma_wait3A_269, %dma_wait3A_270] : memref<10112x128xf32, #tpu.memory_space<vmem_shared>> -> memref<128x128xf32, #tpu.memory_space<vmem_shared>>
        %dma_wait3A_272 = arith.constant 0 : i32
        %dma_wait3A_273 = arith.constant 0 : i32
        %dma_wait3A_274 = tpu.memref_slice %arg7[%dma_wait3A_261, %dma_wait3A_272, %dma_wait3A_273] : memref<2x128x128xf32, #tpu.memory_space<vmem>> -> memref<1x128x128xf32, #tpu.memory_space<vmem>>
        %dma_wait3A_275 = tpu.memref_squeeze %dma_wait3A_274 : memref<1x128x128xf32, #tpu.memory_space<vmem>> -> memref<128x128xf32, #tpu.memory_space<vmem>>
        tpu.wait_dma2 semaphore(%arg12 : memref<!tpu.dma_semaphore, #tpu.memory_space<semaphore_mem>>) src(%dma_wait3A_275 : memref<128x128xf32, #tpu.memory_space<vmem>>) dst(%dma_wait3A_271 : memref<128x128xf32, #tpu.memory_space<vmem_shared>>)
      } else {
      }
      %dma_start3A_194 = arith.constant 9 : i32
      %dma_start3A_195 = arith.constant 1 : i32
      %dma_start3A_196 = arith.constant 0 : i32
      %dma_start3A_197 = arith.constant 0 : i32
      %dma_start3A_198 = tpu.memref_slice %arg7[%dma_start3A_195, %dma_start3A_196, %dma_start3A_197] : memref<2x128x128xf32, #tpu.memory_space<vmem>> -> memref<1x128x128xf32, #tpu.memory_space<vmem>>
      %dma_start3A_199 = tpu.memref_squeeze %dma_start3A_198 : memref<1x128x128xf32, #tpu.memory_space<vmem>> -> memref<128x128xf32, #tpu.memory_space<vmem>>
      %dma_start3A_200 = arith.constant 0 : i32
      %dma_start3A_201 = tpu.memref_slice %arg8[%dma_start3A_194, %dma_start3A_200] : memref<16x128xi32, #tpu.memory_space<vmem>> -> memref<1x128xi32, #tpu.memory_space<vmem>>
      %dma_start3A_202 = tpu.memref_squeeze %dma_start3A_201 : memref<1x128xi32, #tpu.memory_space<vmem>> -> memref<128xi32, #tpu.memory_space<vmem>>
      %dma_start3A_203 = arith.constant 0 : i32
      %dma_start3A_204 = arith.constant 0 : i32
      %dma_start3A_205 = tpu.memref_slice %arg2[%dma_start3A_203, %dma_start3A_204] : memref<20480x128xf32, #tpu.memory_space<hbm>> -> memref<20480x128xf32, #tpu.memory_space<hbm>>
      tpu.enqueue_indirect_dma source(%dma_start3A_205 : memref<20480x128xf32, #tpu.memory_space<hbm>>) target(%dma_start3A_199 : memref<128x128xf32, #tpu.memory_space<vmem>>) offsets(%dma_start3A_202 : memref<128xi32, #tpu.memory_space<vmem>>) semaphore(%arg10 : memref<!tpu.dma_semaphore, #tpu.memory_space<semaphore_mem>>)
      %add3A_206 = arith.constant 1 : i32
      %add3A_207 = arith.addi %add3A_156, %add3A_206 : i32
      %lt3A_208 = arith.constant 42 : i32
      %lt3A_209 = arith.cmpi slt, %add3A_207, %lt3A_208 : i32
      %convert_element_type3A_210 = arith.extui %lt3A_209 : i1 to i32
      %cond3A_211 = arith.constant 0 : i32
      %cond3A_212 = arith.cmpi ne, %convert_element_type3A_210, %cond3A_211 : i32
      scf.if %cond3A_212 {
        %add3A_261 = arith.addi %mul3A_2, %add3A_156 : i32
        %add3A_262 = arith.constant 1 : i32
        %add3A_263 = arith.addi %add3A_261, %add3A_262 : i32
        %dma_start3A_264 = arith.constant 0 : i32
        %dma_start3A_265 = arith.constant 0 : i32
        %dma_start3A_266 = tpu.memref_slice %arg8[%dma_start3A_264, %dma_start3A_265] : memref<16x128xi32, #tpu.memory_space<vmem>> -> memref<8x128xi32, #tpu.memory_space<vmem>>
        %dma_start3A_267 = arith.constant 0 : i32
        %dma_start3A_268 = arith.constant 0 : i32
        %dma_start3A_269 = tpu.memref_slice %arg3[%arg0, %add3A_263, %dma_start3A_267, %dma_start3A_268] : memref<2x672x8x128xi32, #tpu.memory_space<hbm>> -> memref<1x1x8x128xi32, #tpu.memory_space<hbm>>
        %dma_start3A_270 = tpu.memref_squeeze %dma_start3A_269 : memref<1x1x8x128xi32, #tpu.memory_space<hbm>> -> memref<8x128xi32, #tpu.memory_space<hbm>>
        %dma_start3A_271 = arith.constant 0 : i32
        %dma_start3A_272 = arith.constant 0 : i32
        %dma_start3A_273 = tpu.memref_slice %arg8[%dma_start3A_271, %dma_start3A_272] : memref<16x128xi32, #tpu.memory_space<vmem>> -> memref<8x128xi32, #tpu.memory_space<vmem>>
        %dma_start3A_274 = arith.constant 0 : i32
        %dma_start3A_275 = arith.constant 0 : i32
        %dma_start3A_276 = tpu.memref_slice %arg3[%arg0, %add3A_263, %dma_start3A_274, %dma_start3A_275] : memref<2x672x8x128xi32, #tpu.memory_space<hbm>> -> memref<1x1x8x128xi32, #tpu.memory_space<hbm>>
        %dma_start3A_277 = tpu.memref_squeeze %dma_start3A_276 : memref<1x1x8x128xi32, #tpu.memory_space<hbm>> -> memref<8x128xi32, #tpu.memory_space<hbm>>
        tpu.enqueue_dma source(%dma_start3A_277 : memref<8x128xi32, #tpu.memory_space<hbm>>) target(%dma_start3A_273 : memref<8x128xi32, #tpu.memory_space<vmem>>) target_semaphore(%arg13 : memref<!tpu.dma_semaphore, #tpu.memory_space<semaphore_mem>>)
      } else {
      }
      %dma_wait3A_213 = arith.constant 8 : i32
      %dma_wait3A_214 = arith.constant 0 : i32
      %dma_wait3A_215 = arith.constant 0 : i32
      %dma_wait3A_216 = arith.constant 0 : i32
      %dma_wait3A_217 = tpu.memref_slice %arg7[%dma_wait3A_214, %dma_wait3A_215, %dma_wait3A_216] : memref<2x128x128xf32, #tpu.memory_space<vmem>> -> memref<1x128x128xf32, #tpu.memory_space<vmem>>
      %dma_wait3A_218 = tpu.memref_squeeze %dma_wait3A_217 : memref<1x128x128xf32, #tpu.memory_space<vmem>> -> memref<128x128xf32, #tpu.memory_space<vmem>>
      %dma_wait3A_219 = arith.constant 0 : i32
      %dma_wait3A_220 = tpu.memref_slice %arg8[%dma_wait3A_213, %dma_wait3A_219] : memref<16x128xi32, #tpu.memory_space<vmem>> -> memref<1x128xi32, #tpu.memory_space<vmem>>
      %dma_wait3A_221 = tpu.memref_squeeze %dma_wait3A_220 : memref<1x128xi32, #tpu.memory_space<vmem>> -> memref<128xi32, #tpu.memory_space<vmem>>
      %dma_wait3A_222 = arith.constant 0 : i32
      %dma_wait3A_223 = arith.constant 0 : i32
      %dma_wait3A_224 = tpu.memref_slice %arg2[%dma_wait3A_222, %dma_wait3A_223] : memref<20480x128xf32, #tpu.memory_space<hbm>> -> memref<20480x128xf32, #tpu.memory_space<hbm>>
      tpu.wait_indirect_dma semaphore(%arg9 : memref<!tpu.dma_semaphore, #tpu.memory_space<semaphore_mem>>) src(%dma_wait3A_224 : memref<20480x128xf32, #tpu.memory_space<hbm>>) dst(%dma_wait3A_218 : memref<128x128xf32, #tpu.memory_space<vmem>>)
      %dma_start3A_225 = arith.constant 0 : i32
      %dma_start3A_226 = arith.constant 10 : i32
      %dma_start3A_227 = arith.constant 0 : i32
      %dma_start3A_228 = arith.constant 0 : i32
      %dma_start3A_229 = tpu.memref_slice %arg7[%dma_start3A_225, %dma_start3A_227, %dma_start3A_228] : memref<2x128x128xf32, #tpu.memory_space<vmem>> -> memref<1x128x128xf32, #tpu.memory_space<vmem>>
      %dma_start3A_230 = tpu.memref_squeeze %dma_start3A_229 : memref<1x128x128xf32, #tpu.memory_space<vmem>> -> memref<128x128xf32, #tpu.memory_space<vmem>>
      %dma_start3A_231 = arith.constant 0 : i32
      %dma_start3A_232 = tpu.memref_slice %arg8[%dma_start3A_226, %dma_start3A_231] : memref<16x128xi32, #tpu.memory_space<vmem>> -> memref<1x128xi32, #tpu.memory_space<vmem>>
      %dma_start3A_233 = tpu.memref_squeeze %dma_start3A_232 : memref<1x128xi32, #tpu.memory_space<vmem>> -> memref<128xi32, #tpu.memory_space<vmem>>
      %dma_start3A_234 = arith.constant 0 : i32
      %dma_start3A_235 = arith.constant 0 : i32
      %dma_start3A_236 = tpu.memref_slice %arg6[%dma_start3A_234, %dma_start3A_235] : memref<10112x128xf32, #tpu.memory_space<vmem_shared>> -> memref<10112x128xf32, #tpu.memory_space<vmem_shared>>
      tpu.enqueue_indirect_dma source(%dma_start3A_230 : memref<128x128xf32, #tpu.memory_space<vmem>>) target(%dma_start3A_236 : memref<10112x128xf32, #tpu.memory_space<vmem_shared>>) offsets(%dma_start3A_233 : memref<128xi32, #tpu.memory_space<vmem>>) semaphore(%arg11 : memref<!tpu.dma_semaphore, #tpu.memory_space<semaphore_mem>>) {add = true}
      %dma_wait3A_237 = arith.constant 9 : i32
      %dma_wait3A_238 = arith.constant 1 : i32
      %dma_wait3A_239 = arith.constant 0 : i32
      %dma_wait3A_240 = arith.constant 0 : i32
      %dma_wait3A_241 = tpu.memref_slice %arg7[%dma_wait3A_238, %dma_wait3A_239, %dma_wait3A_240] : memref<2x128x128xf32, #tpu.memory_space<vmem>> -> memref<1x128x128xf32, #tpu.memory_space<vmem>>
      %dma_wait3A_242 = tpu.memref_squeeze %dma_wait3A_241 : memref<1x128x128xf32, #tpu.memory_space<vmem>> -> memref<128x128xf32, #tpu.memory_space<vmem>>
      %dma_wait3A_243 = arith.constant 0 : i32
      %dma_wait3A_244 = tpu.memref_slice %arg8[%dma_wait3A_237, %dma_wait3A_243] : memref<16x128xi32, #tpu.memory_space<vmem>> -> memref<1x128xi32, #tpu.memory_space<vmem>>
      %dma_wait3A_245 = tpu.memref_squeeze %dma_wait3A_244 : memref<1x128xi32, #tpu.memory_space<vmem>> -> memref<128xi32, #tpu.memory_space<vmem>>
      %dma_wait3A_246 = arith.constant 0 : i32
      %dma_wait3A_247 = arith.constant 0 : i32
      %dma_wait3A_248 = tpu.memref_slice %arg2[%dma_wait3A_246, %dma_wait3A_247] : memref<20480x128xf32, #tpu.memory_space<hbm>> -> memref<20480x128xf32, #tpu.memory_space<hbm>>
      tpu.wait_indirect_dma semaphore(%arg10 : memref<!tpu.dma_semaphore, #tpu.memory_space<semaphore_mem>>) src(%dma_wait3A_248 : memref<20480x128xf32, #tpu.memory_space<hbm>>) dst(%dma_wait3A_242 : memref<128x128xf32, #tpu.memory_space<vmem>>)
      %dma_start3A_249 = arith.constant 1 : i32
      %dma_start3A_250 = arith.constant 11 : i32
      %dma_start3A_251 = arith.constant 0 : i32
      %dma_start3A_252 = arith.constant 0 : i32
      %dma_start3A_253 = tpu.memref_slice %arg7[%dma_start3A_249, %dma_start3A_251, %dma_start3A_252] : memref<2x128x128xf32, #tpu.memory_space<vmem>> -> memref<1x128x128xf32, #tpu.memory_space<vmem>>
      %dma_start3A_254 = tpu.memref_squeeze %dma_start3A_253 : memref<1x128x128xf32, #tpu.memory_space<vmem>> -> memref<128x128xf32, #tpu.memory_space<vmem>>
      %dma_start3A_255 = arith.constant 0 : i32
      %dma_start3A_256 = tpu.memref_slice %arg8[%dma_start3A_250, %dma_start3A_255] : memref<16x128xi32, #tpu.memory_space<vmem>> -> memref<1x128xi32, #tpu.memory_space<vmem>>
      %dma_start3A_257 = tpu.memref_squeeze %dma_start3A_256 : memref<1x128xi32, #tpu.memory_space<vmem>> -> memref<128xi32, #tpu.memory_space<vmem>>
      %dma_start3A_258 = arith.constant 0 : i32
      %dma_start3A_259 = arith.constant 0 : i32
      %dma_start3A_260 = tpu.memref_slice %arg6[%dma_start3A_258, %dma_start3A_259] : memref<10112x128xf32, #tpu.memory_space<vmem_shared>> -> memref<10112x128xf32, #tpu.memory_space<vmem_shared>>
      tpu.enqueue_indirect_dma source(%dma_start3A_254 : memref<128x128xf32, #tpu.memory_space<vmem>>) target(%dma_start3A_260 : memref<10112x128xf32, #tpu.memory_space<vmem_shared>>) offsets(%dma_start3A_257 : memref<128xi32, #tpu.memory_space<vmem>>) semaphore(%arg12 : memref<!tpu.dma_semaphore, #tpu.memory_space<semaphore_mem>>) {add = true}
    }
    %scan3A_20 = arith.constant 21 : i32
    %dma_wait3A = arith.constant 0 : i32
    %dma_wait3A_21 = arith.constant 0 : i32
    %dma_wait3A_22 = arith.constant 0 : i32
    %dma_wait3A_23 = tpu.memref_slice %arg7[%dma_wait3A, %dma_wait3A_21, %dma_wait3A_22] : memref<2x128x128xf32, #tpu.memory_space<vmem>> -> memref<1x128x128xf32, #tpu.memory_space<vmem>>
    %dma_wait3A_24 = tpu.memref_squeeze %dma_wait3A_23 : memref<1x128x128xf32, #tpu.memory_space<vmem>> -> memref<128x128xf32, #tpu.memory_space<vmem>>
    %dma_wait3A_25 = arith.constant 0 : i32
    %dma_wait3A_26 = arith.constant 0 : i32
    %dma_wait3A_27 = tpu.memref_slice %arg6[%dma_wait3A_25, %dma_wait3A_26] : memref<10112x128xf32, #tpu.memory_space<vmem_shared>> -> memref<128x128xf32, #tpu.memory_space<vmem_shared>>
    %dma_wait3A_28 = arith.constant 0 : i32
    %dma_wait3A_29 = arith.constant 0 : i32
    %dma_wait3A_30 = tpu.memref_slice %arg6[%dma_wait3A_28, %dma_wait3A_29] : memref<10112x128xf32, #tpu.memory_space<vmem_shared>> -> memref<128x128xf32, #tpu.memory_space<vmem_shared>>
    %dma_wait3A_31 = arith.constant 0 : i32
    %dma_wait3A_32 = arith.constant 0 : i32
    %dma_wait3A_33 = tpu.memref_slice %arg7[%dma_wait3A, %dma_wait3A_31, %dma_wait3A_32] : memref<2x128x128xf32, #tpu.memory_space<vmem>> -> memref<1x128x128xf32, #tpu.memory_space<vmem>>
    %dma_wait3A_34 = tpu.memref_squeeze %dma_wait3A_33 : memref<1x128x128xf32, #tpu.memory_space<vmem>> -> memref<128x128xf32, #tpu.memory_space<vmem>>
    tpu.wait_dma2 semaphore(%arg11 : memref<!tpu.dma_semaphore, #tpu.memory_space<semaphore_mem>>) src(%dma_wait3A_34 : memref<128x128xf32, #tpu.memory_space<vmem>>) dst(%dma_wait3A_30 : memref<128x128xf32, #tpu.memory_space<vmem_shared>>)
    %dma_wait3A_35 = arith.constant 1 : i32
    %dma_wait3A_36 = arith.constant 0 : i32
    %dma_wait3A_37 = arith.constant 0 : i32
    %dma_wait3A_38 = tpu.memref_slice %arg7[%dma_wait3A_35, %dma_wait3A_36, %dma_wait3A_37] : memref<2x128x128xf32, #tpu.memory_space<vmem>> -> memref<1x128x128xf32, #tpu.memory_space<vmem>>
    %dma_wait3A_39 = tpu.memref_squeeze %dma_wait3A_38 : memref<1x128x128xf32, #tpu.memory_space<vmem>> -> memref<128x128xf32, #tpu.memory_space<vmem>>
    %dma_wait3A_40 = arith.constant 0 : i32
    %dma_wait3A_41 = arith.constant 0 : i32
    %dma_wait3A_42 = tpu.memref_slice %arg6[%dma_wait3A_40, %dma_wait3A_41] : memref<10112x128xf32, #tpu.memory_space<vmem_shared>> -> memref<128x128xf32, #tpu.memory_space<vmem_shared>>
    %dma_wait3A_43 = arith.constant 0 : i32
    %dma_wait3A_44 = arith.constant 0 : i32
    %dma_wait3A_45 = tpu.memref_slice %arg6[%dma_wait3A_43, %dma_wait3A_44] : memref<10112x128xf32, #tpu.memory_space<vmem_shared>> -> memref<128x128xf32, #tpu.memory_space<vmem_shared>>
    %dma_wait3A_46 = arith.constant 0 : i32
    %dma_wait3A_47 = arith.constant 0 : i32
    %dma_wait3A_48 = tpu.memref_slice %arg7[%dma_wait3A_35, %dma_wait3A_46, %dma_wait3A_47] : memref<2x128x128xf32, #tpu.memory_space<vmem>> -> memref<1x128x128xf32, #tpu.memory_space<vmem>>
    %dma_wait3A_49 = tpu.memref_squeeze %dma_wait3A_48 : memref<1x128x128xf32, #tpu.memory_space<vmem>> -> memref<128x128xf32, #tpu.memory_space<vmem>>
    tpu.wait_dma2 semaphore(%arg12 : memref<!tpu.dma_semaphore, #tpu.memory_space<semaphore_mem>>) src(%dma_wait3A_49 : memref<128x128xf32, #tpu.memory_space<vmem>>) dst(%dma_wait3A_45 : memref<128x128xf32, #tpu.memory_space<vmem_shared>>)
    %barrier3A_50 = arith.constant 0 : index
    tpu.barrier barrier_id(%barrier3A_50)
    "tpu.region"() ({
      %run_scoped3A = tpu.sem_alloc : memref<!tpu.dma_semaphore, #tpu.memory_space<semaphore_mem>>
      %dma_start3A_51 = arith.constant 0 : i32
      %dma_start3A_52 = tpu.memref_slice %arg5[%arg0, %mul3A_0, %dma_start3A_51] : memref<2x10240x128xf32, #tpu.memory_space<hbm>> -> memref<1x632x128xf32, #tpu.memory_space<hbm>>
      %dma_start3A_53 = tpu.memref_squeeze %dma_start3A_52 : memref<1x632x128xf32, #tpu.memory_space<hbm>> -> memref<632x128xf32, #tpu.memory_space<hbm>>
      %dma_start3A_54 = arith.constant 0 : i32
      %dma_start3A_55 = tpu.memref_slice %arg6[%mul3A_0, %dma_start3A_54] : memref<10112x128xf32, #tpu.memory_space<vmem_shared>> -> memref<632x128xf32, #tpu.memory_space<vmem_shared>>
      tpu.enqueue_dma source(%dma_start3A_55 : memref<632x128xf32, #tpu.memory_space<vmem_shared>>) target(%dma_start3A_53 : memref<632x128xf32, #tpu.memory_space<hbm>>) target_semaphore(%run_scoped3A : memref<!tpu.dma_semaphore, #tpu.memory_space<semaphore_mem>>)
      %dma_wait3A_56 = arith.constant 0 : i32
      %dma_wait3A_57 = tpu.memref_slice %arg5[%arg0, %mul3A_0, %dma_wait3A_56] : memref<2x10240x128xf32, #tpu.memory_space<hbm>> -> memref<1x632x128xf32, #tpu.memory_space<hbm>>
      %dma_wait3A_58 = tpu.memref_squeeze %dma_wait3A_57 : memref<1x632x128xf32, #tpu.memory_space<hbm>> -> memref<632x128xf32, #tpu.memory_space<hbm>>
      %dma_wait3A_59 = arith.constant 0 : i32
      %dma_wait3A_60 = tpu.memref_slice %arg6[%mul3A_0, %dma_wait3A_59] : memref<10112x128xf32, #tpu.memory_space<vmem_shared>> -> memref<632x128xf32, #tpu.memory_space<vmem_shared>>
      tpu.wait_dma2 semaphore(%run_scoped3A : memref<!tpu.dma_semaphore, #tpu.memory_space<semaphore_mem>>) src(%dma_wait3A_60 : memref<632x128xf32, #tpu.memory_space<vmem_shared>>) dst(%dma_wait3A_58 : memref<632x128xf32, #tpu.memory_space<hbm>>)
      tpu.yield
    }) : () -> ()
    return
  }
}

module attributes {stable_mosaic.version = 14 : i64} {
  func.func @_mm1_body(%arg0: i32, %arg1: memref<256x256xf32, #tpu.memory_space<vmem>>, %arg2: memref<256x256xf32, #tpu.memory_space<vmem>>, %arg3: memref<2x256x1xf32, #tpu.memory_space<vmem>>, %arg4: memref<2x256x128xf32, #tpu.memory_space<vmem>>) attributes {dimension_semantics = [#tpu.dimension_semantics<arbitrary>], iteration_bounds = array<i64: 40>, scalar_prefetch = 0 : i64, scratch_operands = 0 : i64, tpu.core_type = #tpu.core_type<tc>, window_params = [{transform_indices = @transform_0, window_bounds = array<i64: 256, 256>}, {pipeline_mode = #tpu.pipeline_mode<synchronous>, transform_indices = @transform_1, window_bounds = array<i64: 256, 256>}, {transform_indices = @transform_2, window_bounds = array<i64: 2, 256, 1>}, {transform_indices = @transform_3, window_bounds = array<i64: 2, 256, 128>}]} {
    %get3A = arith.constant 0 : index
    %get3A_0 = arith.constant 0 : index
    %get3A_1 = arith.constant 0 : index
    %get3A_2 = vector.load %arg3[%get3A, %get3A_0, %get3A_1] : memref<2x256x1xf32, #tpu.memory_space<vmem>>, vector<1x256x1xf32>
    %get3A_3 = vector.shape_cast %get3A_2 : vector<1x256x1xf32> to vector<256x1xf32>
    %get3A_4 = arith.constant 1 : index
    %get3A_5 = arith.constant 0 : index
    %get3A_6 = arith.constant 0 : index
    %get3A_7 = vector.load %arg3[%get3A_4, %get3A_5, %get3A_6] : memref<2x256x1xf32, #tpu.memory_space<vmem>>, vector<1x256x1xf32>
    %get3A_8 = vector.shape_cast %get3A_7 : vector<1x256x1xf32> to vector<256x1xf32>
    %add3A = arith.addf %get3A_3, %get3A_8 : vector<256x1xf32>
    %gt3A = arith.constant 0.000000e+00 : f32
    %gt3A_9 = vector.broadcast %gt3A : f32 to vector<256x1xf32>
    %gt3A_10 = arith.cmpf ogt, %add3A, %gt3A_9 : vector<256x1xf32>
    %max3A = arith.constant 1.000000e+00 : f32
    %max3A_11 = vector.broadcast %max3A : f32 to vector<256x1xf32>
    %max3A_12 = arith.maximumf %add3A, %max3A_11 : vector<256x1xf32>
    %rsqrt3A = math.rsqrt %max3A_12 : vector<256x1xf32>
    %jit3A = arith.constant 0.000000e+00 : f32
    %broadcast_in_dim3A = vector.broadcast %jit3A : f32 to vector<256x1xf32>
    %select_n3A = arith.select %gt3A_10, %rsqrt3A, %broadcast_in_dim3A : vector<256x1xi1>, vector<256x1xf32>
    %get3A_13 = arith.constant 0 : index
    %get3A_14 = arith.constant 0 : index
    %get3A_15 = vector.load %arg1[%get3A_13, %get3A_14] : memref<256x256xf32, #tpu.memory_space<vmem>>, vector<256x256xf32>
    %get3A_16 = arith.constant 0 : index
    %get3A_17 = arith.constant 0 : index
    %get3A_18 = vector.load %arg2[%get3A_16, %get3A_17] : memref<256x256xf32, #tpu.memory_space<vmem>>, vector<256x256xf32>
    %dot_general3A = arith.constant dense<0.000000e+00> : vector<256x256xf32>
    %dot_general3A_19 = tpu.matmul %get3A_15, %get3A_18, %dot_general3A {dimension_numbers = #tpu.dot_dimension_numbers<[1], [0], [0], [1], [0, 0, 1, 1], [], []>, transpose_lhs_hint = false} : vector<256x256xf32>, vector<256x256xf32>, vector<256x256xf32> -> vector<256x256xf32>
    %mul3A = vector.broadcast %select_n3A : vector<256x1xf32> to vector<256x256xf32>
    %mul3A_20 = arith.mulf %dot_general3A_19, %mul3A : vector<256x256xf32>
    %slice3A = vector.extract_strided_slice %mul3A_20 {offsets = [0, 0], sizes = [256, 128], strides = [1, 1]} : vector<256x256xf32> to vector<256x128xf32>
    %swap3A = arith.constant 0 : index
    %swap3A_21 = arith.constant 0 : index
    %swap3A_22 = arith.constant 0 : index
    %swap3A_23 = vector.load %arg4[%swap3A, %swap3A_21, %swap3A_22] : memref<2x256x128xf32, #tpu.memory_space<vmem>>, vector<1x256x128xf32>
    %swap3A_24 = vector.shape_cast %swap3A_23 : vector<1x256x128xf32> to vector<256x128xf32>
    %swap3A_25 = vector.shape_cast %slice3A : vector<256x128xf32> to vector<1x256x128xf32>
    tpu.vector_store %arg4[%swap3A, %swap3A_21, %swap3A_22], %swap3A_25 {strides = array<i32>} : memref<2x256x128xf32, #tpu.memory_space<vmem>>, vector<1x256x128xf32>,
    %slice3A_26 = vector.extract_strided_slice %mul3A_20 {offsets = [0, 128], sizes = [256, 128], strides = [1, 1]} : vector<256x256xf32> to vector<256x128xf32>
    %swap3A_27 = arith.constant 1 : index
    %swap3A_28 = arith.constant 0 : index
    %swap3A_29 = arith.constant 0 : index
    %swap3A_30 = vector.load %arg4[%swap3A_27, %swap3A_28, %swap3A_29] : memref<2x256x128xf32, #tpu.memory_space<vmem>>, vector<1x256x128xf32>
    %swap3A_31 = vector.shape_cast %swap3A_30 : vector<1x256x128xf32> to vector<256x128xf32>
    %swap3A_32 = vector.shape_cast %slice3A_26 : vector<256x128xf32> to vector<1x256x128xf32>
    tpu.vector_store %arg4[%swap3A_27, %swap3A_28, %swap3A_29], %swap3A_32 {strides = array<i32>} : memref<2x256x128xf32, #tpu.memory_space<vmem>>, vector<1x256x128xf32>,
    return
  }
  func.func @transform_0(%arg0: i32) -> (i32, i32) {
    %c0_i32 = arith.constant 0 : i32
    %c0_i32_0 = arith.constant 0 : i32
    return %arg0, %c0_i32 : i32, i32
  }
  func.func @transform_1(%arg0: i32) -> (i32, i32) {
    %c0_i32 = arith.constant 0 : i32
    %c0_i32_0 = arith.constant 0 : i32
    %c0_i32_1 = arith.constant 0 : i32
    return %c0_i32, %c0_i32_0 : i32, i32
  }
  func.func @transform_2(%arg0: i32) -> (i32, i32, i32) {
    %c0_i32 = arith.constant 0 : i32
    %c0_i32_0 = arith.constant 0 : i32
    %c0_i32_1 = arith.constant 0 : i32
    return %c0_i32, %arg0, %c0_i32_0 : i32, i32, i32
  }
  func.func @transform_3(%arg0: i32) -> (i32, i32, i32) {
    %c0_i32 = arith.constant 0 : i32
    %c0_i32_0 = arith.constant 0 : i32
    %c0_i32_1 = arith.constant 0 : i32
    return %c0_i32, %arg0, %c0_i32_0 : i32, i32, i32
  }
}

module attributes {stable_mosaic.version = 14 : i64} {
  func.func @_mm2_body(%arg0: i32, %arg1: memref<256x256xf32, #tpu.memory_space<vmem>>, %arg2: memref<2x256x128xf32, #tpu.memory_space<vmem>>, %arg3: memref<2x256x1xf32, #tpu.memory_space<vmem>>, %arg4: memref<256x256xf32, #tpu.memory_space<vmem>>, %arg5: memref<256x256xf32, #tpu.memory_space<vmem>>, %arg6: memref<2x256x128xf32, #tpu.memory_space<vmem>>) attributes {dimension_semantics = [#tpu.dimension_semantics<arbitrary>], iteration_bounds = array<i64: 40>, scalar_prefetch = 0 : i64, scratch_operands = 0 : i64, tpu.core_type = #tpu.core_type<tc>, window_params = [{transform_indices = @transform_0, window_bounds = array<i64: 256, 256>}, {transform_indices = @transform_1, window_bounds = array<i64: 2, 256, 128>}, {transform_indices = @transform_2, window_bounds = array<i64: 2, 256, 1>}, {pipeline_mode = #tpu.pipeline_mode<synchronous>, transform_indices = @transform_3, window_bounds = array<i64: 256, 256>}, {transform_indices = @transform_4, window_bounds = array<i64: 256, 256>}, {transform_indices = @transform_5, window_bounds = array<i64: 2, 256, 128>}]} {
    %get3A = arith.constant 0 : index
    %get3A_0 = arith.constant 0 : index
    %get3A_1 = arith.constant 0 : index
    %get3A_2 = vector.load %arg3[%get3A, %get3A_0, %get3A_1] : memref<2x256x1xf32, #tpu.memory_space<vmem>>, vector<1x256x1xf32>
    %get3A_3 = vector.shape_cast %get3A_2 : vector<1x256x1xf32> to vector<256x1xf32>
    %get3A_4 = arith.constant 1 : index
    %get3A_5 = arith.constant 0 : index
    %get3A_6 = arith.constant 0 : index
    %get3A_7 = vector.load %arg3[%get3A_4, %get3A_5, %get3A_6] : memref<2x256x1xf32, #tpu.memory_space<vmem>>, vector<1x256x1xf32>
    %get3A_8 = vector.shape_cast %get3A_7 : vector<1x256x1xf32> to vector<256x1xf32>
    %add3A = arith.addf %get3A_3, %get3A_8 : vector<256x1xf32>
    %gt3A = arith.constant 0.000000e+00 : f32
    %gt3A_9 = vector.broadcast %gt3A : f32 to vector<256x1xf32>
    %gt3A_10 = arith.cmpf ogt, %add3A, %gt3A_9 : vector<256x1xf32>
    %max3A = arith.constant 1.000000e+00 : f32
    %max3A_11 = vector.broadcast %max3A : f32 to vector<256x1xf32>
    %max3A_12 = arith.maximumf %add3A, %max3A_11 : vector<256x1xf32>
    %rsqrt3A = math.rsqrt %max3A_12 : vector<256x1xf32>
    %jit3A = arith.constant 0.000000e+00 : f32
    %broadcast_in_dim3A = vector.broadcast %jit3A : f32 to vector<256x1xf32>
    %select_n3A = arith.select %gt3A_10, %rsqrt3A, %broadcast_in_dim3A : vector<256x1xi1>, vector<256x1xf32>
    %get3A_13 = arith.constant 0 : index
    %get3A_14 = arith.constant 0 : index
    %get3A_15 = arith.constant 0 : index
    %get3A_16 = vector.load %arg2[%get3A_13, %get3A_14, %get3A_15] : memref<2x256x128xf32, #tpu.memory_space<vmem>>, vector<1x256x128xf32>
    %get3A_17 = vector.shape_cast %get3A_16 : vector<1x256x128xf32> to vector<256x128xf32>
    %get3A_18 = arith.constant 1 : index
    %get3A_19 = arith.constant 0 : index
    %get3A_20 = arith.constant 0 : index
    %get3A_21 = vector.load %arg2[%get3A_18, %get3A_19, %get3A_20] : memref<2x256x128xf32, #tpu.memory_space<vmem>>, vector<1x256x128xf32>
    %get3A_22 = vector.shape_cast %get3A_21 : vector<1x256x128xf32> to vector<256x128xf32>
    %concatenate3A = tpu.concatenate %get3A_17, %get3A_22 in 1 : vector<256x128xf32>, vector<256x128xf32> -> vector<256x256xf32>
    %get3A_23 = arith.constant 0 : index
    %get3A_24 = arith.constant 0 : index
    %get3A_25 = vector.load %arg1[%get3A_23, %get3A_24] : memref<256x256xf32, #tpu.memory_space<vmem>>, vector<256x256xf32>
    %mul3A = vector.broadcast %select_n3A : vector<256x1xf32> to vector<256x256xf32>
    %mul3A_26 = arith.mulf %concatenate3A, %mul3A : vector<256x256xf32>
    %max3A_27 = arith.constant 0.000000e+00 : f32
    %max3A_28 = vector.broadcast %max3A_27 : f32 to vector<256x256xf32>
    %max3A_29 = arith.maximumf %mul3A_26, %max3A_28 : vector<256x256xf32>
    %add3A_30 = arith.addf %get3A_25, %max3A_29 : vector<256x256xf32>
    %swap3A = arith.constant 0 : index
    %swap3A_31 = arith.constant 0 : index
    %swap3A_32 = vector.load %arg5[%swap3A, %swap3A_31] : memref<256x256xf32, #tpu.memory_space<vmem>>, vector<256x256xf32>
    tpu.vector_store %arg5[%swap3A, %swap3A_31], %add3A_30 {strides = array<i32>} : memref<256x256xf32, #tpu.memory_space<vmem>>, vector<256x256xf32>,
    %get3A_33 = arith.constant 0 : index
    %get3A_34 = arith.constant 0 : index
    %get3A_35 = vector.load %arg4[%get3A_33, %get3A_34] : memref<256x256xf32, #tpu.memory_space<vmem>>, vector<256x256xf32>
    %dot_general3A = arith.constant dense<0.000000e+00> : vector<256x256xf32>
    %dot_general3A_36 = tpu.matmul %add3A_30, %get3A_35, %dot_general3A {dimension_numbers = #tpu.dot_dimension_numbers<[1], [0], [0], [1], [0, 0, 1, 1], [], []>, transpose_lhs_hint = false} : vector<256x256xf32>, vector<256x256xf32>, vector<256x256xf32> -> vector<256x256xf32>
    %mul3A_37 = vector.broadcast %select_n3A : vector<256x1xf32> to vector<256x256xf32>
    %mul3A_38 = arith.mulf %dot_general3A_36, %mul3A_37 : vector<256x256xf32>
    %slice3A = vector.extract_strided_slice %mul3A_38 {offsets = [0, 0], sizes = [256, 128], strides = [1, 1]} : vector<256x256xf32> to vector<256x128xf32>
    %swap3A_39 = arith.constant 0 : index
    %swap3A_40 = arith.constant 0 : index
    %swap3A_41 = arith.constant 0 : index
    %swap3A_42 = vector.load %arg6[%swap3A_39, %swap3A_40, %swap3A_41] : memref<2x256x128xf32, #tpu.memory_space<vmem>>, vector<1x256x128xf32>
    %swap3A_43 = vector.shape_cast %swap3A_42 : vector<1x256x128xf32> to vector<256x128xf32>
    %swap3A_44 = vector.shape_cast %slice3A : vector<256x128xf32> to vector<1x256x128xf32>
    tpu.vector_store %arg6[%swap3A_39, %swap3A_40, %swap3A_41], %swap3A_44 {strides = array<i32>} : memref<2x256x128xf32, #tpu.memory_space<vmem>>, vector<1x256x128xf32>,
    %slice3A_45 = vector.extract_strided_slice %mul3A_38 {offsets = [0, 128], sizes = [256, 128], strides = [1, 1]} : vector<256x256xf32> to vector<256x128xf32>
    %swap3A_46 = arith.constant 1 : index
    %swap3A_47 = arith.constant 0 : index
    %swap3A_48 = arith.constant 0 : index
    %swap3A_49 = vector.load %arg6[%swap3A_46, %swap3A_47, %swap3A_48] : memref<2x256x128xf32, #tpu.memory_space<vmem>>, vector<1x256x128xf32>
    %swap3A_50 = vector.shape_cast %swap3A_49 : vector<1x256x128xf32> to vector<256x128xf32>
    %swap3A_51 = vector.shape_cast %slice3A_45 : vector<256x128xf32> to vector<1x256x128xf32>
    tpu.vector_store %arg6[%swap3A_46, %swap3A_47, %swap3A_48], %swap3A_51 {strides = array<i32>} : memref<2x256x128xf32, #tpu.memory_space<vmem>>, vector<1x256x128xf32>,
    return
  }
  func.func @transform_0(%arg0: i32) -> (i32, i32) {
    %c0_i32 = arith.constant 0 : i32
    %c0_i32_0 = arith.constant 0 : i32
    return %arg0, %c0_i32 : i32, i32
  }
  func.func @transform_1(%arg0: i32) -> (i32, i32, i32) {
    %c0_i32 = arith.constant 0 : i32
    %c0_i32_0 = arith.constant 0 : i32
    %c0_i32_1 = arith.constant 0 : i32
    return %c0_i32, %arg0, %c0_i32_0 : i32, i32, i32
  }
  func.func @transform_2(%arg0: i32) -> (i32, i32, i32) {
    %c0_i32 = arith.constant 0 : i32
    %c0_i32_0 = arith.constant 0 : i32
    %c0_i32_1 = arith.constant 0 : i32
    return %c0_i32, %arg0, %c0_i32_0 : i32, i32, i32
  }
  func.func @transform_3(%arg0: i32) -> (i32, i32) {
    %c0_i32 = arith.constant 0 : i32
    %c0_i32_0 = arith.constant 0 : i32
    %c0_i32_1 = arith.constant 0 : i32
    return %c0_i32, %c0_i32_0 : i32, i32
  }
  func.func @transform_4(%arg0: i32) -> (i32, i32) {
    %c0_i32 = arith.constant 0 : i32
    %c0_i32_0 = arith.constant 0 : i32
    return %arg0, %c0_i32 : i32, i32
  }
  func.func @transform_5(%arg0: i32) -> (i32, i32, i32) {
    %c0_i32 = arith.constant 0 : i32
    %c0_i32_0 = arith.constant 0 : i32
    %c0_i32_1 = arith.constant 0 : i32
    return %c0_i32, %arg0, %c0_i32_0 : i32, i32, i32
  }
}

module attributes {stable_mosaic.version = 14 : i64} {
  func.func @_fin_body(%arg0: i32, %arg1: memref<2x256x128xf32, #tpu.memory_space<vmem>>, %arg2: memref<2x256x1xf32, #tpu.memory_space<vmem>>, %arg3: memref<256x256xf32, #tpu.memory_space<vmem>>) attributes {dimension_semantics = [#tpu.dimension_semantics<arbitrary>], iteration_bounds = array<i64: 40>, scalar_prefetch = 0 : i64, scratch_operands = 0 : i64, tpu.core_type = #tpu.core_type<tc>, window_params = [{transform_indices = @transform_0, window_bounds = array<i64: 2, 256, 128>}, {transform_indices = @transform_1, window_bounds = array<i64: 2, 256, 1>}, {transform_indices = @transform_2, window_bounds = array<i64: 256, 256>}]} {
    %get3A = arith.constant 0 : index
    %get3A_0 = arith.constant 0 : index
    %get3A_1 = arith.constant 0 : index
    %get3A_2 = vector.load %arg2[%get3A, %get3A_0, %get3A_1] : memref<2x256x1xf32, #tpu.memory_space<vmem>>, vector<1x256x1xf32>
    %get3A_3 = vector.shape_cast %get3A_2 : vector<1x256x1xf32> to vector<256x1xf32>
    %get3A_4 = arith.constant 1 : index
    %get3A_5 = arith.constant 0 : index
    %get3A_6 = arith.constant 0 : index
    %get3A_7 = vector.load %arg2[%get3A_4, %get3A_5, %get3A_6] : memref<2x256x1xf32, #tpu.memory_space<vmem>>, vector<1x256x1xf32>
    %get3A_8 = vector.shape_cast %get3A_7 : vector<1x256x1xf32> to vector<256x1xf32>
    %add3A = arith.addf %get3A_3, %get3A_8 : vector<256x1xf32>
    %gt3A = arith.constant 0.000000e+00 : f32
    %gt3A_9 = vector.broadcast %gt3A : f32 to vector<256x1xf32>
    %gt3A_10 = arith.cmpf ogt, %add3A, %gt3A_9 : vector<256x1xf32>
    %max3A = arith.constant 1.000000e+00 : f32
    %max3A_11 = vector.broadcast %max3A : f32 to vector<256x1xf32>
    %max3A_12 = arith.maximumf %add3A, %max3A_11 : vector<256x1xf32>
    %rsqrt3A = math.rsqrt %max3A_12 : vector<256x1xf32>
    %jit3A = arith.constant 0.000000e+00 : f32
    %broadcast_in_dim3A = vector.broadcast %jit3A : f32 to vector<256x1xf32>
    %select_n3A = arith.select %gt3A_10, %rsqrt3A, %broadcast_in_dim3A : vector<256x1xi1>, vector<256x1xf32>
    %get3A_13 = arith.constant 0 : index
    %get3A_14 = arith.constant 0 : index
    %get3A_15 = arith.constant 0 : index
    %get3A_16 = vector.load %arg1[%get3A_13, %get3A_14, %get3A_15] : memref<2x256x128xf32, #tpu.memory_space<vmem>>, vector<1x256x128xf32>
    %get3A_17 = vector.shape_cast %get3A_16 : vector<1x256x128xf32> to vector<256x128xf32>
    %get3A_18 = arith.constant 1 : index
    %get3A_19 = arith.constant 0 : index
    %get3A_20 = arith.constant 0 : index
    %get3A_21 = vector.load %arg1[%get3A_18, %get3A_19, %get3A_20] : memref<2x256x128xf32, #tpu.memory_space<vmem>>, vector<1x256x128xf32>
    %get3A_22 = vector.shape_cast %get3A_21 : vector<1x256x128xf32> to vector<256x128xf32>
    %concatenate3A = tpu.concatenate %get3A_17, %get3A_22 in 1 : vector<256x128xf32>, vector<256x128xf32> -> vector<256x256xf32>
    %mul3A = vector.broadcast %select_n3A : vector<256x1xf32> to vector<256x256xf32>
    %mul3A_23 = arith.mulf %concatenate3A, %mul3A : vector<256x256xf32>
    %swap3A = arith.constant 0 : index
    %swap3A_24 = arith.constant 0 : index
    %swap3A_25 = vector.load %arg3[%swap3A, %swap3A_24] : memref<256x256xf32, #tpu.memory_space<vmem>>, vector<256x256xf32>
    tpu.vector_store %arg3[%swap3A, %swap3A_24], %mul3A_23 {strides = array<i32>} : memref<256x256xf32, #tpu.memory_space<vmem>>, vector<256x256xf32>,
    return
  }
  func.func @transform_0(%arg0: i32) -> (i32, i32, i32) {
    %c0_i32 = arith.constant 0 : i32
    %c0_i32_0 = arith.constant 0 : i32
    %c0_i32_1 = arith.constant 0 : i32
    return %c0_i32, %arg0, %c0_i32_0 : i32, i32, i32
  }
  func.func @transform_1(%arg0: i32) -> (i32, i32, i32) {
    %c0_i32 = arith.constant 0 : i32
    %c0_i32_0 = arith.constant 0 : i32
    %c0_i32_1 = arith.constant 0 : i32
    return %c0_i32, %arg0, %c0_i32_0 : i32, i32, i32
  }
  func.func @transform_2(%arg0: i32) -> (i32, i32) {
    %c0_i32 = arith.constant 0 : i32
    %c0_i32_0 = arith.constant 0 : i32
    return %arg0, %c0_i32 : i32, i32
  }
}

module attributes {stable_mosaic.version = 14 : i64} {
  func.func @_mm3_body(%arg0: i32, %arg1: memref<256x256xf32, #tpu.memory_space<vmem>>, %arg2: memref<2x256x128xf32, #tpu.memory_space<vmem>>, %arg3: memref<2x256x1xf32, #tpu.memory_space<vmem>>, %arg4: memref<256x256xf32, #tpu.memory_space<vmem>>, %arg5: memref<2x256x128xf32, #tpu.memory_space<vmem>>) attributes {dimension_semantics = [#tpu.dimension_semantics<arbitrary>], iteration_bounds = array<i64: 40>, scalar_prefetch = 0 : i64, scratch_operands = 0 : i64, tpu.core_type = #tpu.core_type<tc>, window_params = [{transform_indices = @transform_0, window_bounds = array<i64: 256, 256>}, {transform_indices = @transform_1, window_bounds = array<i64: 2, 256, 128>}, {transform_indices = @transform_2, window_bounds = array<i64: 2, 256, 1>}, {pipeline_mode = #tpu.pipeline_mode<synchronous>, transform_indices = @transform_3, window_bounds = array<i64: 256, 256>}, {transform_indices = @transform_4, window_bounds = array<i64: 2, 256, 128>}]} {
    %get3A = arith.constant 0 : index
    %get3A_0 = arith.constant 0 : index
    %get3A_1 = arith.constant 0 : index
    %get3A_2 = vector.load %arg3[%get3A, %get3A_0, %get3A_1] : memref<2x256x1xf32, #tpu.memory_space<vmem>>, vector<1x256x1xf32>
    %get3A_3 = vector.shape_cast %get3A_2 : vector<1x256x1xf32> to vector<256x1xf32>
    %get3A_4 = arith.constant 1 : index
    %get3A_5 = arith.constant 0 : index
    %get3A_6 = arith.constant 0 : index
    %get3A_7 = vector.load %arg3[%get3A_4, %get3A_5, %get3A_6] : memref<2x256x1xf32, #tpu.memory_space<vmem>>, vector<1x256x1xf32>
    %get3A_8 = vector.shape_cast %get3A_7 : vector<1x256x1xf32> to vector<256x1xf32>
    %add3A = arith.addf %get3A_3, %get3A_8 : vector<256x1xf32>
    %gt3A = arith.constant 0.000000e+00 : f32
    %gt3A_9 = vector.broadcast %gt3A : f32 to vector<256x1xf32>
    %gt3A_10 = arith.cmpf ogt, %add3A, %gt3A_9 : vector<256x1xf32>
    %max3A = arith.constant 1.000000e+00 : f32
    %max3A_11 = vector.broadcast %max3A : f32 to vector<256x1xf32>
    %max3A_12 = arith.maximumf %add3A, %max3A_11 : vector<256x1xf32>
    %rsqrt3A = math.rsqrt %max3A_12 : vector<256x1xf32>
    %jit3A = arith.constant 0.000000e+00 : f32
    %broadcast_in_dim3A = vector.broadcast %jit3A : f32 to vector<256x1xf32>
    %select_n3A = arith.select %gt3A_10, %rsqrt3A, %broadcast_in_dim3A : vector<256x1xi1>, vector<256x1xf32>
    %get3A_13 = arith.constant 0 : index
    %get3A_14 = arith.constant 0 : index
    %get3A_15 = arith.constant 0 : index
    %get3A_16 = vector.load %arg2[%get3A_13, %get3A_14, %get3A_15] : memref<2x256x128xf32, #tpu.memory_space<vmem>>, vector<1x256x128xf32>
    %get3A_17 = vector.shape_cast %get3A_16 : vector<1x256x128xf32> to vector<256x128xf32>
    %get3A_18 = arith.constant 1 : index
    %get3A_19 = arith.constant 0 : index
    %get3A_20 = arith.constant 0 : index
    %get3A_21 = vector.load %arg2[%get3A_18, %get3A_19, %get3A_20] : memref<2x256x128xf32, #tpu.memory_space<vmem>>, vector<1x256x128xf32>
    %get3A_22 = vector.shape_cast %get3A_21 : vector<1x256x128xf32> to vector<256x128xf32>
    %concatenate3A = tpu.concatenate %get3A_17, %get3A_22 in 1 : vector<256x128xf32>, vector<256x128xf32> -> vector<256x256xf32>
    %get3A_23 = arith.constant 0 : index
    %get3A_24 = arith.constant 0 : index
    %get3A_25 = vector.load %arg1[%get3A_23, %get3A_24] : memref<256x256xf32, #tpu.memory_space<vmem>>, vector<256x256xf32>
    %mul3A = vector.broadcast %select_n3A : vector<256x1xf32> to vector<256x256xf32>
    %mul3A_26 = arith.mulf %concatenate3A, %mul3A : vector<256x256xf32>
    %max3A_27 = arith.constant 0.000000e+00 : f32
    %max3A_28 = vector.broadcast %max3A_27 : f32 to vector<256x256xf32>
    %max3A_29 = arith.maximumf %mul3A_26, %max3A_28 : vector<256x256xf32>
    %add3A_30 = arith.addf %get3A_25, %max3A_29 : vector<256x256xf32>
    %get3A_31 = arith.constant 0 : index
    %get3A_32 = arith.constant 0 : index
    %get3A_33 = vector.load %arg4[%get3A_31, %get3A_32] : memref<256x256xf32, #tpu.memory_space<vmem>>, vector<256x256xf32>
    %dot_general3A = arith.constant dense<0.000000e+00> : vector<256x256xf32>
    %dot_general3A_34 = tpu.matmul %add3A_30, %get3A_33, %dot_general3A {dimension_numbers = #tpu.dot_dimension_numbers<[1], [0], [0], [1], [0, 0, 1, 1], [], []>, transpose_lhs_hint = false} : vector<256x256xf32>, vector<256x256xf32>, vector<256x256xf32> -> vector<256x256xf32>
    %mul3A_35 = vector.broadcast %select_n3A : vector<256x1xf32> to vector<256x256xf32>
    %mul3A_36 = arith.mulf %dot_general3A_34, %mul3A_35 : vector<256x256xf32>
    %slice3A = vector.extract_strided_slice %mul3A_36 {offsets = [0, 0], sizes = [256, 128], strides = [1, 1]} : vector<256x256xf32> to vector<256x128xf32>
    %swap3A = arith.constant 0 : index
    %swap3A_37 = arith.constant 0 : index
    %swap3A_38 = arith.constant 0 : index
    %swap3A_39 = vector.load %arg5[%swap3A, %swap3A_37, %swap3A_38] : memref<2x256x128xf32, #tpu.memory_space<vmem>>, vector<1x256x128xf32>
    %swap3A_40 = vector.shape_cast %swap3A_39 : vector<1x256x128xf32> to vector<256x128xf32>
    %swap3A_41 = vector.shape_cast %slice3A : vector<256x128xf32> to vector<1x256x128xf32>
    tpu.vector_store %arg5[%swap3A, %swap3A_37, %swap3A_38], %swap3A_41 {strides = array<i32>} : memref<2x256x128xf32, #tpu.memory_space<vmem>>, vector<1x256x128xf32>,
    %slice3A_42 = vector.extract_strided_slice %mul3A_36 {offsets = [0, 128], sizes = [256, 128], strides = [1, 1]} : vector<256x256xf32> to vector<256x128xf32>
    %swap3A_43 = arith.constant 1 : index
    %swap3A_44 = arith.constant 0 : index
    %swap3A_45 = arith.constant 0 : index
    %swap3A_46 = vector.load %arg5[%swap3A_43, %swap3A_44, %swap3A_45] : memref<2x256x128xf32, #tpu.memory_space<vmem>>, vector<1x256x128xf32>
    %swap3A_47 = vector.shape_cast %swap3A_46 : vector<1x256x128xf32> to vector<256x128xf32>
    %swap3A_48 = vector.shape_cast %slice3A_42 : vector<256x128xf32> to vector<1x256x128xf32>
    tpu.vector_store %arg5[%swap3A_43, %swap3A_44, %swap3A_45], %swap3A_48 {strides = array<i32>} : memref<2x256x128xf32, #tpu.memory_space<vmem>>, vector<1x256x128xf32>,
    return
  }
  func.func @transform_0(%arg0: i32) -> (i32, i32) {
    %c0_i32 = arith.constant 0 : i32
    %c0_i32_0 = arith.constant 0 : i32
    return %arg0, %c0_i32 : i32, i32
  }
  func.func @transform_1(%arg0: i32) -> (i32, i32, i32) {
    %c0_i32 = arith.constant 0 : i32
    %c0_i32_0 = arith.constant 0 : i32
    %c0_i32_1 = arith.constant 0 : i32
    return %c0_i32, %arg0, %c0_i32_0 : i32, i32, i32
  }
  func.func @transform_2(%arg0: i32) -> (i32, i32, i32) {
    %c0_i32 = arith.constant 0 : i32
    %c0_i32_0 = arith.constant 0 : i32
    %c0_i32_1 = arith.constant 0 : i32
    return %c0_i32, %arg0, %c0_i32_0 : i32, i32, i32
  }
  func.func @transform_3(%arg0: i32) -> (i32, i32) {
    %c0_i32 = arith.constant 0 : i32
    %c0_i32_0 = arith.constant 0 : i32
    %c0_i32_1 = arith.constant 0 : i32
    return %c0_i32, %c0_i32_0 : i32, i32
  }
  func.func @transform_4(%arg0: i32) -> (i32, i32, i32) {
    %c0_i32 = arith.constant 0 : i32
    %c0_i32_0 = arith.constant 0 : i32
    %c0_i32_1 = arith.constant 0 : i32
    return %c0_i32, %arg0, %c0_i32_0 : i32, i32, i32
  }
}

</mosaic_0001>

<sc_bundles>
// kernel: kernel.10.cloned.1.call-start
scs
__scs_entry_jumppad:
0x0: {  	(pc) =	sbr.rel $0x88, $3  }
0x1: {  	(tag) =	ssettag $0x0;
	lr =	simm.s32 $0x1  }
0x2: {  	[smem:$0x3F9C] =	sst lr;
	_ =	strace $0xD0000000  }
0x3: {  	_ = 	snop  }
0x4: {  	_ = 	snop  }
0x5: {  	_ = 	snop  }
0x6: {  	_ = 	snop  }
0x7: {  	_ = 	snop  }
__scs_overlays_trampoline_lowered:
0x8: {  	[smem:$0x3FAB] =	sst s0  }
0x9: {  	[smem:$0x3FAC] =	sst s1  }
0xa: {  	[smem:$0x3FAD] =	sst s2  }
0xb: {  	[smem:$0x3FAE] =	sst s3  }
0xc: {  	[smem:$0x3FAF] =	sst s4  }
0xd: {  	[smem:$0x3FB0] =	sst s5  }
0xe: {  	[smem:$0x3FB1] =	sst s6  }
0xf: {  	[smem:$0x3FB2] =	sst s7  }
0x10: {  	[smem:$0x3FB3] =	sst s8  }
0x11: {  	[smem:$0x3FB4] =	sst s9;
	s0 =	simm.s32 @!p0 $0x0  }
0x12: {  	s1 =	sld [smem:$0x3F9A];
	s0 =	simm.s32 @p0 $0x1  }
0x13: {  	[smem:$0x3FB5] =	sst s0;
	s0 =	simm.s32 @!p1 $0x0  }
0x14: {  	s2 =	sld [smem:$0x3F99];
	s0 =	simm.s32 @p1 $0x1  }
0x15: {  	[smem:$0x3FB6] =	sst s0;
	s0 =	simm.s32 @!p2 $0x0  }
0x16: {  	s3 =	sld [smem:$0x3FDB];
	s0 =	simm.s32 @p2 $0x1  }
0x17: {  	s4 =	simm.s32 $0x1BF5;
	[smem:$0x3FB8] =	sst s0  }
0x18: {  	s0 =	sld [smem:$0x3F9B];
	_ =	swait.ge [sflag:s4], $0x0  }
0x19: {  	s7 =	sld [smem:$0x3F9C]  }
0x1a: {  	s8 =	sadd.s32 $0xFFFFE003, lr  }
0x1b: {  	s9 =	sadd.s32 $0xFFFFFEF7, lr;
	s5 =	simm.s32 $0xFFFFFFFF;
	p2 =	slt.u32 s8, $0xFFFFF086  }
0x1c: {  	p1 =	slt.u32 s9, $0xF7A;
	s5 =	simm.s32 @!p2 $0x0  }
0x1d: {  	s5 =	simm.s32 @p1 $0x1;
	p0 =	seq.s32 s7, s2  }
0x1e: {  	s7 =	smul.u32 @!p0 $0xF7A, s2;
	p2 =	seq.s32 @!p0 s5, $0x0  }
0x1f: {  	s9 =	smul.u32 $0xF7A, s1;
	s8 =	simm.s32 @!p0 $0x1BF5;
	p2 =	por !p2, p0  }
0x20: {  	[sflag:s8] =	ssyncset.s32 @!p0 $0xFFFFF086;
	s6 =	sadd.s32 @!p0 s3, s7;
	s7 =	simm.s32 @!p0 $0x108  }
0x21: {  	s3 =	sadd.s32 s3, s9;
	s6 =	sadd.s32 @!p0 $0x88, s6;
	s7 =	simm.s32 @p2 $0x1082  }
0x22: {  	[simem:s7], [sflag:s8] =	dma.local @!p0 [hbm:s6], $0xF7A  }
0x23: {  	s9 =	sor.u32 $0xD0000000, s2;
	s6 =	simm.s32 $0x108;
	_ =	swait.ge @!p0 [sflag:s8], $0x0  }
0x24: {  	s3 =	sadd.s32 $0x88, s3;
	s6 =	simm.s32 @!p1 $0x1082;
	[sflag:s4] =	ssyncset.s32 $0xFFFFF086  }
0x25: {  	[simem:s6], [sflag:s4] =	dma.local [hbm:s3], $0xF7A  }
0x26: {  	[smem:$0x3F9C] =	sst s1;
	(tag) =	ssettag s2;
	_ =	strace s9  }
0x27: {  	s1 =	sld [smem:$0x3FAC]  }
0x28: {  	s2 =	sld [smem:$0x3FAD]  }
0x29: {  	s4 =	sld [smem:$0x3FAF]  }
0x2a: {  	p0 =	seq.s32 s5, $0x0;
	s5 =	sld [smem:$0x3FB0]  }
0x2b: {  	s6 =	sld [smem:$0x3FB1]  }
0x2c: {  	s7 =	sld [smem:$0x3FB2]  }
0x2d: {  	s3 =	simm.s32 $0x108;
	s8 =	sld [smem:$0x3FB3]  }
0x2e: {  	s3 =	simm.s32 @!p0 $0x1082;
	s9 =	sld [smem:$0x3FB4]  }
0x2f: {  	lr =	sadd.s32 s0, s3;
	s0 =	sld [smem:$0x3FAB]  }
0x30: {  	s3 =	sld [smem:$0x3FAE]  }
0x31: {  	[smem:$0x3FB7] =	sst s10  }
0x32: {  	s10 =	sld [smem:$0x3FB5];
	_ =	sdelay $0x3  }
0x33: {  	p0 =	seq.s32 s10, $0x1;
	s10 =	sld [smem:$0x3FB7];
	_ =	sdelay $0x3  }
0x34: {  	[smem:$0x3FB7] =	sst s10  }
0x35: {  	s10 =	sld [smem:$0x3FB6];
	_ =	sdelay $0x3  }
0x36: {  	p1 =	seq.s32 s10, $0x1;
	s10 =	sld [smem:$0x3FB7];
	_ =	sdelay $0x3  }
0x37: {  	[smem:$0x3FB7] =	sst s10  }
0x38: {  	s10 =	sld [smem:$0x3FB8]  }
0x39: {  	_ = 	snop;
	(pc) =	sbr.ind lr, $3  }
0x3a: {  	_ = 	snop  }
0x3b: {  	_ = 	snop  }
0x3c: {  	p2 =	seq.s32 s10, $0x1;
	s10 =	sld [smem:$0x3FB7]  }
0x3d: {  	_ =	shalt  }
0x3e: {  	_ =	shalt  }
0x3f: {  	_ =	shalt  }
0x40: {  	_ =	shalt  }
0x41: {  	_ =	shalt  }
0x42: {  	_ =	shalt  }
0x43: {  	_ =	shalt  }
0x44: {  	_ =	shalt  }
0x45: {  	_ =	shalt  }
0x46: {  	_ =	shalt  }
0x47: {  	_ =	shalt  }
0x48: {  	_ =	shalt  }
0x49: {  	_ =	shalt  }
0x4a: {  	_ =	shalt  }
0x4b: {  	_ =	shalt  }
0x4c: {  	_ =	shalt  }
0x4d: {  	_ =	shalt  }
0x4e: {  	_ =	shalt  }
0x4f: {  	_ =	shalt  }
0x50: {  	_ =	shalt  }
0x51: {  	_ =	shalt  }
0x52: {  	_ =	shalt  }
0x53: {  	_ =	shalt  }
0x54: {  	_ =	shalt  }
0x55: {  	_ =	shalt  }
0x56: {  	_ =	shalt  }
0x57: {  	_ =	shalt  }
0x58: {  	_ =	shalt  }
0x59: {  	_ =	shalt  }
0x5a: {  	_ =	shalt  }
0x5b: {  	_ =	shalt  }
0x5c: {  	_ =	shalt  }
0x5d: {  	_ =	shalt  }
0x5e: {  	_ =	shalt  }
0x5f: {  	_ =	shalt  }
0x60: {  	_ =	shalt  }
0x61: {  	_ =	shalt  }
0x62: {  	_ =	shalt  }
0x63: {  	_ =	shalt  }
0x64: {  	_ =	shalt  }
0x65: {  	_ =	shalt  }
0x66: {  	_ =	shalt  }
0x67: {  	_ =	shalt  }
0x68: {  	_ =	shalt  }
0x69: {  	_ =	shalt  }
0x6a: {  	_ =	shalt  }
0x6b: {  	_ =	shalt  }
0x6c: {  	_ =	shalt  }
0x6d: {  	_ =	shalt  }
0x6e: {  	_ =	shalt  }
0x6f: {  	_ =	shalt  }
0x70: {  	_ =	shalt  }
0x71: {  	_ =	shalt  }
0x72: {  	_ =	shalt  }
0x73: {  	_ =	shalt  }
0x74: {  	_ =	shalt  }
0x75: {  	_ =	shalt  }
0x76: {  	_ =	shalt  }
0x77: {  	_ =	shalt  }
0x78: {  	_ =	shalt  }
0x79: {  	_ =	shalt  }
0x7a: {  	_ =	shalt  }
0x7b: {  	_ =	shalt  }
0x7c: {  	_ =	shalt  }
0x7d: {  	_ =	shalt  }
0x7e: {  	_ =	shalt  }
0x7f: {  	_ =	shalt  }
0x80: {  	_ =	shalt  }
0x81: {  	_ =	shalt  }
0x82: {  	_ =	shalt  }
0x83: {  	_ =	shalt  }
0x84: {  	_ =	shalt  }
0x85: {  	_ =	shalt  }
0x86: {  	_ =	shalt  }
0x87: {  	_ =	shalt  }
.Lfunc_end0:
.L_simem_size_0:
called_computation_lowered:
.L_overlay_start_0:
0x88: {  	s2 =	sld [smem:$0x3FD9]  }
0x89: {  	s3 =	sld [smem:$0x3FFE];
	_ =	sdelay $0x1  }
0x8a: {  	s1 =	srdreg.scid  }
0x8b: {  	s0 =	sand.u32 $0x1, s1  }
0x8c: {  	s16 =	sshll.u32 s0, $0xA;
	s2 =	sadd.s32 s3, s2  }
0x8d: {  	s2 =	sadd.s32 s2, s16  }
0x8e: {  	[smem:$0x3FC3] =	sst s2  }
0x8f: {  	_ = 	snop  }
0x90: {  	(tm) =	ssettm $0x1  }
0x91: {  	s17 =	sld [smem:$0x3FFB];
	_ =	sdelay $0x3  }
0x92: {  	_ =	strace s17  }
0x93: {  	s2 =	sld [smem:$0x3FFC];
	_ =	sdelay $0x3  }
0x94: {  	_ =	strace s2  }
0x95: {  	s2 =	sld [smem:$0x3FFD];
	_ =	sdelay $0x3  }
0x96: {  	_ =	strace s2  }
0x97: {  	_ =	strace $0x8FFFFFFF  }
0x98: {  	s18 =	sld [smem:$0x3FDB];
	_ =	sdelay $0x1  }
0x99: {  	s19 =	simm.s32 $_scs_section_size  }
0x9a: {  	s4 =	simm.s32 $_size__tile_overlayer_lowered;
	s5 =	simm.s32 $_tile_overlayer_lowered  }
0x9b: {  	s22 =	simm.s32 $0x1BFF;
	s21 =	sshll.u32 s5, $0x1;
	s2 =	sadd.s32 s19, s18  }
0x9c: {  	s6 =	simm.s32 $0x0;
	s20 =	sshll.u32 s4, $0x1;
	s4 =	sadd.s32 s21, s2  }
0x9d: {  	[timem:s6], [sflag:s22] =	dma.local [hbm:s4], s20  }
0x9e: {  	_ =	swait.ge [sflag:s22], s20  }
0x9f: {  	s3 =	ssub.s32 $0x0, s20;
	[sflag:s22] =	ssyncset.done $0x0  }
0xa0: {  	[sflag:s22] =	ssyncadd.s32 s3;
	_ =	sdelay $0x1  }
0xa1: {  	s23 =	simm.s32 $0x1B8B  }
0xa2: {  	_ =	swait.ge [sflag:s23], $0x1  }
0xa3: {  	[sflag:s23] =	ssyncset.done $0x0  }
0xa4: {  	s25 =	simm.s32 $0x1B8E;
	s24 =	sld [smem:$0x3FFE];
	[sflag:s23] =	ssyncadd.s32 $0xFFFFFFFF  }
0xa5: {  	s26 =	simm.s32 $execute0_lowered;
	[smem:$0x3FD2] =	sst s25  }
0xa6: {  	s4 =	sshll.u32 s26, $0x1;
	_ =	strace $0x80000046;
	[dreg:$0x1] =	wrdreg $0xFFFFFFFF  }
0xa7: {  	s28 =	simm.s32 $_size_execute0_lowered;
	s2 =	sadd.s32 s2, s4;
	[dreg:$0x0] =	wrdreg $0x0  }
0xa8: {  	s4 =	sshll.u32 s28, $0x1;
	[dreg:$0x2] =	wrdreg s2  }
0xa9: {  	[dreg:$0x3] =	wrdreg s4  }
0xaa: {  	[dreg:$0x4] =	wrdreg $0xC0  }
0xab: {  	_ =	task [dreg:s6], $0x5FFFF  }
0xac: {  	[dreg:$0x1] =	wrdreg $0xFFFFFFFF  }
0xad: {  	[dreg:$0x0] =	wrdreg $0x60  }
0xae: {  	[dreg:$0x2] =	wrdreg s24  }
0xaf: {  	[dreg:$0x3] =	wrdreg $0x0  }
0xb0: {  	[dreg:$0x4] =	wrdreg $0x9  }
0xb1: {  	_ =	task.clear_ibuf [dreg:s6], $0x5FFFF;
	_ =	strace $0x90000046  }
0xb2: {  	s29 =	simm.s32 $0x9;
	_ =	strace $0x80000048  }
0xb3: {  	_ =	swait.ge [sflag:s29], $0x1  }
0xb4: {  	[sflag:s29] =	ssyncadd.s32 $0xFFFFFFFF  }
0xb5: {  	_ =	strace $0x90000048  }
0xb6: {  	_ =	sfence  }
0xb7: {  	s30 =	sld [smem:$0x0];
	_ =	sdelay $0x2  }
0xb8: {  	s31 =	sshll.u32 s1, $0xD;
	s1 =	sshrl.u32 s1, $0x2  }
0xb9: {  	s3 =	sand.u32 $0x4000, s31;
	s1 =	sadd.s32 s1, s30  }
0xba: {  	s0 =	sor.u32 s3, s0;
	s1 =	sshll.u32 s1, $0x11  }
0xbb: {  	s0 =	sor.u32 s1, s0  }
0xbc: {  	s0 =	sadd.s32 $0x8F2B, s0  }
0xbd: {  	[sflag:s0] =	ssyncadd.remote.s32 $0x1  }
0xbe: {  	_ =	sfence.sel $0xFFFF  }
0xbf: {  	[dreg:$0x0] =	wrdreg $0xFFFFFFFF;
	(pc) =	sbr.abs _section_cstart, $3  }
0xc0: {  	[dreg:$0x1] =	wrdreg $0xFFFFFFFF  }
0xc1: {  	_ =	task.clear_ibuf [dreg:s6], $0x2FFFF;
	_ =	strace $0x9FFFFFFF  }
0xc2: {  	(tm) =	ssettm $0x7FFFFFFF  }
0xc3: {  	_ =	shalt  }
tec
execute0_lowered:
.L_overlay_start_1:
0x0: {  	(tag) =	ssettag $0x1  }
0x1: {  	s0 =	rddreg [dreg:$0x0]  }
0x2: {  	s2 =	rddreg [dreg:$0x1];
	s7 =	simm.s32 $0x0;
	s1 =	srdreg.scid  }
0x3: {  	s9 =	stileid.u32;
	s20 =	simm.s32 $0x18000;
	s29 =	simm.s32 $0x1  }
0x4: {  	s22 =	simm.s32 $0x18080;
	s23 =	simm.s32 $0x18100;
	s24 =	simm.s32 $0x18180  }
0x5: {  	s25 =	simm.s32 $0x18200;
	s26 =	simm.s32 $0x18280;
	s28 =	simm.s32 $0x18300  }
0x6: {  	s21 =	simm.s32 $0x2;
	p0 =	por $0x0, $0x0;
	[smem:$0x7FF] =	sst s7  }
0x7: {  	s1 =	sand.u32 $0x1, s1;
	s4 =	sadd.s32 $0x8600, s0;
	s5 =	smul.u32 $0x14000, s9  }
0x8: {  	s8 =	sadd.s32 $0x2600, s0;
	s11 =	sadd.s32 $0x8E00, s0;
	s14 =	smul.u32 $0x50000, s9  }
0x9: {  	s17 =	sshll.u32 s9, $0x6;
	_ =	strace $0x80000047;
	s3 =	smul.u32 $0x140000, s1  }
0xa: {  	s6 =	sshll.u32 s1, $0x4;
	[dreg:$0x3] =	wrdreg s4;
	s1 =	ssub.s32 $0x2, s1  }
0xb: {  	[dreg:$0x4] =	wrdreg s11;
	s11 =	simm.s32 $0x18400;
	s10 =	sor.u32 s9, s6  }
0xc: {  	s13 =	sshrl.u32 s1, $0x1;
	s9 =	simm.s32 $0x4;
	s12 =	smul.u32 $0x300, s10  }
0xd: {  	s3 =	sadd.s32 s5, s3;
	s4 =	smul.u32 $0x1800, s10;
	s1 =	ssub.s32 s1, s13  }
0xe: {  	s5 =	sshrl.u32 s14, $0x2;
	s10 =	simm.s32 $0x80;
	s13 =	simm.s32 $0x3  }
0xf: {  	s14 =	simm.s32 $0x18500;
	s3 =	sshrl.u32 s3, $0x3;
	s5 =	sadd.s32 s5, s2  }
0x10: {  	s18 =	smax.u32 s1, $0x1;
	s1 =	rddreg [dreg:$0x4];
	s0 =	sadd.s32 s3, s0  }
0x11: {  	s31 =	sadd.s32 s8, s12;
	s4 =	sshrl.u32 s4, $0x3;
	s3 =	sor.u32 $0x1C05, s17  }
0x12: {  	s6 =	sshrl.u32 s5, $0x3;
	s5 =	simm.s32 $0x5;
	s12 =	simm.s32 $0x18480  }
0x13: {  	p1 =	sne.s32 s18, $0x1;
	s17 =	simm.s32 $0x18680;
	s15 =	sadd.s32 $0x80, s31  }
.Ltmp0:
0x14: {  	s4 =	sadd.s32 s8, s4;
	[dreg:$0x5] =	wrdreg s15;
	(pc) =	sbr.rel @!p1 .LBB2_3-.Ltmp0, $4  }
0x15: {  	s16 =	sadd.s32 $0x100, s4;
	s8 =	sadd.s32 $0x180, s4;
	s30 =	sadd.s32 $0x200, s4  }
0x16: {  	s19 =	sadd.s32 $0x280, s4;
	s4 =	sadd.s32 $0xB600, s0;
	s0 =	sadd.s32 $0xFFFFFFFF, s18  }
0x17: {  	s15 =	simm.s32 $0x18580;
	s18 =	simm.s32 $0x18700;
	[dreg:$0x6] =	wrdreg s16  }
0x18: {  	[dreg:$0x7] =	wrdreg s8;
	s8 =	simm.s32 $0x14000;
	s16 =	simm.s32 $0x18600  }
0x19: {  	[tilespmem:s20], [sflag:$0x1] =	stream.linear.gather [hbm4b:s31+s7], $0x400, $0x38;
	[tilespmem:$0x18800] =	vst v63  }
0x1a: {  	[spmem:s6], [sflag:s3] =	dma.local [hbm:s1], $0x2800  }
0x1b: {  	_ =	swait.ge [sflag:s5], $0x2800  }
0x1c: {  	[sflag:s5] =	ssyncset.done $0x0  }
0x1d: {  	s1 =	rddreg [dreg:$0x3];
	[sflag:s5] =	ssyncadd.s32 $0xFFFFD800  }
0x1e: {  	[tilespmem:s8], [sflag:$0x5] =	stream.linear.gather [hbm4b:s1+s7], $0x4000, $0x38;
	[tilespmem:$0x18800] =	vst v63  }
0x1f: {  	_ =	swait.ge [sflag:s5], $0x4000  }
0x20: {  	[sflag:s5] =	ssyncset.done $0x0  }
0x21: {  	[sflag:s5] =	ssyncadd.s32 $0xFFFFC000  }
0x22: {  	[bflag:$0x0] =	sbarrier.arrive $0xFFFF  }
0x23: {  	_ =	swait.ge [sflag:s29], $0x400  }
0x24: {  	[sflag:s29] =	ssyncset.done $0x0  }
0x25: {  	s1 =	rddreg [dreg:$0x5];
	[sflag:s29] =	ssyncadd.s32 $0xFFFFFC00  }
0x26: {  	[tilespmem:s11], [sflag:$0x2] =	stream.linear.gather [hbm4b:s1+s7], $0x400, $0x38;
	[tilespmem:$0x18800] =	vst v63  }
0x27: {  	_ = 	snop  }
0x28: {  	[spmem:s2] =	stream.indirect.scatter.add.f32 [tilespmem:s8], [sflag:$0x3], $0x80, s20, s10, $0xb8;
	[tilespmem:$0x18800] =	vst v63  }
0x29: {  	_ = 	snop  }
0x2a: {  	[spmem:s2] =	stream.indirect.scatter.add.f32 [tilespmem:s8], [sflag:$0x3], $0x80, s22, s10, $0xb8;
	[tilespmem:$0x18800] =	vst v63  }
0x2b: {  	_ = 	snop  }
0x2c: {  	[spmem:s2] =	stream.indirect.scatter.add.f32 [tilespmem:s8], [sflag:$0x3], $0x80, s23, s10, $0xb8;
	[tilespmem:$0x18800] =	vst v63  }
0x2d: {  	_ = 	snop  }
0x2e: {  	[spmem:s2] =	stream.indirect.scatter.add.f32 [tilespmem:s8], [sflag:$0x3], $0x80, s24, s10, $0xb8;
	[tilespmem:$0x18800] =	vst v63  }
0x2f: {  	_ = 	snop  }
0x30: {  	[spmem:s2] =	stream.indirect.scatter.add.f32 [tilespmem:s8], [sflag:$0x3], $0x80, s25, s10, $0xb8;
	[tilespmem:$0x18800] =	vst v63  }
0x31: {  	_ = 	snop  }
0x32: {  	[spmem:s2] =	stream.indirect.scatter.add.f32 [tilespmem:s8], [sflag:$0x3], $0x80, s26, s10, $0xb8;
	[tilespmem:$0x18800] =	vst v63  }
0x33: {  	_ = 	snop  }
0x34: {  	[spmem:s2] =	stream.indirect.scatter.add.f32 [tilespmem:s8], [sflag:$0x3], $0x80, s28, s10, $0xb8;
	[tilespmem:$0x18800] =	vst v63  }
0x35: {  	_ =	swait.ge [sflag:s21], $0x400  }
0x36: {  	[sflag:s21] =	ssyncset.done $0x0  }
0x37: {  	[sflag:s21] =	ssyncadd.s32 $0xFFFFFC00  }
0x38: {  	_ =	swait.ge [sflag:s13], $0x4000  }
0x39: {  	[sflag:s13] =	ssyncset.done $0x0  }
0x3a: {  	[sflag:s13] =	ssyncadd.s32 $0xFFFFC000  }
0x3b: {  	_ =	swait.ge [sflag:s13], $0x4000  }
0x3c: {  	[sflag:s13] =	ssyncset.done $0x0  }
0x3d: {  	[sflag:s13] =	ssyncadd.s32 $0xFFFFC000  }
0x3e: {  	_ =	swait.ge [sflag:s13], $0x4000  }
0x3f: {  	[sflag:s13] =	ssyncset.done $0x0  }
0x40: {  	[sflag:s13] =	ssyncadd.s32 $0xFFFFC000  }
0x41: {  	_ =	swait.ge [sflag:s13], $0x4000  }
0x42: {  	[sflag:s13] =	ssyncset.done $0x0  }
0x43: {  	[sflag:s13] =	ssyncadd.s32 $0xFFFFC000  }
0x44: {  	_ =	swait.ge [sflag:s13], $0x4000  }
0x45: {  	[sflag:s13] =	ssyncset.done $0x0  }
0x46: {  	[sflag:s13] =	ssyncadd.s32 $0xFFFFC000  }
0x47: {  	_ =	swait.ge [sflag:s13], $0x4000  }
0x48: {  	[sflag:s13] =	ssyncset.done $0x0  }
0x49: {  	[sflag:s13] =	ssyncadd.s32 $0xFFFFC000  }
0x4a: {  	_ =	swait.ge [sflag:s13], $0x4000  }
0x4b: {  	[sflag:s13] =	ssyncset.done $0x0  }
0x4c: {  	s1 =	rddreg [dreg:$0x6];
	[sflag:s13] =	ssyncadd.s32 $0xFFFFC000  }
0x4d: {  	[tilespmem:s20], [sflag:$0x1] =	stream.linear.gather [hbm4b:s1+s7], $0x400, $0x38;
	[tilespmem:$0x18800] =	vst v63  }
0x4e: {  	_ = 	snop  }
0x4f: {  	[spmem:s2] =	stream.indirect.scatter.add.f32 [tilespmem:s8], [sflag:$0x4], $0x80, s11, s10, $0xb8;
	[tilespmem:$0x18800] =	vst v63  }
0x50: {  	_ = 	snop  }
0x51: {  	[spmem:s2] =	stream.indirect.scatter.add.f32 [tilespmem:s8], [sflag:$0x4], $0x80, s12, s10, $0xb8;
	[tilespmem:$0x18800] =	vst v63  }
0x52: {  	_ = 	snop  }
0x53: {  	[spmem:s2] =	stream.indirect.scatter.add.f32 [tilespmem:s8], [sflag:$0x4], $0x80, s14, s10, $0xb8;
	[tilespmem:$0x18800] =	vst v63  }
0x54: {  	_ = 	snop  }
0x55: {  	[spmem:s2] =	stream.indirect.scatter.add.f32 [tilespmem:s8], [sflag:$0x4], $0x80, s15, s10, $0xb8;
	[tilespmem:$0x18800] =	vst v63  }
0x56: {  	_ = 	snop  }
0x57: {  	[spmem:s2] =	stream.indirect.scatter.add.f32 [tilespmem:s8], [sflag:$0x4], $0x80, s16, s10, $0xb8;
	[tilespmem:$0x18800] =	vst v63  }
0x58: {  	_ = 	snop  }
0x59: {  	[spmem:s2] =	stream.indirect.scatter.add.f32 [tilespmem:s8], [sflag:$0x4], $0x80, s17, s10, $0xb8;
	[tilespmem:$0x18800] =	vst v63  }
0x5a: {  	_ = 	snop  }
0x5b: {  	[spmem:s2] =	stream.indirect.scatter.add.f32 [tilespmem:s8], [sflag:$0x4], $0x80, s18, s10, $0xb8;
	[tilespmem:$0x18800] =	vst v63  }
0x5c: {  	_ =	swait.ge [sflag:s29], $0x400  }
0x5d: {  	[sflag:s29] =	ssyncset.done $0x0  }
0x5e: {  	[sflag:s29] =	ssyncadd.s32 $0xFFFFFC00  }
0x5f: {  	_ =	swait.ge [sflag:s9], $0x4000  }
0x60: {  	[sflag:s9] =	ssyncset.done $0x0  }
0x61: {  	[sflag:s9] =	ssyncadd.s32 $0xFFFFC000  }
0x62: {  	_ =	swait.ge [sflag:s9], $0x4000  }
0x63: {  	[sflag:s9] =	ssyncset.done $0x0  }
0x64: {  	[sflag:s9] =	ssyncadd.s32 $0xFFFFC000  }
0x65: {  	_ =	swait.ge [sflag:s9], $0x4000  }
0x66: {  	[sflag:s9] =	ssyncset.done $0x0  }
0x67: {  	[sflag:s9] =	ssyncadd.s32 $0xFFFFC000  }
0x68: {  	_ =	swait.ge [sflag:s9], $0x4000  }
0x69: {  	[sflag:s9] =	ssyncset.done $0x0  }
0x6a: {  	[sflag:s9] =	ssyncadd.s32 $0xFFFFC000  }
0x6b: {  	_ =	swait.ge [sflag:s9], $0x4000  }
0x6c: {  	[sflag:s9] =	ssyncset.done $0x0  }
0x6d: {  	[sflag:s9] =	ssyncadd.s32 $0xFFFFC000  }
0x6e: {  	_ =	swait.ge [sflag:s9], $0x4000  }
0x6f: {  	[sflag:s9] =	ssyncset.done $0x0  }
0x70: {  	[sflag:s9] =	ssyncadd.s32 $0xFFFFC000  }
0x71: {  	_ =	swait.ge [sflag:s9], $0x4000  }
0x72: {  	[sflag:s9] =	ssyncset.done $0x0  }
0x73: {  	s1 =	rddreg [dreg:$0x7];
	[sflag:s9] =	ssyncadd.s32 $0xFFFFC000  }
0x74: {  	[tilespmem:s11], [sflag:$0x2] =	stream.linear.gather [hbm4b:s1+s7], $0x400, $0x38;
	[tilespmem:$0x18800] =	vst v63  }
0x75: {  	_ = 	snop  }
0x76: {  	[spmem:s2] =	stream.indirect.scatter.add.f32 [tilespmem:s8], [sflag:$0x3], $0x80, s20, s10, $0xb8;
	[tilespmem:$0x18800] =	vst v63  }
0x77: {  	_ = 	snop  }
0x78: {  	[spmem:s2] =	stream.indirect.scatter.add.f32 [tilespmem:s8], [sflag:$0x3], $0x80, s22, s10, $0xb8;
	[tilespmem:$0x18800] =	vst v63  }
0x79: {  	_ = 	snop  }
0x7a: {  	[spmem:s2] =	stream.indirect.scatter.add.f32 [tilespmem:s8], [sflag:$0x3], $0x80, s23, s10, $0xb8;
	[tilespmem:$0x18800] =	vst v63  }
0x7b: {  	_ = 	snop  }
0x7c: {  	[spmem:s2] =	stream.indirect.scatter.add.f32 [tilespmem:s8], [sflag:$0x3], $0x80, s24, s10, $0xb8;
	[tilespmem:$0x18800] =	vst v63  }
0x7d: {  	_ = 	snop  }
0x7e: {  	[spmem:s2] =	stream.indirect.scatter.add.f32 [tilespmem:s8], [sflag:$0x3], $0x80, s25, s10, $0xb8;
	[tilespmem:$0x18800] =	vst v63  }
0x7f: {  	_ = 	snop  }
0x80: {  	[spmem:s2] =	stream.indirect.scatter.add.f32 [tilespmem:s8], [sflag:$0x3], $0x80, s26, s10, $0xb8;
	[tilespmem:$0x18800] =	vst v63  }
0x81: {  	_ = 	snop  }
0x82: {  	[spmem:s2] =	stream.indirect.scatter.add.f32 [tilespmem:s8], [sflag:$0x3], $0x80, s28, s10, $0xb8;
	[tilespmem:$0x18800] =	vst v63  }
0x83: {  	_ =	swait.ge [sflag:s21], $0x400  }
0x84: {  	[sflag:s21] =	ssyncset.done $0x0  }
0x85: {  	[sflag:s21] =	ssyncadd.s32 $0xFFFFFC00  }
0x86: {  	_ =	swait.ge [sflag:s13], $0x4000  }
0x87: {  	[sflag:s13] =	ssyncset.done $0x0  }
0x88: {  	[sflag:s13] =	ssyncadd.s32 $0xFFFFC000  }
0x89: {  	_ =	swait.ge [sflag:s13], $0x4000  }
0x8a: {  	[sflag:s13] =	ssyncset.done $0x0  }
0x8b: {  	[sflag:s13] =	ssyncadd.s32 $0xFFFFC000  }
0x8c: {  	_ =	swait.ge [sflag:s13], $0x4000  }
0x8d: {  	[sflag:s13] =	ssyncset.done $0x0  }
0x8e: {  	[sflag:s13] =	ssyncadd.s32 $0xFFFFC000  }
0x8f: {  	_ =	swait.ge [sflag:s13], $0x4000  }
0x90: {  	[sflag:s13] =	ssyncset.done $0x0  }
0x91: {  	[sflag:s13] =	ssyncadd.s32 $0xFFFFC000  }
0x92: {  	_ =	swait.ge [sflag:s13], $0x4000  }
0x93: {  	[sflag:s13] =	ssyncset.done $0x0  }
0x94: {  	[sflag:s13] =	ssyncadd.s32 $0xFFFFC000  }
0x95: {  	_ =	swait.ge [sflag:s13], $0x4000  }
0x96: {  	[sflag:s13] =	ssyncset.done $0x0  }
0x97: {  	[sflag:s13] =	ssyncadd.s32 $0xFFFFC000  }
0x98: {  	_ =	swait.ge [sflag:s13], $0x4000  }
0x99: {  	[sflag:s13] =	ssyncset.done $0x0  }
0x9a: {  	[sflag:s13] =	ssyncadd.s32 $0xFFFFC000  }
0x9b: {  	[tilespmem:s20], [sflag:$0x1] =	stream.linear.gather [hbm4b:s30+s7], $0x400, $0x38;
	[tilespmem:$0x18800] =	vst v63  }
0x9c: {  	_ = 	snop  }
0x9d: {  	[spmem:s2] =	stream.indirect.scatter.add.f32 [tilespmem:s8], [sflag:$0x4], $0x80, s11, s10, $0xb8;
	[tilespmem:$0x18800] =	vst v63  }
0x9e: {  	_ = 	snop  }
0x9f: {  	[spmem:s2] =	stream.indirect.scatter.add.f32 [tilespmem:s8], [sflag:$0x4], $0x80, s12, s10, $0xb8;
	[tilespmem:$0x18800] =	vst v63  }
0xa0: {  	_ = 	snop  }
0xa1: {  	[spmem:s2] =	stream.indirect.scatter.add.f32 [tilespmem:s8], [sflag:$0x4], $0x80, s14, s10, $0xb8;
	[tilespmem:$0x18800] =	vst v63  }
0xa2: {  	_ = 	snop  }
0xa3: {  	[spmem:s2] =	stream.indirect.scatter.add.f32 [tilespmem:s8], [sflag:$0x4], $0x80, s15, s10, $0xb8;
	[tilespmem:$0x18800] =	vst v63  }
0xa4: {  	_ = 	snop  }
0xa5: {  	[spmem:s2] =	stream.indirect.scatter.add.f32 [tilespmem:s8], [sflag:$0x4], $0x80, s16, s10, $0xb8;
	[tilespmem:$0x18800] =	vst v63  }
0xa6: {  	_ = 	snop  }
0xa7: {  	[spmem:s2] =	stream.indirect.scatter.add.f32 [tilespmem:s8], [sflag:$0x4], $0x80, s17, s10, $0xb8;
	[tilespmem:$0x18800] =	vst v63  }
0xa8: {  	_ = 	snop  }
0xa9: {  	[spmem:s2] =	stream.indirect.scatter.add.f32 [tilespmem:s8], [sflag:$0x4], $0x80, s18, s10, $0xb8;
	[tilespmem:$0x18800] =	vst v63  }
0xaa: {  	_ =	swait.ge [sflag:s29], $0x400  }
0xab: {  	[sflag:s29] =	ssyncset.done $0x0  }
0xac: {  	[sflag:s29] =	ssyncadd.s32 $0xFFFFFC00  }
0xad: {  	_ =	swait.ge [sflag:s9], $0x4000  }
0xae: {  	[sflag:s9] =	ssyncset.done $0x0  }
0xaf: {  	[sflag:s9] =	ssyncadd.s32 $0xFFFFC000  }
0xb0: {  	_ =	swait.ge [sflag:s9], $0x4000  }
0xb1: {  	[sflag:s9] =	ssyncset.done $0x0  }
0xb2: {  	[sflag:s9] =	ssyncadd.s32 $0xFFFFC000  }
0xb3: {  	_ =	swait.ge [sflag:s9], $0x4000  }
0xb4: {  	[sflag:s9] =	ssyncset.done $0x0  }
0xb5: {  	[sflag:s9] =	ssyncadd.s32 $0xFFFFC000  }
0xb6: {  	_ =	swait.ge [sflag:s9], $0x4000  }
0xb7: {  	[sflag:s9] =	ssyncset.done $0x0  }
0xb8: {  	[sflag:s9] =	ssyncadd.s32 $0xFFFFC000  }
0xb9: {  	_ =	swait.ge [sflag:s9], $0x4000  }
0xba: {  	[sflag:s9] =	ssyncset.done $0x0  }
0xbb: {  	[sflag:s9] =	ssyncadd.s32 $0xFFFFC000  }
0xbc: {  	_ =	swait.ge [sflag:s9], $0x4000  }
0xbd: {  	[sflag:s9] =	ssyncset.done $0x0  }
0xbe: {  	[sflag:s9] =	ssyncadd.s32 $0xFFFFC000  }
0xbf: {  	_ =	swait.ge [sflag:s9], $0x4000  }
0xc0: {  	[sflag:s9] =	ssyncset.done $0x0  }
0xc1: {  	[sflag:s9] =	ssyncadd.s32 $0xFFFFC000  }
0xc2: {  	[tilespmem:s11], [sflag:$0x2] =	stream.linear.gather [hbm4b:s19+s7], $0x400, $0x38;
	[tilespmem:$0x18800] =	vst v63  }
0xc3: {  	_ = 	snop  }
0xc4: {  	[spmem:s2] =	stream.indirect.scatter.add.f32 [tilespmem:s8], [sflag:$0x3], $0x80, s20, s10, $0xb8;
	[tilespmem:$0x18800] =	vst v63  }
0xc5: {  	_ = 	snop  }
0xc6: {  	[spmem:s2] =	stream.indirect.scatter.add.f32 [tilespmem:s8], [sflag:$0x3], $0x80, s22, s10, $0xb8;
	[tilespmem:$0x18800] =	vst v63  }
0xc7: {  	_ = 	snop  }
0xc8: {  	[spmem:s2] =	stream.indirect.scatter.add.f32 [tilespmem:s8], [sflag:$0x3], $0x80, s23, s10, $0xb8;
	[tilespmem:$0x18800] =	vst v63  }
0xc9: {  	_ = 	snop  }
0xca: {  	[spmem:s2] =	stream.indirect.scatter.add.f32 [tilespmem:s8], [sflag:$0x3], $0x80, s24, s10, $0xb8;
	[tilespmem:$0x18800] =	vst v63  }
0xcb: {  	_ = 	snop  }
0xcc: {  	[spmem:s2] =	stream.indirect.scatter.add.f32 [tilespmem:s8], [sflag:$0x3], $0x80, s25, s10, $0xb8;
	[tilespmem:$0x18800] =	vst v63  }
0xcd: {  	_ = 	snop  }
0xce: {  	[spmem:s2] =	stream.indirect.scatter.add.f32 [tilespmem:s8], [sflag:$0x3], $0x80, s26, s10, $0xb8;
	[tilespmem:$0x18800] =	vst v63  }
0xcf: {  	_ = 	snop  }
0xd0: {  	[spmem:s2] =	stream.indirect.scatter.add.f32 [tilespmem:s8], [sflag:$0x3], $0x80, s28, s10, $0xb8;
	[tilespmem:$0x18800] =	vst v63  }
0xd1: {  	_ =	swait.ge [sflag:s21], $0x400  }
0xd2: {  	[sflag:s21] =	ssyncset.done $0x0  }
0xd3: {  	[sflag:s21] =	ssyncadd.s32 $0xFFFFFC00  }
0xd4: {  	_ =	swait.ge [sflag:s13], $0x4000  }
0xd5: {  	[sflag:s13] =	ssyncset.done $0x0  }
0xd6: {  	[sflag:s13] =	ssyncadd.s32 $0xFFFFC000  }
0xd7: {  	_ =	swait.ge [sflag:s13], $0x4000  }
0xd8: {  	[sflag:s13] =	ssyncset.done $0x0  }
0xd9: {  	[sflag:s13] =	ssyncadd.s32 $0xFFFFC000  }
0xda: {  	_ =	swait.ge [sflag:s13], $0x4000  }
0xdb: {  	[sflag:s13] =	ssyncset.done $0x0  }
0xdc: {  	[sflag:s13] =	ssyncadd.s32 $0xFFFFC000  }
0xdd: {  	_ =	swait.ge [sflag:s13], $0x4000  }
0xde: {  	[sflag:s13] =	ssyncset.done $0x0  }
0xdf: {  	[sflag:s13] =	ssyncadd.s32 $0xFFFFC000  }
0xe0: {  	_ =	swait.ge [sflag:s13], $0x4000  }
0xe1: {  	[sflag:s13] =	ssyncset.done $0x0  }
0xe2: {  	[sflag:s13] =	ssyncadd.s32 $0xFFFFC000  }
0xe3: {  	_ =	swait.ge [sflag:s13], $0x4000  }
0xe4: {  	[sflag:s13] =	ssyncset.done $0x0  }
0xe5: {  	[sflag:s13] =	ssyncadd.s32 $0xFFFFC000  }
0xe6: {  	_ =	swait.ge [sflag:s13], $0x4000  }
0xe7: {  	[sflag:s13] =	ssyncset.done $0x0  }
0xe8: {  	[sflag:s13] =	ssyncadd.s32 $0xFFFFC000  }
0xe9: {  	[spmem:s2] =	stream.indirect.scatter.add.f32 [tilespmem:s8], [sflag:$0x4], $0x80, s11, s10, $0xb8;
	[tilespmem:$0x18800] =	vst v63  }
0xea: {  	_ = 	snop  }
0xeb: {  	[spmem:s2] =	stream.indirect.scatter.add.f32 [tilespmem:s8], [sflag:$0x4], $0x80, s12, s10, $0xb8;
	[tilespmem:$0x18800] =	vst v63  }
0xec: {  	_ = 	snop  }
0xed: {  	[spmem:s2] =	stream.indirect.scatter.add.f32 [tilespmem:s8], [sflag:$0x4], $0x80, s14, s10, $0xb8;
	[tilespmem:$0x18800] =	vst v63  }
0xee: {  	_ = 	snop  }
0xef: {  	[spmem:s2] =	stream.indirect.scatter.add.f32 [tilespmem:s8], [sflag:$0x4], $0x80, s15, s10, $0xb8;
	[tilespmem:$0x18800] =	vst v63  }
0xf0: {  	_ = 	snop  }
0xf1: {  	[spmem:s2] =	stream.indirect.scatter.add.f32 [tilespmem:s8], [sflag:$0x4], $0x80, s16, s10, $0xb8;
	[tilespmem:$0x18800] =	vst v63  }
0xf2: {  	_ = 	snop  }
0xf3: {  	[spmem:s2] =	stream.indirect.scatter.add.f32 [tilespmem:s8], [sflag:$0x4], $0x80, s17, s10, $0xb8;
	[tilespmem:$0x18800] =	vst v63  }
0xf4: {  	_ = 	snop  }
0xf5: {  	[spmem:s2] =	stream.indirect.scatter.add.f32 [tilespmem:s8], [sflag:$0x4], $0x80, s18, s10, $0xb8;
	[tilespmem:$0x18800] =	vst v63  }
0xf6: {  	_ =	swait.ge [sflag:s9], $0x4000  }
0xf7: {  	[sflag:s9] =	ssyncset.done $0x0  }
0xf8: {  	[sflag:s9] =	ssyncadd.s32 $0xFFFFC000  }
0xf9: {  	_ =	swait.ge [sflag:s9], $0x4000  }
0xfa: {  	[sflag:s9] =	ssyncset.done $0x0  }
0xfb: {  	[sflag:s9] =	ssyncadd.s32 $0xFFFFC000  }
0xfc: {  	_ =	swait.ge [sflag:s9], $0x4000  }
0xfd: {  	[sflag:s9] =	ssyncset.done $0x0  }
0xfe: {  	[sflag:s9] =	ssyncadd.s32 $0xFFFFC000  }
0xff: {  	_ =	swait.ge [sflag:s9], $0x4000  }
0x100: {  	[sflag:s9] =	ssyncset.done $0x0  }
0x101: {  	[sflag:s9] =	ssyncadd.s32 $0xFFFFC000  }
0x102: {  	_ =	swait.ge [sflag:s9], $0x4000  }
0x103: {  	[sflag:s9] =	ssyncset.done $0x0  }
0x104: {  	[sflag:s9] =	ssyncadd.s32 $0xFFFFC000  }
0x105: {  	_ =	swait.ge [sflag:s9], $0x4000  }
0x106: {  	[sflag:s9] =	ssyncset.done $0x0  }
0x107: {  	[sflag:s9] =	ssyncadd.s32 $0xFFFFC000  }
0x108: {  	_ =	swait.ge [sflag:s9], $0x4000  }
0x109: {  	p1 =	sne.s32 s0, $0x1;
	[sflag:s9] =	ssyncset.done $0x0  }
.Ltmp1:
0x10a: {  	[sflag:s9] =	ssyncadd.s32 $0xFFFFC000;
	(pc) =	sbr.rel @!p1 .LBB2_3-.Ltmp1, $4  }
0x10b: {  	[bflag:$0x0] =	sbarrier.arrive $0xFFFF  }
0x10c: {  	[hbm:s4], [sflag:s3] =	dma.local [spmem:s6], $0x2800  }
0x10d: {  	s0 =	sadd.s32 $0xFFFFFFFF, s0;
	_ =	swait.ge [sflag:s5], $0x2800  }
0x10e: {  	p0 =	por $0x1, $0x1;
	s1 =	rddreg [dreg:$0x4];
	[sflag:s5] =	ssyncset.done $0x0  }
.LBB2_2:
0x10f: {  	[sflag:s5] =	ssyncadd.s32 $0xFFFFD800  }
0x110: {  	[tilespmem:s20], [sflag:$0x1] =	stream.linear.gather [hbm4b:s31+s7], $0x400, $0x38;
	[tilespmem:$0x18800] =	vst v63  }
0x111: {  	[spmem:s6], [sflag:s3] =	dma.local [hbm:s1], $0x2800  }
0x112: {  	_ =	swait.ge [sflag:s5], $0x2800  }
0x113: {  	[sflag:s5] =	ssyncset.done $0x0  }
0x114: {  	s1 =	rddreg [dreg:$0x3];
	[sflag:s5] =	ssyncadd.s32 $0xFFFFD800  }
0x115: {  	[tilespmem:s8], [sflag:$0x5] =	stream.linear.gather [hbm4b:s1+s7], $0x4000, $0x38;
	[tilespmem:$0x18800] =	vst v63  }
0x116: {  	_ =	swait.ge [sflag:s5], $0x4000  }
0x117: {  	[sflag:s5] =	ssyncset.done $0x0  }
0x118: {  	[sflag:s5] =	ssyncadd.s32 $0xFFFFC000  }
0x119: {  	[bflag:$0x0] =	sbarrier.arrive $0xFFFF  }
0x11a: {  	_ =	swait.ge [sflag:s29], $0x400  }
0x11b: {  	[sflag:s29] =	ssyncset.done $0x0  }
0x11c: {  	s1 =	rddreg [dreg:$0x5];
	[sflag:s29] =	ssyncadd.s32 $0xFFFFFC00  }
0x11d: {  	[tilespmem:s11], [sflag:$0x2] =	stream.linear.gather [hbm4b:s1+s7], $0x400, $0x38;
	[tilespmem:$0x18800] =	vst v63  }
0x11e: {  	_ = 	snop  }
0x11f: {  	[spmem:s2] =	stream.indirect.scatter.add.f32 [tilespmem:s8], [sflag:$0x3], $0x80, s20, s10, $0xb8;
	[tilespmem:$0x18800] =	vst v63  }
0x120: {  	_ = 	snop  }
0x121: {  	[spmem:s2] =	stream.indirect.scatter.add.f32 [tilespmem:s8], [sflag:$0x3], $0x80, s22, s10, $0xb8;
	[tilespmem:$0x18800] =	vst v63  }
0x122: {  	_ = 	snop  }
0x123: {  	[spmem:s2] =	stream.indirect.scatter.add.f32 [tilespmem:s8], [sflag:$0x3], $0x80, s23, s10, $0xb8;
	[tilespmem:$0x18800] =	vst v63  }
0x124: {  	_ = 	snop  }
0x125: {  	[spmem:s2] =	stream.indirect.scatter.add.f32 [tilespmem:s8], [sflag:$0x3], $0x80, s24, s10, $0xb8;
	[tilespmem:$0x18800] =	vst v63  }
0x126: {  	_ = 	snop  }
0x127: {  	[spmem:s2] =	stream.indirect.scatter.add.f32 [tilespmem:s8], [sflag:$0x3], $0x80, s25, s10, $0xb8;
	[tilespmem:$0x18800] =	vst v63  }
0x128: {  	_ = 	snop  }
0x129: {  	[spmem:s2] =	stream.indirect.scatter.add.f32 [tilespmem:s8], [sflag:$0x3], $0x80, s26, s10, $0xb8;
	[tilespmem:$0x18800] =	vst v63  }
0x12a: {  	_ = 	snop  }
0x12b: {  	[spmem:s2] =	stream.indirect.scatter.add.f32 [tilespmem:s8], [sflag:$0x3], $0x80, s28, s10, $0xb8;
	[tilespmem:$0x18800] =	vst v63  }
0x12c: {  	_ =	swait.ge [sflag:s21], $0x400  }
0x12d: {  	[sflag:s21] =	ssyncset.done $0x0  }
0x12e: {  	[sflag:s21] =	ssyncadd.s32 $0xFFFFFC00  }
0x12f: {  	_ =	swait.ge [sflag:s13], $0x4000  }
0x130: {  	[sflag:s13] =	ssyncset.done $0x0  }
0x131: {  	[sflag:s13] =	ssyncadd.s32 $0xFFFFC000  }
0x132: {  	_ =	swait.ge [sflag:s13], $0x4000  }
0x133: {  	[sflag:s13] =	ssyncset.done $0x0  }
0x134: {  	[sflag:s13] =	ssyncadd.s32 $0xFFFFC000  }
0x135: {  	_ =	swait.ge [sflag:s13], $0x4000  }
0x136: {  	[sflag:s13] =	ssyncset.done $0x0  }
0x137: {  	[sflag:s13] =	ssyncadd.s32 $0xFFFFC000  }
0x138: {  	_ =	swait.ge [sflag:s13], $0x4000  }
0x139: {  	[sflag:s13] =	ssyncset.done $0x0  }
0x13a: {  	[sflag:s13] =	ssyncadd.s32 $0xFFFFC000  }
0x13b: {  	_ =	swait.ge [sflag:s13], $0x4000  }
0x13c: {  	[sflag:s13] =	ssyncset.done $0x0  }
0x13d: {  	[sflag:s13] =	ssyncadd.s32 $0xFFFFC000  }
0x13e: {  	_ =	swait.ge [sflag:s13], $0x4000  }
0x13f: {  	[sflag:s13] =	ssyncset.done $0x0  }
0x140: {  	[sflag:s13] =	ssyncadd.s32 $0xFFFFC000  }
0x141: {  	_ =	swait.ge [sflag:s13], $0x4000  }
0x142: {  	[sflag:s13] =	ssyncset.done $0x0  }
0x143: {  	s1 =	rddreg [dreg:$0x6];
	[sflag:s13] =	ssyncadd.s32 $0xFFFFC000  }
0x144: {  	[tilespmem:s20], [sflag:$0x1] =	stream.linear.gather [hbm4b:s1+s7], $0x400, $0x38;
	[tilespmem:$0x18800] =	vst v63  }
0x145: {  	_ = 	snop  }
0x146: {  	[spmem:s2] =	stream.indirect.scatter.add.f32 [tilespmem:s8], [sflag:$0x4], $0x80, s11, s10, $0xb8;
	[tilespmem:$0x18800] =	vst v63  }
0x147: {  	_ = 	snop  }
0x148: {  	[spmem:s2] =	stream.indirect.scatter.add.f32 [tilespmem:s8], [sflag:$0x4], $0x80, s12, s10, $0xb8;
	[tilespmem:$0x18800] =	vst v63  }
0x149: {  	_ = 	snop  }
0x14a: {  	[spmem:s2] =	stream.indirect.scatter.add.f32 [tilespmem:s8], [sflag:$0x4], $0x80, s14, s10, $0xb8;
	[tilespmem:$0x18800] =	vst v63  }
0x14b: {  	_ = 	snop  }
0x14c: {  	[spmem:s2] =	stream.indirect.scatter.add.f32 [tilespmem:s8], [sflag:$0x4], $0x80, s15, s10, $0xb8;
	[tilespmem:$0x18800] =	vst v63  }
0x14d: {  	_ = 	snop  }
0x14e: {  	[spmem:s2] =	stream.indirect.scatter.add.f32 [tilespmem:s8], [sflag:$0x4], $0x80, s16, s10, $0xb8;
	[tilespmem:$0x18800] =	vst v63  }
0x14f: {  	_ = 	snop  }
0x150: {  	[spmem:s2] =	stream.indirect.scatter.add.f32 [tilespmem:s8], [sflag:$0x4], $0x80, s17, s10, $0xb8;
	[tilespmem:$0x18800] =	vst v63  }
0x151: {  	_ = 	snop  }
0x152: {  	[spmem:s2] =	stream.indirect.scatter.add.f32 [tilespmem:s8], [sflag:$0x4], $0x80, s18, s10, $0xb8;
	[tilespmem:$0x18800] =	vst v63  }
0x153: {  	_ =	swait.ge [sflag:s29], $0x400  }
0x154: {  	[sflag:s29] =	ssyncset.done $0x0  }
0x155: {  	[sflag:s29] =	ssyncadd.s32 $0xFFFFFC00  }
0x156: {  	_ =	swait.ge [sflag:s9], $0x4000  }
0x157: {  	[sflag:s9] =	ssyncset.done $0x0  }
0x158: {  	[sflag:s9] =	ssyncadd.s32 $0xFFFFC000  }
0x159: {  	_ =	swait.ge [sflag:s9], $0x4000  }
0x15a: {  	[sflag:s9] =	ssyncset.done $0x0  }
0x15b: {  	[sflag:s9] =	ssyncadd.s32 $0xFFFFC000  }
0x15c: {  	_ =	swait.ge [sflag:s9], $0x4000  }
0x15d: {  	[sflag:s9] =	ssyncset.done $0x0  }
0x15e: {  	[sflag:s9] =	ssyncadd.s32 $0xFFFFC000  }
0x15f: {  	_ =	swait.ge [sflag:s9], $0x4000  }
0x160: {  	[sflag:s9] =	ssyncset.done $0x0  }
0x161: {  	[sflag:s9] =	ssyncadd.s32 $0xFFFFC000  }
0x162: {  	_ =	swait.ge [sflag:s9], $0x4000  }
0x163: {  	[sflag:s9] =	ssyncset.done $0x0  }
0x164: {  	[sflag:s9] =	ssyncadd.s32 $0xFFFFC000  }
0x165: {  	_ =	swait.ge [sflag:s9], $0x4000  }
0x166: {  	[sflag:s9] =	ssyncset.done $0x0  }
0x167: {  	[sflag:s9] =	ssyncadd.s32 $0xFFFFC000  }
0x168: {  	_ =	swait.ge [sflag:s9], $0x4000  }
0x169: {  	[sflag:s9] =	ssyncset.done $0x0  }
0x16a: {  	s1 =	rddreg [dreg:$0x7];
	[sflag:s9] =	ssyncadd.s32 $0xFFFFC000  }
0x16b: {  	[tilespmem:s11], [sflag:$0x2] =	stream.linear.gather [hbm4b:s1+s7], $0x400, $0x38;
	[tilespmem:$0x18800] =	vst v63  }
0x16c: {  	_ = 	snop  }
0x16d: {  	[spmem:s2] =	stream.indirect.scatter.add.f32 [tilespmem:s8], [sflag:$0x3], $0x80, s20, s10, $0xb8;
	[tilespmem:$0x18800] =	vst v63  }
0x16e: {  	_ = 	snop  }
0x16f: {  	[spmem:s2] =	stream.indirect.scatter.add.f32 [tilespmem:s8], [sflag:$0x3], $0x80, s22, s10, $0xb8;
	[tilespmem:$0x18800] =	vst v63  }
0x170: {  	_ = 	snop  }
0x171: {  	[spmem:s2] =	stream.indirect.scatter.add.f32 [tilespmem:s8], [sflag:$0x3], $0x80, s23, s10, $0xb8;
	[tilespmem:$0x18800] =	vst v63  }
0x172: {  	_ = 	snop  }
0x173: {  	[spmem:s2] =	stream.indirect.scatter.add.f32 [tilespmem:s8], [sflag:$0x3], $0x80, s24, s10, $0xb8;
	[tilespmem:$0x18800] =	vst v63  }
0x174: {  	_ = 	snop  }
0x175: {  	[spmem:s2] =	stream.indirect.scatter.add.f32 [tilespmem:s8], [sflag:$0x3], $0x80, s25, s10, $0xb8;
	[tilespmem:$0x18800] =	vst v63  }
0x176: {  	_ = 	snop  }
0x177: {  	[spmem:s2] =	stream.indirect.scatter.add.f32 [tilespmem:s8], [sflag:$0x3], $0x80, s26, s10, $0xb8;
	[tilespmem:$0x18800] =	vst v63  }
0x178: {  	_ = 	snop  }
0x179: {  	[spmem:s2] =	stream.indirect.scatter.add.f32 [tilespmem:s8], [sflag:$0x3], $0x80, s28, s10, $0xb8;
	[tilespmem:$0x18800] =	vst v63  }
0x17a: {  	_ =	swait.ge [sflag:s21], $0x400  }
0x17b: {  	[sflag:s21] =	ssyncset.done $0x0  }
0x17c: {  	[sflag:s21] =	ssyncadd.s32 $0xFFFFFC00  }
0x17d: {  	_ =	swait.ge [sflag:s13], $0x4000  }
0x17e: {  	[sflag:s13] =	ssyncset.done $0x0  }
0x17f: {  	[sflag:s13] =	ssyncadd.s32 $0xFFFFC000  }
0x180: {  	_ =	swait.ge [sflag:s13], $0x4000  }
0x181: {  	[sflag:s13] =	ssyncset.done $0x0  }
0x182: {  	[sflag:s13] =	ssyncadd.s32 $0xFFFFC000  }
0x183: {  	_ =	swait.ge [sflag:s13], $0x4000  }
0x184: {  	[sflag:s13] =	ssyncset.done $0x0  }
0x185: {  	[sflag:s13] =	ssyncadd.s32 $0xFFFFC000  }
0x186: {  	_ =	swait.ge [sflag:s13], $0x4000  }
0x187: {  	[sflag:s13] =	ssyncset.done $0x0  }
0x188: {  	[sflag:s13] =	ssyncadd.s32 $0xFFFFC000  }
0x189: {  	_ =	swait.ge [sflag:s13], $0x4000  }
0x18a: {  	[sflag:s13] =	ssyncset.done $0x0  }
0x18b: {  	[sflag:s13] =	ssyncadd.s32 $0xFFFFC000  }
0x18c: {  	_ =	swait.ge [sflag:s13], $0x4000  }
0x18d: {  	[sflag:s13] =	ssyncset.done $0x0  }
0x18e: {  	[sflag:s13] =	ssyncadd.s32 $0xFFFFC000  }
0x18f: {  	_ =	swait.ge [sflag:s13], $0x4000  }
0x190: {  	[sflag:s13] =	ssyncset.done $0x0  }
0x191: {  	[sflag:s13] =	ssyncadd.s32 $0xFFFFC000  }
0x192: {  	[tilespmem:s20], [sflag:$0x1] =	stream.linear.gather [hbm4b:s30+s7], $0x400, $0x38;
	[tilespmem:$0x18800] =	vst v63  }
0x193: {  	_ = 	snop  }
0x194: {  	[spmem:s2] =	stream.indirect.scatter.add.f32 [tilespmem:s8], [sflag:$0x4], $0x80, s11, s10, $0xb8;
	[tilespmem:$0x18800] =	vst v63  }
0x195: {  	_ = 	snop  }
0x196: {  	[spmem:s2] =	stream.indirect.scatter.add.f32 [tilespmem:s8], [sflag:$0x4], $0x80, s12, s10, $0xb8;
	[tilespmem:$0x18800] =	vst v63  }
0x197: {  	_ = 	snop  }
0x198: {  	[spmem:s2] =	stream.indirect.scatter.add.f32 [tilespmem:s8], [sflag:$0x4], $0x80, s14, s10, $0xb8;
	[tilespmem:$0x18800] =	vst v63  }
0x199: {  	_ = 	snop  }
0x19a: {  	[spmem:s2] =	stream.indirect.scatter.add.f32 [tilespmem:s8], [sflag:$0x4], $0x80, s15, s10, $0xb8;
	[tilespmem:$0x18800] =	vst v63  }
0x19b: {  	_ = 	snop  }
0x19c: {  	[spmem:s2] =	stream.indirect.scatter.add.f32 [tilespmem:s8], [sflag:$0x4], $0x80, s16, s10, $0xb8;
	[tilespmem:$0x18800] =	vst v63  }
0x19d: {  	_ = 	snop  }
0x19e: {  	[spmem:s2] =	stream.indirect.scatter.add.f32 [tilespmem:s8], [sflag:$0x4], $0x80, s17, s10, $0xb8;
	[tilespmem:$0x18800] =	vst v63  }
0x19f: {  	_ = 	snop  }
0x1a0: {  	[spmem:s2] =	stream.indirect.scatter.add.f32 [tilespmem:s8], [sflag:$0x4], $0x80, s18, s10, $0xb8;
	[tilespmem:$0x18800] =	vst v63  }
0x1a1: {  	_ =	swait.ge [sflag:s29], $0x400  }
0x1a2: {  	[sflag:s29] =	ssyncset.done $0x0  }
0x1a3: {  	[sflag:s29] =	ssyncadd.s32 $0xFFFFFC00  }
0x1a4: {  	_ =	swait.ge [sflag:s9], $0x4000  }
0x1a5: {  	[sflag:s9] =	ssyncset.done $0x0  }
0x1a6: {  	[sflag:s9] =	ssyncadd.s32 $0xFFFFC000  }
0x1a7: {  	_ =	swait.ge [sflag:s9], $0x4000  }
0x1a8: {  	[sflag:s9] =	ssyncset.done $0x0  }
0x1a9: {  	[sflag:s9] =	ssyncadd.s32 $0xFFFFC000  }
0x1aa: {  	_ =	swait.ge [sflag:s9], $0x4000  }
0x1ab: {  	[sflag:s9] =	ssyncset.done $0x0  }
0x1ac: {  	[sflag:s9] =	ssyncadd.s32 $0xFFFFC000  }
0x1ad: {  	_ =	swait.ge [sflag:s9], $0x4000  }
0x1ae: {  	[sflag:s9] =	ssyncset.done $0x0  }
0x1af: {  	[sflag:s9] =	ssyncadd.s32 $0xFFFFC000  }
0x1b0: {  	_ =	swait.ge [sflag:s9], $0x4000  }
0x1b1: {  	[sflag:s9] =	ssyncset.done $0x0  }
0x1b2: {  	[sflag:s9] =	ssyncadd.s32 $0xFFFFC000  }
0x1b3: {  	_ =	swait.ge [sflag:s9], $0x4000  }
0x1b4: {  	[sflag:s9] =	ssyncset.done $0x0  }
0x1b5: {  	[sflag:s9] =	ssyncadd.s32 $0xFFFFC000  }
0x1b6: {  	_ =	swait.ge [sflag:s9], $0x4000  }
0x1b7: {  	[sflag:s9] =	ssyncset.done $0x0  }
0x1b8: {  	[sflag:s9] =	ssyncadd.s32 $0xFFFFC000  }
0x1b9: {  	[tilespmem:s11], [sflag:$0x2] =	stream.linear.gather [hbm4b:s19+s7], $0x400, $0x38;
	[tilespmem:$0x18800] =	vst v63  }
0x1ba: {  	_ = 	snop  }
0x1bb: {  	[spmem:s2] =	stream.indirect.scatter.add.f32 [tilespmem:s8], [sflag:$0x3], $0x80, s20, s10, $0xb8;
	[tilespmem:$0x18800] =	vst v63  }
0x1bc: {  	_ = 	snop  }
0x1bd: {  	[spmem:s2] =	stream.indirect.scatter.add.f32 [tilespmem:s8], [sflag:$0x3], $0x80, s22, s10, $0xb8;
	[tilespmem:$0x18800] =	vst v63  }
0x1be: {  	_ = 	snop  }
0x1bf: {  	[spmem:s2] =	stream.indirect.scatter.add.f32 [tilespmem:s8], [sflag:$0x3], $0x80, s23, s10, $0xb8;
	[tilespmem:$0x18800] =	vst v63  }
0x1c0: {  	_ = 	snop  }
0x1c1: {  	[spmem:s2] =	stream.indirect.scatter.add.f32 [tilespmem:s8], [sflag:$0x3], $0x80, s24, s10, $0xb8;
	[tilespmem:$0x18800] =	vst v63  }
0x1c2: {  	_ = 	snop  }
0x1c3: {  	[spmem:s2] =	stream.indirect.scatter.add.f32 [tilespmem:s8], [sflag:$0x3], $0x80, s25, s10, $0xb8;
	[tilespmem:$0x18800] =	vst v63  }
0x1c4: {  	_ = 	snop  }
0x1c5: {  	[spmem:s2] =	stream.indirect.scatter.add.f32 [tilespmem:s8], [sflag:$0x3], $0x80, s26, s10, $0xb8;
	[tilespmem:$0x18800] =	vst v63  }
0x1c6: {  	_ = 	snop  }
0x1c7: {  	[spmem:s2] =	stream.indirect.scatter.add.f32 [tilespmem:s8], [sflag:$0x3], $0x80, s28, s10, $0xb8;
	[tilespmem:$0x18800] =	vst v63  }
0x1c8: {  	_ =	swait.ge [sflag:s21], $0x400  }
0x1c9: {  	[sflag:s21] =	ssyncset.done $0x0  }
0x1ca: {  	[sflag:s21] =	ssyncadd.s32 $0xFFFFFC00  }
0x1cb: {  	_ =	swait.ge [sflag:s13], $0x4000  }
0x1cc: {  	[sflag:s13] =	ssyncset.done $0x0  }
0x1cd: {  	[sflag:s13] =	ssyncadd.s32 $0xFFFFC000  }
0x1ce: {  	_ =	swait.ge [sflag:s13], $0x4000  }
0x1cf: {  	[sflag:s13] =	ssyncset.done $0x0  }
0x1d0: {  	[sflag:s13] =	ssyncadd.s32 $0xFFFFC000  }
0x1d1: {  	_ =	swait.ge [sflag:s13], $0x4000  }
0x1d2: {  	[sflag:s13] =	ssyncset.done $0x0  }
0x1d3: {  	[sflag:s13] =	ssyncadd.s32 $0xFFFFC000  }
0x1d4: {  	_ =	swait.ge [sflag:s13], $0x4000  }
0x1d5: {  	[sflag:s13] =	ssyncset.done $0x0  }
0x1d6: {  	[sflag:s13] =	ssyncadd.s32 $0xFFFFC000  }
0x1d7: {  	_ =	swait.ge [sflag:s13], $0x4000  }
0x1d8: {  	[sflag:s13] =	ssyncset.done $0x0  }
0x1d9: {  	[sflag:s13] =	ssyncadd.s32 $0xFFFFC000  }
0x1da: {  	_ =	swait.ge [sflag:s13], $0x4000  }
0x1db: {  	[sflag:s13] =	ssyncset.done $0x0  }
0x1dc: {  	[sflag:s13] =	ssyncadd.s32 $0xFFFFC000  }
0x1dd: {  	_ =	swait.ge [sflag:s13], $0x4000  }
0x1de: {  	[sflag:s13] =	ssyncset.done $0x0  }
0x1df: {  	[sflag:s13] =	ssyncadd.s32 $0xFFFFC000  }
0x1e0: {  	[spmem:s2] =	stream.indirect.scatter.add.f32 [tilespmem:s8], [sflag:$0x4], $0x80, s11, s10, $0xb8;
	[tilespmem:$0x18800] =	vst v63  }
0x1e1: {  	_ = 	snop  }
0x1e2: {  	[spmem:s2] =	stream.indirect.scatter.add.f32 [tilespmem:s8], [sflag:$0x4], $0x80, s12, s10, $0xb8;
	[tilespmem:$0x18800] =	vst v63  }
0x1e3: {  	_ = 	snop  }
0x1e4: {  	[spmem:s2] =	stream.indirect.scatter.add.f32 [tilespmem:s8], [sflag:$0x4], $0x80, s14, s10, $0xb8;
	[tilespmem:$0x18800] =	vst v63  }
0x1e5: {  	_ = 	snop  }
0x1e6: {  	[spmem:s2] =	stream.indirect.scatter.add.f32 [tilespmem:s8], [sflag:$0x4], $0x80, s15, s10, $0xb8;
	[tilespmem:$0x18800] =	vst v63  }
0x1e7: {  	_ = 	snop  }
0x1e8: {  	[spmem:s2] =	stream.indirect.scatter.add.f32 [tilespmem:s8], [sflag:$0x4], $0x80, s16, s10, $0xb8;
	[tilespmem:$0x18800] =	vst v63  }
0x1e9: {  	_ = 	snop  }
0x1ea: {  	[spmem:s2] =	stream.indirect.scatter.add.f32 [tilespmem:s8], [sflag:$0x4], $0x80, s17, s10, $0xb8;
	[tilespmem:$0x18800] =	vst v63  }
0x1eb: {  	_ = 	snop  }
0x1ec: {  	[spmem:s2] =	stream.indirect.scatter.add.f32 [tilespmem:s8], [sflag:$0x4], $0x80, s18, s10, $0xb8;
	[tilespmem:$0x18800] =	vst v63  }
0x1ed: {  	_ =	swait.ge [sflag:s9], $0x4000  }
0x1ee: {  	[sflag:s9] =	ssyncset.done $0x0  }
0x1ef: {  	[sflag:s9] =	ssyncadd.s32 $0xFFFFC000  }
0x1f0: {  	_ =	swait.ge [sflag:s9], $0x4000  }
0x1f1: {  	[sflag:s9] =	ssyncset.done $0x0  }
0x1f2: {  	[sflag:s9] =	ssyncadd.s32 $0xFFFFC000  }
0x1f3: {  	_ =	swait.ge [sflag:s9], $0x4000  }
0x1f4: {  	[sflag:s9] =	ssyncset.done $0x0  }
0x1f5: {  	[sflag:s9] =	ssyncadd.s32 $0xFFFFC000  }
0x1f6: {  	_ =	swait.ge [sflag:s9], $0x4000  }
0x1f7: {  	[sflag:s9] =	ssyncset.done $0x0  }
0x1f8: {  	[sflag:s9] =	ssyncadd.s32 $0xFFFFC000  }
0x1f9: {  	_ =	swait.ge [sflag:s9], $0x4000  }
0x1fa: {  	[sflag:s9] =	ssyncset.done $0x0  }
0x1fb: {  	[sflag:s9] =	ssyncadd.s32 $0xFFFFC000  }
0x1fc: {  	_ =	swait.ge [sflag:s9], $0x4000  }
0x1fd: {  	[sflag:s9] =	ssyncset.done $0x0  }
0x1fe: {  	[sflag:s9] =	ssyncadd.s32 $0xFFFFC000  }
0x1ff: {  	_ =	swait.ge [sflag:s9], $0x4000  }
0x200: {  	p1 =	sne.s32 s0, $0x1;
	[sflag:s9] =	ssyncset.done $0x0  }
.Ltmp2:
0x201: {  	[sflag:s9] =	ssyncadd.s32 $0xFFFFC000;
	(pc) =	sbr.rel @p1 .LBB2_2-.Ltmp2, $4  }
0x202: {  	[bflag:$0x0] =	sbarrier.arrive $0xFFFF  }
0x203: {  	[hbm:s4], [sflag:s3] =	dma.local [spmem:s6], $0x2800  }
0x204: {  	_ =	swait.ge [sflag:s5], $0x2800  }
0x205: {  	s0 =	sadd.s32 $0xFFFFFFFF, s0;
	s1 =	rddreg [dreg:$0x4];
	[sflag:s5] =	ssyncset.done $0x0  }
.LBB2_3:
0x206: {  	[sflag:s5] =	ssyncadd.s32 @p0 $0xFFFFD800  }
0x207: {  	[tilespmem:s20], [sflag:$0x1] =	stream.linear.gather [hbm4b:s31+s7], $0x400, $0x38;
	[tilespmem:$0x18800] =	vst v63  }
0x208: {  	[spmem:s6], [sflag:s3] =	dma.local [hbm:s1], $0x2800  }
0x209: {  	_ =	swait.ge [sflag:s5], $0x2800  }
0x20a: {  	[sflag:s5] =	ssyncset.done $0x0  }
0x20b: {  	s0 =	rddreg [dreg:$0x3];
	[sflag:s5] =	ssyncadd.s32 $0xFFFFD800  }
0x20c: {  	[tilespmem:s8], [sflag:$0x5] =	stream.linear.gather [hbm4b:s0+s7], $0x4000, $0x38;
	[tilespmem:$0x18800] =	vst v63  }
0x20d: {  	_ =	swait.ge [sflag:s5], $0x4000  }
0x20e: {  	[sflag:s5] =	ssyncset.done $0x0  }
0x20f: {  	[sflag:s5] =	ssyncadd.s32 $0xFFFFC000  }
0x210: {  	[bflag:$0x0] =	sbarrier.arrive $0xFFFF  }
0x211: {  	_ =	swait.ge [sflag:s29], $0x400  }
0x212: {  	[sflag:s29] =	ssyncset.done $0x0  }
0x213: {  	s1 =	rddreg [dreg:$0x5];
	[sflag:s29] =	ssyncadd.s32 $0xFFFFFC00  }
0x214: {  	[tilespmem:s11], [sflag:$0x2] =	stream.linear.gather [hbm4b:s1+s7], $0x400, $0x38;
	[tilespmem:$0x18800] =	vst v63  }
0x215: {  	_ = 	snop  }
0x216: {  	[spmem:s2] =	stream.indirect.scatter.add.f32 [tilespmem:s8], [sflag:$0x3], $0x80, s20, s10, $0xb8;
	[tilespmem:$0x18800] =	vst v63  }
0x217: {  	_ = 	snop  }
0x218: {  	[spmem:s2] =	stream.indirect.scatter.add.f32 [tilespmem:s8], [sflag:$0x3], $0x80, s22, s10, $0xb8;
	[tilespmem:$0x18800] =	vst v63  }
0x219: {  	_ = 	snop  }
0x21a: {  	[spmem:s2] =	stream.indirect.scatter.add.f32 [tilespmem:s8], [sflag:$0x3], $0x80, s23, s10, $0xb8;
	[tilespmem:$0x18800] =	vst v63  }
0x21b: {  	_ = 	snop  }
0x21c: {  	[spmem:s2] =	stream.indirect.scatter.add.f32 [tilespmem:s8], [sflag:$0x3], $0x80, s24, s10, $0xb8;
	[tilespmem:$0x18800] =	vst v63  }
0x21d: {  	_ = 	snop  }
0x21e: {  	[spmem:s2] =	stream.indirect.scatter.add.f32 [tilespmem:s8], [sflag:$0x3], $0x80, s25, s10, $0xb8;
	[tilespmem:$0x18800] =	vst v63  }
0x21f: {  	_ = 	snop  }
0x220: {  	[spmem:s2] =	stream.indirect.scatter.add.f32 [tilespmem:s8], [sflag:$0x3], $0x80, s26, s10, $0xb8;
	[tilespmem:$0x18800] =	vst v63  }
0x221: {  	_ = 	snop  }
0x222: {  	[spmem:s2] =	stream.indirect.scatter.add.f32 [tilespmem:s8], [sflag:$0x3], $0x80, s28, s10, $0xb8;
	[tilespmem:$0x18800] =	vst v63  }
0x223: {  	_ =	swait.ge [sflag:s21], $0x400  }
0x224: {  	[sflag:s21] =	ssyncset.done $0x0  }
0x225: {  	[sflag:s21] =	ssyncadd.s32 $0xFFFFFC00  }
0x226: {  	_ =	swait.ge [sflag:s13], $0x4000  }
0x227: {  	[sflag:s13] =	ssyncset.done $0x0  }
0x228: {  	[sflag:s13] =	ssyncadd.s32 $0xFFFFC000  }
0x229: {  	_ =	swait.ge [sflag:s13], $0x4000  }
0x22a: {  	[sflag:s13] =	ssyncset.done $0x0  }
0x22b: {  	[sflag:s13] =	ssyncadd.s32 $0xFFFFC000  }
0x22c: {  	_ =	swait.ge [sflag:s13], $0x4000  }
0x22d: {  	[sflag:s13] =	ssyncset.done $0x0  }
0x22e: {  	[sflag:s13] =	ssyncadd.s32 $0xFFFFC000  }
0x22f: {  	_ =	swait.ge [sflag:s13], $0x4000  }
0x230: {  	[sflag:s13] =	ssyncset.done $0x0  }
0x231: {  	[sflag:s13] =	ssyncadd.s32 $0xFFFFC000  }
0x232: {  	_ =	swait.ge [sflag:s13], $0x4000  }
0x233: {  	[sflag:s13] =	ssyncset.done $0x0  }
0x234: {  	[sflag:s13] =	ssyncadd.s32 $0xFFFFC000  }
0x235: {  	_ =	swait.ge [sflag:s13], $0x4000  }
0x236: {  	[sflag:s13] =	ssyncset.done $0x0  }
0x237: {  	[sflag:s13] =	ssyncadd.s32 $0xFFFFC000  }
0x238: {  	_ =	swait.ge [sflag:s13], $0x4000  }
0x239: {  	[sflag:s13] =	ssyncset.done $0x0  }
0x23a: {  	s31 =	rddreg [dreg:$0x6];
	[sflag:s13] =	ssyncadd.s32 $0xFFFFC000  }
0x23b: {  	[tilespmem:s20], [sflag:$0x1] =	stream.linear.gather [hbm4b:s31+s7], $0x400, $0x38;
	[tilespmem:$0x18800] =	vst v63  }
0x23c: {  	_ = 	snop  }
0x23d: {  	[spmem:s2] =	stream.indirect.scatter.add.f32 [tilespmem:s8], [sflag:$0x4], $0x80, s11, s10, $0xb8;
	[tilespmem:$0x18800] =	vst v63  }
0x23e: {  	_ = 	snop  }
0x23f: {  	[spmem:s2] =	stream.indirect.scatter.add.f32 [tilespmem:s8], [sflag:$0x4], $0x80, s12, s10, $0xb8;
	[tilespmem:$0x18800] =	vst v63  }
0x240: {  	_ = 	snop  }
0x241: {  	[spmem:s2] =	stream.indirect.scatter.add.f32 [tilespmem:s8], [sflag:$0x4], $0x80, s14, s10, $0xb8;
	[tilespmem:$0x18800] =	vst v63  }
0x242: {  	_ = 	snop  }
0x243: {  	[spmem:s2] =	stream.indirect.scatter.add.f32 [tilespmem:s8], [sflag:$0x4], $0x80, s15, s10, $0xb8;
	[tilespmem:$0x18800] =	vst v63  }
0x244: {  	_ = 	snop  }
0x245: {  	[spmem:s2] =	stream.indirect.scatter.add.f32 [tilespmem:s8], [sflag:$0x4], $0x80, s16, s10, $0xb8;
	[tilespmem:$0x18800] =	vst v63  }
0x246: {  	_ = 	snop  }
0x247: {  	[spmem:s2] =	stream.indirect.scatter.add.f32 [tilespmem:s8], [sflag:$0x4], $0x80, s17, s10, $0xb8;
	[tilespmem:$0x18800] =	vst v63  }
0x248: {  	_ = 	snop  }
0x249: {  	[spmem:s2] =	stream.indirect.scatter.add.f32 [tilespmem:s8], [sflag:$0x4], $0x80, s18, s10, $0xb8;
	[tilespmem:$0x18800] =	vst v63  }
0x24a: {  	_ =	swait.ge [sflag:s29], $0x400  }
0x24b: {  	[sflag:s29] =	ssyncset.done $0x0  }
0x24c: {  	[sflag:s29] =	ssyncadd.s32 $0xFFFFFC00  }
0x24d: {  	_ =	swait.ge [sflag:s9], $0x4000  }
0x24e: {  	[sflag:s9] =	ssyncset.done $0x0  }
0x24f: {  	[sflag:s9] =	ssyncadd.s32 $0xFFFFC000  }
0x250: {  	_ =	swait.ge [sflag:s9], $0x4000  }
0x251: {  	[sflag:s9] =	ssyncset.done $0x0  }
0x252: {  	[sflag:s9] =	ssyncadd.s32 $0xFFFFC000  }
0x253: {  	_ =	swait.ge [sflag:s9], $0x4000  }
0x254: {  	[sflag:s9] =	ssyncset.done $0x0  }
0x255: {  	[sflag:s9] =	ssyncadd.s32 $0xFFFFC000  }
0x256: {  	_ =	swait.ge [sflag:s9], $0x4000  }
0x257: {  	[sflag:s9] =	ssyncset.done $0x0  }
0x258: {  	[sflag:s9] =	ssyncadd.s32 $0xFFFFC000  }
0x259: {  	_ =	swait.ge [sflag:s9], $0x4000  }
0x25a: {  	[sflag:s9] =	ssyncset.done $0x0  }
0x25b: {  	[sflag:s9] =	ssyncadd.s32 $0xFFFFC000  }
0x25c: {  	_ =	swait.ge [sflag:s9], $0x4000  }
0x25d: {  	[sflag:s9] =	ssyncset.done $0x0  }
0x25e: {  	[sflag:s9] =	ssyncadd.s32 $0xFFFFC000  }
0x25f: {  	_ =	swait.ge [sflag:s9], $0x4000  }
0x260: {  	[sflag:s9] =	ssyncset.done $0x0  }
0x261: {  	s1 =	rddreg [dreg:$0x7];
	[sflag:s9] =	ssyncadd.s32 $0xFFFFC000  }
0x262: {  	[tilespmem:s11], [sflag:$0x2] =	stream.linear.gather [hbm4b:s1+s7], $0x400, $0x38;
	[tilespmem:$0x18800] =	vst v63  }
0x263: {  	_ = 	snop  }
0x264: {  	[spmem:s2] =	stream.indirect.scatter.add.f32 [tilespmem:s8], [sflag:$0x3], $0x80, s20, s10, $0xb8;
	[tilespmem:$0x18800] =	vst v63  }
0x265: {  	_ = 	snop  }
0x266: {  	[spmem:s2] =	stream.indirect.scatter.add.f32 [tilespmem:s8], [sflag:$0x3], $0x80, s22, s10, $0xb8;
	[tilespmem:$0x18800] =	vst v63  }
0x267: {  	_ = 	snop  }
0x268: {  	[spmem:s2] =	stream.indirect.scatter.add.f32 [tilespmem:s8], [sflag:$0x3], $0x80, s23, s10, $0xb8;
	[tilespmem:$0x18800] =	vst v63  }
0x269: {  	_ = 	snop  }
0x26a: {  	[spmem:s2] =	stream.indirect.scatter.add.f32 [tilespmem:s8], [sflag:$0x3], $0x80, s24, s10, $0xb8;
	[tilespmem:$0x18800] =	vst v63  }
0x26b: {  	_ = 	snop  }
0x26c: {  	[spmem:s2] =	stream.indirect.scatter.add.f32 [tilespmem:s8], [sflag:$0x3], $0x80, s25, s10, $0xb8;
	[tilespmem:$0x18800] =	vst v63  }
0x26d: {  	_ = 	snop  }
0x26e: {  	[spmem:s2] =	stream.indirect.scatter.add.f32 [tilespmem:s8], [sflag:$0x3], $0x80, s26, s10, $0xb8;
	[tilespmem:$0x18800] =	vst v63  }
0x26f: {  	_ = 	snop  }
0x270: {  	[spmem:s2] =	stream.indirect.scatter.add.f32 [tilespmem:s8], [sflag:$0x3], $0x80, s28, s10, $0xb8;
	[tilespmem:$0x18800] =	vst v63  }
0x271: {  	_ =	swait.ge [sflag:s21], $0x400  }
0x272: {  	[sflag:s21] =	ssyncset.done $0x0  }
0x273: {  	[sflag:s21] =	ssyncadd.s32 $0xFFFFFC00  }
0x274: {  	_ =	swait.ge [sflag:s13], $0x4000  }
0x275: {  	[sflag:s13] =	ssyncset.done $0x0  }
0x276: {  	[sflag:s13] =	ssyncadd.s32 $0xFFFFC000  }
0x277: {  	_ =	swait.ge [sflag:s13], $0x4000  }
0x278: {  	[sflag:s13] =	ssyncset.done $0x0  }
0x279: {  	[sflag:s13] =	ssyncadd.s32 $0xFFFFC000  }
0x27a: {  	_ =	swait.ge [sflag:s13], $0x4000  }
0x27b: {  	[sflag:s13] =	ssyncset.done $0x0  }
0x27c: {  	[sflag:s13] =	ssyncadd.s32 $0xFFFFC000  }
0x27d: {  	_ =	swait.ge [sflag:s13], $0x4000  }
0x27e: {  	[sflag:s13] =	ssyncset.done $0x0  }
0x27f: {  	[sflag:s13] =	ssyncadd.s32 $0xFFFFC000  }
0x280: {  	_ =	swait.ge [sflag:s13], $0x4000  }
0x281: {  	[sflag:s13] =	ssyncset.done $0x0  }
0x282: {  	[sflag:s13] =	ssyncadd.s32 $0xFFFFC000  }
0x283: {  	_ =	swait.ge [sflag:s13], $0x4000  }
0x284: {  	[sflag:s13] =	ssyncset.done $0x0  }
0x285: {  	[sflag:s13] =	ssyncadd.s32 $0xFFFFC000  }
0x286: {  	_ =	swait.ge [sflag:s13], $0x4000  }
0x287: {  	[sflag:s13] =	ssyncset.done $0x0  }
0x288: {  	[sflag:s13] =	ssyncadd.s32 $0xFFFFC000  }
0x289: {  	[tilespmem:s20], [sflag:$0x1] =	stream.linear.gather [hbm4b:s30+s7], $0x400, $0x38;
	[tilespmem:$0x18800] =	vst v63  }
0x28a: {  	_ = 	snop  }
0x28b: {  	[spmem:s2] =	stream.indirect.scatter.add.f32 [tilespmem:s8], [sflag:$0x4], $0x80, s11, s10, $0xb8;
	[tilespmem:$0x18800] =	vst v63  }
0x28c: {  	_ = 	snop  }
0x28d: {  	[spmem:s2] =	stream.indirect.scatter.add.f32 [tilespmem:s8], [sflag:$0x4], $0x80, s12, s10, $0xb8;
	[tilespmem:$0x18800] =	vst v63  }
0x28e: {  	_ = 	snop  }
0x28f: {  	[spmem:s2] =	stream.indirect.scatter.add.f32 [tilespmem:s8], [sflag:$0x4], $0x80, s14, s10, $0xb8;
	[tilespmem:$0x18800] =	vst v63  }
0x290: {  	_ = 	snop  }
0x291: {  	[spmem:s2] =	stream.indirect.scatter.add.f32 [tilespmem:s8], [sflag:$0x4], $0x80, s15, s10, $0xb8;
	[tilespmem:$0x18800] =	vst v63  }
0x292: {  	_ = 	snop  }
0x293: {  	[spmem:s2] =	stream.indirect.scatter.add.f32 [tilespmem:s8], [sflag:$0x4], $0x80, s16, s10, $0xb8;
	[tilespmem:$0x18800] =	vst v63  }
0x294: {  	_ = 	snop  }
0x295: {  	[spmem:s2] =	stream.indirect.scatter.add.f32 [tilespmem:s8], [sflag:$0x4], $0x80, s17, s10, $0xb8;
	[tilespmem:$0x18800] =	vst v63  }
0x296: {  	_ = 	snop  }
0x297: {  	[spmem:s2] =	stream.indirect.scatter.add.f32 [tilespmem:s8], [sflag:$0x4], $0x80, s18, s10, $0xb8;
	[tilespmem:$0x18800] =	vst v63  }
0x298: {  	_ =	swait.ge [sflag:s29], $0x400  }
0x299: {  	[sflag:s29] =	ssyncset.done $0x0  }
0x29a: {  	[sflag:s29] =	ssyncadd.s32 $0xFFFFFC00  }
0x29b: {  	_ =	swait.ge [sflag:s9], $0x4000  }
0x29c: {  	[sflag:s9] =	ssyncset.done $0x0  }
0x29d: {  	[sflag:s9] =	ssyncadd.s32 $0xFFFFC000  }
0x29e: {  	_ =	swait.ge [sflag:s9], $0x4000  }
0x29f: {  	[sflag:s9] =	ssyncset.done $0x0  }
0x2a0: {  	[sflag:s9] =	ssyncadd.s32 $0xFFFFC000  }
0x2a1: {  	_ =	swait.ge [sflag:s9], $0x4000  }
0x2a2: {  	[sflag:s9] =	ssyncset.done $0x0  }
0x2a3: {  	[sflag:s9] =	ssyncadd.s32 $0xFFFFC000  }
0x2a4: {  	_ =	swait.ge [sflag:s9], $0x4000  }
0x2a5: {  	[sflag:s9] =	ssyncset.done $0x0  }
0x2a6: {  	[sflag:s9] =	ssyncadd.s32 $0xFFFFC000  }
0x2a7: {  	_ =	swait.ge [sflag:s9], $0x4000  }
0x2a8: {  	[sflag:s9] =	ssyncset.done $0x0  }
0x2a9: {  	[sflag:s9] =	ssyncadd.s32 $0xFFFFC000  }
0x2aa: {  	_ =	swait.ge [sflag:s9], $0x4000  }
0x2ab: {  	[sflag:s9] =	ssyncset.done $0x0  }
0x2ac: {  	[sflag:s9] =	ssyncadd.s32 $0xFFFFC000  }
0x2ad: {  	_ =	swait.ge [sflag:s9], $0x4000  }
0x2ae: {  	[sflag:s9] =	ssyncset.done $0x0  }
0x2af: {  	[sflag:s9] =	ssyncadd.s32 $0xFFFFC000  }
0x2b0: {  	[tilespmem:s11], [sflag:$0x2] =	stream.linear.gather [hbm4b:s19+s7], $0x400, $0x38;
	[tilespmem:$0x18800] =	vst v63  }
0x2b1: {  	_ = 	snop  }
0x2b2: {  	[spmem:s2] =	stream.indirect.scatter.add.f32 [tilespmem:s8], [sflag:$0x3], $0x80, s20, s10, $0xb8;
	[tilespmem:$0x18800] =	vst v63  }
0x2b3: {  	_ = 	snop  }
0x2b4: {  	[spmem:s2] =	stream.indirect.scatter.add.f32 [tilespmem:s8], [sflag:$0x3], $0x80, s22, s10, $0xb8;
	[tilespmem:$0x18800] =	vst v63  }
0x2b5: {  	_ = 	snop  }
0x2b6: {  	[spmem:s2] =	stream.indirect.scatter.add.f32 [tilespmem:s8], [sflag:$0x3], $0x80, s23, s10, $0xb8;
	[tilespmem:$0x18800] =	vst v63  }
0x2b7: {  	_ = 	snop  }
0x2b8: {  	[spmem:s2] =	stream.indirect.scatter.add.f32 [tilespmem:s8], [sflag:$0x3], $0x80, s24, s10, $0xb8;
	[tilespmem:$0x18800] =	vst v63  }
0x2b9: {  	_ = 	snop  }
0x2ba: {  	[spmem:s2] =	stream.indirect.scatter.add.f32 [tilespmem:s8], [sflag:$0x3], $0x80, s25, s10, $0xb8;
	[tilespmem:$0x18800] =	vst v63  }
0x2bb: {  	_ = 	snop  }
0x2bc: {  	[spmem:s2] =	stream.indirect.scatter.add.f32 [tilespmem:s8], [sflag:$0x3], $0x80, s26, s10, $0xb8;
	[tilespmem:$0x18800] =	vst v63  }
0x2bd: {  	_ = 	snop  }
0x2be: {  	[spmem:s2] =	stream.indirect.scatter.add.f32 [tilespmem:s8], [sflag:$0x3], $0x80, s28, s10, $0xb8;
	[tilespmem:$0x18800] =	vst v63  }
0x2bf: {  	_ =	swait.ge [sflag:s21], $0x400  }
0x2c0: {  	[sflag:s21] =	ssyncset.done $0x0  }
0x2c1: {  	[sflag:s21] =	ssyncadd.s32 $0xFFFFFC00  }
0x2c2: {  	_ =	swait.ge [sflag:s13], $0x4000  }
0x2c3: {  	[sflag:s13] =	ssyncset.done $0x0  }
0x2c4: {  	[sflag:s13] =	ssyncadd.s32 $0xFFFFC000  }
0x2c5: {  	_ =	swait.ge [sflag:s13], $0x4000  }
0x2c6: {  	[sflag:s13] =	ssyncset.done $0x0  }
0x2c7: {  	[sflag:s13] =	ssyncadd.s32 $0xFFFFC000  }
0x2c8: {  	_ =	swait.ge [sflag:s13], $0x4000  }
0x2c9: {  	[sflag:s13] =	ssyncset.done $0x0  }
0x2ca: {  	[sflag:s13] =	ssyncadd.s32 $0xFFFFC000  }
0x2cb: {  	_ =	swait.ge [sflag:s13], $0x4000  }
0x2cc: {  	[sflag:s13] =	ssyncset.done $0x0  }
0x2cd: {  	[sflag:s13] =	ssyncadd.s32 $0xFFFFC000  }
0x2ce: {  	_ =	swait.ge [sflag:s13], $0x4000  }
0x2cf: {  	[sflag:s13] =	ssyncset.done $0x0  }
0x2d0: {  	[sflag:s13] =	ssyncadd.s32 $0xFFFFC000  }
0x2d1: {  	_ =	swait.ge [sflag:s13], $0x4000  }
0x2d2: {  	[sflag:s13] =	ssyncset.done $0x0  }
0x2d3: {  	[sflag:s13] =	ssyncadd.s32 $0xFFFFC000  }
0x2d4: {  	_ =	swait.ge [sflag:s13], $0x4000  }
0x2d5: {  	[sflag:s13] =	ssyncset.done $0x0  }
0x2d6: {  	[sflag:s13] =	ssyncadd.s32 $0xFFFFC000  }
0x2d7: {  	[spmem:s2] =	stream.indirect.scatter.add.f32 [tilespmem:s8], [sflag:$0x4], $0x80, s11, s10, $0xb8;
	[tilespmem:$0x18800] =	vst v63  }
0x2d8: {  	_ = 	snop  }
0x2d9: {  	[spmem:s2] =	stream.indirect.scatter.add.f32 [tilespmem:s8], [sflag:$0x4], $0x80, s12, s10, $0xb8;
	[tilespmem:$0x18800] =	vst v63  }
0x2da: {  	_ = 	snop  }
0x2db: {  	[spmem:s2] =	stream.indirect.scatter.add.f32 [tilespmem:s8], [sflag:$0x4], $0x80, s14, s10, $0xb8;
	[tilespmem:$0x18800] =	vst v63  }
0x2dc: {  	_ = 	snop  }
0x2dd: {  	[spmem:s2] =	stream.indirect.scatter.add.f32 [tilespmem:s8], [sflag:$0x4], $0x80, s15, s10, $0xb8;
	[tilespmem:$0x18800] =	vst v63  }
0x2de: {  	_ = 	snop  }
0x2df: {  	[spmem:s2] =	stream.indirect.scatter.add.f32 [tilespmem:s8], [sflag:$0x4], $0x80, s16, s10, $0xb8;
	[tilespmem:$0x18800] =	vst v63  }
0x2e0: {  	_ = 	snop  }
0x2e1: {  	[spmem:s2] =	stream.indirect.scatter.add.f32 [tilespmem:s8], [sflag:$0x4], $0x80, s17, s10, $0xb8;
	[tilespmem:$0x18800] =	vst v63  }
0x2e2: {  	_ = 	snop  }
0x2e3: {  	[spmem:s2] =	stream.indirect.scatter.add.f32 [tilespmem:s8], [sflag:$0x4], $0x80, s18, s10, $0xb8;
	[tilespmem:$0x18800] =	vst v63  }
0x2e4: {  	_ =	swait.ge [sflag:s9], $0x4000  }
0x2e5: {  	[sflag:s9] =	ssyncset.done $0x0  }
0x2e6: {  	[sflag:s9] =	ssyncadd.s32 $0xFFFFC000  }
0x2e7: {  	_ =	swait.ge [sflag:s9], $0x4000  }
0x2e8: {  	[sflag:s9] =	ssyncset.done $0x0  }
0x2e9: {  	[sflag:s9] =	ssyncadd.s32 $0xFFFFC000  }
0x2ea: {  	_ =	swait.ge [sflag:s9], $0x4000  }
0x2eb: {  	[sflag:s9] =	ssyncset.done $0x0  }
0x2ec: {  	[sflag:s9] =	ssyncadd.s32 $0xFFFFC000  }
0x2ed: {  	_ =	swait.ge [sflag:s9], $0x4000  }
0x2ee: {  	[sflag:s9] =	ssyncset.done $0x0  }
0x2ef: {  	[sflag:s9] =	ssyncadd.s32 $0xFFFFC000  }
0x2f0: {  	_ =	swait.ge [sflag:s9], $0x4000  }
0x2f1: {  	[sflag:s9] =	ssyncset.done $0x0  }
0x2f2: {  	[sflag:s9] =	ssyncadd.s32 $0xFFFFC000  }
0x2f3: {  	_ =	swait.ge [sflag:s9], $0x4000  }
0x2f4: {  	[sflag:s9] =	ssyncset.done $0x0  }
0x2f5: {  	[sflag:s9] =	ssyncadd.s32 $0xFFFFC000  }
0x2f6: {  	_ =	swait.ge [sflag:s9], $0x4000  }
0x2f7: {  	[sflag:s9] =	ssyncset.done $0x0  }
0x2f8: {  	[sflag:s9] =	ssyncadd.s32 $0xFFFFC000  }
0x2f9: {  	[bflag:$0x0] =	sbarrier.arrive $0xFFFF  }
0x2fa: {  	[hbm:s4], [sflag:s3] =	dma.local [spmem:s6], $0x2800  }
0x2fb: {  	_ =	swait.ge [sflag:s5], $0x2800  }
0x2fc: {  	[sflag:s5] =	ssyncset.done $0x0  }
0x2fd: {  	[sflag:s5] =	ssyncadd.s32 $0xFFFFD800  }
0x2fe: {  	_ =	sfence.sel $0x180000  }
0x2ff: {  	[bflag:$0x0] =	sbarrier.arrive $0xFFFF  }
0x300: {  	_ =	strace $0x90000047  }
0x301: {  	s31 =	stileid.u32;
	[bflag:$0x2] =	sbarrier.arrive $0xFFFF  }
0x302: {  	p0 =	sne.s32 s31, $0x0;
	s0 =	rddreg [dreg:$0x2]  }
0x303: {  	s0 =	sadd.s32 @!p0 $0x100000, s0  }
0x304: {  	[sflag:s0] =	ssyncadd.tile.s32 @!p0 $0x1;
	_ =	shalt  }
.Lfunc_end2:
_tile_overlayer_lowered:
.L_overlay_start_2:
0x305: {  	(tag) =	ssettag $0x2  }
0x306: {  	s0 =	rddreg [dreg:$0x0];
	s2 =	stileid.u32  }
0x307: {  	s1 =	rddreg [dreg:$0x1];
	p0 =	sne.s32 s2, $0x0  }
0x308: {  	s3 =	rddreg [dreg:$0x2];
	[bflag:$0x3] =	sbarrier.arrive $0xFFFF;
	s2 =	simm.s32 @!p0 $0x1C01  }
0x309: {  	[timem:s3], [sflag:s2] =	dma.local @!p0 [hbm:s0], s1  }
0x30a: {  	s0 =	simm.s32 @!p0 $0x1  }
0x30b: {  	_ =	swait.ge @!p0 [sflag:s0], s1  }
0x30c: {  	s1 =	ssub.s32 @!p0 $0x0, s1;
	[sflag:s0] =	ssyncset.done @!p0 $0x0  }
0x30d: {  	[sflag:s0] =	ssyncadd.s32 @!p0 s1  }
0x30e: {  	[bflag:$0x3] =	sbarrier.arrive $0xFFFF  }
0x30f: {  	_ =	shalt  }

// kernel: kernel.13.cloned.1.call-start
scs
__scs_entry_jumppad:
0x0: {  	(pc) =	sbr.rel $0x88, $3  }
0x1: {  	(tag) =	ssettag $0x0;
	lr =	simm.s32 $0x1  }
0x2: {  	[smem:$0x3F9C] =	sst lr;
	_ =	strace $0xD0000000  }
0x3: {  	_ = 	snop  }
0x4: {  	_ = 	snop  }
0x5: {  	_ = 	snop  }
0x6: {  	_ = 	snop  }
0x7: {  	_ = 	snop  }
__scs_overlays_trampoline_lowered:
0x8: {  	[smem:$0x3FAB] =	sst s0  }
0x9: {  	[smem:$0x3FAC] =	sst s1  }
0xa: {  	[smem:$0x3FAD] =	sst s2  }
0xb: {  	[smem:$0x3FAE] =	sst s3  }
0xc: {  	[smem:$0x3FAF] =	sst s4  }
0xd: {  	[smem:$0x3FB0] =	sst s5  }
0xe: {  	[smem:$0x3FB1] =	sst s6  }
0xf: {  	[smem:$0x3FB2] =	sst s7  }
0x10: {  	[smem:$0x3FB3] =	sst s8  }
0x11: {  	[smem:$0x3FB4] =	sst s9;
	s0 =	simm.s32 @!p0 $0x0  }
0x12: {  	s1 =	sld [smem:$0x3F9A];
	s0 =	simm.s32 @p0 $0x1  }
0x13: {  	[smem:$0x3FB5] =	sst s0;
	s0 =	simm.s32 @!p1 $0x0  }
0x14: {  	s2 =	sld [smem:$0x3F99];
	s0 =	simm.s32 @p1 $0x1  }
0x15: {  	[smem:$0x3FB6] =	sst s0;
	s0 =	simm.s32 @!p2 $0x0  }
0x16: {  	s3 =	sld [smem:$0x3FDB];
	s0 =	simm.s32 @p2 $0x1  }
0x17: {  	s4 =	simm.s32 $0x1BF5;
	[smem:$0x3FB8] =	sst s0  }
0x18: {  	s0 =	sld [smem:$0x3F9B];
	_ =	swait.ge [sflag:s4], $0x0  }
0x19: {  	s7 =	sld [smem:$0x3F9C]  }
0x1a: {  	s8 =	sadd.s32 $0xFFFFE003, lr  }
0x1b: {  	s9 =	sadd.s32 $0xFFFFFEF7, lr;
	s5 =	simm.s32 $0xFFFFFFFF;
	p2 =	slt.u32 s8, $0xFFFFF086  }
0x1c: {  	p1 =	slt.u32 s9, $0xF7A;
	s5 =	simm.s32 @!p2 $0x0  }
0x1d: {  	s5 =	simm.s32 @p1 $0x1;
	p0 =	seq.s32 s7, s2  }
0x1e: {  	s7 =	smul.u32 @!p0 $0xF7A, s2;
	p2 =	seq.s32 @!p0 s5, $0x0  }
0x1f: {  	s9 =	smul.u32 $0xF7A, s1;
	s8 =	simm.s32 @!p0 $0x1BF5;
	p2 =	por !p2, p0  }
0x20: {  	[sflag:s8] =	ssyncset.s32 @!p0 $0xFFFFF086;
	s6 =	sadd.s32 @!p0 s3, s7;
	s7 =	simm.s32 @!p0 $0x108  }
0x21: {  	s3 =	sadd.s32 s3, s9;
	s6 =	sadd.s32 @!p0 $0x88, s6;
	s7 =	simm.s32 @p2 $0x1082  }
0x22: {  	[simem:s7], [sflag:s8] =	dma.local @!p0 [hbm:s6], $0xF7A  }
0x23: {  	s9 =	sor.u32 $0xD0000000, s2;
	s6 =	simm.s32 $0x108;
	_ =	swait.ge @!p0 [sflag:s8], $0x0  }
0x24: {  	s3 =	sadd.s32 $0x88, s3;
	s6 =	simm.s32 @!p1 $0x1082;
	[sflag:s4] =	ssyncset.s32 $0xFFFFF086  }
0x25: {  	[simem:s6], [sflag:s4] =	dma.local [hbm:s3], $0xF7A  }
0x26: {  	[smem:$0x3F9C] =	sst s1;
	(tag) =	ssettag s2;
	_ =	strace s9  }
0x27: {  	s1 =	sld [smem:$0x3FAC]  }
0x28: {  	s2 =	sld [smem:$0x3FAD]  }
0x29: {  	s4 =	sld [smem:$0x3FAF]  }
0x2a: {  	p0 =	seq.s32 s5, $0x0;
	s5 =	sld [smem:$0x3FB0]  }
0x2b: {  	s6 =	sld [smem:$0x3FB1]  }
0x2c: {  	s7 =	sld [smem:$0x3FB2]  }
0x2d: {  	s3 =	simm.s32 $0x108;
	s8 =	sld [smem:$0x3FB3]  }
0x2e: {  	s3 =	simm.s32 @!p0 $0x1082;
	s9 =	sld [smem:$0x3FB4]  }
0x2f: {  	lr =	sadd.s32 s0, s3;
	s0 =	sld [smem:$0x3FAB]  }
0x30: {  	s3 =	sld [smem:$0x3FAE]  }
0x31: {  	[smem:$0x3FB7] =	sst s10  }
0x32: {  	s10 =	sld [smem:$0x3FB5];
	_ =	sdelay $0x3  }
0x33: {  	p0 =	seq.s32 s10, $0x1;
	s10 =	sld [smem:$0x3FB7];
	_ =	sdelay $0x3  }
0x34: {  	[smem:$0x3FB7] =	sst s10  }
0x35: {  	s10 =	sld [smem:$0x3FB6];
	_ =	sdelay $0x3  }
0x36: {  	p1 =	seq.s32 s10, $0x1;
	s10 =	sld [smem:$0x3FB7];
	_ =	sdelay $0x3  }
0x37: {  	[smem:$0x3FB7] =	sst s10  }
0x38: {  	s10 =	sld [smem:$0x3FB8]  }
0x39: {  	_ = 	snop;
	(pc) =	sbr.ind lr, $3  }
0x3a: {  	_ = 	snop  }
0x3b: {  	_ = 	snop  }
0x3c: {  	p2 =	seq.s32 s10, $0x1;
	s10 =	sld [smem:$0x3FB7]  }
0x3d: {  	_ =	shalt  }
0x3e: {  	_ =	shalt  }
0x3f: {  	_ =	shalt  }
0x40: {  	_ =	shalt  }
0x41: {  	_ =	shalt  }
0x42: {  	_ =	shalt  }
0x43: {  	_ =	shalt  }
0x44: {  	_ =	shalt  }
0x45: {  	_ =	shalt  }
0x46: {  	_ =	shalt  }
0x47: {  	_ =	shalt  }
0x48: {  	_ =	shalt  }
0x49: {  	_ =	shalt  }
0x4a: {  	_ =	shalt  }
0x4b: {  	_ =	shalt  }
0x4c: {  	_ =	shalt  }
0x4d: {  	_ =	shalt  }
0x4e: {  	_ =	shalt  }
0x4f: {  	_ =	shalt  }
0x50: {  	_ =	shalt  }
0x51: {  	_ =	shalt  }
0x52: {  	_ =	shalt  }
0x53: {  	_ =	shalt  }
0x54: {  	_ =	shalt  }
0x55: {  	_ =	shalt  }
0x56: {  	_ =	shalt  }
0x57: {  	_ =	shalt  }
0x58: {  	_ =	shalt  }
0x59: {  	_ =	shalt  }
0x5a: {  	_ =	shalt  }
0x5b: {  	_ =	shalt  }
0x5c: {  	_ =	shalt  }
0x5d: {  	_ =	shalt  }
0x5e: {  	_ =	shalt  }
0x5f: {  	_ =	shalt  }
0x60: {  	_ =	shalt  }
0x61: {  	_ =	shalt  }
0x62: {  	_ =	shalt  }
0x63: {  	_ =	shalt  }
0x64: {  	_ =	shalt  }
0x65: {  	_ =	shalt  }
0x66: {  	_ =	shalt  }
0x67: {  	_ =	shalt  }
0x68: {  	_ =	shalt  }
0x69: {  	_ =	shalt  }
0x6a: {  	_ =	shalt  }
0x6b: {  	_ =	shalt  }
0x6c: {  	_ =	shalt  }
0x6d: {  	_ =	shalt  }
0x6e: {  	_ =	shalt  }
0x6f: {  	_ =	shalt  }
0x70: {  	_ =	shalt  }
0x71: {  	_ =	shalt  }
0x72: {  	_ =	shalt  }
0x73: {  	_ =	shalt  }
0x74: {  	_ =	shalt  }
0x75: {  	_ =	shalt  }
0x76: {  	_ =	shalt  }
0x77: {  	_ =	shalt  }
0x78: {  	_ =	shalt  }
0x79: {  	_ =	shalt  }
0x7a: {  	_ =	shalt  }
0x7b: {  	_ =	shalt  }
0x7c: {  	_ =	shalt  }
0x7d: {  	_ =	shalt  }
0x7e: {  	_ =	shalt  }
0x7f: {  	_ =	shalt  }
0x80: {  	_ =	shalt  }
0x81: {  	_ =	shalt  }
0x82: {  	_ =	shalt  }
0x83: {  	_ =	shalt  }
0x84: {  	_ =	shalt  }
0x85: {  	_ =	shalt  }
0x86: {  	_ =	shalt  }
0x87: {  	_ =	shalt  }
.Lfunc_end0:
.L_simem_size_0:
called_computation.1_lowered:
.L_overlay_start_0:
0x88: {  	s2 =	sld [smem:$0x3FD9]  }
0x89: {  	s3 =	sld [smem:$0x3FFE];
	_ =	sdelay $0x1  }
0x8a: {  	s1 =	srdreg.scid  }
0x8b: {  	s0 =	sand.u32 $0x1, s1  }
0x8c: {  	s17 =	sshll.u32 s0, $0xA;
	s2 =	sadd.s32 s3, s2  }
0x8d: {  	s2 =	sadd.s32 s2, s17  }
0x8e: {  	[smem:$0x3FC3] =	sst s2  }
0x8f: {  	_ = 	snop  }
0x90: {  	s2 =	sld [smem:$0x3FD0];
	(tm) =	ssettm $0x1  }
0x91: {  	s18 =	sld [smem:$0x3FFB];
	_ =	sdelay $0x3  }
0x92: {  	_ =	strace s18  }
0x93: {  	s3 =	sld [smem:$0x3FFC];
	_ =	sdelay $0x3  }
0x94: {  	_ =	strace s3  }
0x95: {  	s3 =	sld [smem:$0x3FFD];
	_ =	sdelay $0x3  }
0x96: {  	_ =	strace s3  }
0x97: {  	_ =	strace $0x8FFFFFFF  }
0x98: {  	s19 =	sld [smem:$0x3FDB];
	_ =	sdelay $0x1  }
0x99: {  	s4 =	simm.s32 $_scs_section_size  }
0x9a: {  	s5 =	simm.s32 $_size__tile_overlayer_lowered;
	s6 =	simm.s32 $_tile_overlayer_lowered  }
0x9b: {  	s22 =	simm.s32 $0x1BFF;
	s21 =	sshll.u32 s6, $0x1;
	s3 =	sadd.s32 s4, s19  }
0x9c: {  	s7 =	simm.s32 $0x0;
	s20 =	sshll.u32 s5, $0x1;
	s5 =	sadd.s32 s21, s3  }
0x9d: {  	[timem:s7], [sflag:s22] =	dma.local [hbm:s5], s20  }
0x9e: {  	_ =	swait.ge [sflag:s22], s20  }
0x9f: {  	s4 =	ssub.s32 $0x0, s20;
	[sflag:s22] =	ssyncset.done $0x0  }
0xa0: {  	[sflag:s22] =	ssyncadd.s32 s4;
	_ =	sdelay $0x1  }
0xa1: {  	s23 =	simm.s32 $0x1B8B  }
0xa2: {  	_ =	swait.ge [sflag:s23], $0x1  }
0xa3: {  	[sflag:s23] =	ssyncset.done $0x0  }
0xa4: {  	s25 =	simm.s32 $0x1B8E;
	s24 =	sld [smem:$0x3FFE];
	[sflag:s23] =	ssyncadd.s32 $0xFFFFFFFF  }
0xa5: {  	s26 =	simm.s32 $execute0_lowered;
	[smem:$0x3FD2] =	sst s25  }
0xa6: {  	s5 =	sshll.u32 s26, $0x1;
	_ =	strace $0x80000049;
	[dreg:$0x1] =	wrdreg $0xFFFFFFFF  }
0xa7: {  	s28 =	simm.s32 $_size_execute0_lowered;
	s3 =	sadd.s32 s3, s5;
	[dreg:$0x0] =	wrdreg $0x0  }
0xa8: {  	s5 =	sshll.u32 s28, $0x1;
	[dreg:$0x2] =	wrdreg s3  }
0xa9: {  	[dreg:$0x3] =	wrdreg s5  }
0xaa: {  	[dreg:$0x4] =	wrdreg $0xC0  }
0xab: {  	_ =	task [dreg:s7], $0x5FFFF  }
0xac: {  	[dreg:$0x1] =	wrdreg $0xFFFFFFFF  }
0xad: {  	[dreg:$0x0] =	wrdreg $0x60  }
0xae: {  	[dreg:$0x2] =	wrdreg s24  }
0xaf: {  	[dreg:$0x3] =	wrdreg s2  }
0xb0: {  	[dreg:$0x4] =	wrdreg $0x0  }
0xb1: {  	[dreg:$0x5] =	wrdreg $0x9  }
0xb2: {  	_ =	task.clear_ibuf [dreg:s7], $0x6FFFF;
	_ =	strace $0x90000049  }
0xb3: {  	s29 =	simm.s32 $0x9;
	_ =	strace $0x8000004B  }
0xb4: {  	_ =	swait.ge [sflag:s29], $0x1  }
0xb5: {  	[sflag:s29] =	ssyncadd.s32 $0xFFFFFFFF  }
0xb6: {  	_ =	strace $0x9000004B  }
0xb7: {  	_ =	sfence  }
0xb8: {  	s30 =	sld [smem:$0x0];
	_ =	sdelay $0x2  }
0xb9: {  	s31 =	sshll.u32 s1, $0xD;
	s1 =	sshrl.u32 s1, $0x2  }
0xba: {  	s3 =	sand.u32 $0x4000, s31;
	s1 =	sadd.s32 s1, s30  }
0xbb: {  	s0 =	sor.u32 s3, s0;
	s1 =	sshll.u32 s1, $0x11  }
0xbc: {  	s0 =	sor.u32 s1, s0  }
0xbd: {  	s0 =	sadd.s32 $0x8F2B, s0  }
0xbe: {  	[sflag:s0] =	ssyncadd.remote.s32 $0x1  }
0xbf: {  	_ =	sfence.sel $0xFFFF  }
0xc0: {  	[dreg:$0x0] =	wrdreg $0xFFFFFFFF;
	(pc) =	sbr.abs _section_cstart, $3  }
0xc1: {  	[dreg:$0x1] =	wrdreg $0xFFFFFFFF  }
0xc2: {  	_ =	task.clear_ibuf [dreg:s7], $0x2FFFF;
	_ =	strace $0x9FFFFFFF  }
0xc3: {  	(tm) =	ssettm $0x7FFFFFFF  }
tec
execute0_lowered:
.L_overlay_start_1:
0x0: {  	(tag) =	ssettag $0x1  }
0x1: {  	s0 =	rddreg [dreg:$0x0]  }
0x2: {  	s2 =	rddreg [dreg:$0x1]  }
0x3: {  	s1 =	rddreg [dreg:$0x2]  }
0x4: {  	s3 =	srdreg.scid;
	s10 =	stileid.u32;
	s28 =	simm.s32 $0x1BD80  }
0x5: {  	s29 =	simm.s32 $0x6;
	s30 =	simm.s32 $0x3;
	s7 =	smul.u32 $0x13C00, s10  }
0x6: {  	s31 =	simm.s32 $0x4;
	s5 =	sand.u32 $0x1, s3;
	s13 =	smul.u32 $0xA800, s10  }
0x7: {  	s3 =	simm.s32 $0x0;
	s4 =	sadd.s32 $0xAB600, s0;
	s14 =	smul.u32 $0x4F000, s10  }
0x8: {  	s9 =	sadd.s32 $0x2600, s0;
	s19 =	sshll.u32 s10, $0x6;
	s6 =	smul.u32 $0x140000, s5  }
0x9: {  	[smem:$0x7FF] =	sst s3;
	s8 =	smul.u32 $0xA8000, s5;
	s5 =	ssub.s32 $0x2, s5  }
0xa: {  	_ =	strace $0x8000004A;
	[dreg:$0x4] =	wrdreg s9;
	s15 =	sshrl.u32 s5, $0x1  }
0xb: {  	s17 =	sshrl.u32 s14, $0x2;
	s6 =	sadd.s32 s7, s6;
	s8 =	sadd.s32 s13, s8  }
0xc: {  	s5 =	ssub.s32 s5, s15;
	s18 =	sadd.s32 s17, s1;
	s7 =	sor.u32 $0x1C07, s19  }
0xd: {  	s15 =	simm.s32 $0x1BC00;
	s17 =	simm.s32 $0x7;
	s19 =	simm.s32 $0x80  }
0xe: {  	s6 =	sshrl.u32 s6, $0x3;
	s16 =	sshrl.u32 s8, $0x3;
	s20 =	sor.u32 $0x400, s8  }
0xf: {  	s5 =	smax.u32 s5, $0x1;
	s21 =	sadd.s32 $0x800, s8;
	s23 =	sadd.s32 $0x1000, s8  }
0x10: {  	s25 =	sadd.s32 $0xC00, s8;
	s0 =	sadd.s32 s6, s0;
	s6 =	sadd.s32 s2, s16  }
0x11: {  	[dreg:$0x7] =	wrdreg s5;
	s22 =	sshrl.u32 s21, $0x3;
	s24 =	sshrl.u32 s23, $0x3  }
0x12: {  	s26 =	sshrl.u32 s25, $0x3;
	s16 =	sshrl.u32 s18, $0x3;
	s18 =	simm.s32 $0x5  }
0x13: {  	s21 =	simm.s32 $0x1BC80;
	s23 =	simm.s32 $0x1C000;
	s25 =	simm.s32 $0x1BD00  }
0x14: {  	s5 =	simm.s32 $0x1C180;
	[dreg:$0x5] =	wrdreg s6;
	s0 =	sadd.s32 $0xFB600, s0  }
0x15: {  	s13 =	sadd.s32 s24, s2;
	s14 =	sadd.s32 s26, s2;
	s24 =	simm.s32 $0x1  }
0x16: {  	s26 =	simm.s32 $0x2;
	[dreg:$0x6] =	wrdreg s0;
	s0 =	sshrl.u32 s20, $0x3  }
0x17: {  	s6 =	simm.s32 $0x0;
	s20 =	simm.s32 $0x13C00;
	s10 =	sadd.s32 s2, s0  }
0x18: {  	s0 =	sadd.s32 s2, s22;
	s22 =	simm.s32 $0x17C00;
	s2 =	simm.s32 $0x1C100  }
0x19: {  	[dreg:$0x8] =	wrdreg s0;
	s12 =	sadd.s32 $0x1400, s10;
	s0 =	simm.s32 $0x1C080  }
.LBB2_1:
0x1a: {  	s8 =	rddreg [dreg:$0x5]  }
0x1b: {  	s9 =	rddreg [dreg:$0x4]  }
0x1c: {  	[tilespmem:s15], [sflag:$0x5] =	stream.linear.gather [hbm4b:s8+s3], $0x400, $0x38;
	[tilespmem:$0x1C400] =	vst v63  }
0x1d: {  	[spmem:s16], [sflag:s7] =	dma.local [hbm:s9], $0x2780  }
0x1e: {  	_ =	swait.ge [sflag:s17], $0x2780  }
0x1f: {  	[sflag:s17] =	ssyncset.done $0x0  }
0x20: {  	[sflag:s17] =	ssyncadd.s32 $0xFFFFD880  }
0x21: {  	[bflag:$0x0] =	sbarrier.arrive $0xFFFF  }
0x22: {  	_ =	swait.ge [sflag:s18], $0x400  }
0x23: {  	[sflag:s18] =	ssyncset.done $0x0  }
0x24: {  	[sflag:s18] =	ssyncadd.s32 $0xFFFFFC00  }
0x25: {  	[tilespmem:s20], [sflag:$0x1] =	stream.indirect.gather [hbm4b:s4+s19], $0x80, s15, s19, $0xb8;
	[tilespmem:$0x1C400] =	vst v63  }
0x26: {  	_ = 	snop  }
0x27: {  	[tilespmem:s22], [sflag:$0x2] =	stream.indirect.gather [hbm4b:s4+s19], $0x80, s21, s19, $0xb8;
	[tilespmem:$0x1C400] =	vst v63  }
0x28: {  	_ = 	snop  }
0x29: {  	[tilespmem:s23], [sflag:$0x6] =	stream.linear.gather [hbm4b:s10+s3], $0x400, $0x38;
	[tilespmem:$0x1C400] =	vst v63  }
0x2a: {  	_ =	swait.ge [sflag:s24], $0x4000  }
0x2b: {  	[sflag:s24] =	ssyncset.done $0x0  }
0x2c: {  	[sflag:s24] =	ssyncadd.s32 $0xFFFFC000  }
0x2d: {  	[spmem:s1] =	stream.indirect.scatter.add.f32 [tilespmem:s20], [sflag:$0x3], $0x80, s25, s19, $0xb8;
	[tilespmem:$0x1C400] =	vst v63  }
0x2e: {  	_ =	swait.ge [sflag:s26], $0x4000  }
0x2f: {  	[sflag:s26] =	ssyncset.done $0x0  }
0x30: {  	[sflag:s26] =	ssyncadd.s32 $0xFFFFC000  }
0x31: {  	[spmem:s1] =	stream.indirect.scatter.add.f32 [tilespmem:s22], [sflag:$0x4], $0x80, s28, s19, $0xb8;
	[tilespmem:$0x1C400] =	vst v63  }
0x32: {  	_ =	swait.ge [sflag:s29], $0x400  }
0x33: {  	[sflag:s29] =	ssyncset.done $0x0  }
0x34: {  	[sflag:s29] =	ssyncadd.s32 $0xFFFFFC00  }
0x35: {  	_ =	swait.ge [sflag:s30], $0x4000  }
0x36: {  	[sflag:s30] =	ssyncset.done $0x0  }
0x37: {  	[sflag:s30] =	ssyncadd.s32 $0xFFFFC000  }
0x38: {  	[tilespmem:s20], [sflag:$0x1] =	stream.indirect.gather [hbm4b:s4+s19], $0x80, s23, s19, $0xb8;
	[tilespmem:$0x1C400] =	vst v63  }
0x39: {  	_ =	swait.ge [sflag:s31], $0x4000  }
0x3a: {  	[sflag:s31] =	ssyncset.done $0x0  }
0x3b: {  	[sflag:s31] =	ssyncadd.s32 $0xFFFFC000  }
0x3c: {  	[tilespmem:s22], [sflag:$0x2] =	stream.indirect.gather [hbm4b:s4+s19], $0x80, s0, s19, $0xb8;
	[tilespmem:$0x1C400] =	vst v63  }
0x3d: {  	s11 =	rddreg [dreg:$0x8]  }
0x3e: {  	[tilespmem:s15], [sflag:$0x5] =	stream.linear.gather [hbm4b:s11+s3], $0x400, $0x38;
	[tilespmem:$0x1C400] =	vst v63  }
0x3f: {  	_ =	swait.ge [sflag:s24], $0x4000  }
0x40: {  	[sflag:s24] =	ssyncset.done $0x0  }
0x41: {  	[sflag:s24] =	ssyncadd.s32 $0xFFFFC000  }
0x42: {  	[spmem:s1] =	stream.indirect.scatter.add.f32 [tilespmem:s20], [sflag:$0x3], $0x80, s2, s19, $0xb8;
	[tilespmem:$0x1C400] =	vst v63  }
0x43: {  	_ =	swait.ge [sflag:s26], $0x4000  }
0x44: {  	[sflag:s26] =	ssyncset.done $0x0  }
0x45: {  	[sflag:s26] =	ssyncadd.s32 $0xFFFFC000  }
0x46: {  	[spmem:s1] =	stream.indirect.scatter.add.f32 [tilespmem:s22], [sflag:$0x4], $0x80, s5, s19, $0xb8;
	[tilespmem:$0x1C400] =	vst v63  }
0x47: {  	_ =	swait.ge [sflag:s18], $0x400  }
0x48: {  	[sflag:s18] =	ssyncset.done $0x0  }
0x49: {  	[sflag:s18] =	ssyncadd.s32 $0xFFFFFC00  }
0x4a: {  	_ =	swait.ge [sflag:s30], $0x4000  }
0x4b: {  	[sflag:s30] =	ssyncset.done $0x0  }
0x4c: {  	[sflag:s30] =	ssyncadd.s32 $0xFFFFC000  }
0x4d: {  	[tilespmem:s20], [sflag:$0x1] =	stream.indirect.gather [hbm4b:s4+s19], $0x80, s15, s19, $0xb8;
	[tilespmem:$0x1C400] =	vst v63  }
0x4e: {  	_ =	swait.ge [sflag:s31], $0x4000  }
0x4f: {  	[sflag:s31] =	ssyncset.done $0x0  }
0x50: {  	[sflag:s31] =	ssyncadd.s32 $0xFFFFC000  }
0x51: {  	[tilespmem:s22], [sflag:$0x2] =	stream.indirect.gather [hbm4b:s4+s19], $0x80, s21, s19, $0xb8;
	[tilespmem:$0x1C400] =	vst v63  }
0x52: {  	s9 =	sadd.s32 $0x0, s14  }
0x53: {  	[tilespmem:s23], [sflag:$0x6] =	stream.linear.gather [hbm4b:s9+s3], $0x400, $0x38;
	[tilespmem:$0x1C400] =	vst v63  }
0x54: {  	_ =	swait.ge [sflag:s24], $0x4000  }
0x55: {  	[sflag:s24] =	ssyncset.done $0x0  }
0x56: {  	[sflag:s24] =	ssyncadd.s32 $0xFFFFC000  }
0x57: {  	[spmem:s1] =	stream.indirect.scatter.add.f32 [tilespmem:s20], [sflag:$0x3], $0x80, s25, s19, $0xb8;
	[tilespmem:$0x1C400] =	vst v63  }
0x58: {  	_ =	swait.ge [sflag:s26], $0x4000  }
0x59: {  	[sflag:s26] =	ssyncset.done $0x0  }
0x5a: {  	[sflag:s26] =	ssyncadd.s32 $0xFFFFC000  }
0x5b: {  	[spmem:s1] =	stream.indirect.scatter.add.f32 [tilespmem:s22], [sflag:$0x4], $0x80, s28, s19, $0xb8;
	[tilespmem:$0x1C400] =	vst v63  }
0x5c: {  	_ =	swait.ge [sflag:s29], $0x400  }
0x5d: {  	[sflag:s29] =	ssyncset.done $0x0  }
0x5e: {  	[sflag:s29] =	ssyncadd.s32 $0xFFFFFC00  }
0x5f: {  	_ =	swait.ge [sflag:s30], $0x4000  }
0x60: {  	[sflag:s30] =	ssyncset.done $0x0  }
0x61: {  	[sflag:s30] =	ssyncadd.s32 $0xFFFFC000  }
0x62: {  	[tilespmem:s20], [sflag:$0x1] =	stream.indirect.gather [hbm4b:s4+s19], $0x80, s23, s19, $0xb8;
	[tilespmem:$0x1C400] =	vst v63  }
0x63: {  	_ =	swait.ge [sflag:s31], $0x4000  }
0x64: {  	[sflag:s31] =	ssyncset.done $0x0  }
0x65: {  	[sflag:s31] =	ssyncadd.s32 $0xFFFFC000  }
0x66: {  	[tilespmem:s22], [sflag:$0x2] =	stream.indirect.gather [hbm4b:s4+s19], $0x80, s0, s19, $0xb8;
	[tilespmem:$0x1C400] =	vst v63  }
0x67: {  	s11 =	sadd.s32 $0x0, s13  }
0x68: {  	[tilespmem:s15], [sflag:$0x5] =	stream.linear.gather [hbm4b:s11+s3], $0x400, $0x38;
	[tilespmem:$0x1C400] =	vst v63  }
0x69: {  	_ =	swait.ge [sflag:s24], $0x4000  }
0x6a: {  	[sflag:s24] =	ssyncset.done $0x0  }
0x6b: {  	[sflag:s24] =	ssyncadd.s32 $0xFFFFC000  }
0x6c: {  	[spmem:s1] =	stream.indirect.scatter.add.f32 [tilespmem:s20], [sflag:$0x3], $0x80, s2, s19, $0xb8;
	[tilespmem:$0x1C400] =	vst v63  }
0x6d: {  	_ =	swait.ge [sflag:s26], $0x4000  }
0x6e: {  	[sflag:s26] =	ssyncset.done $0x0  }
0x6f: {  	s8 =	simm.s32 $0x100;
	[sflag:s26] =	ssyncadd.s32 $0xFFFFC000  }
.LBB2_2:
0x70: {  	[spmem:s1] =	stream.indirect.scatter.add.f32 [tilespmem:s22], [sflag:$0x4], $0x80, s5, s19, $0xb8;
	[tilespmem:$0x1C400] =	vst v63  }
0x71: {  	s9 =	smov.u32 s8  }
0x72: {  	p0 =	sne.s32 s8, $0x1200;
	s8 =	sadd.s32 $0x100, s8;
	_ =	swait.ge [sflag:s18], $0x400  }
0x73: {  	[sflag:s18] =	ssyncset.done $0x0  }
0x74: {  	[sflag:s18] =	ssyncadd.s32 $0xFFFFFC00  }
0x75: {  	_ =	swait.ge [sflag:s30], $0x4000  }
0x76: {  	[sflag:s30] =	ssyncset.done $0x0  }
0x77: {  	[sflag:s30] =	ssyncadd.s32 $0xFFFFC000  }
0x78: {  	[tilespmem:s20], [sflag:$0x1] =	stream.indirect.gather [hbm4b:s4+s19], $0x80, s15, s19, $0xb8;
	[tilespmem:$0x1C400] =	vst v63  }
0x79: {  	_ =	swait.ge [sflag:s31], $0x4000  }
0x7a: {  	[sflag:s31] =	ssyncset.done $0x0  }
0x7b: {  	[sflag:s31] =	ssyncadd.s32 $0xFFFFC000  }
0x7c: {  	[tilespmem:s22], [sflag:$0x2] =	stream.indirect.gather [hbm4b:s4+s19], $0x80, s21, s19, $0xb8;
	[tilespmem:$0x1C400] =	vst v63  }
0x7d: {  	s11 =	sadd.s32 s9, s14  }
0x7e: {  	[tilespmem:s23], [sflag:$0x6] =	stream.linear.gather [hbm4b:s11+s3], $0x400, $0x38;
	[tilespmem:$0x1C400] =	vst v63  }
0x7f: {  	_ =	swait.ge [sflag:s24], $0x4000  }
0x80: {  	[sflag:s24] =	ssyncset.done $0x0  }
0x81: {  	[sflag:s24] =	ssyncadd.s32 $0xFFFFC000  }
0x82: {  	[spmem:s1] =	stream.indirect.scatter.add.f32 [tilespmem:s20], [sflag:$0x3], $0x80, s25, s19, $0xb8;
	[tilespmem:$0x1C400] =	vst v63  }
0x83: {  	_ =	swait.ge [sflag:s26], $0x4000  }
0x84: {  	[sflag:s26] =	ssyncset.done $0x0  }
0x85: {  	[sflag:s26] =	ssyncadd.s32 $0xFFFFC000  }
0x86: {  	[spmem:s1] =	stream.indirect.scatter.add.f32 [tilespmem:s22], [sflag:$0x4], $0x80, s28, s19, $0xb8;
	[tilespmem:$0x1C400] =	vst v63  }
0x87: {  	_ =	swait.ge [sflag:s29], $0x400  }
0x88: {  	[sflag:s29] =	ssyncset.done $0x0  }
0x89: {  	[sflag:s29] =	ssyncadd.s32 $0xFFFFFC00  }
0x8a: {  	_ =	swait.ge [sflag:s30], $0x4000  }
0x8b: {  	[sflag:s30] =	ssyncset.done $0x0  }
0x8c: {  	[sflag:s30] =	ssyncadd.s32 $0xFFFFC000  }
0x8d: {  	[tilespmem:s20], [sflag:$0x1] =	stream.indirect.gather [hbm4b:s4+s19], $0x80, s23, s19, $0xb8;
	[tilespmem:$0x1C400] =	vst v63  }
0x8e: {  	_ =	swait.ge [sflag:s31], $0x4000  }
0x8f: {  	[sflag:s31] =	ssyncset.done $0x0  }
0x90: {  	[sflag:s31] =	ssyncadd.s32 $0xFFFFC000  }
0x91: {  	[tilespmem:s22], [sflag:$0x2] =	stream.indirect.gather [hbm4b:s4+s19], $0x80, s0, s19, $0xb8;
	[tilespmem:$0x1C400] =	vst v63  }
0x92: {  	s9 =	sadd.s32 s9, s13  }
0x93: {  	[tilespmem:s15], [sflag:$0x5] =	stream.linear.gather [hbm4b:s9+s3], $0x400, $0x38;
	[tilespmem:$0x1C400] =	vst v63  }
0x94: {  	_ =	swait.ge [sflag:s24], $0x4000  }
0x95: {  	[sflag:s24] =	ssyncset.done $0x0  }
.Ltmp0:
0x96: {  	[sflag:s24] =	ssyncadd.s32 $0xFFFFC000;
	(pc) =	sbr.rel @p0 .LBB2_2-.Ltmp0, $4  }
0x97: {  	[spmem:s1] =	stream.indirect.scatter.add.f32 [tilespmem:s20], [sflag:$0x3], $0x80, s2, s19, $0xb8;
	[tilespmem:$0x1C400] =	vst v63  }
0x98: {  	_ =	swait.ge [sflag:s26], $0x4000  }
0x99: {  	[sflag:s26] =	ssyncset.done $0x0  }
0x9a: {  	[sflag:s26] =	ssyncadd.s32 $0xFFFFC000  }
0x9b: {  	[spmem:s1] =	stream.indirect.scatter.add.f32 [tilespmem:s22], [sflag:$0x4], $0x80, s5, s19, $0xb8;
	[tilespmem:$0x1C400] =	vst v63  }
0x9c: {  	_ =	swait.ge [sflag:s18], $0x400  }
0x9d: {  	[sflag:s18] =	ssyncset.done $0x0  }
0x9e: {  	[sflag:s18] =	ssyncadd.s32 $0xFFFFFC00  }
0x9f: {  	_ =	swait.ge [sflag:s30], $0x4000  }
0xa0: {  	[sflag:s30] =	ssyncset.done $0x0  }
0xa1: {  	[sflag:s30] =	ssyncadd.s32 $0xFFFFC000  }
0xa2: {  	[tilespmem:s20], [sflag:$0x1] =	stream.indirect.gather [hbm4b:s4+s19], $0x80, s15, s19, $0xb8;
	[tilespmem:$0x1C400] =	vst v63  }
0xa3: {  	_ =	swait.ge [sflag:s31], $0x4000  }
0xa4: {  	[sflag:s31] =	ssyncset.done $0x0  }
0xa5: {  	[sflag:s31] =	ssyncadd.s32 $0xFFFFC000  }
0xa6: {  	[tilespmem:s22], [sflag:$0x2] =	stream.indirect.gather [hbm4b:s4+s19], $0x80, s21, s19, $0xb8;
	[tilespmem:$0x1C400] =	vst v63  }
0xa7: {  	_ = 	snop  }
0xa8: {  	[tilespmem:s23], [sflag:$0x6] =	stream.linear.gather [hbm4b:s12+s3], $0x400, $0x38;
	[tilespmem:$0x1C400] =	vst v63  }
0xa9: {  	_ =	swait.ge [sflag:s24], $0x4000  }
0xaa: {  	[sflag:s24] =	ssyncset.done $0x0  }
0xab: {  	[sflag:s24] =	ssyncadd.s32 $0xFFFFC000  }
0xac: {  	[spmem:s1] =	stream.indirect.scatter.add.f32 [tilespmem:s20], [sflag:$0x3], $0x80, s25, s19, $0xb8;
	[tilespmem:$0x1C400] =	vst v63  }
0xad: {  	_ =	swait.ge [sflag:s26], $0x4000  }
0xae: {  	[sflag:s26] =	ssyncset.done $0x0  }
0xaf: {  	[sflag:s26] =	ssyncadd.s32 $0xFFFFC000  }
0xb0: {  	[spmem:s1] =	stream.indirect.scatter.add.f32 [tilespmem:s22], [sflag:$0x4], $0x80, s28, s19, $0xb8;
	[tilespmem:$0x1C400] =	vst v63  }
0xb1: {  	_ =	swait.ge [sflag:s29], $0x400  }
0xb2: {  	[sflag:s29] =	ssyncset.done $0x0  }
0xb3: {  	[sflag:s29] =	ssyncadd.s32 $0xFFFFFC00  }
0xb4: {  	_ =	swait.ge [sflag:s30], $0x4000  }
0xb5: {  	[sflag:s30] =	ssyncset.done $0x0  }
0xb6: {  	[sflag:s30] =	ssyncadd.s32 $0xFFFFC000  }
0xb7: {  	[tilespmem:s20], [sflag:$0x1] =	stream.indirect.gather [hbm4b:s4+s19], $0x80, s23, s19, $0xb8;
	[tilespmem:$0x1C400] =	vst v63  }
0xb8: {  	_ =	swait.ge [sflag:s31], $0x4000  }
0xb9: {  	[sflag:s31] =	ssyncset.done $0x0  }
0xba: {  	[sflag:s31] =	ssyncadd.s32 $0xFFFFC000  }
0xbb: {  	[tilespmem:s22], [sflag:$0x2] =	stream.indirect.gather [hbm4b:s4+s19], $0x80, s0, s19, $0xb8;
	[tilespmem:$0x1C400] =	vst v63  }
0xbc: {  	_ =	swait.ge [sflag:s24], $0x4000  }
0xbd: {  	[sflag:s24] =	ssyncset.done $0x0  }
0xbe: {  	[sflag:s24] =	ssyncadd.s32 $0xFFFFC000  }
0xbf: {  	[spmem:s1] =	stream.indirect.scatter.add.f32 [tilespmem:s20], [sflag:$0x3], $0x80, s2, s19, $0xb8;
	[tilespmem:$0x1C400] =	vst v63  }
0xc0: {  	_ =	swait.ge [sflag:s26], $0x4000  }
0xc1: {  	[sflag:s26] =	ssyncset.done $0x0  }
0xc2: {  	[sflag:s26] =	ssyncadd.s32 $0xFFFFC000  }
0xc3: {  	[spmem:s1] =	stream.indirect.scatter.add.f32 [tilespmem:s22], [sflag:$0x4], $0x80, s5, s19, $0xb8;
	[tilespmem:$0x1C400] =	vst v63  }
0xc4: {  	_ =	swait.ge [sflag:s30], $0x4000  }
0xc5: {  	[sflag:s30] =	ssyncset.done $0x0  }
0xc6: {  	[sflag:s30] =	ssyncadd.s32 $0xFFFFC000  }
0xc7: {  	_ =	swait.ge [sflag:s31], $0x4000  }
0xc8: {  	[sflag:s31] =	ssyncset.done $0x0  }
0xc9: {  	[sflag:s31] =	ssyncadd.s32 $0xFFFFC000  }
0xca: {  	[bflag:$0x0] =	sbarrier.arrive $0xFFFF  }
0xcb: {  	s8 =	rddreg [dreg:$0x6]  }
0xcc: {  	[hbm:s8], [sflag:s7] =	dma.local [spmem:s16], $0x2780  }
0xcd: {  	_ =	swait.ge [sflag:s17], $0x2780  }
0xce: {  	s6 =	sadd.s32 $0x1, s6;
	s11 =	rddreg [dreg:$0x7]  }
0xcf: {  	p0 =	sne.s32 s6, s11  }
.Ltmp1:
0xd0: {  	_ = 	snop;
	(pc) =	sbr.rel @p0 .LBB2_1-.Ltmp1, $3  }
0xd1: {  	_ =	sdelay $0x1  }
0xd2: {  	[sflag:s17] =	ssyncset.done $0x0  }
0xd3: {  	[sflag:s17] =	ssyncadd.s32 $0xFFFFD880  }
0xd4: {  	_ =	sfence.sel $0x180000  }
0xd5: {  	[bflag:$0x0] =	sbarrier.arrive $0xFFFF  }
0xd6: {  	_ =	strace $0x9000004A  }
0xd7: {  	s0 =	stileid.u32;
	[bflag:$0x2] =	sbarrier.arrive $0xFFFF  }
0xd8: {  	p0 =	sne.s32 s0, $0x0;
	s0 =	rddreg [dreg:$0x3]  }
0xd9: {  	s0 =	sadd.s32 @!p0 $0x100000, s0  }
0xda: {  	[sflag:s0] =	ssyncadd.tile.s32 @!p0 $0x1;
	_ =	shalt  }
.Lfunc_end2:
_tile_overlayer_lowered:
.L_overlay_start_2:
0xdb: {  	(tag) =	ssettag $0x2  }
0xdc: {  	s0 =	rddreg [dreg:$0x0];
	s2 =	stileid.u32  }
0xdd: {  	s1 =	rddreg [dreg:$0x1];
	p0 =	sne.s32 s2, $0x0  }
0xde: {  	s3 =	rddreg [dreg:$0x2];
	[bflag:$0x3] =	sbarrier.arrive $0xFFFF;
	s2 =	simm.s32 @!p0 $0x1C07  }
0xdf: {  	[timem:s3], [sflag:s2] =	dma.local @!p0 [hbm:s0], s1  }
0xe0: {  	s0 =	simm.s32 @!p0 $0x7  }
0xe1: {  	_ =	swait.ge @!p0 [sflag:s0], s1  }
0xe2: {  	s1 =	ssub.s32 @!p0 $0x0, s1;
	[sflag:s0] =	ssyncset.done @!p0 $0x0  }
0xe3: {  	[sflag:s0] =	ssyncadd.s32 @!p0 s1  }
0xe4: {  	[bflag:$0x3] =	sbarrier.arrive $0xFFFF  }
0xe5: {  	_ =	shalt  }

// kernel: kernel.16.cloned.1.call-start
scs
__scs_entry_jumppad:
0x0: {  	(pc) =	sbr.rel $0x88, $3  }
0x1: {  	(tag) =	ssettag $0x0;
	lr =	simm.s32 $0x1  }
0x2: {  	[smem:$0x3F9C] =	sst lr;
	_ =	strace $0xD0000000  }
0x3: {  	_ = 	snop  }
0x4: {  	_ = 	snop  }
0x5: {  	_ = 	snop  }
0x6: {  	_ = 	snop  }
0x7: {  	_ = 	snop  }
__scs_overlays_trampoline_lowered:
0x8: {  	[smem:$0x3FAB] =	sst s0  }
0x9: {  	[smem:$0x3FAC] =	sst s1  }
0xa: {  	[smem:$0x3FAD] =	sst s2  }
0xb: {  	[smem:$0x3FAE] =	sst s3  }
0xc: {  	[smem:$0x3FAF] =	sst s4  }
0xd: {  	[smem:$0x3FB0] =	sst s5  }
0xe: {  	[smem:$0x3FB1] =	sst s6  }
0xf: {  	[smem:$0x3FB2] =	sst s7  }
0x10: {  	[smem:$0x3FB3] =	sst s8  }
0x11: {  	[smem:$0x3FB4] =	sst s9;
	s0 =	simm.s32 @!p0 $0x0  }
0x12: {  	s1 =	sld [smem:$0x3F9A];
	s0 =	simm.s32 @p0 $0x1  }
0x13: {  	[smem:$0x3FB5] =	sst s0;
	s0 =	simm.s32 @!p1 $0x0  }
0x14: {  	s2 =	sld [smem:$0x3F99];
	s0 =	simm.s32 @p1 $0x1  }
0x15: {  	[smem:$0x3FB6] =	sst s0;
	s0 =	simm.s32 @!p2 $0x0  }
0x16: {  	s3 =	sld [smem:$0x3FDB];
	s0 =	simm.s32 @p2 $0x1  }
0x17: {  	s4 =	simm.s32 $0x1BF5;
	[smem:$0x3FB8] =	sst s0  }
0x18: {  	s0 =	sld [smem:$0x3F9B];
	_ =	swait.ge [sflag:s4], $0x0  }
0x19: {  	s7 =	sld [smem:$0x3F9C]  }
0x1a: {  	s8 =	sadd.s32 $0xFFFFE003, lr  }
0x1b: {  	s9 =	sadd.s32 $0xFFFFFEF7, lr;
	s5 =	simm.s32 $0xFFFFFFFF;
	p2 =	slt.u32 s8, $0xFFFFF086  }
0x1c: {  	p1 =	slt.u32 s9, $0xF7A;
	s5 =	simm.s32 @!p2 $0x0  }
0x1d: {  	s5 =	simm.s32 @p1 $0x1;
	p0 =	seq.s32 s7, s2  }
0x1e: {  	s7 =	smul.u32 @!p0 $0xF7A, s2;
	p2 =	seq.s32 @!p0 s5, $0x0  }
0x1f: {  	s9 =	smul.u32 $0xF7A, s1;
	s8 =	simm.s32 @!p0 $0x1BF5;
	p2 =	por !p2, p0  }
0x20: {  	[sflag:s8] =	ssyncset.s32 @!p0 $0xFFFFF086;
	s6 =	sadd.s32 @!p0 s3, s7;
	s7 =	simm.s32 @!p0 $0x108  }
0x21: {  	s3 =	sadd.s32 s3, s9;
	s6 =	sadd.s32 @!p0 $0x88, s6;
	s7 =	simm.s32 @p2 $0x1082  }
0x22: {  	[simem:s7], [sflag:s8] =	dma.local @!p0 [hbm:s6], $0xF7A  }
0x23: {  	s9 =	sor.u32 $0xD0000000, s2;
	s6 =	simm.s32 $0x108;
	_ =	swait.ge @!p0 [sflag:s8], $0x0  }
0x24: {  	s3 =	sadd.s32 $0x88, s3;
	s6 =	simm.s32 @!p1 $0x1082;
	[sflag:s4] =	ssyncset.s32 $0xFFFFF086  }
0x25: {  	[simem:s6], [sflag:s4] =	dma.local [hbm:s3], $0xF7A  }
0x26: {  	[smem:$0x3F9C] =	sst s1;
	(tag) =	ssettag s2;
	_ =	strace s9  }
0x27: {  	s1 =	sld [smem:$0x3FAC]  }
0x28: {  	s2 =	sld [smem:$0x3FAD]  }
0x29: {  	s4 =	sld [smem:$0x3FAF]  }
0x2a: {  	p0 =	seq.s32 s5, $0x0;
	s5 =	sld [smem:$0x3FB0]  }
0x2b: {  	s6 =	sld [smem:$0x3FB1]  }
0x2c: {  	s7 =	sld [smem:$0x3FB2]  }
0x2d: {  	s3 =	simm.s32 $0x108;
	s8 =	sld [smem:$0x3FB3]  }
0x2e: {  	s3 =	simm.s32 @!p0 $0x1082;
	s9 =	sld [smem:$0x3FB4]  }
0x2f: {  	lr =	sadd.s32 s0, s3;
	s0 =	sld [smem:$0x3FAB]  }
0x30: {  	s3 =	sld [smem:$0x3FAE]  }
0x31: {  	[smem:$0x3FB7] =	sst s10  }
0x32: {  	s10 =	sld [smem:$0x3FB5];
	_ =	sdelay $0x3  }
0x33: {  	p0 =	seq.s32 s10, $0x1;
	s10 =	sld [smem:$0x3FB7];
	_ =	sdelay $0x3  }
0x34: {  	[smem:$0x3FB7] =	sst s10  }
0x35: {  	s10 =	sld [smem:$0x3FB6];
	_ =	sdelay $0x3  }
0x36: {  	p1 =	seq.s32 s10, $0x1;
	s10 =	sld [smem:$0x3FB7];
	_ =	sdelay $0x3  }
0x37: {  	[smem:$0x3FB7] =	sst s10  }
0x38: {  	s10 =	sld [smem:$0x3FB8]  }
0x39: {  	_ = 	snop;
	(pc) =	sbr.ind lr, $3  }
0x3a: {  	_ = 	snop  }
0x3b: {  	_ = 	snop  }
0x3c: {  	p2 =	seq.s32 s10, $0x1;
	s10 =	sld [smem:$0x3FB7]  }
0x3d: {  	_ =	shalt  }
0x3e: {  	_ =	shalt  }
0x3f: {  	_ =	shalt  }
0x40: {  	_ =	shalt  }
0x41: {  	_ =	shalt  }
0x42: {  	_ =	shalt  }
0x43: {  	_ =	shalt  }
0x44: {  	_ =	shalt  }
0x45: {  	_ =	shalt  }
0x46: {  	_ =	shalt  }
0x47: {  	_ =	shalt  }
0x48: {  	_ =	shalt  }
0x49: {  	_ =	shalt  }
0x4a: {  	_ =	shalt  }
0x4b: {  	_ =	shalt  }
0x4c: {  	_ =	shalt  }
0x4d: {  	_ =	shalt  }
0x4e: {  	_ =	shalt  }
0x4f: {  	_ =	shalt  }
0x50: {  	_ =	shalt  }
0x51: {  	_ =	shalt  }
0x52: {  	_ =	shalt  }
0x53: {  	_ =	shalt  }
0x54: {  	_ =	shalt  }
0x55: {  	_ =	shalt  }
0x56: {  	_ =	shalt  }
0x57: {  	_ =	shalt  }
0x58: {  	_ =	shalt  }
0x59: {  	_ =	shalt  }
0x5a: {  	_ =	shalt  }
0x5b: {  	_ =	shalt  }
0x5c: {  	_ =	shalt  }
0x5d: {  	_ =	shalt  }
0x5e: {  	_ =	shalt  }
0x5f: {  	_ =	shalt  }
0x60: {  	_ =	shalt  }
0x61: {  	_ =	shalt  }
0x62: {  	_ =	shalt  }
0x63: {  	_ =	shalt  }
0x64: {  	_ =	shalt  }
0x65: {  	_ =	shalt  }
0x66: {  	_ =	shalt  }
0x67: {  	_ =	shalt  }
0x68: {  	_ =	shalt  }
0x69: {  	_ =	shalt  }
0x6a: {  	_ =	shalt  }
0x6b: {  	_ =	shalt  }
0x6c: {  	_ =	shalt  }
0x6d: {  	_ =	shalt  }
0x6e: {  	_ =	shalt  }
0x6f: {  	_ =	shalt  }
0x70: {  	_ =	shalt  }
0x71: {  	_ =	shalt  }
0x72: {  	_ =	shalt  }
0x73: {  	_ =	shalt  }
0x74: {  	_ =	shalt  }
0x75: {  	_ =	shalt  }
0x76: {  	_ =	shalt  }
0x77: {  	_ =	shalt  }
0x78: {  	_ =	shalt  }
0x79: {  	_ =	shalt  }
0x7a: {  	_ =	shalt  }
0x7b: {  	_ =	shalt  }
0x7c: {  	_ =	shalt  }
0x7d: {  	_ =	shalt  }
0x7e: {  	_ =	shalt  }
0x7f: {  	_ =	shalt  }
0x80: {  	_ =	shalt  }
0x81: {  	_ =	shalt  }
0x82: {  	_ =	shalt  }
0x83: {  	_ =	shalt  }
0x84: {  	_ =	shalt  }
0x85: {  	_ =	shalt  }
0x86: {  	_ =	shalt  }
0x87: {  	_ =	shalt  }
.Lfunc_end0:
.L_simem_size_0:
called_computation.2_lowered:
.L_overlay_start_0:
0x88: {  	s2 =	sld [smem:$0x3FD9]  }
0x89: {  	s3 =	sld [smem:$0x3FFE];
	_ =	sdelay $0x1  }
0x8a: {  	s1 =	srdreg.scid  }
0x8b: {  	s0 =	sand.u32 $0x1, s1  }
0x8c: {  	s17 =	sshll.u32 s0, $0xA;
	s2 =	sadd.s32 s3, s2  }
0x8d: {  	s2 =	sadd.s32 s2, s17  }
0x8e: {  	[smem:$0x3FC3] =	sst s2  }
0x8f: {  	_ = 	snop  }
0x90: {  	s2 =	sld [smem:$0x3FD0];
	(tm) =	ssettm $0x1  }
0x91: {  	s18 =	sld [smem:$0x3FFB];
	_ =	sdelay $0x3  }
0x92: {  	_ =	strace s18  }
0x93: {  	s3 =	sld [smem:$0x3FFC];
	_ =	sdelay $0x3  }
0x94: {  	_ =	strace s3  }
0x95: {  	s3 =	sld [smem:$0x3FFD];
	_ =	sdelay $0x3  }
0x96: {  	_ =	strace s3  }
0x97: {  	_ =	strace $0x8FFFFFFF  }
0x98: {  	s19 =	sld [smem:$0x3FDB];
	_ =	sdelay $0x1  }
0x99: {  	s4 =	simm.s32 $_scs_section_size  }
0x9a: {  	s5 =	simm.s32 $_size__tile_overlayer_lowered;
	s6 =	simm.s32 $_tile_overlayer_lowered  }
0x9b: {  	s22 =	simm.s32 $0x1BFF;
	s21 =	sshll.u32 s6, $0x1;
	s3 =	sadd.s32 s4, s19  }
0x9c: {  	s7 =	simm.s32 $0x0;
	s20 =	sshll.u32 s5, $0x1;
	s5 =	sadd.s32 s21, s3  }
0x9d: {  	[timem:s7], [sflag:s22] =	dma.local [hbm:s5], s20  }
0x9e: {  	_ =	swait.ge [sflag:s22], s20  }
0x9f: {  	s4 =	ssub.s32 $0x0, s20;
	[sflag:s22] =	ssyncset.done $0x0  }
0xa0: {  	[sflag:s22] =	ssyncadd.s32 s4;
	_ =	sdelay $0x1  }
0xa1: {  	s23 =	simm.s32 $0x1B8B  }
0xa2: {  	_ =	swait.ge [sflag:s23], $0x1  }
0xa3: {  	[sflag:s23] =	ssyncset.done $0x0  }
0xa4: {  	s25 =	simm.s32 $0x1B8E;
	s24 =	sld [smem:$0x3FFE];
	[sflag:s23] =	ssyncadd.s32 $0xFFFFFFFF  }
0xa5: {  	s26 =	simm.s32 $execute0_lowered;
	[smem:$0x3FD2] =	sst s25  }
0xa6: {  	s5 =	sshll.u32 s26, $0x1;
	_ =	strace $0x8000004C;
	[dreg:$0x1] =	wrdreg $0xFFFFFFFF  }
0xa7: {  	s28 =	simm.s32 $_size_execute0_lowered;
	s3 =	sadd.s32 s3, s5;
	[dreg:$0x0] =	wrdreg $0x0  }
0xa8: {  	s5 =	sshll.u32 s28, $0x1;
	[dreg:$0x2] =	wrdreg s3  }
0xa9: {  	[dreg:$0x3] =	wrdreg s5  }
0xaa: {  	[dreg:$0x4] =	wrdreg $0xC0  }
0xab: {  	_ =	task [dreg:s7], $0x5FFFF  }
0xac: {  	[dreg:$0x1] =	wrdreg $0xFFFFFFFF  }
0xad: {  	[dreg:$0x0] =	wrdreg $0x60  }
0xae: {  	[dreg:$0x2] =	wrdreg s24  }
0xaf: {  	[dreg:$0x3] =	wrdreg s2  }
0xb0: {  	[dreg:$0x4] =	wrdreg $0x0  }
0xb1: {  	[dreg:$0x5] =	wrdreg $0x9  }
0xb2: {  	_ =	task.clear_ibuf [dreg:s7], $0x6FFFF;
	_ =	strace $0x9000004C  }
0xb3: {  	s29 =	simm.s32 $0x9;
	_ =	strace $0x8000004E  }
0xb4: {  	_ =	swait.ge [sflag:s29], $0x1  }
0xb5: {  	[sflag:s29] =	ssyncadd.s32 $0xFFFFFFFF  }
0xb6: {  	_ =	strace $0x9000004E  }
0xb7: {  	_ =	sfence  }
0xb8: {  	s30 =	sld [smem:$0x0];
	_ =	sdelay $0x2  }
0xb9: {  	s31 =	sshll.u32 s1, $0xD;
	s1 =	sshrl.u32 s1, $0x2  }
0xba: {  	s3 =	sand.u32 $0x4000, s31;
	s1 =	sadd.s32 s1, s30  }
0xbb: {  	s0 =	sor.u32 s3, s0;
	s1 =	sshll.u32 s1, $0x11  }
0xbc: {  	s0 =	sor.u32 s1, s0  }
0xbd: {  	s0 =	sadd.s32 $0x8F2B, s0  }
0xbe: {  	[sflag:s0] =	ssyncadd.remote.s32 $0x1  }
0xbf: {  	_ =	sfence.sel $0xFFFF  }
0xc0: {  	[dreg:$0x0] =	wrdreg $0xFFFFFFFF;
	(pc) =	sbr.abs _section_cstart, $3  }
0xc1: {  	[dreg:$0x1] =	wrdreg $0xFFFFFFFF  }
0xc2: {  	_ =	task.clear_ibuf [dreg:s7], $0x2FFFF;
	_ =	strace $0x9FFFFFFF  }
0xc3: {  	(tm) =	ssettm $0x7FFFFFFF  }
tec
execute0_lowered:
.L_overlay_start_1:
0x0: {  	(tag) =	ssettag $0x1  }
0x1: {  	s0 =	rddreg [dreg:$0x0]  }
0x2: {  	s2 =	rddreg [dreg:$0x1]  }
0x3: {  	s1 =	rddreg [dreg:$0x2]  }
0x4: {  	s3 =	srdreg.scid;
	s10 =	stileid.u32;
	s28 =	simm.s32 $0x1BD80  }
0x5: {  	s29 =	simm.s32 $0x6;
	s30 =	simm.s32 $0x3;
	s7 =	smul.u32 $0x13C00, s10  }
0x6: {  	s31 =	simm.s32 $0x4;
	s5 =	sand.u32 $0x1, s3;
	s13 =	smul.u32 $0xA800, s10  }
0x7: {  	s3 =	simm.s32 $0x0;
	s4 =	sadd.s32 $0x5B600, s0;
	s14 =	smul.u32 $0x4F000, s10  }
0x8: {  	s9 =	sadd.s32 $0x2600, s0;
	s19 =	sshll.u32 s10, $0x6;
	s6 =	smul.u32 $0x140000, s5  }
0x9: {  	[smem:$0x7FF] =	sst s3;
	s8 =	smul.u32 $0xA8000, s5;
	s5 =	ssub.s32 $0x2, s5  }
0xa: {  	_ =	strace $0x8000004D;
	[dreg:$0x4] =	wrdreg s9;
	s15 =	sshrl.u32 s5, $0x1  }
0xb: {  	s17 =	sshrl.u32 s14, $0x2;
	s6 =	sadd.s32 s7, s6;
	s8 =	sadd.s32 s13, s8  }
0xc: {  	s5 =	ssub.s32 s5, s15;
	s18 =	sadd.s32 s17, s1;
	s7 =	sor.u32 $0x1C07, s19  }
0xd: {  	s15 =	simm.s32 $0x1BC00;
	s17 =	simm.s32 $0x7;
	s19 =	simm.s32 $0x80  }
0xe: {  	s6 =	sshrl.u32 s6, $0x3;
	s16 =	sshrl.u32 s8, $0x3;
	s20 =	sor.u32 $0x400, s8  }
0xf: {  	s5 =	smax.u32 s5, $0x1;
	s21 =	sadd.s32 $0x800, s8;
	s23 =	sadd.s32 $0x1000, s8  }
0x10: {  	s25 =	sadd.s32 $0xC00, s8;
	s0 =	sadd.s32 s6, s0;
	s6 =	sadd.s32 s2, s16  }
0x11: {  	[dreg:$0x7] =	wrdreg s5;
	s22 =	sshrl.u32 s21, $0x3;
	s24 =	sshrl.u32 s23, $0x3  }
0x12: {  	s26 =	sshrl.u32 s25, $0x3;
	s16 =	sshrl.u32 s18, $0x3;
	s18 =	simm.s32 $0x5  }
0x13: {  	s21 =	simm.s32 $0x1BC80;
	s23 =	simm.s32 $0x1C000;
	s25 =	simm.s32 $0x1BD00  }
0x14: {  	s5 =	simm.s32 $0x1C180;
	[dreg:$0x5] =	wrdreg s6;
	s0 =	sadd.s32 $0xAB600, s0  }
0x15: {  	s13 =	sadd.s32 s24, s2;
	s14 =	sadd.s32 s26, s2;
	s24 =	simm.s32 $0x1  }
0x16: {  	s26 =	simm.s32 $0x2;
	[dreg:$0x6] =	wrdreg s0;
	s0 =	sshrl.u32 s20, $0x3  }
0x17: {  	s6 =	simm.s32 $0x0;
	s20 =	simm.s32 $0x13C00;
	s10 =	sadd.s32 s2, s0  }
0x18: {  	s0 =	sadd.s32 s2, s22;
	s22 =	simm.s32 $0x17C00;
	s2 =	simm.s32 $0x1C100  }
0x19: {  	[dreg:$0x8] =	wrdreg s0;
	s12 =	sadd.s32 $0x1400, s10;
	s0 =	simm.s32 $0x1C080  }
.LBB2_1:
0x1a: {  	s8 =	rddreg [dreg:$0x5]  }
0x1b: {  	s9 =	rddreg [dreg:$0x4]  }
0x1c: {  	[tilespmem:s15], [sflag:$0x5] =	stream.linear.gather [hbm4b:s8+s3], $0x400, $0x38;
	[tilespmem:$0x1C400] =	vst v63  }
0x1d: {  	[spmem:s16], [sflag:s7] =	dma.local [hbm:s9], $0x2780  }
0x1e: {  	_ =	swait.ge [sflag:s17], $0x2780  }
0x1f: {  	[sflag:s17] =	ssyncset.done $0x0  }
0x20: {  	[sflag:s17] =	ssyncadd.s32 $0xFFFFD880  }
0x21: {  	[bflag:$0x0] =	sbarrier.arrive $0xFFFF  }
0x22: {  	_ =	swait.ge [sflag:s18], $0x400  }
0x23: {  	[sflag:s18] =	ssyncset.done $0x0  }
0x24: {  	[sflag:s18] =	ssyncadd.s32 $0xFFFFFC00  }
0x25: {  	[tilespmem:s20], [sflag:$0x1] =	stream.indirect.gather [hbm4b:s4+s19], $0x80, s15, s19, $0xb8;
	[tilespmem:$0x1C400] =	vst v63  }
0x26: {  	_ = 	snop  }
0x27: {  	[tilespmem:s22], [sflag:$0x2] =	stream.indirect.gather [hbm4b:s4+s19], $0x80, s21, s19, $0xb8;
	[tilespmem:$0x1C400] =	vst v63  }
0x28: {  	_ = 	snop  }
0x29: {  	[tilespmem:s23], [sflag:$0x6] =	stream.linear.gather [hbm4b:s10+s3], $0x400, $0x38;
	[tilespmem:$0x1C400] =	vst v63  }
0x2a: {  	_ =	swait.ge [sflag:s24], $0x4000  }
0x2b: {  	[sflag:s24] =	ssyncset.done $0x0  }
0x2c: {  	[sflag:s24] =	ssyncadd.s32 $0xFFFFC000  }
0x2d: {  	[spmem:s1] =	stream.indirect.scatter.add.f32 [tilespmem:s20], [sflag:$0x3], $0x80, s25, s19, $0xb8;
	[tilespmem:$0x1C400] =	vst v63  }
0x2e: {  	_ =	swait.ge [sflag:s26], $0x4000  }
0x2f: {  	[sflag:s26] =	ssyncset.done $0x0  }
0x30: {  	[sflag:s26] =	ssyncadd.s32 $0xFFFFC000  }
0x31: {  	[spmem:s1] =	stream.indirect.scatter.add.f32 [tilespmem:s22], [sflag:$0x4], $0x80, s28, s19, $0xb8;
	[tilespmem:$0x1C400] =	vst v63  }
0x32: {  	_ =	swait.ge [sflag:s29], $0x400  }
0x33: {  	[sflag:s29] =	ssyncset.done $0x0  }
0x34: {  	[sflag:s29] =	ssyncadd.s32 $0xFFFFFC00  }
0x35: {  	_ =	swait.ge [sflag:s30], $0x4000  }
0x36: {  	[sflag:s30] =	ssyncset.done $0x0  }
0x37: {  	[sflag:s30] =	ssyncadd.s32 $0xFFFFC000  }
0x38: {  	[tilespmem:s20], [sflag:$0x1] =	stream.indirect.gather [hbm4b:s4+s19], $0x80, s23, s19, $0xb8;
	[tilespmem:$0x1C400] =	vst v63  }
0x39: {  	_ =	swait.ge [sflag:s31], $0x4000  }
0x3a: {  	[sflag:s31] =	ssyncset.done $0x0  }
0x3b: {  	[sflag:s31] =	ssyncadd.s32 $0xFFFFC000  }
0x3c: {  	[tilespmem:s22], [sflag:$0x2] =	stream.indirect.gather [hbm4b:s4+s19], $0x80, s0, s19, $0xb8;
	[tilespmem:$0x1C400] =	vst v63  }
0x3d: {  	s11 =	rddreg [dreg:$0x8]  }
0x3e: {  	[tilespmem:s15], [sflag:$0x5] =	stream.linear.gather [hbm4b:s11+s3], $0x400, $0x38;
	[tilespmem:$0x1C400] =	vst v63  }
0x3f: {  	_ =	swait.ge [sflag:s24], $0x4000  }
0x40: {  	[sflag:s24] =	ssyncset.done $0x0  }
0x41: {  	[sflag:s24] =	ssyncadd.s32 $0xFFFFC000  }
0x42: {  	[spmem:s1] =	stream.indirect.scatter.add.f32 [tilespmem:s20], [sflag:$0x3], $0x80, s2, s19, $0xb8;
	[tilespmem:$0x1C400] =	vst v63  }
0x43: {  	_ =	swait.ge [sflag:s26], $0x4000  }
0x44: {  	[sflag:s26] =	ssyncset.done $0x0  }
0x45: {  	[sflag:s26] =	ssyncadd.s32 $0xFFFFC000  }
0x46: {  	[spmem:s1] =	stream.indirect.scatter.add.f32 [tilespmem:s22], [sflag:$0x4], $0x80, s5, s19, $0xb8;
	[tilespmem:$0x1C400] =	vst v63  }
0x47: {  	_ =	swait.ge [sflag:s18], $0x400  }
0x48: {  	[sflag:s18] =	ssyncset.done $0x0  }
0x49: {  	[sflag:s18] =	ssyncadd.s32 $0xFFFFFC00  }
0x4a: {  	_ =	swait.ge [sflag:s30], $0x4000  }
0x4b: {  	[sflag:s30] =	ssyncset.done $0x0  }
0x4c: {  	[sflag:s30] =	ssyncadd.s32 $0xFFFFC000  }
0x4d: {  	[tilespmem:s20], [sflag:$0x1] =	stream.indirect.gather [hbm4b:s4+s19], $0x80, s15, s19, $0xb8;
	[tilespmem:$0x1C400] =	vst v63  }
0x4e: {  	_ =	swait.ge [sflag:s31], $0x4000  }
0x4f: {  	[sflag:s31] =	ssyncset.done $0x0  }
0x50: {  	[sflag:s31] =	ssyncadd.s32 $0xFFFFC000  }
0x51: {  	[tilespmem:s22], [sflag:$0x2] =	stream.indirect.gather [hbm4b:s4+s19], $0x80, s21, s19, $0xb8;
	[tilespmem:$0x1C400] =	vst v63  }
0x52: {  	s9 =	sadd.s32 $0x0, s14  }
0x53: {  	[tilespmem:s23], [sflag:$0x6] =	stream.linear.gather [hbm4b:s9+s3], $0x400, $0x38;
	[tilespmem:$0x1C400] =	vst v63  }
0x54: {  	_ =	swait.ge [sflag:s24], $0x4000  }
0x55: {  	[sflag:s24] =	ssyncset.done $0x0  }
0x56: {  	[sflag:s24] =	ssyncadd.s32 $0xFFFFC000  }
0x57: {  	[spmem:s1] =	stream.indirect.scatter.add.f32 [tilespmem:s20], [sflag:$0x3], $0x80, s25, s19, $0xb8;
	[tilespmem:$0x1C400] =	vst v63  }
0x58: {  	_ =	swait.ge [sflag:s26], $0x4000  }
0x59: {  	[sflag:s26] =	ssyncset.done $0x0  }
0x5a: {  	[sflag:s26] =	ssyncadd.s32 $0xFFFFC000  }
0x5b: {  	[spmem:s1] =	stream.indirect.scatter.add.f32 [tilespmem:s22], [sflag:$0x4], $0x80, s28, s19, $0xb8;
	[tilespmem:$0x1C400] =	vst v63  }
0x5c: {  	_ =	swait.ge [sflag:s29], $0x400  }
0x5d: {  	[sflag:s29] =	ssyncset.done $0x0  }
0x5e: {  	[sflag:s29] =	ssyncadd.s32 $0xFFFFFC00  }
0x5f: {  	_ =	swait.ge [sflag:s30], $0x4000  }
0x60: {  	[sflag:s30] =	ssyncset.done $0x0  }
0x61: {  	[sflag:s30] =	ssyncadd.s32 $0xFFFFC000  }
0x62: {  	[tilespmem:s20], [sflag:$0x1] =	stream.indirect.gather [hbm4b:s4+s19], $0x80, s23, s19, $0xb8;
	[tilespmem:$0x1C400] =	vst v63  }
0x63: {  	_ =	swait.ge [sflag:s31], $0x4000  }
0x64: {  	[sflag:s31] =	ssyncset.done $0x0  }
0x65: {  	[sflag:s31] =	ssyncadd.s32 $0xFFFFC000  }
0x66: {  	[tilespmem:s22], [sflag:$0x2] =	stream.indirect.gather [hbm4b:s4+s19], $0x80, s0, s19, $0xb8;
	[tilespmem:$0x1C400] =	vst v63  }
0x67: {  	s11 =	sadd.s32 $0x0, s13  }
0x68: {  	[tilespmem:s15], [sflag:$0x5] =	stream.linear.gather [hbm4b:s11+s3], $0x400, $0x38;
	[tilespmem:$0x1C400] =	vst v63  }
0x69: {  	_ =	swait.ge [sflag:s24], $0x4000  }
0x6a: {  	[sflag:s24] =	ssyncset.done $0x0  }
0x6b: {  	[sflag:s24] =	ssyncadd.s32 $0xFFFFC000  }
0x6c: {  	[spmem:s1] =	stream.indirect.scatter.add.f32 [tilespmem:s20], [sflag:$0x3], $0x80, s2, s19, $0xb8;
	[tilespmem:$0x1C400] =	vst v63  }
0x6d: {  	_ =	swait.ge [sflag:s26], $0x4000  }
0x6e: {  	[sflag:s26] =	ssyncset.done $0x0  }
0x6f: {  	s8 =	simm.s32 $0x100;
	[sflag:s26] =	ssyncadd.s32 $0xFFFFC000  }
.LBB2_2:
0x70: {  	[spmem:s1] =	stream.indirect.scatter.add.f32 [tilespmem:s22], [sflag:$0x4], $0x80, s5, s19, $0xb8;
	[tilespmem:$0x1C400] =	vst v63  }
0x71: {  	s9 =	smov.u32 s8  }
0x72: {  	p0 =	sne.s32 s8, $0x1200;
	s8 =	sadd.s32 $0x100, s8;
	_ =	swait.ge [sflag:s18], $0x400  }
0x73: {  	[sflag:s18] =	ssyncset.done $0x0  }
0x74: {  	[sflag:s18] =	ssyncadd.s32 $0xFFFFFC00  }
0x75: {  	_ =	swait.ge [sflag:s30], $0x4000  }
0x76: {  	[sflag:s30] =	ssyncset.done $0x0  }
0x77: {  	[sflag:s30] =	ssyncadd.s32 $0xFFFFC000  }
0x78: {  	[tilespmem:s20], [sflag:$0x1] =	stream.indirect.gather [hbm4b:s4+s19], $0x80, s15, s19, $0xb8;
	[tilespmem:$0x1C400] =	vst v63  }
0x79: {  	_ =	swait.ge [sflag:s31], $0x4000  }
0x7a: {  	[sflag:s31] =	ssyncset.done $0x0  }
0x7b: {  	[sflag:s31] =	ssyncadd.s32 $0xFFFFC000  }
0x7c: {  	[tilespmem:s22], [sflag:$0x2] =	stream.indirect.gather [hbm4b:s4+s19], $0x80, s21, s19, $0xb8;
	[tilespmem:$0x1C400] =	vst v63  }
0x7d: {  	s11 =	sadd.s32 s9, s14  }
0x7e: {  	[tilespmem:s23], [sflag:$0x6] =	stream.linear.gather [hbm4b:s11+s3], $0x400, $0x38;
	[tilespmem:$0x1C400] =	vst v63  }
0x7f: {  	_ =	swait.ge [sflag:s24], $0x4000  }
0x80: {  	[sflag:s24] =	ssyncset.done $0x0  }
0x81: {  	[sflag:s24] =	ssyncadd.s32 $0xFFFFC000  }
0x82: {  	[spmem:s1] =	stream.indirect.scatter.add.f32 [tilespmem:s20], [sflag:$0x3], $0x80, s25, s19, $0xb8;
	[tilespmem:$0x1C400] =	vst v63  }
0x83: {  	_ =	swait.ge [sflag:s26], $0x4000  }
0x84: {  	[sflag:s26] =	ssyncset.done $0x0  }
0x85: {  	[sflag:s26] =	ssyncadd.s32 $0xFFFFC000  }
0x86: {  	[spmem:s1] =	stream.indirect.scatter.add.f32 [tilespmem:s22], [sflag:$0x4], $0x80, s28, s19, $0xb8;
	[tilespmem:$0x1C400] =	vst v63  }
0x87: {  	_ =	swait.ge [sflag:s29], $0x400  }
0x88: {  	[sflag:s29] =	ssyncset.done $0x0  }
0x89: {  	[sflag:s29] =	ssyncadd.s32 $0xFFFFFC00  }
0x8a: {  	_ =	swait.ge [sflag:s30], $0x4000  }
0x8b: {  	[sflag:s30] =	ssyncset.done $0x0  }
0x8c: {  	[sflag:s30] =	ssyncadd.s32 $0xFFFFC000  }
0x8d: {  	[tilespmem:s20], [sflag:$0x1] =	stream.indirect.gather [hbm4b:s4+s19], $0x80, s23, s19, $0xb8;
	[tilespmem:$0x1C400] =	vst v63  }
0x8e: {  	_ =	swait.ge [sflag:s31], $0x4000  }
0x8f: {  	[sflag:s31] =	ssyncset.done $0x0  }
0x90: {  	[sflag:s31] =	ssyncadd.s32 $0xFFFFC000  }
0x91: {  	[tilespmem:s22], [sflag:$0x2] =	stream.indirect.gather [hbm4b:s4+s19], $0x80, s0, s19, $0xb8;
	[tilespmem:$0x1C400] =	vst v63  }
0x92: {  	s9 =	sadd.s32 s9, s13  }
0x93: {  	[tilespmem:s15], [sflag:$0x5] =	stream.linear.gather [hbm4b:s9+s3], $0x400, $0x38;
	[tilespmem:$0x1C400] =	vst v63  }
0x94: {  	_ =	swait.ge [sflag:s24], $0x4000  }
0x95: {  	[sflag:s24] =	ssyncset.done $0x0  }
.Ltmp0:
0x96: {  	[sflag:s24] =	ssyncadd.s32 $0xFFFFC000;
	(pc) =	sbr.rel @p0 .LBB2_2-.Ltmp0, $4  }
0x97: {  	[spmem:s1] =	stream.indirect.scatter.add.f32 [tilespmem:s20], [sflag:$0x3], $0x80, s2, s19, $0xb8;
	[tilespmem:$0x1C400] =	vst v63  }
0x98: {  	_ =	swait.ge [sflag:s26], $0x4000  }
0x99: {  	[sflag:s26] =	ssyncset.done $0x0  }
0x9a: {  	[sflag:s26] =	ssyncadd.s32 $0xFFFFC000  }
0x9b: {  	[spmem:s1] =	stream.indirect.scatter.add.f32 [tilespmem:s22], [sflag:$0x4], $0x80, s5, s19, $0xb8;
	[tilespmem:$0x1C400] =	vst v63  }
0x9c: {  	_ =	swait.ge [sflag:s18], $0x400  }
0x9d: {  	[sflag:s18] =	ssyncset.done $0x0  }
0x9e: {  	[sflag:s18] =	ssyncadd.s32 $0xFFFFFC00  }
0x9f: {  	_ =	swait.ge [sflag:s30], $0x4000  }
0xa0: {  	[sflag:s30] =	ssyncset.done $0x0  }
0xa1: {  	[sflag:s30] =	ssyncadd.s32 $0xFFFFC000  }
0xa2: {  	[tilespmem:s20], [sflag:$0x1] =	stream.indirect.gather [hbm4b:s4+s19], $0x80, s15, s19, $0xb8;
	[tilespmem:$0x1C400] =	vst v63  }
0xa3: {  	_ =	swait.ge [sflag:s31], $0x4000  }
0xa4: {  	[sflag:s31] =	ssyncset.done $0x0  }
0xa5: {  	[sflag:s31] =	ssyncadd.s32 $0xFFFFC000  }
0xa6: {  	[tilespmem:s22], [sflag:$0x2] =	stream.indirect.gather [hbm4b:s4+s19], $0x80, s21, s19, $0xb8;
	[tilespmem:$0x1C400] =	vst v63  }
0xa7: {  	_ = 	snop  }
0xa8: {  	[tilespmem:s23], [sflag:$0x6] =	stream.linear.gather [hbm4b:s12+s3], $0x400, $0x38;
	[tilespmem:$0x1C400] =	vst v63  }
0xa9: {  	_ =	swait.ge [sflag:s24], $0x4000  }
0xaa: {  	[sflag:s24] =	ssyncset.done $0x0  }
0xab: {  	[sflag:s24] =	ssyncadd.s32 $0xFFFFC000  }
0xac: {  	[spmem:s1] =	stream.indirect.scatter.add.f32 [tilespmem:s20], [sflag:$0x3], $0x80, s25, s19, $0xb8;
	[tilespmem:$0x1C400] =	vst v63  }
0xad: {  	_ =	swait.ge [sflag:s26], $0x4000  }
0xae: {  	[sflag:s26] =	ssyncset.done $0x0  }
0xaf: {  	[sflag:s26] =	ssyncadd.s32 $0xFFFFC000  }
0xb0: {  	[spmem:s1] =	stream.indirect.scatter.add.f32 [tilespmem:s22], [sflag:$0x4], $0x80, s28, s19, $0xb8;
	[tilespmem:$0x1C400] =	vst v63  }
0xb1: {  	_ =	swait.ge [sflag:s29], $0x400  }
0xb2: {  	[sflag:s29] =	ssyncset.done $0x0  }
0xb3: {  	[sflag:s29] =	ssyncadd.s32 $0xFFFFFC00  }
0xb4: {  	_ =	swait.ge [sflag:s30], $0x4000  }
0xb5: {  	[sflag:s30] =	ssyncset.done $0x0  }
0xb6: {  	[sflag:s30] =	ssyncadd.s32 $0xFFFFC000  }
0xb7: {  	[tilespmem:s20], [sflag:$0x1] =	stream.indirect.gather [hbm4b:s4+s19], $0x80, s23, s19, $0xb8;
	[tilespmem:$0x1C400] =	vst v63  }
0xb8: {  	_ =	swait.ge [sflag:s31], $0x4000  }
0xb9: {  	[sflag:s31] =	ssyncset.done $0x0  }
0xba: {  	[sflag:s31] =	ssyncadd.s32 $0xFFFFC000  }
0xbb: {  	[tilespmem:s22], [sflag:$0x2] =	stream.indirect.gather [hbm4b:s4+s19], $0x80, s0, s19, $0xb8;
	[tilespmem:$0x1C400] =	vst v63  }
0xbc: {  	_ =	swait.ge [sflag:s24], $0x4000  }
0xbd: {  	[sflag:s24] =	ssyncset.done $0x0  }
0xbe: {  	[sflag:s24] =	ssyncadd.s32 $0xFFFFC000  }
0xbf: {  	[spmem:s1] =	stream.indirect.scatter.add.f32 [tilespmem:s20], [sflag:$0x3], $0x80, s2, s19, $0xb8;
	[tilespmem:$0x1C400] =	vst v63  }
0xc0: {  	_ =	swait.ge [sflag:s26], $0x4000  }
0xc1: {  	[sflag:s26] =	ssyncset.done $0x0  }
0xc2: {  	[sflag:s26] =	ssyncadd.s32 $0xFFFFC000  }
0xc3: {  	[spmem:s1] =	stream.indirect.scatter.add.f32 [tilespmem:s22], [sflag:$0x4], $0x80, s5, s19, $0xb8;
	[tilespmem:$0x1C400] =	vst v63  }
0xc4: {  	_ =	swait.ge [sflag:s30], $0x4000  }
0xc5: {  	[sflag:s30] =	ssyncset.done $0x0  }
0xc6: {  	[sflag:s30] =	ssyncadd.s32 $0xFFFFC000  }
0xc7: {  	_ =	swait.ge [sflag:s31], $0x4000  }
0xc8: {  	[sflag:s31] =	ssyncset.done $0x0  }
0xc9: {  	[sflag:s31] =	ssyncadd.s32 $0xFFFFC000  }
0xca: {  	[bflag:$0x0] =	sbarrier.arrive $0xFFFF  }
0xcb: {  	s8 =	rddreg [dreg:$0x6]  }
0xcc: {  	[hbm:s8], [sflag:s7] =	dma.local [spmem:s16], $0x2780  }
0xcd: {  	_ =	swait.ge [sflag:s17], $0x2780  }
0xce: {  	s6 =	sadd.s32 $0x1, s6;
	s11 =	rddreg [dreg:$0x7]  }
0xcf: {  	p0 =	sne.s32 s6, s11  }
.Ltmp1:
0xd0: {  	_ = 	snop;
	(pc) =	sbr.rel @p0 .LBB2_1-.Ltmp1, $3  }
0xd1: {  	_ =	sdelay $0x1  }
0xd2: {  	[sflag:s17] =	ssyncset.done $0x0  }
0xd3: {  	[sflag:s17] =	ssyncadd.s32 $0xFFFFD880  }
0xd4: {  	_ =	sfence.sel $0x180000  }
0xd5: {  	[bflag:$0x0] =	sbarrier.arrive $0xFFFF  }
0xd6: {  	_ =	strace $0x9000004D  }
0xd7: {  	s0 =	stileid.u32;
	[bflag:$0x2] =	sbarrier.arrive $0xFFFF  }
0xd8: {  	p0 =	sne.s32 s0, $0x0;
	s0 =	rddreg [dreg:$0x3]  }
0xd9: {  	s0 =	sadd.s32 @!p0 $0x100000, s0  }
0xda: {  	[sflag:s0] =	ssyncadd.tile.s32 @!p0 $0x1;
	_ =	shalt  }
.Lfunc_end2:
_tile_overlayer_lowered:
.L_overlay_start_2:
0xdb: {  	(tag) =	ssettag $0x2  }
0xdc: {  	s0 =	rddreg [dreg:$0x0];
	s2 =	stileid.u32  }
0xdd: {  	s1 =	rddreg [dreg:$0x1];
	p0 =	sne.s32 s2, $0x0  }
0xde: {  	s3 =	rddreg [dreg:$0x2];
	[bflag:$0x3] =	sbarrier.arrive $0xFFFF;
	s2 =	simm.s32 @!p0 $0x1C07  }
0xdf: {  	[timem:s3], [sflag:s2] =	dma.local @!p0 [hbm:s0], s1  }
0xe0: {  	s0 =	simm.s32 @!p0 $0x7  }
0xe1: {  	_ =	swait.ge @!p0 [sflag:s0], s1  }
0xe2: {  	s1 =	ssub.s32 @!p0 $0x0, s1;
	[sflag:s0] =	ssyncset.done @!p0 $0x0  }
0xe3: {  	[sflag:s0] =	ssyncadd.s32 @!p0 s1  }
0xe4: {  	[bflag:$0x3] =	sbarrier.arrive $0xFFFF  }
0xe5: {  	_ =	shalt  }

// kernel: kernel.19.cloned.1.call-start
scs
__scs_entry_jumppad:
0x0: {  	(pc) =	sbr.rel $0x88, $3  }
0x1: {  	(tag) =	ssettag $0x0;
	lr =	simm.s32 $0x1  }
0x2: {  	[smem:$0x3F9C] =	sst lr;
	_ =	strace $0xD0000000  }
0x3: {  	_ = 	snop  }
0x4: {  	_ = 	snop  }
0x5: {  	_ = 	snop  }
0x6: {  	_ = 	snop  }
0x7: {  	_ = 	snop  }
__scs_overlays_trampoline_lowered:
0x8: {  	[smem:$0x3FAB] =	sst s0  }
0x9: {  	[smem:$0x3FAC] =	sst s1  }
0xa: {  	[smem:$0x3FAD] =	sst s2  }
0xb: {  	[smem:$0x3FAE] =	sst s3  }
0xc: {  	[smem:$0x3FAF] =	sst s4  }
0xd: {  	[smem:$0x3FB0] =	sst s5  }
0xe: {  	[smem:$0x3FB1] =	sst s6  }
0xf: {  	[smem:$0x3FB2] =	sst s7  }
0x10: {  	[smem:$0x3FB3] =	sst s8  }
0x11: {  	[smem:$0x3FB4] =	sst s9;
	s0 =	simm.s32 @!p0 $0x0  }
0x12: {  	s1 =	sld [smem:$0x3F9A];
	s0 =	simm.s32 @p0 $0x1  }
0x13: {  	[smem:$0x3FB5] =	sst s0;
	s0 =	simm.s32 @!p1 $0x0  }
0x14: {  	s2 =	sld [smem:$0x3F99];
	s0 =	simm.s32 @p1 $0x1  }
0x15: {  	[smem:$0x3FB6] =	sst s0;
	s0 =	simm.s32 @!p2 $0x0  }
0x16: {  	s3 =	sld [smem:$0x3FDB];
	s0 =	simm.s32 @p2 $0x1  }
0x17: {  	s4 =	simm.s32 $0x1BF5;
	[smem:$0x3FB8] =	sst s0  }
0x18: {  	s0 =	sld [smem:$0x3F9B];
	_ =	swait.ge [sflag:s4], $0x0  }
0x19: {  	s7 =	sld [smem:$0x3F9C]  }
0x1a: {  	s8 =	sadd.s32 $0xFFFFE003, lr  }
0x1b: {  	s9 =	sadd.s32 $0xFFFFFEF7, lr;
	s5 =	simm.s32 $0xFFFFFFFF;
	p2 =	slt.u32 s8, $0xFFFFF086  }
0x1c: {  	p1 =	slt.u32 s9, $0xF7A;
	s5 =	simm.s32 @!p2 $0x0  }
0x1d: {  	s5 =	simm.s32 @p1 $0x1;
	p0 =	seq.s32 s7, s2  }
0x1e: {  	s7 =	smul.u32 @!p0 $0xF7A, s2;
	p2 =	seq.s32 @!p0 s5, $0x0  }
0x1f: {  	s9 =	smul.u32 $0xF7A, s1;
	s8 =	simm.s32 @!p0 $0x1BF5;
	p2 =	por !p2, p0  }
0x20: {  	[sflag:s8] =	ssyncset.s32 @!p0 $0xFFFFF086;
	s6 =	sadd.s32 @!p0 s3, s7;
	s7 =	simm.s32 @!p0 $0x108  }
0x21: {  	s3 =	sadd.s32 s3, s9;
	s6 =	sadd.s32 @!p0 $0x88, s6;
	s7 =	simm.s32 @p2 $0x1082  }
0x22: {  	[simem:s7], [sflag:s8] =	dma.local @!p0 [hbm:s6], $0xF7A  }
0x23: {  	s9 =	sor.u32 $0xD0000000, s2;
	s6 =	simm.s32 $0x108;
	_ =	swait.ge @!p0 [sflag:s8], $0x0  }
0x24: {  	s3 =	sadd.s32 $0x88, s3;
	s6 =	simm.s32 @!p1 $0x1082;
	[sflag:s4] =	ssyncset.s32 $0xFFFFF086  }
0x25: {  	[simem:s6], [sflag:s4] =	dma.local [hbm:s3], $0xF7A  }
0x26: {  	[smem:$0x3F9C] =	sst s1;
	(tag) =	ssettag s2;
	_ =	strace s9  }
0x27: {  	s1 =	sld [smem:$0x3FAC]  }
0x28: {  	s2 =	sld [smem:$0x3FAD]  }
0x29: {  	s4 =	sld [smem:$0x3FAF]  }
0x2a: {  	p0 =	seq.s32 s5, $0x0;
	s5 =	sld [smem:$0x3FB0]  }
0x2b: {  	s6 =	sld [smem:$0x3FB1]  }
0x2c: {  	s7 =	sld [smem:$0x3FB2]  }
0x2d: {  	s3 =	simm.s32 $0x108;
	s8 =	sld [smem:$0x3FB3]  }
0x2e: {  	s3 =	simm.s32 @!p0 $0x1082;
	s9 =	sld [smem:$0x3FB4]  }
0x2f: {  	lr =	sadd.s32 s0, s3;
	s0 =	sld [smem:$0x3FAB]  }
0x30: {  	s3 =	sld [smem:$0x3FAE]  }
0x31: {  	[smem:$0x3FB7] =	sst s10  }
0x32: {  	s10 =	sld [smem:$0x3FB5];
	_ =	sdelay $0x3  }
0x33: {  	p0 =	seq.s32 s10, $0x1;
	s10 =	sld [smem:$0x3FB7];
	_ =	sdelay $0x3  }
0x34: {  	[smem:$0x3FB7] =	sst s10  }
0x35: {  	s10 =	sld [smem:$0x3FB6];
	_ =	sdelay $0x3  }
0x36: {  	p1 =	seq.s32 s10, $0x1;
	s10 =	sld [smem:$0x3FB7];
	_ =	sdelay $0x3  }
0x37: {  	[smem:$0x3FB7] =	sst s10  }
0x38: {  	s10 =	sld [smem:$0x3FB8]  }
0x39: {  	_ = 	snop;
	(pc) =	sbr.ind lr, $3  }
0x3a: {  	_ = 	snop  }
0x3b: {  	_ = 	snop  }
0x3c: {  	p2 =	seq.s32 s10, $0x1;
	s10 =	sld [smem:$0x3FB7]  }
0x3d: {  	_ =	shalt  }
0x3e: {  	_ =	shalt  }
0x3f: {  	_ =	shalt  }
0x40: {  	_ =	shalt  }
0x41: {  	_ =	shalt  }
0x42: {  	_ =	shalt  }
0x43: {  	_ =	shalt  }
0x44: {  	_ =	shalt  }
0x45: {  	_ =	shalt  }
0x46: {  	_ =	shalt  }
0x47: {  	_ =	shalt  }
0x48: {  	_ =	shalt  }
0x49: {  	_ =	shalt  }
0x4a: {  	_ =	shalt  }
0x4b: {  	_ =	shalt  }
0x4c: {  	_ =	shalt  }
0x4d: {  	_ =	shalt  }
0x4e: {  	_ =	shalt  }
0x4f: {  	_ =	shalt  }
0x50: {  	_ =	shalt  }
0x51: {  	_ =	shalt  }
0x52: {  	_ =	shalt  }
0x53: {  	_ =	shalt  }
0x54: {  	_ =	shalt  }
0x55: {  	_ =	shalt  }
0x56: {  	_ =	shalt  }
0x57: {  	_ =	shalt  }
0x58: {  	_ =	shalt  }
0x59: {  	_ =	shalt  }
0x5a: {  	_ =	shalt  }
0x5b: {  	_ =	shalt  }
0x5c: {  	_ =	shalt  }
0x5d: {  	_ =	shalt  }
0x5e: {  	_ =	shalt  }
0x5f: {  	_ =	shalt  }
0x60: {  	_ =	shalt  }
0x61: {  	_ =	shalt  }
0x62: {  	_ =	shalt  }
0x63: {  	_ =	shalt  }
0x64: {  	_ =	shalt  }
0x65: {  	_ =	shalt  }
0x66: {  	_ =	shalt  }
0x67: {  	_ =	shalt  }
0x68: {  	_ =	shalt  }
0x69: {  	_ =	shalt  }
0x6a: {  	_ =	shalt  }
0x6b: {  	_ =	shalt  }
0x6c: {  	_ =	shalt  }
0x6d: {  	_ =	shalt  }
0x6e: {  	_ =	shalt  }
0x6f: {  	_ =	shalt  }
0x70: {  	_ =	shalt  }
0x71: {  	_ =	shalt  }
0x72: {  	_ =	shalt  }
0x73: {  	_ =	shalt  }
0x74: {  	_ =	shalt  }
0x75: {  	_ =	shalt  }
0x76: {  	_ =	shalt  }
0x77: {  	_ =	shalt  }
0x78: {  	_ =	shalt  }
0x79: {  	_ =	shalt  }
0x7a: {  	_ =	shalt  }
0x7b: {  	_ =	shalt  }
0x7c: {  	_ =	shalt  }
0x7d: {  	_ =	shalt  }
0x7e: {  	_ =	shalt  }
0x7f: {  	_ =	shalt  }
0x80: {  	_ =	shalt  }
0x81: {  	_ =	shalt  }
0x82: {  	_ =	shalt  }
0x83: {  	_ =	shalt  }
0x84: {  	_ =	shalt  }
0x85: {  	_ =	shalt  }
0x86: {  	_ =	shalt  }
0x87: {  	_ =	shalt  }
.Lfunc_end0:
.L_simem_size_0:
called_computation.3_lowered:
.L_overlay_start_0:
0x88: {  	s2 =	sld [smem:$0x3FD9]  }
0x89: {  	s3 =	sld [smem:$0x3FFE];
	_ =	sdelay $0x1  }
0x8a: {  	s1 =	srdreg.scid  }
0x8b: {  	s0 =	sand.u32 $0x1, s1  }
0x8c: {  	s17 =	sshll.u32 s0, $0xA;
	s2 =	sadd.s32 s3, s2  }
0x8d: {  	s2 =	sadd.s32 s2, s17  }
0x8e: {  	[smem:$0x3FC3] =	sst s2  }
0x8f: {  	_ = 	snop  }
0x90: {  	s2 =	sld [smem:$0x3FD0];
	(tm) =	ssettm $0x1  }
0x91: {  	s18 =	sld [smem:$0x3FFB];
	_ =	sdelay $0x3  }
0x92: {  	_ =	strace s18  }
0x93: {  	s3 =	sld [smem:$0x3FFC];
	_ =	sdelay $0x3  }
0x94: {  	_ =	strace s3  }
0x95: {  	s3 =	sld [smem:$0x3FFD];
	_ =	sdelay $0x3  }
0x96: {  	_ =	strace s3  }
0x97: {  	_ =	strace $0x8FFFFFFF  }
0x98: {  	s19 =	sld [smem:$0x3FDB];
	_ =	sdelay $0x1  }
0x99: {  	s4 =	simm.s32 $_scs_section_size  }
0x9a: {  	s5 =	simm.s32 $_size__tile_overlayer_lowered;
	s6 =	simm.s32 $_tile_overlayer_lowered  }
0x9b: {  	s22 =	simm.s32 $0x1BFF;
	s21 =	sshll.u32 s6, $0x1;
	s3 =	sadd.s32 s4, s19  }
0x9c: {  	s7 =	simm.s32 $0x0;
	s20 =	sshll.u32 s5, $0x1;
	s5 =	sadd.s32 s21, s3  }
0x9d: {  	[timem:s7], [sflag:s22] =	dma.local [hbm:s5], s20  }
0x9e: {  	_ =	swait.ge [sflag:s22], s20  }
0x9f: {  	s4 =	ssub.s32 $0x0, s20;
	[sflag:s22] =	ssyncset.done $0x0  }
0xa0: {  	[sflag:s22] =	ssyncadd.s32 s4;
	_ =	sdelay $0x1  }
0xa1: {  	s23 =	simm.s32 $0x1B8B  }
0xa2: {  	_ =	swait.ge [sflag:s23], $0x1  }
0xa3: {  	[sflag:s23] =	ssyncset.done $0x0  }
0xa4: {  	s25 =	simm.s32 $0x1B8E;
	s24 =	sld [smem:$0x3FFE];
	[sflag:s23] =	ssyncadd.s32 $0xFFFFFFFF  }
0xa5: {  	s26 =	simm.s32 $execute0_lowered;
	[smem:$0x3FD2] =	sst s25  }
0xa6: {  	s5 =	sshll.u32 s26, $0x1;
	_ =	strace $0x8000004F;
	[dreg:$0x1] =	wrdreg $0xFFFFFFFF  }
0xa7: {  	s28 =	simm.s32 $_size_execute0_lowered;
	s3 =	sadd.s32 s3, s5;
	[dreg:$0x0] =	wrdreg $0x0  }
0xa8: {  	s5 =	sshll.u32 s28, $0x1;
	[dreg:$0x2] =	wrdreg s3  }
0xa9: {  	[dreg:$0x3] =	wrdreg s5  }
0xaa: {  	[dreg:$0x4] =	wrdreg $0xC0  }
0xab: {  	_ =	task [dreg:s7], $0x5FFFF  }
0xac: {  	[dreg:$0x1] =	wrdreg $0xFFFFFFFF  }
0xad: {  	[dreg:$0x0] =	wrdreg $0x60  }
0xae: {  	[dreg:$0x2] =	wrdreg s24  }
0xaf: {  	[dreg:$0x3] =	wrdreg s2  }
0xb0: {  	[dreg:$0x4] =	wrdreg $0x0  }
0xb1: {  	[dreg:$0x5] =	wrdreg $0x9  }
0xb2: {  	_ =	task.clear_ibuf [dreg:s7], $0x6FFFF;
	_ =	strace $0x9000004F  }
0xb3: {  	s29 =	simm.s32 $0x9;
	_ =	strace $0x80000051  }
0xb4: {  	_ =	swait.ge [sflag:s29], $0x1  }
0xb5: {  	[sflag:s29] =	ssyncadd.s32 $0xFFFFFFFF  }
0xb6: {  	_ =	strace $0x90000051  }
0xb7: {  	_ =	sfence  }
0xb8: {  	s30 =	sld [smem:$0x0];
	_ =	sdelay $0x2  }
0xb9: {  	s31 =	sshll.u32 s1, $0xD;
	s1 =	sshrl.u32 s1, $0x2  }
0xba: {  	s3 =	sand.u32 $0x4000, s31;
	s1 =	sadd.s32 s1, s30  }
0xbb: {  	s0 =	sor.u32 s3, s0;
	s1 =	sshll.u32 s1, $0x11  }
0xbc: {  	s0 =	sor.u32 s1, s0  }
0xbd: {  	s0 =	sadd.s32 $0x8F2B, s0  }
0xbe: {  	[sflag:s0] =	ssyncadd.remote.s32 $0x1  }
0xbf: {  	_ =	sfence.sel $0xFFFF  }
0xc0: {  	[dreg:$0x0] =	wrdreg $0xFFFFFFFF;
	(pc) =	sbr.abs _section_cstart, $3  }
0xc1: {  	[dreg:$0x1] =	wrdreg $0xFFFFFFFF  }
0xc2: {  	_ =	task.clear_ibuf [dreg:s7], $0x2FFFF;
	_ =	strace $0x9FFFFFFF  }
0xc3: {  	(tm) =	ssettm $0x7FFFFFFF  }
tec
execute0_lowered:
.L_overlay_start_1:
0x0: {  	(tag) =	ssettag $0x1  }
0x1: {  	s0 =	rddreg [dreg:$0x0]  }
0x2: {  	s2 =	rddreg [dreg:$0x1]  }
0x3: {  	s1 =	rddreg [dreg:$0x2]  }
0x4: {  	s3 =	srdreg.scid;
	s10 =	stileid.u32;
	s28 =	simm.s32 $0x1BD80  }
0x5: {  	s29 =	simm.s32 $0x6;
	s30 =	simm.s32 $0x3;
	s7 =	smul.u32 $0x13C00, s10  }
0x6: {  	s31 =	simm.s32 $0x4;
	s5 =	sand.u32 $0x1, s3;
	s13 =	smul.u32 $0xA800, s10  }
0x7: {  	s3 =	simm.s32 $0x0;
	s4 =	sadd.s32 $0x5B600, s0;
	s14 =	smul.u32 $0x4F000, s10  }
0x8: {  	s9 =	sadd.s32 $0x2600, s0;
	s19 =	sshll.u32 s10, $0x6;
	s6 =	smul.u32 $0x140000, s5  }
0x9: {  	[smem:$0x7FF] =	sst s3;
	s8 =	smul.u32 $0xA8000, s5;
	s5 =	ssub.s32 $0x2, s5  }
0xa: {  	_ =	strace $0x80000050;
	[dreg:$0x4] =	wrdreg s9;
	s15 =	sshrl.u32 s5, $0x1  }
0xb: {  	s17 =	sshrl.u32 s14, $0x2;
	s6 =	sadd.s32 s7, s6;
	s8 =	sadd.s32 s13, s8  }
0xc: {  	s5 =	ssub.s32 s5, s15;
	s18 =	sadd.s32 s17, s1;
	s7 =	sor.u32 $0x1C07, s19  }
0xd: {  	s15 =	simm.s32 $0x1BC00;
	s17 =	simm.s32 $0x7;
	s19 =	simm.s32 $0x80  }
0xe: {  	s6 =	sshrl.u32 s6, $0x3;
	s16 =	sshrl.u32 s8, $0x3;
	s20 =	sor.u32 $0x400, s8  }
0xf: {  	s5 =	smax.u32 s5, $0x1;
	s21 =	sadd.s32 $0x800, s8;
	s23 =	sadd.s32 $0x1000, s8  }
0x10: {  	s25 =	sadd.s32 $0xC00, s8;
	s0 =	sadd.s32 s6, s0;
	s6 =	sadd.s32 s2, s16  }
0x11: {  	[dreg:$0x7] =	wrdreg s5;
	s22 =	sshrl.u32 s21, $0x3;
	s24 =	sshrl.u32 s23, $0x3  }
0x12: {  	s26 =	sshrl.u32 s25, $0x3;
	s16 =	sshrl.u32 s18, $0x3;
	s18 =	simm.s32 $0x5  }
0x13: {  	s21 =	simm.s32 $0x1BC80;
	s23 =	simm.s32 $0x1C000;
	s25 =	simm.s32 $0x1BD00  }
0x14: {  	s5 =	simm.s32 $0x1C180;
	[dreg:$0x5] =	wrdreg s6;
	s0 =	sadd.s32 $0xAB600, s0  }
0x15: {  	s13 =	sadd.s32 s24, s2;
	s14 =	sadd.s32 s26, s2;
	s24 =	simm.s32 $0x1  }
0x16: {  	s26 =	simm.s32 $0x2;
	[dreg:$0x6] =	wrdreg s0;
	s0 =	sshrl.u32 s20, $0x3  }
0x17: {  	s6 =	simm.s32 $0x0;
	s20 =	simm.s32 $0x13C00;
	s10 =	sadd.s32 s2, s0  }
0x18: {  	s0 =	sadd.s32 s2, s22;
	s22 =	simm.s32 $0x17C00;
	s2 =	simm.s32 $0x1C100  }
0x19: {  	[dreg:$0x8] =	wrdreg s0;
	s12 =	sadd.s32 $0x1400, s10;
	s0 =	simm.s32 $0x1C080  }
.LBB2_1:
0x1a: {  	s8 =	rddreg [dreg:$0x5]  }
0x1b: {  	s9 =	rddreg [dreg:$0x4]  }
0x1c: {  	[tilespmem:s15], [sflag:$0x5] =	stream.linear.gather [hbm4b:s8+s3], $0x400, $0x38;
	[tilespmem:$0x1C400] =	vst v63  }
0x1d: {  	[spmem:s16], [sflag:s7] =	dma.local [hbm:s9], $0x2780  }
0x1e: {  	_ =	swait.ge [sflag:s17], $0x2780  }
0x1f: {  	[sflag:s17] =	ssyncset.done $0x0  }
0x20: {  	[sflag:s17] =	ssyncadd.s32 $0xFFFFD880  }
0x21: {  	[bflag:$0x0] =	sbarrier.arrive $0xFFFF  }
0x22: {  	_ =	swait.ge [sflag:s18], $0x400  }
0x23: {  	[sflag:s18] =	ssyncset.done $0x0  }
0x24: {  	[sflag:s18] =	ssyncadd.s32 $0xFFFFFC00  }
0x25: {  	[tilespmem:s20], [sflag:$0x1] =	stream.indirect.gather [hbm4b:s4+s19], $0x80, s15, s19, $0xb8;
	[tilespmem:$0x1C400] =	vst v63  }
0x26: {  	_ = 	snop  }
0x27: {  	[tilespmem:s22], [sflag:$0x2] =	stream.indirect.gather [hbm4b:s4+s19], $0x80, s21, s19, $0xb8;
	[tilespmem:$0x1C400] =	vst v63  }
0x28: {  	_ = 	snop  }
0x29: {  	[tilespmem:s23], [sflag:$0x6] =	stream.linear.gather [hbm4b:s10+s3], $0x400, $0x38;
	[tilespmem:$0x1C400] =	vst v63  }
0x2a: {  	_ =	swait.ge [sflag:s24], $0x4000  }
0x2b: {  	[sflag:s24] =	ssyncset.done $0x0  }
0x2c: {  	[sflag:s24] =	ssyncadd.s32 $0xFFFFC000  }
0x2d: {  	[spmem:s1] =	stream.indirect.scatter.add.f32 [tilespmem:s20], [sflag:$0x3], $0x80, s25, s19, $0xb8;
	[tilespmem:$0x1C400] =	vst v63  }
0x2e: {  	_ =	swait.ge [sflag:s26], $0x4000  }
0x2f: {  	[sflag:s26] =	ssyncset.done $0x0  }
0x30: {  	[sflag:s26] =	ssyncadd.s32 $0xFFFFC000  }
0x31: {  	[spmem:s1] =	stream.indirect.scatter.add.f32 [tilespmem:s22], [sflag:$0x4], $0x80, s28, s19, $0xb8;
	[tilespmem:$0x1C400] =	vst v63  }
0x32: {  	_ =	swait.ge [sflag:s29], $0x400  }
0x33: {  	[sflag:s29] =	ssyncset.done $0x0  }
0x34: {  	[sflag:s29] =	ssyncadd.s32 $0xFFFFFC00  }
0x35: {  	_ =	swait.ge [sflag:s30], $0x4000  }
0x36: {  	[sflag:s30] =	ssyncset.done $0x0  }
0x37: {  	[sflag:s30] =	ssyncadd.s32 $0xFFFFC000  }
0x38: {  	[tilespmem:s20], [sflag:$0x1] =	stream.indirect.gather [hbm4b:s4+s19], $0x80, s23, s19, $0xb8;
	[tilespmem:$0x1C400] =	vst v63  }
0x39: {  	_ =	swait.ge [sflag:s31], $0x4000  }
0x3a: {  	[sflag:s31] =	ssyncset.done $0x0  }
0x3b: {  	[sflag:s31] =	ssyncadd.s32 $0xFFFFC000  }
0x3c: {  	[tilespmem:s22], [sflag:$0x2] =	stream.indirect.gather [hbm4b:s4+s19], $0x80, s0, s19, $0xb8;
	[tilespmem:$0x1C400] =	vst v63  }
0x3d: {  	s11 =	rddreg [dreg:$0x8]  }
0x3e: {  	[tilespmem:s15], [sflag:$0x5] =	stream.linear.gather [hbm4b:s11+s3], $0x400, $0x38;
	[tilespmem:$0x1C400] =	vst v63  }
0x3f: {  	_ =	swait.ge [sflag:s24], $0x4000  }
0x40: {  	[sflag:s24] =	ssyncset.done $0x0  }
0x41: {  	[sflag:s24] =	ssyncadd.s32 $0xFFFFC000  }
0x42: {  	[spmem:s1] =	stream.indirect.scatter.add.f32 [tilespmem:s20], [sflag:$0x3], $0x80, s2, s19, $0xb8;
	[tilespmem:$0x1C400] =	vst v63  }
0x43: {  	_ =	swait.ge [sflag:s26], $0x4000  }
0x44: {  	[sflag:s26] =	ssyncset.done $0x0  }
0x45: {  	[sflag:s26] =	ssyncadd.s32 $0xFFFFC000  }
0x46: {  	[spmem:s1] =	stream.indirect.scatter.add.f32 [tilespmem:s22], [sflag:$0x4], $0x80, s5, s19, $0xb8;
	[tilespmem:$0x1C400] =	vst v63  }
0x47: {  	_ =	swait.ge [sflag:s18], $0x400  }
0x48: {  	[sflag:s18] =	ssyncset.done $0x0  }
0x49: {  	[sflag:s18] =	ssyncadd.s32 $0xFFFFFC00  }
0x4a: {  	_ =	swait.ge [sflag:s30], $0x4000  }
0x4b: {  	[sflag:s30] =	ssyncset.done $0x0  }
0x4c: {  	[sflag:s30] =	ssyncadd.s32 $0xFFFFC000  }
0x4d: {  	[tilespmem:s20], [sflag:$0x1] =	stream.indirect.gather [hbm4b:s4+s19], $0x80, s15, s19, $0xb8;
	[tilespmem:$0x1C400] =	vst v63  }
0x4e: {  	_ =	swait.ge [sflag:s31], $0x4000  }
0x4f: {  	[sflag:s31] =	ssyncset.done $0x0  }
0x50: {  	[sflag:s31] =	ssyncadd.s32 $0xFFFFC000  }
0x51: {  	[tilespmem:s22], [sflag:$0x2] =	stream.indirect.gather [hbm4b:s4+s19], $0x80, s21, s19, $0xb8;
	[tilespmem:$0x1C400] =	vst v63  }
0x52: {  	s9 =	sadd.s32 $0x0, s14  }
0x53: {  	[tilespmem:s23], [sflag:$0x6] =	stream.linear.gather [hbm4b:s9+s3], $0x400, $0x38;
	[tilespmem:$0x1C400] =	vst v63  }
0x54: {  	_ =	swait.ge [sflag:s24], $0x4000  }
0x55: {  	[sflag:s24] =	ssyncset.done $0x0  }
0x56: {  	[sflag:s24] =	ssyncadd.s32 $0xFFFFC000  }
0x57: {  	[spmem:s1] =	stream.indirect.scatter.add.f32 [tilespmem:s20], [sflag:$0x3], $0x80, s25, s19, $0xb8;
	[tilespmem:$0x1C400] =	vst v63  }
0x58: {  	_ =	swait.ge [sflag:s26], $0x4000  }
0x59: {  	[sflag:s26] =	ssyncset.done $0x0  }
0x5a: {  	[sflag:s26] =	ssyncadd.s32 $0xFFFFC000  }
0x5b: {  	[spmem:s1] =	stream.indirect.scatter.add.f32 [tilespmem:s22], [sflag:$0x4], $0x80, s28, s19, $0xb8;
	[tilespmem:$0x1C400] =	vst v63  }
0x5c: {  	_ =	swait.ge [sflag:s29], $0x400  }
0x5d: {  	[sflag:s29] =	ssyncset.done $0x0  }
0x5e: {  	[sflag:s29] =	ssyncadd.s32 $0xFFFFFC00  }
0x5f: {  	_ =	swait.ge [sflag:s30], $0x4000  }
0x60: {  	[sflag:s30] =	ssyncset.done $0x0  }
0x61: {  	[sflag:s30] =	ssyncadd.s32 $0xFFFFC000  }
0x62: {  	[tilespmem:s20], [sflag:$0x1] =	stream.indirect.gather [hbm4b:s4+s19], $0x80, s23, s19, $0xb8;
	[tilespmem:$0x1C400] =	vst v63  }
0x63: {  	_ =	swait.ge [sflag:s31], $0x4000  }
0x64: {  	[sflag:s31] =	ssyncset.done $0x0  }
0x65: {  	[sflag:s31] =	ssyncadd.s32 $0xFFFFC000  }
0x66: {  	[tilespmem:s22], [sflag:$0x2] =	stream.indirect.gather [hbm4b:s4+s19], $0x80, s0, s19, $0xb8;
	[tilespmem:$0x1C400] =	vst v63  }
0x67: {  	s11 =	sadd.s32 $0x0, s13  }
0x68: {  	[tilespmem:s15], [sflag:$0x5] =	stream.linear.gather [hbm4b:s11+s3], $0x400, $0x38;
	[tilespmem:$0x1C400] =	vst v63  }
0x69: {  	_ =	swait.ge [sflag:s24], $0x4000  }
0x6a: {  	[sflag:s24] =	ssyncset.done $0x0  }
0x6b: {  	[sflag:s24] =	ssyncadd.s32 $0xFFFFC000  }
0x6c: {  	[spmem:s1] =	stream.indirect.scatter.add.f32 [tilespmem:s20], [sflag:$0x3], $0x80, s2, s19, $0xb8;
	[tilespmem:$0x1C400] =	vst v63  }
0x6d: {  	_ =	swait.ge [sflag:s26], $0x4000  }
0x6e: {  	[sflag:s26] =	ssyncset.done $0x0  }
0x6f: {  	s8 =	simm.s32 $0x100;
	[sflag:s26] =	ssyncadd.s32 $0xFFFFC000  }
.LBB2_2:
0x70: {  	[spmem:s1] =	stream.indirect.scatter.add.f32 [tilespmem:s22], [sflag:$0x4], $0x80, s5, s19, $0xb8;
	[tilespmem:$0x1C400] =	vst v63  }
0x71: {  	s9 =	smov.u32 s8  }
0x72: {  	p0 =	sne.s32 s8, $0x1200;
	s8 =	sadd.s32 $0x100, s8;
	_ =	swait.ge [sflag:s18], $0x400  }
0x73: {  	[sflag:s18] =	ssyncset.done $0x0  }
0x74: {  	[sflag:s18] =	ssyncadd.s32 $0xFFFFFC00  }
0x75: {  	_ =	swait.ge [sflag:s30], $0x4000  }
0x76: {  	[sflag:s30] =	ssyncset.done $0x0  }
0x77: {  	[sflag:s30] =	ssyncadd.s32 $0xFFFFC000  }
0x78: {  	[tilespmem:s20], [sflag:$0x1] =	stream.indirect.gather [hbm4b:s4+s19], $0x80, s15, s19, $0xb8;
	[tilespmem:$0x1C400] =	vst v63  }
0x79: {  	_ =	swait.ge [sflag:s31], $0x4000  }
0x7a: {  	[sflag:s31] =	ssyncset.done $0x0  }
0x7b: {  	[sflag:s31] =	ssyncadd.s32 $0xFFFFC000  }
0x7c: {  	[tilespmem:s22], [sflag:$0x2] =	stream.indirect.gather [hbm4b:s4+s19], $0x80, s21, s19, $0xb8;
	[tilespmem:$0x1C400] =	vst v63  }
0x7d: {  	s11 =	sadd.s32 s9, s14  }
0x7e: {  	[tilespmem:s23], [sflag:$0x6] =	stream.linear.gather [hbm4b:s11+s3], $0x400, $0x38;
	[tilespmem:$0x1C400] =	vst v63  }
0x7f: {  	_ =	swait.ge [sflag:s24], $0x4000  }
0x80: {  	[sflag:s24] =	ssyncset.done $0x0  }
0x81: {  	[sflag:s24] =	ssyncadd.s32 $0xFFFFC000  }
0x82: {  	[spmem:s1] =	stream.indirect.scatter.add.f32 [tilespmem:s20], [sflag:$0x3], $0x80, s25, s19, $0xb8;
	[tilespmem:$0x1C400] =	vst v63  }
0x83: {  	_ =	swait.ge [sflag:s26], $0x4000  }
0x84: {  	[sflag:s26] =	ssyncset.done $0x0  }
0x85: {  	[sflag:s26] =	ssyncadd.s32 $0xFFFFC000  }
0x86: {  	[spmem:s1] =	stream.indirect.scatter.add.f32 [tilespmem:s22], [sflag:$0x4], $0x80, s28, s19, $0xb8;
	[tilespmem:$0x1C400] =	vst v63  }
0x87: {  	_ =	swait.ge [sflag:s29], $0x400  }
0x88: {  	[sflag:s29] =	ssyncset.done $0x0  }
0x89: {  	[sflag:s29] =	ssyncadd.s32 $0xFFFFFC00  }
0x8a: {  	_ =	swait.ge [sflag:s30], $0x4000  }
0x8b: {  	[sflag:s30] =	ssyncset.done $0x0  }
0x8c: {  	[sflag:s30] =	ssyncadd.s32 $0xFFFFC000  }
0x8d: {  	[tilespmem:s20], [sflag:$0x1] =	stream.indirect.gather [hbm4b:s4+s19], $0x80, s23, s19, $0xb8;
	[tilespmem:$0x1C400] =	vst v63  }
0x8e: {  	_ =	swait.ge [sflag:s31], $0x4000  }
0x8f: {  	[sflag:s31] =	ssyncset.done $0x0  }
0x90: {  	[sflag:s31] =	ssyncadd.s32 $0xFFFFC000  }
0x91: {  	[tilespmem:s22], [sflag:$0x2] =	stream.indirect.gather [hbm4b:s4+s19], $0x80, s0, s19, $0xb8;
	[tilespmem:$0x1C400] =	vst v63  }
0x92: {  	s9 =	sadd.s32 s9, s13  }
0x93: {  	[tilespmem:s15], [sflag:$0x5] =	stream.linear.gather [hbm4b:s9+s3], $0x400, $0x38;
	[tilespmem:$0x1C400] =	vst v63  }
0x94: {  	_ =	swait.ge [sflag:s24], $0x4000  }
0x95: {  	[sflag:s24] =	ssyncset.done $0x0  }
.Ltmp0:
0x96: {  	[sflag:s24] =	ssyncadd.s32 $0xFFFFC000;
	(pc) =	sbr.rel @p0 .LBB2_2-.Ltmp0, $4  }
0x97: {  	[spmem:s1] =	stream.indirect.scatter.add.f32 [tilespmem:s20], [sflag:$0x3], $0x80, s2, s19, $0xb8;
	[tilespmem:$0x1C400] =	vst v63  }
0x98: {  	_ =	swait.ge [sflag:s26], $0x4000  }
0x99: {  	[sflag:s26] =	ssyncset.done $0x0  }
0x9a: {  	[sflag:s26] =	ssyncadd.s32 $0xFFFFC000  }
0x9b: {  	[spmem:s1] =	stream.indirect.scatter.add.f32 [tilespmem:s22], [sflag:$0x4], $0x80, s5, s19, $0xb8;
	[tilespmem:$0x1C400] =	vst v63  }
0x9c: {  	_ =	swait.ge [sflag:s18], $0x400  }
0x9d: {  	[sflag:s18] =	ssyncset.done $0x0  }
0x9e: {  	[sflag:s18] =	ssyncadd.s32 $0xFFFFFC00  }
0x9f: {  	_ =	swait.ge [sflag:s30], $0x4000  }
0xa0: {  	[sflag:s30] =	ssyncset.done $0x0  }
0xa1: {  	[sflag:s30] =	ssyncadd.s32 $0xFFFFC000  }
0xa2: {  	[tilespmem:s20], [sflag:$0x1] =	stream.indirect.gather [hbm4b:s4+s19], $0x80, s15, s19, $0xb8;
	[tilespmem:$0x1C400] =	vst v63  }
0xa3: {  	_ =	swait.ge [sflag:s31], $0x4000  }
0xa4: {  	[sflag:s31] =	ssyncset.done $0x0  }
0xa5: {  	[sflag:s31] =	ssyncadd.s32 $0xFFFFC000  }
0xa6: {  	[tilespmem:s22], [sflag:$0x2] =	stream.indirect.gather [hbm4b:s4+s19], $0x80, s21, s19, $0xb8;
	[tilespmem:$0x1C400] =	vst v63  }
0xa7: {  	_ = 	snop  }
0xa8: {  	[tilespmem:s23], [sflag:$0x6] =	stream.linear.gather [hbm4b:s12+s3], $0x400, $0x38;
	[tilespmem:$0x1C400] =	vst v63  }
0xa9: {  	_ =	swait.ge [sflag:s24], $0x4000  }
0xaa: {  	[sflag:s24] =	ssyncset.done $0x0  }
0xab: {  	[sflag:s24] =	ssyncadd.s32 $0xFFFFC000  }
0xac: {  	[spmem:s1] =	stream.indirect.scatter.add.f32 [tilespmem:s20], [sflag:$0x3], $0x80, s25, s19, $0xb8;
	[tilespmem:$0x1C400] =	vst v63  }
0xad: {  	_ =	swait.ge [sflag:s26], $0x4000  }
0xae: {  	[sflag:s26] =	ssyncset.done $0x0  }
0xaf: {  	[sflag:s26] =	ssyncadd.s32 $0xFFFFC000  }
0xb0: {  	[spmem:s1] =	stream.indirect.scatter.add.f32 [tilespmem:s22], [sflag:$0x4], $0x80, s28, s19, $0xb8;
	[tilespmem:$0x1C400] =	vst v63  }
0xb1: {  	_ =	swait.ge [sflag:s29], $0x400  }
0xb2: {  	[sflag:s29] =	ssyncset.done $0x0  }
0xb3: {  	[sflag:s29] =	ssyncadd.s32 $0xFFFFFC00  }
0xb4: {  	_ =	swait.ge [sflag:s30], $0x4000  }
0xb5: {  	[sflag:s30] =	ssyncset.done $0x0  }
0xb6: {  	[sflag:s30] =	ssyncadd.s32 $0xFFFFC000  }
0xb7: {  	[tilespmem:s20], [sflag:$0x1] =	stream.indirect.gather [hbm4b:s4+s19], $0x80, s23, s19, $0xb8;
	[tilespmem:$0x1C400] =	vst v63  }
0xb8: {  	_ =	swait.ge [sflag:s31], $0x4000  }
0xb9: {  	[sflag:s31] =	ssyncset.done $0x0  }
0xba: {  	[sflag:s31] =	ssyncadd.s32 $0xFFFFC000  }
0xbb: {  	[tilespmem:s22], [sflag:$0x2] =	stream.indirect.gather [hbm4b:s4+s19], $0x80, s0, s19, $0xb8;
	[tilespmem:$0x1C400] =	vst v63  }
0xbc: {  	_ =	swait.ge [sflag:s24], $0x4000  }
0xbd: {  	[sflag:s24] =	ssyncset.done $0x0  }
0xbe: {  	[sflag:s24] =	ssyncadd.s32 $0xFFFFC000  }
0xbf: {  	[spmem:s1] =	stream.indirect.scatter.add.f32 [tilespmem:s20], [sflag:$0x3], $0x80, s2, s19, $0xb8;
	[tilespmem:$0x1C400] =	vst v63  }
0xc0: {  	_ =	swait.ge [sflag:s26], $0x4000  }
0xc1: {  	[sflag:s26] =	ssyncset.done $0x0  }
0xc2: {  	[sflag:s26] =	ssyncadd.s32 $0xFFFFC000  }
0xc3: {  	[spmem:s1] =	stream.indirect.scatter.add.f32 [tilespmem:s22], [sflag:$0x4], $0x80, s5, s19, $0xb8;
	[tilespmem:$0x1C400] =	vst v63  }
0xc4: {  	_ =	swait.ge [sflag:s30], $0x4000  }
0xc5: {  	[sflag:s30] =	ssyncset.done $0x0  }
0xc6: {  	[sflag:s30] =	ssyncadd.s32 $0xFFFFC000  }
0xc7: {  	_ =	swait.ge [sflag:s31], $0x4000  }
0xc8: {  	[sflag:s31] =	ssyncset.done $0x0  }
0xc9: {  	[sflag:s31] =	ssyncadd.s32 $0xFFFFC000  }
0xca: {  	[bflag:$0x0] =	sbarrier.arrive $0xFFFF  }
0xcb: {  	s8 =	rddreg [dreg:$0x6]  }
0xcc: {  	[hbm:s8], [sflag:s7] =	dma.local [spmem:s16], $0x2780  }
0xcd: {  	_ =	swait.ge [sflag:s17], $0x2780  }
0xce: {  	s6 =	sadd.s32 $0x1, s6;
	s11 =	rddreg [dreg:$0x7]  }
0xcf: {  	p0 =	sne.s32 s6, s11  }
.Ltmp1:
0xd0: {  	_ = 	snop;
	(pc) =	sbr.rel @p0 .LBB2_1-.Ltmp1, $3  }
0xd1: {  	_ =	sdelay $0x1  }
0xd2: {  	[sflag:s17] =	ssyncset.done $0x0  }
0xd3: {  	[sflag:s17] =	ssyncadd.s32 $0xFFFFD880  }
0xd4: {  	_ =	sfence.sel $0x180000  }
0xd5: {  	[bflag:$0x0] =	sbarrier.arrive $0xFFFF  }
0xd6: {  	_ =	strace $0x90000050  }
0xd7: {  	s0 =	stileid.u32;
	[bflag:$0x2] =	sbarrier.arrive $0xFFFF  }
0xd8: {  	p0 =	sne.s32 s0, $0x0;
	s0 =	rddreg [dreg:$0x3]  }
0xd9: {  	s0 =	sadd.s32 @!p0 $0x100000, s0  }
0xda: {  	[sflag:s0] =	ssyncadd.tile.s32 @!p0 $0x1;
	_ =	shalt  }
.Lfunc_end2:
_tile_overlayer_lowered:
.L_overlay_start_2:
0xdb: {  	(tag) =	ssettag $0x2  }
0xdc: {  	s0 =	rddreg [dreg:$0x0];
	s2 =	stileid.u32  }
0xdd: {  	s1 =	rddreg [dreg:$0x1];
	p0 =	sne.s32 s2, $0x0  }
0xde: {  	s3 =	rddreg [dreg:$0x2];
	[bflag:$0x3] =	sbarrier.arrive $0xFFFF;
	s2 =	simm.s32 @!p0 $0x1C07  }
0xdf: {  	[timem:s3], [sflag:s2] =	dma.local @!p0 [hbm:s0], s1  }
0xe0: {  	s0 =	simm.s32 @!p0 $0x7  }
0xe1: {  	_ =	swait.ge @!p0 [sflag:s0], s1  }
0xe2: {  	s1 =	ssub.s32 @!p0 $0x0, s1;
	[sflag:s0] =	ssyncset.done @!p0 $0x0  }
0xe3: {  	[sflag:s0] =	ssyncadd.s32 @!p0 s1  }
0xe4: {  	[bflag:$0x3] =	sbarrier.arrive $0xFFFF  }
0xe5: {  	_ =	shalt  }

</sc_bundles>
